<compile_context>
chip_gen: v7x
topology: tpu7x:2x2x1
jax: 0.10.2.dev20260603
libtpu: 0.0.44.dev20260713+nightly
codegen_flags: <defaults>
</compile_context>

<pallas_src>
import functools

import jax
import jax.numpy as jnp
from jax import lax
from jax.experimental import pallas as pl
from jax.experimental.pallas import tpu as pltpu
from jax.experimental.pallas import tpu_sc as plsc

N_FINE, N_HID, N_LAT = 10240, 2560, 640
VARS = 100
LL_IN, LL_EMB = 4, 8
H = 256
HH = 128
LATENT = 128

_PREC = None



def _halves_out(ref, m):
    ref[0] = m[:, :HH]
    ref[1] = m[:, HH:]


def _msg0_body(x_ref, ll_ref, wll_ref, bll_ref, wmx_ref, wml_ref, bm_ref,
               out_ref):
    ll_e = lax.dot_general(ll_ref[...], wll_ref[...],
                           (((0,), (0,)), ((), ())),
                           precision=_PREC) + bll_ref[0]
    m = (lax.dot_general(x_ref[...], wmx_ref[...], (((0,), (0,)), ((), ())),
                         precision=_PREC)
         + jnp.dot(ll_e, wml_ref[...], precision=_PREC) + bm_ref[0])
    _halves_out(out_ref, jnp.maximum(m, 0.0))


def _msg0_call(xf, ll, W_ll, b_ll, Wm, bm):
    R = 2048
    grid = (N_FINE // R,)
    out = pl.pallas_call(
        _msg0_body,
        grid=grid,
        in_specs=[
            pl.BlockSpec((VARS, R), lambda i: (0, i)),
            pl.BlockSpec((LL_IN, R), lambda i: (0, i)),
            pl.BlockSpec((LL_IN, LL_EMB), lambda i: (0, 0)),
            pl.BlockSpec((1, LL_EMB), lambda i: (0, 0)),
            pl.BlockSpec((VARS, H), lambda i: (0, 0)),
            pl.BlockSpec((LL_EMB, H), lambda i: (0, 0)),
            pl.BlockSpec((1, H), lambda i: (0, 0)),
        ],
        out_specs=pl.BlockSpec((2, R, HH), lambda i: (0, i, 0)),
        out_shape=jax.ShapeDtypeStruct((2, N_FINE, HH), jnp.float32),
    )(xf, ll, W_ll, b_ll.reshape(1, -1), Wm[:VARS], Wm[VARS:],
      bm.reshape(1, -1))
    return out.reshape(2 * N_FINE, HH)


def _upd_msg_body(agg_ref, ll_ref, wll_ref, bll_ref, wu0_ref, wu1_ref,
                  wul_ref, bu_ref, wm_ref, bm_ref, out_ref):
    ll_e = lax.dot_general(ll_ref[...], wll_ref[...],
                           (((0,), (0,)), ((), ())),
                           precision=_PREC) + bll_ref[0]
    h = (jnp.dot(agg_ref[0], wu0_ref[...], precision=_PREC)
         + jnp.dot(agg_ref[1], wu1_ref[...], precision=_PREC)
         + jnp.dot(ll_e, wul_ref[...], precision=_PREC) + bu_ref[0])
    h = jnp.maximum(h, 0.0)
    m = jnp.dot(h, wm_ref[...], precision=_PREC) + bm_ref[0]
    _halves_out(out_ref, jnp.maximum(m, 0.0))


def _upd_msg_call(agg, ll, W_ll, b_ll, Wu, bu, Wm, bm, n):
    R = 2048 if n % 2048 == 0 else n
    grid = (n // R,)
    out = pl.pallas_call(
        _upd_msg_body,
        grid=grid,
        in_specs=[
            pl.BlockSpec((2, R, HH), lambda i: (0, i, 0)),
            pl.BlockSpec((LL_IN, R), lambda i: (0, i)),
            pl.BlockSpec((LL_IN, LL_EMB), lambda i: (0, 0)),
            pl.BlockSpec((1, LL_EMB), lambda i: (0, 0)),
            pl.BlockSpec((HH, H), lambda i: (0, 0)),
            pl.BlockSpec((HH, H), lambda i: (0, 0)),
            pl.BlockSpec((LL_EMB, H), lambda i: (0, 0)),
            pl.BlockSpec((1, H), lambda i: (0, 0)),
            pl.BlockSpec((H, H), lambda i: (0, 0)),
            pl.BlockSpec((1, H), lambda i: (0, 0)),
        ],
        out_specs=pl.BlockSpec((2, R, HH), lambda i: (0, i, 0)),
        out_shape=jax.ShapeDtypeStruct((2, n, HH), jnp.float32),
    )(agg.reshape(2, n, HH), ll, W_ll, b_ll.reshape(1, -1), Wu[:HH],
      Wu[HH:H], Wu[H:], bu.reshape(1, -1), Wm, bm.reshape(1, -1))
    return out.reshape(2 * n, HH)


def _latent_body(agg_ref, ll_ref, wll_ref, bll_ref, wu0_ref, wu1_ref,
                 wul_ref, bu_ref, wp_ref, eps_ref, wm_ref, bm_ref, out_ref):
    ll_e = lax.dot_general(ll_ref[...], wll_ref[...],
                           (((0,), (0,)), ((), ())),
                           precision=_PREC) + bll_ref[0]
    h = (jnp.dot(agg_ref[0], wu0_ref[...], precision=_PREC)
         + jnp.dot(agg_ref[1], wu1_ref[...], precision=_PREC)
         + jnp.dot(ll_e, wul_ref[...], precision=_PREC) + bu_ref[0])
    h = jnp.maximum(h, 0.0)
    z = jnp.dot(h, wp_ref[...], precision=_PREC)
    mu = z[:, :LATENT]
    logvar = z[:, LATENT:]
    xs = mu + eps_ref[...] * jnp.exp(logvar * 0.5)
    m = jnp.dot(xs, wm_ref[...], precision=_PREC) + bm_ref[0]
    _halves_out(out_ref, jnp.maximum(m, 0.0))


def _latent_call(agg, ll, W_ll, b_ll, Wu, bu, Wp, eps, Wm, bm):
    n = N_LAT
    out = pl.pallas_call(
        _latent_body,
        out_shape=jax.ShapeDtypeStruct((2, n, HH), jnp.float32),
    )(agg.reshape(2, n, HH), ll, W_ll, b_ll.reshape(1, -1), Wu[:HH],
      Wu[HH:H], Wu[H:], bu.reshape(1, -1), Wp, eps, Wm, bm.reshape(1, -1))
    return out.reshape(2 * n, HH)


def _final_body(agg_ref, ll_ref, wll_ref, bll_ref, wu0_ref, wu1_ref,
                wul_ref, bu_ref, wo_ref, bo_ref, out_ref):
    ll_e = lax.dot_general(ll_ref[...], wll_ref[...],
                           (((0,), (0,)), ((), ())),
                           precision=_PREC) + bll_ref[0]
    h = (jnp.dot(agg_ref[0], wu0_ref[...], precision=_PREC)
         + jnp.dot(agg_ref[1], wu1_ref[...], precision=_PREC)
         + jnp.dot(ll_e, wul_ref[...], precision=_PREC) + bu_ref[0])
    h = jnp.maximum(h, 0.0)
    out_ref[0, 0, 0] = jnp.dot(h, wo_ref[...], precision=_PREC) + bo_ref[0]


def _final_call(agg, ll, W_ll, b_ll, Wu, bu, Wo, bo):
    R = 2048
    grid = (N_FINE // R,)
    return pl.pallas_call(
        _final_body,
        grid=grid,
        in_specs=[
            pl.BlockSpec((2, R, HH), lambda i: (0, i, 0)),
            pl.BlockSpec((LL_IN, R), lambda i: (0, i)),
            pl.BlockSpec((LL_IN, LL_EMB), lambda i: (0, 0)),
            pl.BlockSpec((1, LL_EMB), lambda i: (0, 0)),
            pl.BlockSpec((HH, H), lambda i: (0, 0)),
            pl.BlockSpec((HH, H), lambda i: (0, 0)),
            pl.BlockSpec((LL_EMB, H), lambda i: (0, 0)),
            pl.BlockSpec((1, H), lambda i: (0, 0)),
            pl.BlockSpec((H, VARS), lambda i: (0, 0)),
            pl.BlockSpec((1, VARS), lambda i: (0, 0)),
        ],
        out_specs=pl.BlockSpec((1, 1, 1, R, VARS), lambda i: (0, 0, 0, i, 0)),
        out_shape=jax.ShapeDtypeStruct((1, 1, 1, N_FINE, VARS), jnp.float32),
    )(agg.reshape(2, N_FINE, HH), ll, W_ll, b_ll.reshape(1, -1), Wu[:HH],
      Wu[HH:H], Wu[H:], bu.reshape(1, -1), Wo, bo.reshape(1, -1))



_NC, _NS = 2, 16
_B = 128


def _geom(n_dst, n_edges):
    ept = n_edges // _NS
    budget = 2_000_000 - n_dst * HH - _NS * 2 * ept
    b = _B // 2
    nb = max(1, min(8, budget // (_NS * b * HH)))
    return b, ept // b, nb


@functools.cache
def _make_segsum(n_src, n_dst, n_edges):
    ept = n_edges // _NS
    rpt = n_dst // _NS
    mesh = plsc.VectorSubcoreMesh(core_axis_name="c", subcore_axis_name="s")

    _b, steps, nb = _geom(n_dst, n_edges)
    main = steps // nb
    tail = steps % nb

    @functools.partial(
        pl.kernel,
        mesh=mesh,
        out_type=jax.ShapeDtypeStruct((2 * n_dst, HH), jnp.float32),
        scratch_types=[
            pltpu.VMEM((steps, _b), jnp.int32),
            pltpu.VMEM((steps, _b), jnp.int32),
            [pltpu.VMEM((_b, HH), jnp.float32)] * nb,
            [pltpu.SemaphoreType.DMA] * nb,
            pltpu.VMEM_SHARED((n_dst, HH), jnp.float32),
        ],
    )
    def seg(msg_hbm, src_hbm, dst_hbm, out_hbm,
            src_buf, dst_buf, rows, sems, agg_sh):
        c = lax.axis_index("c")
        s = lax.axis_index("s")
        pltpu.sync_copy(src_hbm.at[s], src_buf)
        pltpu.sync_copy(dst_hbm.at[s], dst_buf)

        zv = jnp.zeros((16,), jnp.float32)

        def zrow(i, carry):
            for q in range(HH // 16):
                rows[0][i, pl.ds(q * 16, 16)] = zv
            return carry

        lax.fori_loop(0, _b, zrow, 0)
        off = 0
        while off < rpt:
            size = min(_b, rpt - off)
            pltpu.sync_copy(rows[0].at[pl.ds(0, size)],
                            agg_sh.at[pl.ds(s * rpt + off, size)])
            off += size

        @pl.when(c == 1)
        def _():
            def addrow(i, carry):
                for q in range(_b // 16):
                    sl = pl.ds(q * 16, 16)
                    src_buf[i, sl] = src_buf[i, sl] + n_src
                return carry

            lax.fori_loop(0, steps, addrow, 0)

        plsc.subcore_barrier()

        for b in range(min(nb, steps)):
            pltpu.async_copy(msg_hbm.at[src_buf.at[b]], rows[b], sems[b])

        def ring(j, carry):
            for b in range(nb):
                i = j * nb + b
                pltpu.make_async_copy(msg_hbm.at[src_buf.at[i]], rows[b],
                                      sems[b]).wait()
                pltpu.sync_copy(rows[b], agg_sh.at[dst_buf.at[i]], add=True)

                @pl.when(i + nb < steps)
                def _():
                    pltpu.async_copy(msg_hbm.at[src_buf.at[i + nb]], rows[b],
                                     sems[b])
            return carry

        lax.fori_loop(0, main, ring, 0)
        for b in range(tail):
            i = main * nb + b
            pltpu.make_async_copy(msg_hbm.at[src_buf.at[i]], rows[b],
                                  sems[b]).wait()
            pltpu.sync_copy(rows[b], agg_sh.at[dst_buf.at[i]], add=True)

        plsc.subcore_barrier()
        pltpu.sync_copy(agg_sh.at[pl.ds(s * rpt, rpt)],
                        out_hbm.at[pl.ds(c * n_dst + s * rpt, rpt)])

    return seg


def _segsum(msg2, edges, n_src, n_dst):
    n_edges = edges.shape[1]
    b, steps, _ = _geom(n_dst, n_edges)
    src3 = edges[0].astype(jnp.int32).reshape(_NS, steps, b)
    dst3 = edges[1].astype(jnp.int32).reshape(_NS, steps, b)
    return _make_segsum(n_src, n_dst, n_edges)(msg2, src3, dst3)



def kernel(x, latlons_fine, latlons_hid, latlons_lat, edge_enc0, edge_enc1,
           edge_dec0, edge_dec1, W_ll, b_ll, W_msg_e0, b_msg_e0, W_upd_e0,
           b_upd_e0, W_msg_e1, b_msg_e1, W_upd_e1, b_upd_e1, W_proj_lat,
           W_msg_d0, b_msg_d0, W_upd_d0, b_upd_d0, W_msg_d1, b_msg_d1,
           W_upd_d1, b_upd_d1, W_out, b_out, eps):
    xt = jnp.transpose(x.reshape(N_FINE, VARS))
    llf_t = jnp.transpose(latlons_fine)
    llh_t = jnp.transpose(latlons_hid)
    lll_t = jnp.transpose(latlons_lat)
    msg0 = _msg0_call(xt, llf_t, W_ll, b_ll, W_msg_e0, b_msg_e0)
    agg0 = _segsum(msg0, edge_enc0, N_FINE, N_HID)

    msg1 = _upd_msg_call(agg0, llh_t, W_ll, b_ll, W_upd_e0, b_upd_e0,
                         W_msg_e1, b_msg_e1, N_HID)
    agg1 = _segsum(msg1, edge_enc1, N_HID, N_LAT)

    msg2 = _latent_call(agg1, lll_t, W_ll, b_ll, W_upd_e1, b_upd_e1,
                        W_proj_lat, eps, W_msg_d0, b_msg_d0)
    agg2 = _segsum(msg2, edge_dec0, N_LAT, N_HID)

    msg3 = _upd_msg_call(agg2, llh_t, W_ll, b_ll, W_upd_d0, b_upd_d0,
                         W_msg_d1, b_msg_d1, N_HID)
    agg3 = _segsum(msg3, edge_dec1, N_HID, N_FINE)

    return _final_call(agg3, llf_t, W_ll, b_ll, W_upd_d1, b_upd_d1,
                       W_out, b_out)

# --- scband reference (transcript-rebuilt; emitter-appended) ---
"""Pipeline reference for scband-anemoi-beta-vae-68788196213331 (READ-ONLY COPY).

The authoritative reference and input builder live on the scoring server;
editing this copy changes nothing except your own understanding.
"""

import jax, jax.numpy as jnp
import numpy as np

N_FINE, N_HID, N_LAT = 10240, 2560, 640
VARS = 100
LL_IN, LL_EMB = 4, 8
H = 256
LATENT = 128
E_ENC0, E_ENC1, E_DEC0, E_DEC1 = 40960, 10240, 10240, 40960


def _mk_edges(key, n_edges, n_src, n_dst):
    k1, k2 = jax.random.split(key)
    src = jax.random.randint(k1, (n_edges,), 0, n_src)
    dst = jax.random.randint(k2, (n_edges,), 0, n_dst)
    return jnp.stack([src, dst])


def setup_inputs(seed: int = 0) -> dict:
    key = jax.random.key(seed)
    ks = jax.random.split(key, 32)
    p = lambda k, shape: jax.random.normal(k, shape, jnp.float32) * 0.02
    inp = {}
    inp["x"] = jax.random.normal(ks[0], (1, 1, 1, N_FINE, VARS), jnp.float32)
    inp["latlons_fine"] = jax.random.normal(ks[1], (N_FINE, LL_IN), jnp.float32)
    inp["latlons_hid"] = jax.random.normal(ks[2], (N_HID, LL_IN), jnp.float32)
    inp["latlons_lat"] = jax.random.normal(ks[3], (N_LAT, LL_IN), jnp.float32)
    inp["edge_enc0"] = _mk_edges(ks[4], E_ENC0, N_FINE, N_HID)
    inp["edge_enc1"] = _mk_edges(ks[5], E_ENC1, N_HID, N_LAT)
    inp["edge_dec0"] = _mk_edges(ks[6], E_DEC0, N_LAT, N_HID)
    inp["edge_dec1"] = _mk_edges(ks[7], E_DEC1, N_HID, N_FINE)
    inp["W_ll"] = p(ks[8], (LL_IN, LL_EMB)); inp["b_ll"] = jnp.zeros((LL_EMB,), jnp.float32)
    in0 = VARS + LL_EMB
    inp["W_msg_e0"] = p(ks[9], (in0, H)); inp["b_msg_e0"] = jnp.zeros((H,), jnp.float32)
    inp["W_upd_e0"] = p(ks[10], (H + LL_EMB, H)); inp["b_upd_e0"] = jnp.zeros((H,), jnp.float32)
    inp["W_msg_e1"] = p(ks[11], (H, H)); inp["b_msg_e1"] = jnp.zeros((H,), jnp.float32)
    inp["W_upd_e1"] = p(ks[12], (H + LL_EMB, H)); inp["b_upd_e1"] = jnp.zeros((H,), jnp.float32)
    inp["W_proj_lat"] = p(ks[13], (H, 2 * LATENT))
    inp["W_msg_d0"] = p(ks[14], (LATENT, H)); inp["b_msg_d0"] = jnp.zeros((H,), jnp.float32)
    inp["W_upd_d0"] = p(ks[15], (H + LL_EMB, H)); inp["b_upd_d0"] = jnp.zeros((H,), jnp.float32)
    inp["W_msg_d1"] = p(ks[16], (H, H)); inp["b_msg_d1"] = jnp.zeros((H,), jnp.float32)
    inp["W_upd_d1"] = p(ks[17], (H + LL_EMB, H)); inp["b_upd_d1"] = jnp.zeros((H,), jnp.float32)
    inp["W_out"] = p(ks[18], (H, VARS)); inp["b_out"] = jnp.zeros((VARS,), jnp.float32)
    inp["eps"] = jax.random.normal(ks[19], (N_LAT, LATENT), jnp.float32)
    return inp


def _mapper(x_src, x_dst_init, edges, W_msg, b_msg, W_upd, b_upd, n_dst):
    src, dst = edges[0], edges[1]
    m = jax.nn.relu(jnp.take(x_src, src, axis=0) @ W_msg + b_msg)
    agg = jax.ops.segment_sum(m, dst, num_segments=n_dst)
    h = jnp.concatenate([agg, x_dst_init], axis=-1)
    return jax.nn.relu(h @ W_upd + b_upd)


def reference(x, latlons_fine, latlons_hid, latlons_lat, edge_enc0, edge_enc1, edge_dec0, edge_dec1, W_ll, b_ll, W_msg_e0, b_msg_e0, W_upd_e0, b_upd_e0, W_msg_e1, b_msg_e1, W_upd_e1, b_upd_e1, W_proj_lat, W_msg_d0, b_msg_d0, W_upd_d0, b_upd_d0, W_msg_d1, b_msg_d1, W_upd_d1, b_upd_d1, W_out, b_out, eps):
    # encode: rearrange (b t e grid vars) -> (grid, vars), concat trainable latlon embedding
    x_flat = x.reshape(N_FINE, VARS)
    ll_fine = latlons_fine @ W_ll + b_ll
    ll_hid = latlons_hid @ W_ll + b_ll
    ll_lat = latlons_lat @ W_ll + b_ll
    x_src = jnp.concatenate([x_flat, ll_fine], axis=-1)
    x_hid = _mapper(x_src, ll_hid, edge_enc0, W_msg_e0, b_msg_e0, W_upd_e0, b_upd_e0, N_HID)
    x_lat = _mapper(x_hid, ll_lat, edge_enc1, W_msg_e1, b_msg_e1, W_upd_e1, b_upd_e1, N_LAT)
    # get_sample: proj to 2*latent, chunk, reparameterize
    z = x_lat @ W_proj_lat
    mu, logvar = jnp.split(z, 2, axis=-1)
    x_sampled = mu + eps * jnp.exp(logvar / 2.0)
    # decode through graph levels
    y_hid = _mapper(x_sampled, ll_hid, edge_dec0, W_msg_d0, b_msg_d0, W_upd_d0, b_upd_d0, N_HID)
    y_fine = _mapper(y_hid, ll_fine, edge_dec1, W_msg_d1, b_msg_d1, W_upd_d1, b_upd_d1, N_FINE)
    out = y_fine @ W_out + b_out
    return out.reshape(1, 1, 1, N_FINE, VARS)

if __name__ == "__main__":
    import jax
    _d = setup_inputs()
    print(jax.jit(kernel)(*tuple(_d.values())))

</pallas_src>

<mosaic_0001>
#map = affine_map<(d0, d1) -> (0, 0)>
#map1 = affine_map<(d0, d1) -> (0, 0, 0)>
module attributes {stable_mosaic.version = 14 : i64} {
  func.func @seg(%arg0: i32, %arg1: i32, %arg2: memref<5120x128xf32, #tpu.memory_space<hbm>>, %arg3: memref<16x10x64xi32, #tpu.memory_space<hbm>>, %arg4: memref<16x10x64xi32, #tpu.memory_space<hbm>>, %arg5: memref<1280x128xf32, #tpu.memory_space<hbm>>, %arg6: memref<10x64xi32, #tpu.memory_space<vmem>>, %arg7: memref<10x64xi32, #tpu.memory_space<vmem>>, %arg8: memref<64x128xf32, #tpu.memory_space<vmem>>, %arg9: memref<64x128xf32, #tpu.memory_space<vmem>>, %arg10: memref<64x128xf32, #tpu.memory_space<vmem>>, %arg11: memref<64x128xf32, #tpu.memory_space<vmem>>, %arg12: memref<64x128xf32, #tpu.memory_space<vmem>>, %arg13: memref<64x128xf32, #tpu.memory_space<vmem>>, %arg14: memref<64x128xf32, #tpu.memory_space<vmem>>, %arg15: memref<64x128xf32, #tpu.memory_space<vmem>>, %arg16: memref<!tpu.dma_semaphore, #tpu.memory_space<semaphore_mem>>, %arg17: memref<!tpu.dma_semaphore, #tpu.memory_space<semaphore_mem>>, %arg18: memref<!tpu.dma_semaphore, #tpu.memory_space<semaphore_mem>>, %arg19: memref<!tpu.dma_semaphore, #tpu.memory_space<semaphore_mem>>, %arg20: memref<!tpu.dma_semaphore, #tpu.memory_space<semaphore_mem>>, %arg21: memref<!tpu.dma_semaphore, #tpu.memory_space<semaphore_mem>>, %arg22: memref<!tpu.dma_semaphore, #tpu.memory_space<semaphore_mem>>, %arg23: memref<!tpu.dma_semaphore, #tpu.memory_space<semaphore_mem>>, %arg24: memref<640x128xf32, #tpu.memory_space<vmem_shared>>) attributes {dimension_semantics = [#tpu.dimension_semantics<core_parallel>, #tpu.dimension_semantics<subcore_parallel>], iteration_bounds = array<i64: 2, 16>, scalar_prefetch = 0 : i64, scratch_operands = 19 : i64, tpu.core_type = #tpu.core_type<sc_vector_subcore>, window_params = [{transform_indices = #map}, {transform_indices = #map1}, {transform_indices = #map1}, {transform_indices = #map}]} {
    "tpu.region"() ({
      %run_scoped3A_225 = tpu.sem_alloc : memref<!tpu.dma_semaphore, #tpu.memory_space<semaphore_mem>>
      %dma_start3A_226 = arith.constant 0 : i32
      %dma_start3A_227 = arith.constant 0 : i32
      %dma_start3A_228 = tpu.memref_slice %arg3[%arg1, %dma_start3A_226, %dma_start3A_227] : memref<16x10x64xi32, #tpu.memory_space<hbm>> -> memref<1x10x64xi32, #tpu.memory_space<hbm>>
      %dma_start3A_229 = tpu.memref_squeeze %dma_start3A_228 : memref<1x10x64xi32, #tpu.memory_space<hbm>> -> memref<10x64xi32, #tpu.memory_space<hbm>>
      %dma_start3A_230 = arith.constant 0 : i32
      %dma_start3A_231 = arith.constant 0 : i32
      %dma_start3A_232 = tpu.memref_slice %arg3[%arg1, %dma_start3A_230, %dma_start3A_231] : memref<16x10x64xi32, #tpu.memory_space<hbm>> -> memref<1x10x64xi32, #tpu.memory_space<hbm>>
      %dma_start3A_233 = tpu.memref_squeeze %dma_start3A_232 : memref<1x10x64xi32, #tpu.memory_space<hbm>> -> memref<10x64xi32, #tpu.memory_space<hbm>>
      tpu.enqueue_dma source(%dma_start3A_233 : memref<10x64xi32, #tpu.memory_space<hbm>>) target(%arg6 : memref<10x64xi32, #tpu.memory_space<vmem>>) target_semaphore(%run_scoped3A_225 : memref<!tpu.dma_semaphore, #tpu.memory_space<semaphore_mem>>)
      %dma_wait3A_234 = arith.constant 0 : i32
      %dma_wait3A_235 = arith.constant 0 : i32
      %dma_wait3A_236 = tpu.memref_slice %arg3[%arg1, %dma_wait3A_234, %dma_wait3A_235] : memref<16x10x64xi32, #tpu.memory_space<hbm>> -> memref<1x10x64xi32, #tpu.memory_space<hbm>>
      %dma_wait3A_237 = tpu.memref_squeeze %dma_wait3A_236 : memref<1x10x64xi32, #tpu.memory_space<hbm>> -> memref<10x64xi32, #tpu.memory_space<hbm>>
      %dma_wait3A_238 = arith.constant 0 : i32
      %dma_wait3A_239 = arith.constant 0 : i32
      %dma_wait3A_240 = tpu.memref_slice %arg3[%arg1, %dma_wait3A_238, %dma_wait3A_239] : memref<16x10x64xi32, #tpu.memory_space<hbm>> -> memref<1x10x64xi32, #tpu.memory_space<hbm>>
      %dma_wait3A_241 = tpu.memref_squeeze %dma_wait3A_240 : memref<1x10x64xi32, #tpu.memory_space<hbm>> -> memref<10x64xi32, #tpu.memory_space<hbm>>
      tpu.wait_dma2 semaphore(%run_scoped3A_225 : memref<!tpu.dma_semaphore, #tpu.memory_space<semaphore_mem>>) src(%dma_wait3A_241 : memref<10x64xi32, #tpu.memory_space<hbm>>) dst(%arg6 : memref<10x64xi32, #tpu.memory_space<vmem>>)
      tpu.yield
    }) : () -> ()
    "tpu.region"() ({
      %run_scoped3A_225 = tpu.sem_alloc : memref<!tpu.dma_semaphore, #tpu.memory_space<semaphore_mem>>
      %dma_start3A_226 = arith.constant 0 : i32
      %dma_start3A_227 = arith.constant 0 : i32
      %dma_start3A_228 = tpu.memref_slice %arg4[%arg1, %dma_start3A_226, %dma_start3A_227] : memref<16x10x64xi32, #tpu.memory_space<hbm>> -> memref<1x10x64xi32, #tpu.memory_space<hbm>>
      %dma_start3A_229 = tpu.memref_squeeze %dma_start3A_228 : memref<1x10x64xi32, #tpu.memory_space<hbm>> -> memref<10x64xi32, #tpu.memory_space<hbm>>
      %dma_start3A_230 = arith.constant 0 : i32
      %dma_start3A_231 = arith.constant 0 : i32
      %dma_start3A_232 = tpu.memref_slice %arg4[%arg1, %dma_start3A_230, %dma_start3A_231] : memref<16x10x64xi32, #tpu.memory_space<hbm>> -> memref<1x10x64xi32, #tpu.memory_space<hbm>>
      %dma_start3A_233 = tpu.memref_squeeze %dma_start3A_232 : memref<1x10x64xi32, #tpu.memory_space<hbm>> -> memref<10x64xi32, #tpu.memory_space<hbm>>
      tpu.enqueue_dma source(%dma_start3A_233 : memref<10x64xi32, #tpu.memory_space<hbm>>) target(%arg7 : memref<10x64xi32, #tpu.memory_space<vmem>>) target_semaphore(%run_scoped3A_225 : memref<!tpu.dma_semaphore, #tpu.memory_space<semaphore_mem>>)
      %dma_wait3A_234 = arith.constant 0 : i32
      %dma_wait3A_235 = arith.constant 0 : i32
      %dma_wait3A_236 = tpu.memref_slice %arg4[%arg1, %dma_wait3A_234, %dma_wait3A_235] : memref<16x10x64xi32, #tpu.memory_space<hbm>> -> memref<1x10x64xi32, #tpu.memory_space<hbm>>
      %dma_wait3A_237 = tpu.memref_squeeze %dma_wait3A_236 : memref<1x10x64xi32, #tpu.memory_space<hbm>> -> memref<10x64xi32, #tpu.memory_space<hbm>>
      %dma_wait3A_238 = arith.constant 0 : i32
      %dma_wait3A_239 = arith.constant 0 : i32
      %dma_wait3A_240 = tpu.memref_slice %arg4[%arg1, %dma_wait3A_238, %dma_wait3A_239] : memref<16x10x64xi32, #tpu.memory_space<hbm>> -> memref<1x10x64xi32, #tpu.memory_space<hbm>>
      %dma_wait3A_241 = tpu.memref_squeeze %dma_wait3A_240 : memref<1x10x64xi32, #tpu.memory_space<hbm>> -> memref<10x64xi32, #tpu.memory_space<hbm>>
      tpu.wait_dma2 semaphore(%run_scoped3A_225 : memref<!tpu.dma_semaphore, #tpu.memory_space<semaphore_mem>>) src(%dma_wait3A_241 : memref<10x64xi32, #tpu.memory_space<hbm>>) dst(%arg7 : memref<10x64xi32, #tpu.memory_space<vmem>>)
      tpu.yield
    }) : () -> ()
    %broadcast_in_dim3A = arith.constant 0.000000e+00 : f32
    %broadcast_in_dim3A_0 = vector.broadcast %broadcast_in_dim3A : f32 to vector<16xf32>
    %scan3A = arith.constant 0 : i32
    %scan3A_1 = arith.constant 0 : i32
    %scan3A_2 = arith.constant 64 : i32
    %scan3A_3 = arith.addi %scan3A_1, %scan3A_2 : i32
    %scan3A_4 = arith.constant 1 : i32
    scf.for %scan3A_225 = %scan3A_1 to %scan3A_3 step %scan3A_4  : i32 {
      %swap3A = arith.index_cast %scan3A_225 : i32 to index
      %swap3A_226 = arith.constant 0 : index
      %swap3A_227 = tpu.vector_load %arg8[%swap3A, %swap3A_226] {strides = array<i32>} : memref<64x128xf32, #tpu.memory_space<vmem>>, vector<1x16xf32>,
      %swap3A_228 = vector.shape_cast %swap3A_227 : vector<1x16xf32> to vector<16xf32>
      %swap3A_229 = vector.shape_cast %broadcast_in_dim3A_0 : vector<16xf32> to vector<1x16xf32>
      tpu.vector_store %arg8[%swap3A, %swap3A_226], %swap3A_229 {strides = array<i32>} : memref<64x128xf32, #tpu.memory_space<vmem>>, vector<1x16xf32>,
      %swap3A_230 = arith.index_cast %scan3A_225 : i32 to index
      %swap3A_231 = arith.constant 16 : index
      %swap3A_232 = tpu.vector_load %arg8[%swap3A_230, %swap3A_231] {strides = array<i32>} : memref<64x128xf32, #tpu.memory_space<vmem>>, vector<1x16xf32>,
      %swap3A_233 = vector.shape_cast %swap3A_232 : vector<1x16xf32> to vector<16xf32>
      %swap3A_234 = vector.shape_cast %broadcast_in_dim3A_0 : vector<16xf32> to vector<1x16xf32>
      tpu.vector_store %arg8[%swap3A_230, %swap3A_231], %swap3A_234 {strides = array<i32>} : memref<64x128xf32, #tpu.memory_space<vmem>>, vector<1x16xf32>,
      %swap3A_235 = arith.index_cast %scan3A_225 : i32 to index
      %swap3A_236 = arith.constant 32 : index
      %swap3A_237 = tpu.vector_load %arg8[%swap3A_235, %swap3A_236] {strides = array<i32>} : memref<64x128xf32, #tpu.memory_space<vmem>>, vector<1x16xf32>,
      %swap3A_238 = vector.shape_cast %swap3A_237 : vector<1x16xf32> to vector<16xf32>
      %swap3A_239 = vector.shape_cast %broadcast_in_dim3A_0 : vector<16xf32> to vector<1x16xf32>
      tpu.vector_store %arg8[%swap3A_235, %swap3A_236], %swap3A_239 {strides = array<i32>} : memref<64x128xf32, #tpu.memory_space<vmem>>, vector<1x16xf32>,
      %swap3A_240 = arith.index_cast %scan3A_225 : i32 to index
      %swap3A_241 = arith.constant 48 : index
      %swap3A_242 = tpu.vector_load %arg8[%swap3A_240, %swap3A_241] {strides = array<i32>} : memref<64x128xf32, #tpu.memory_space<vmem>>, vector<1x16xf32>,
      %swap3A_243 = vector.shape_cast %swap3A_242 : vector<1x16xf32> to vector<16xf32>
      %swap3A_244 = vector.shape_cast %broadcast_in_dim3A_0 : vector<16xf32> to vector<1x16xf32>
      tpu.vector_store %arg8[%swap3A_240, %swap3A_241], %swap3A_244 {strides = array<i32>} : memref<64x128xf32, #tpu.memory_space<vmem>>, vector<1x16xf32>,
      %swap3A_245 = arith.index_cast %scan3A_225 : i32 to index
      %swap3A_246 = arith.constant 64 : index
      %swap3A_247 = tpu.vector_load %arg8[%swap3A_245, %swap3A_246] {strides = array<i32>} : memref<64x128xf32, #tpu.memory_space<vmem>>, vector<1x16xf32>,
      %swap3A_248 = vector.shape_cast %swap3A_247 : vector<1x16xf32> to vector<16xf32>
      %swap3A_249 = vector.shape_cast %broadcast_in_dim3A_0 : vector<16xf32> to vector<1x16xf32>
      tpu.vector_store %arg8[%swap3A_245, %swap3A_246], %swap3A_249 {strides = array<i32>} : memref<64x128xf32, #tpu.memory_space<vmem>>, vector<1x16xf32>,
      %swap3A_250 = arith.index_cast %scan3A_225 : i32 to index
      %swap3A_251 = arith.constant 80 : index
      %swap3A_252 = tpu.vector_load %arg8[%swap3A_250, %swap3A_251] {strides = array<i32>} : memref<64x128xf32, #tpu.memory_space<vmem>>, vector<1x16xf32>,
      %swap3A_253 = vector.shape_cast %swap3A_252 : vector<1x16xf32> to vector<16xf32>
      %swap3A_254 = vector.shape_cast %broadcast_in_dim3A_0 : vector<16xf32> to vector<1x16xf32>
      tpu.vector_store %arg8[%swap3A_250, %swap3A_251], %swap3A_254 {strides = array<i32>} : memref<64x128xf32, #tpu.memory_space<vmem>>, vector<1x16xf32>,
      %swap3A_255 = arith.index_cast %scan3A_225 : i32 to index
      %swap3A_256 = arith.constant 96 : index
      %swap3A_257 = tpu.vector_load %arg8[%swap3A_255, %swap3A_256] {strides = array<i32>} : memref<64x128xf32, #tpu.memory_space<vmem>>, vector<1x16xf32>,
      %swap3A_258 = vector.shape_cast %swap3A_257 : vector<1x16xf32> to vector<16xf32>
      %swap3A_259 = vector.shape_cast %broadcast_in_dim3A_0 : vector<16xf32> to vector<1x16xf32>
      tpu.vector_store %arg8[%swap3A_255, %swap3A_256], %swap3A_259 {strides = array<i32>} : memref<64x128xf32, #tpu.memory_space<vmem>>, vector<1x16xf32>,
      %swap3A_260 = arith.index_cast %scan3A_225 : i32 to index
      %swap3A_261 = arith.constant 112 : index
      %swap3A_262 = tpu.vector_load %arg8[%swap3A_260, %swap3A_261] {strides = array<i32>} : memref<64x128xf32, #tpu.memory_space<vmem>>, vector<1x16xf32>,
      %swap3A_263 = vector.shape_cast %swap3A_262 : vector<1x16xf32> to vector<16xf32>
      %swap3A_264 = vector.shape_cast %broadcast_in_dim3A_0 : vector<16xf32> to vector<1x16xf32>
      tpu.vector_store %arg8[%swap3A_260, %swap3A_261], %swap3A_264 {strides = array<i32>} : memref<64x128xf32, #tpu.memory_space<vmem>>, vector<1x16xf32>,
    }
    %scan3A_5 = arith.constant 64 : i32
    %mul3A = arith.constant 40 : i32
    %mul3A_6 = arith.muli %arg1, %mul3A : i32
    %add3A = arith.constant 0 : i32
    %add3A_7 = arith.addi %mul3A_6, %add3A : i32
    "tpu.region"() ({
      %run_scoped3A_225 = tpu.sem_alloc : memref<!tpu.dma_semaphore, #tpu.memory_space<semaphore_mem>>
      %dma_start3A_226 = arith.constant 0 : i32
      %dma_start3A_227 = arith.constant 0 : i32
      %dma_start3A_228 = tpu.memref_slice %arg8[%dma_start3A_226, %dma_start3A_227] : memref<64x128xf32, #tpu.memory_space<vmem>> -> memref<40x128xf32, #tpu.memory_space<vmem>>
      %dma_start3A_229 = arith.constant 0 : i32
      %dma_start3A_230 = tpu.memref_slice %arg24[%add3A_7, %dma_start3A_229] : memref<640x128xf32, #tpu.memory_space<vmem_shared>> -> memref<40x128xf32, #tpu.memory_space<vmem_shared>>
      %dma_start3A_231 = arith.constant 0 : i32
      %dma_start3A_232 = tpu.memref_slice %arg24[%add3A_7, %dma_start3A_231] : memref<640x128xf32, #tpu.memory_space<vmem_shared>> -> memref<40x128xf32, #tpu.memory_space<vmem_shared>>
      %dma_start3A_233 = arith.constant 0 : i32
      %dma_start3A_234 = arith.constant 0 : i32
      %dma_start3A_235 = tpu.memref_slice %arg8[%dma_start3A_233, %dma_start3A_234] : memref<64x128xf32, #tpu.memory_space<vmem>> -> memref<40x128xf32, #tpu.memory_space<vmem>>
      tpu.enqueue_dma source(%dma_start3A_235 : memref<40x128xf32, #tpu.memory_space<vmem>>) target(%dma_start3A_232 : memref<40x128xf32, #tpu.memory_space<vmem_shared>>) target_semaphore(%run_scoped3A_225 : memref<!tpu.dma_semaphore, #tpu.memory_space<semaphore_mem>>)
      %dma_wait3A_236 = arith.constant 0 : i32
      %dma_wait3A_237 = arith.constant 0 : i32
      %dma_wait3A_238 = tpu.memref_slice %arg8[%dma_wait3A_236, %dma_wait3A_237] : memref<64x128xf32, #tpu.memory_space<vmem>> -> memref<40x128xf32, #tpu.memory_space<vmem>>
      %dma_wait3A_239 = arith.constant 0 : i32
      %dma_wait3A_240 = tpu.memref_slice %arg24[%add3A_7, %dma_wait3A_239] : memref<640x128xf32, #tpu.memory_space<vmem_shared>> -> memref<40x128xf32, #tpu.memory_space<vmem_shared>>
      %dma_wait3A_241 = arith.constant 0 : i32
      %dma_wait3A_242 = tpu.memref_slice %arg24[%add3A_7, %dma_wait3A_241] : memref<640x128xf32, #tpu.memory_space<vmem_shared>> -> memref<40x128xf32, #tpu.memory_space<vmem_shared>>
      %dma_wait3A_243 = arith.constant 0 : i32
      %dma_wait3A_244 = arith.constant 0 : i32
      %dma_wait3A_245 = tpu.memref_slice %arg8[%dma_wait3A_243, %dma_wait3A_244] : memref<64x128xf32, #tpu.memory_space<vmem>> -> memref<40x128xf32, #tpu.memory_space<vmem>>
      tpu.wait_dma2 semaphore(%run_scoped3A_225 : memref<!tpu.dma_semaphore, #tpu.memory_space<semaphore_mem>>) src(%dma_wait3A_245 : memref<40x128xf32, #tpu.memory_space<vmem>>) dst(%dma_wait3A_242 : memref<40x128xf32, #tpu.memory_space<vmem_shared>>)
      tpu.yield
    }) : () -> ()
    %eq3A = arith.constant 1 : i32
    %eq3A_8 = arith.cmpi eq, %arg0, %eq3A : i32
    %convert_element_type3A = arith.extui %eq3A_8 : i1 to i32
    %cond3A = arith.constant 0 : i32
    %cond3A_9 = arith.cmpi ne, %convert_element_type3A, %cond3A : i32
    scf.if %cond3A_9 {
      %scan3A_225 = arith.constant 0 : i32
      %scan3A_226 = arith.constant 0 : i32
      %scan3A_227 = arith.constant 10 : i32
      %scan3A_228 = arith.addi %scan3A_226, %scan3A_227 : i32
      %scan3A_229 = arith.constant 1 : i32
      scf.for %scan3A_231 = %scan3A_226 to %scan3A_228 step %scan3A_229  : i32 {
        %get3A = arith.index_cast %scan3A_231 : i32 to index
        %get3A_232 = arith.constant 0 : index
        %get3A_233 = tpu.vector_load %arg6[%get3A, %get3A_232] {strides = array<i32>} : memref<10x64xi32, #tpu.memory_space<vmem>>, vector<1x16xi32>,
        %get3A_234 = vector.shape_cast %get3A_233 : vector<1x16xi32> to vector<16xi32>
        %add3A_235 = arith.constant 2560 : i32
        %add3A_236 = vector.broadcast %add3A_235 : i32 to vector<16xi32>
        %add3A_237 = arith.addi %get3A_234, %add3A_236 : vector<16xi32>
        %swap3A = arith.index_cast %scan3A_231 : i32 to index
        %swap3A_238 = arith.constant 0 : index
        %swap3A_239 = tpu.vector_load %arg6[%swap3A, %swap3A_238] {strides = array<i32>} : memref<10x64xi32, #tpu.memory_space<vmem>>, vector<1x16xi32>,
        %swap3A_240 = vector.shape_cast %swap3A_239 : vector<1x16xi32> to vector<16xi32>
        %swap3A_241 = vector.shape_cast %add3A_237 : vector<16xi32> to vector<1x16xi32>
        tpu.vector_store %arg6[%swap3A, %swap3A_238], %swap3A_241 {strides = array<i32>} : memref<10x64xi32, #tpu.memory_space<vmem>>, vector<1x16xi32>,
        %get3A_242 = arith.index_cast %scan3A_231 : i32 to index
        %get3A_243 = arith.constant 16 : index
        %get3A_244 = tpu.vector_load %arg6[%get3A_242, %get3A_243] {strides = array<i32>} : memref<10x64xi32, #tpu.memory_space<vmem>>, vector<1x16xi32>,
        %get3A_245 = vector.shape_cast %get3A_244 : vector<1x16xi32> to vector<16xi32>
        %add3A_246 = arith.constant 2560 : i32
        %add3A_247 = vector.broadcast %add3A_246 : i32 to vector<16xi32>
        %add3A_248 = arith.addi %get3A_245, %add3A_247 : vector<16xi32>
        %swap3A_249 = arith.index_cast %scan3A_231 : i32 to index
        %swap3A_250 = arith.constant 16 : index
        %swap3A_251 = tpu.vector_load %arg6[%swap3A_249, %swap3A_250] {strides = array<i32>} : memref<10x64xi32, #tpu.memory_space<vmem>>, vector<1x16xi32>,
        %swap3A_252 = vector.shape_cast %swap3A_251 : vector<1x16xi32> to vector<16xi32>
        %swap3A_253 = vector.shape_cast %add3A_248 : vector<16xi32> to vector<1x16xi32>
        tpu.vector_store %arg6[%swap3A_249, %swap3A_250], %swap3A_253 {strides = array<i32>} : memref<10x64xi32, #tpu.memory_space<vmem>>, vector<1x16xi32>,
        %get3A_254 = arith.index_cast %scan3A_231 : i32 to index
        %get3A_255 = arith.constant 32 : index
        %get3A_256 = tpu.vector_load %arg6[%get3A_254, %get3A_255] {strides = array<i32>} : memref<10x64xi32, #tpu.memory_space<vmem>>, vector<1x16xi32>,
        %get3A_257 = vector.shape_cast %get3A_256 : vector<1x16xi32> to vector<16xi32>
        %add3A_258 = arith.constant 2560 : i32
        %add3A_259 = vector.broadcast %add3A_258 : i32 to vector<16xi32>
        %add3A_260 = arith.addi %get3A_257, %add3A_259 : vector<16xi32>
        %swap3A_261 = arith.index_cast %scan3A_231 : i32 to index
        %swap3A_262 = arith.constant 32 : index
        %swap3A_263 = tpu.vector_load %arg6[%swap3A_261, %swap3A_262] {strides = array<i32>} : memref<10x64xi32, #tpu.memory_space<vmem>>, vector<1x16xi32>,
        %swap3A_264 = vector.shape_cast %swap3A_263 : vector<1x16xi32> to vector<16xi32>
        %swap3A_265 = vector.shape_cast %add3A_260 : vector<16xi32> to vector<1x16xi32>
        tpu.vector_store %arg6[%swap3A_261, %swap3A_262], %swap3A_265 {strides = array<i32>} : memref<10x64xi32, #tpu.memory_space<vmem>>, vector<1x16xi32>,
        %get3A_266 = arith.index_cast %scan3A_231 : i32 to index
        %get3A_267 = arith.constant 48 : index
        %get3A_268 = tpu.vector_load %arg6[%get3A_266, %get3A_267] {strides = array<i32>} : memref<10x64xi32, #tpu.memory_space<vmem>>, vector<1x16xi32>,
        %get3A_269 = vector.shape_cast %get3A_268 : vector<1x16xi32> to vector<16xi32>
        %add3A_270 = arith.constant 2560 : i32
        %add3A_271 = vector.broadcast %add3A_270 : i32 to vector<16xi32>
        %add3A_272 = arith.addi %get3A_269, %add3A_271 : vector<16xi32>
        %swap3A_273 = arith.index_cast %scan3A_231 : i32 to index
        %swap3A_274 = arith.constant 48 : index
        %swap3A_275 = tpu.vector_load %arg6[%swap3A_273, %swap3A_274] {strides = array<i32>} : memref<10x64xi32, #tpu.memory_space<vmem>>, vector<1x16xi32>,
        %swap3A_276 = vector.shape_cast %swap3A_275 : vector<1x16xi32> to vector<16xi32>
        %swap3A_277 = vector.shape_cast %add3A_272 : vector<16xi32> to vector<1x16xi32>
        tpu.vector_store %arg6[%swap3A_273, %swap3A_274], %swap3A_277 {strides = array<i32>} : memref<10x64xi32, #tpu.memory_space<vmem>>, vector<1x16xi32>,
      }
      %scan3A_230 = arith.constant 10 : i32
    } else {
    }
    %barrier3A = arith.constant 0 : index
    tpu.barrier barrier_id(%barrier3A)
    %dma_start3A = arith.constant 0 : i32
    %dma_start3A_10 = arith.constant 0 : i32
    %dma_start3A_11 = tpu.memref_slice %arg6[%dma_start3A, %dma_start3A_10] : memref<10x64xi32, #tpu.memory_space<vmem>> -> memref<1x64xi32, #tpu.memory_space<vmem>>
    %dma_start3A_12 = tpu.memref_squeeze %dma_start3A_11 : memref<1x64xi32, #tpu.memory_space<vmem>> -> memref<64xi32, #tpu.memory_space<vmem>>
    %dma_start3A_13 = arith.constant 0 : i32
    %dma_start3A_14 = arith.constant 0 : i32
    %dma_start3A_15 = tpu.memref_slice %arg2[%dma_start3A_13, %dma_start3A_14] : memref<5120x128xf32, #tpu.memory_space<hbm>> -> memref<5120x128xf32, #tpu.memory_space<hbm>>
    tpu.enqueue_indirect_dma source(%dma_start3A_15 : memref<5120x128xf32, #tpu.memory_space<hbm>>) target(%arg8 : memref<64x128xf32, #tpu.memory_space<vmem>>) offsets(%dma_start3A_12 : memref<64xi32, #tpu.memory_space<vmem>>) semaphore(%arg16 : memref<!tpu.dma_semaphore, #tpu.memory_space<semaphore_mem>>)
    %dma_start3A_16 = arith.constant 1 : i32
    %dma_start3A_17 = arith.constant 0 : i32
    %dma_start3A_18 = tpu.memref_slice %arg6[%dma_start3A_16, %dma_start3A_17] : memref<10x64xi32, #tpu.memory_space<vmem>> -> memref<1x64xi32, #tpu.memory_space<vmem>>
    %dma_start3A_19 = tpu.memref_squeeze %dma_start3A_18 : memref<1x64xi32, #tpu.memory_space<vmem>> -> memref<64xi32, #tpu.memory_space<vmem>>
    %dma_start3A_20 = arith.constant 0 : i32
    %dma_start3A_21 = arith.constant 0 : i32
    %dma_start3A_22 = tpu.memref_slice %arg2[%dma_start3A_20, %dma_start3A_21] : memref<5120x128xf32, #tpu.memory_space<hbm>> -> memref<5120x128xf32, #tpu.memory_space<hbm>>
    tpu.enqueue_indirect_dma source(%dma_start3A_22 : memref<5120x128xf32, #tpu.memory_space<hbm>>) target(%arg9 : memref<64x128xf32, #tpu.memory_space<vmem>>) offsets(%dma_start3A_19 : memref<64xi32, #tpu.memory_space<vmem>>) semaphore(%arg17 : memref<!tpu.dma_semaphore, #tpu.memory_space<semaphore_mem>>)
    %dma_start3A_23 = arith.constant 2 : i32
    %dma_start3A_24 = arith.constant 0 : i32
    %dma_start3A_25 = tpu.memref_slice %arg6[%dma_start3A_23, %dma_start3A_24] : memref<10x64xi32, #tpu.memory_space<vmem>> -> memref<1x64xi32, #tpu.memory_space<vmem>>
    %dma_start3A_26 = tpu.memref_squeeze %dma_start3A_25 : memref<1x64xi32, #tpu.memory_space<vmem>> -> memref<64xi32, #tpu.memory_space<vmem>>
    %dma_start3A_27 = arith.constant 0 : i32
    %dma_start3A_28 = arith.constant 0 : i32
    %dma_start3A_29 = tpu.memref_slice %arg2[%dma_start3A_27, %dma_start3A_28] : memref<5120x128xf32, #tpu.memory_space<hbm>> -> memref<5120x128xf32, #tpu.memory_space<hbm>>
    tpu.enqueue_indirect_dma source(%dma_start3A_29 : memref<5120x128xf32, #tpu.memory_space<hbm>>) target(%arg10 : memref<64x128xf32, #tpu.memory_space<vmem>>) offsets(%dma_start3A_26 : memref<64xi32, #tpu.memory_space<vmem>>) semaphore(%arg18 : memref<!tpu.dma_semaphore, #tpu.memory_space<semaphore_mem>>)
    %dma_start3A_30 = arith.constant 3 : i32
    %dma_start3A_31 = arith.constant 0 : i32
    %dma_start3A_32 = tpu.memref_slice %arg6[%dma_start3A_30, %dma_start3A_31] : memref<10x64xi32, #tpu.memory_space<vmem>> -> memref<1x64xi32, #tpu.memory_space<vmem>>
    %dma_start3A_33 = tpu.memref_squeeze %dma_start3A_32 : memref<1x64xi32, #tpu.memory_space<vmem>> -> memref<64xi32, #tpu.memory_space<vmem>>
    %dma_start3A_34 = arith.constant 0 : i32
    %dma_start3A_35 = arith.constant 0 : i32
    %dma_start3A_36 = tpu.memref_slice %arg2[%dma_start3A_34, %dma_start3A_35] : memref<5120x128xf32, #tpu.memory_space<hbm>> -> memref<5120x128xf32, #tpu.memory_space<hbm>>
    tpu.enqueue_indirect_dma source(%dma_start3A_36 : memref<5120x128xf32, #tpu.memory_space<hbm>>) target(%arg11 : memref<64x128xf32, #tpu.memory_space<vmem>>) offsets(%dma_start3A_33 : memref<64xi32, #tpu.memory_space<vmem>>) semaphore(%arg19 : memref<!tpu.dma_semaphore, #tpu.memory_space<semaphore_mem>>)
    %dma_start3A_37 = arith.constant 4 : i32
    %dma_start3A_38 = arith.constant 0 : i32
    %dma_start3A_39 = tpu.memref_slice %arg6[%dma_start3A_37, %dma_start3A_38] : memref<10x64xi32, #tpu.memory_space<vmem>> -> memref<1x64xi32, #tpu.memory_space<vmem>>
    %dma_start3A_40 = tpu.memref_squeeze %dma_start3A_39 : memref<1x64xi32, #tpu.memory_space<vmem>> -> memref<64xi32, #tpu.memory_space<vmem>>
    %dma_start3A_41 = arith.constant 0 : i32
    %dma_start3A_42 = arith.constant 0 : i32
    %dma_start3A_43 = tpu.memref_slice %arg2[%dma_start3A_41, %dma_start3A_42] : memref<5120x128xf32, #tpu.memory_space<hbm>> -> memref<5120x128xf32, #tpu.memory_space<hbm>>
    tpu.enqueue_indirect_dma source(%dma_start3A_43 : memref<5120x128xf32, #tpu.memory_space<hbm>>) target(%arg12 : memref<64x128xf32, #tpu.memory_space<vmem>>) offsets(%dma_start3A_40 : memref<64xi32, #tpu.memory_space<vmem>>) semaphore(%arg20 : memref<!tpu.dma_semaphore, #tpu.memory_space<semaphore_mem>>)
    %dma_start3A_44 = arith.constant 5 : i32
    %dma_start3A_45 = arith.constant 0 : i32
    %dma_start3A_46 = tpu.memref_slice %arg6[%dma_start3A_44, %dma_start3A_45] : memref<10x64xi32, #tpu.memory_space<vmem>> -> memref<1x64xi32, #tpu.memory_space<vmem>>
    %dma_start3A_47 = tpu.memref_squeeze %dma_start3A_46 : memref<1x64xi32, #tpu.memory_space<vmem>> -> memref<64xi32, #tpu.memory_space<vmem>>
    %dma_start3A_48 = arith.constant 0 : i32
    %dma_start3A_49 = arith.constant 0 : i32
    %dma_start3A_50 = tpu.memref_slice %arg2[%dma_start3A_48, %dma_start3A_49] : memref<5120x128xf32, #tpu.memory_space<hbm>> -> memref<5120x128xf32, #tpu.memory_space<hbm>>
    tpu.enqueue_indirect_dma source(%dma_start3A_50 : memref<5120x128xf32, #tpu.memory_space<hbm>>) target(%arg13 : memref<64x128xf32, #tpu.memory_space<vmem>>) offsets(%dma_start3A_47 : memref<64xi32, #tpu.memory_space<vmem>>) semaphore(%arg21 : memref<!tpu.dma_semaphore, #tpu.memory_space<semaphore_mem>>)
    %dma_start3A_51 = arith.constant 6 : i32
    %dma_start3A_52 = arith.constant 0 : i32
    %dma_start3A_53 = tpu.memref_slice %arg6[%dma_start3A_51, %dma_start3A_52] : memref<10x64xi32, #tpu.memory_space<vmem>> -> memref<1x64xi32, #tpu.memory_space<vmem>>
    %dma_start3A_54 = tpu.memref_squeeze %dma_start3A_53 : memref<1x64xi32, #tpu.memory_space<vmem>> -> memref<64xi32, #tpu.memory_space<vmem>>
    %dma_start3A_55 = arith.constant 0 : i32
    %dma_start3A_56 = arith.constant 0 : i32
    %dma_start3A_57 = tpu.memref_slice %arg2[%dma_start3A_55, %dma_start3A_56] : memref<5120x128xf32, #tpu.memory_space<hbm>> -> memref<5120x128xf32, #tpu.memory_space<hbm>>
    tpu.enqueue_indirect_dma source(%dma_start3A_57 : memref<5120x128xf32, #tpu.memory_space<hbm>>) target(%arg14 : memref<64x128xf32, #tpu.memory_space<vmem>>) offsets(%dma_start3A_54 : memref<64xi32, #tpu.memory_space<vmem>>) semaphore(%arg22 : memref<!tpu.dma_semaphore, #tpu.memory_space<semaphore_mem>>)
    %dma_start3A_58 = arith.constant 7 : i32
    %dma_start3A_59 = arith.constant 0 : i32
    %dma_start3A_60 = tpu.memref_slice %arg6[%dma_start3A_58, %dma_start3A_59] : memref<10x64xi32, #tpu.memory_space<vmem>> -> memref<1x64xi32, #tpu.memory_space<vmem>>
    %dma_start3A_61 = tpu.memref_squeeze %dma_start3A_60 : memref<1x64xi32, #tpu.memory_space<vmem>> -> memref<64xi32, #tpu.memory_space<vmem>>
    %dma_start3A_62 = arith.constant 0 : i32
    %dma_start3A_63 = arith.constant 0 : i32
    %dma_start3A_64 = tpu.memref_slice %arg2[%dma_start3A_62, %dma_start3A_63] : memref<5120x128xf32, #tpu.memory_space<hbm>> -> memref<5120x128xf32, #tpu.memory_space<hbm>>
    tpu.enqueue_indirect_dma source(%dma_start3A_64 : memref<5120x128xf32, #tpu.memory_space<hbm>>) target(%arg15 : memref<64x128xf32, #tpu.memory_space<vmem>>) offsets(%dma_start3A_61 : memref<64xi32, #tpu.memory_space<vmem>>) semaphore(%arg23 : memref<!tpu.dma_semaphore, #tpu.memory_space<semaphore_mem>>)
    %scan3A_65 = arith.constant 0 : i32
    %scan3A_66 = arith.constant 0 : i32
    %mul3A_67 = arith.constant 8 : i32
    %mul3A_68 = arith.muli %scan3A_66, %mul3A_67 : i32
    %add3A_69 = arith.constant 0 : i32
    %add3A_70 = arith.addi %mul3A_68, %add3A_69 : i32
    %dma_wait3A = arith.constant 0 : i32
    %dma_wait3A_71 = tpu.memref_slice %arg6[%add3A_70, %dma_wait3A] : memref<10x64xi32, #tpu.memory_space<vmem>> -> memref<1x64xi32, #tpu.memory_space<vmem>>
    %dma_wait3A_72 = tpu.memref_squeeze %dma_wait3A_71 : memref<1x64xi32, #tpu.memory_space<vmem>> -> memref<64xi32, #tpu.memory_space<vmem>>
    %dma_wait3A_73 = arith.constant 0 : i32
    %dma_wait3A_74 = arith.constant 0 : i32
    %dma_wait3A_75 = tpu.memref_slice %arg2[%dma_wait3A_73, %dma_wait3A_74] : memref<5120x128xf32, #tpu.memory_space<hbm>> -> memref<5120x128xf32, #tpu.memory_space<hbm>>
    tpu.wait_indirect_dma semaphore(%arg16 : memref<!tpu.dma_semaphore, #tpu.memory_space<semaphore_mem>>) src(%dma_wait3A_75 : memref<5120x128xf32, #tpu.memory_space<hbm>>) dst(%arg8 : memref<64x128xf32, #tpu.memory_space<vmem>>)
    "tpu.region"() ({
      %run_scoped3A_225 = tpu.sem_alloc : memref<!tpu.dma_semaphore, #tpu.memory_space<semaphore_mem>>
      %dma_start3A_226 = arith.constant 0 : i32
      %dma_start3A_227 = tpu.memref_slice %arg7[%add3A_70, %dma_start3A_226] : memref<10x64xi32, #tpu.memory_space<vmem>> -> memref<1x64xi32, #tpu.memory_space<vmem>>
      %dma_start3A_228 = tpu.memref_squeeze %dma_start3A_227 : memref<1x64xi32, #tpu.memory_space<vmem>> -> memref<64xi32, #tpu.memory_space<vmem>>
      %dma_start3A_229 = arith.constant 0 : i32
      %dma_start3A_230 = arith.constant 0 : i32
      %dma_start3A_231 = tpu.memref_slice %arg24[%dma_start3A_229, %dma_start3A_230] : memref<640x128xf32, #tpu.memory_space<vmem_shared>> -> memref<640x128xf32, #tpu.memory_space<vmem_shared>>
      tpu.enqueue_indirect_dma source(%arg8 : memref<64x128xf32, #tpu.memory_space<vmem>>) target(%dma_start3A_231 : memref<640x128xf32, #tpu.memory_space<vmem_shared>>) offsets(%dma_start3A_228 : memref<64xi32, #tpu.memory_space<vmem>>) semaphore(%run_scoped3A_225 : memref<!tpu.dma_semaphore, #tpu.memory_space<semaphore_mem>>) {add = true}
      %dma_wait3A_232 = arith.constant 0 : i32
      %dma_wait3A_233 = tpu.memref_slice %arg7[%add3A_70, %dma_wait3A_232] : memref<10x64xi32, #tpu.memory_space<vmem>> -> memref<1x64xi32, #tpu.memory_space<vmem>>
      %dma_wait3A_234 = tpu.memref_squeeze %dma_wait3A_233 : memref<1x64xi32, #tpu.memory_space<vmem>> -> memref<64xi32, #tpu.memory_space<vmem>>
      %dma_wait3A_235 = arith.constant 0 : i32
      %dma_wait3A_236 = arith.constant 0 : i32
      %dma_wait3A_237 = tpu.memref_slice %arg24[%dma_wait3A_235, %dma_wait3A_236] : memref<640x128xf32, #tpu.memory_space<vmem_shared>> -> memref<640x128xf32, #tpu.memory_space<vmem_shared>>
      tpu.wait_indirect_dma semaphore(%run_scoped3A_225 : memref<!tpu.dma_semaphore, #tpu.memory_space<semaphore_mem>>) src(%arg8 : memref<64x128xf32, #tpu.memory_space<vmem>>) dst(%dma_wait3A_237 : memref<640x128xf32, #tpu.memory_space<vmem_shared>>)
      tpu.yield
    }) : () -> ()
    %add3A_76 = arith.constant 8 : i32
    %add3A_77 = arith.addi %add3A_70, %add3A_76 : i32
    %lt3A = arith.constant 10 : i32
    %lt3A_78 = arith.cmpi slt, %add3A_77, %lt3A : i32
    %convert_element_type3A_79 = arith.extui %lt3A_78 : i1 to i32
    %cond3A_80 = arith.constant 0 : i32
    %cond3A_81 = arith.cmpi ne, %convert_element_type3A_79, %cond3A_80 : i32
    scf.if %cond3A_81 {
      %add3A_225 = arith.constant 8 : i32
      %add3A_226 = arith.addi %add3A_70, %add3A_225 : i32
      %dma_start3A_227 = arith.constant 0 : i32
      %dma_start3A_228 = tpu.memref_slice %arg6[%add3A_226, %dma_start3A_227] : memref<10x64xi32, #tpu.memory_space<vmem>> -> memref<1x64xi32, #tpu.memory_space<vmem>>
      %dma_start3A_229 = tpu.memref_squeeze %dma_start3A_228 : memref<1x64xi32, #tpu.memory_space<vmem>> -> memref<64xi32, #tpu.memory_space<vmem>>
      %dma_start3A_230 = arith.constant 0 : i32
      %dma_start3A_231 = arith.constant 0 : i32
      %dma_start3A_232 = tpu.memref_slice %arg2[%dma_start3A_230, %dma_start3A_231] : memref<5120x128xf32, #tpu.memory_space<hbm>> -> memref<5120x128xf32, #tpu.memory_space<hbm>>
      tpu.enqueue_indirect_dma source(%dma_start3A_232 : memref<5120x128xf32, #tpu.memory_space<hbm>>) target(%arg8 : memref<64x128xf32, #tpu.memory_space<vmem>>) offsets(%dma_start3A_229 : memref<64xi32, #tpu.memory_space<vmem>>) semaphore(%arg16 : memref<!tpu.dma_semaphore, #tpu.memory_space<semaphore_mem>>)
    } else {
    }
    %mul3A_82 = arith.constant 8 : i32
    %mul3A_83 = arith.muli %scan3A_66, %mul3A_82 : i32
    %add3A_84 = arith.constant 1 : i32
    %add3A_85 = arith.addi %mul3A_83, %add3A_84 : i32
    %dma_wait3A_86 = arith.constant 0 : i32
    %dma_wait3A_87 = tpu.memref_slice %arg6[%add3A_85, %dma_wait3A_86] : memref<10x64xi32, #tpu.memory_space<vmem>> -> memref<1x64xi32, #tpu.memory_space<vmem>>
    %dma_wait3A_88 = tpu.memref_squeeze %dma_wait3A_87 : memref<1x64xi32, #tpu.memory_space<vmem>> -> memref<64xi32, #tpu.memory_space<vmem>>
    %dma_wait3A_89 = arith.constant 0 : i32
    %dma_wait3A_90 = arith.constant 0 : i32
    %dma_wait3A_91 = tpu.memref_slice %arg2[%dma_wait3A_89, %dma_wait3A_90] : memref<5120x128xf32, #tpu.memory_space<hbm>> -> memref<5120x128xf32, #tpu.memory_space<hbm>>
    tpu.wait_indirect_dma semaphore(%arg17 : memref<!tpu.dma_semaphore, #tpu.memory_space<semaphore_mem>>) src(%dma_wait3A_91 : memref<5120x128xf32, #tpu.memory_space<hbm>>) dst(%arg9 : memref<64x128xf32, #tpu.memory_space<vmem>>)
    "tpu.region"() ({
      %run_scoped3A_225 = tpu.sem_alloc : memref<!tpu.dma_semaphore, #tpu.memory_space<semaphore_mem>>
      %dma_start3A_226 = arith.constant 0 : i32
      %dma_start3A_227 = tpu.memref_slice %arg7[%add3A_85, %dma_start3A_226] : memref<10x64xi32, #tpu.memory_space<vmem>> -> memref<1x64xi32, #tpu.memory_space<vmem>>
      %dma_start3A_228 = tpu.memref_squeeze %dma_start3A_227 : memref<1x64xi32, #tpu.memory_space<vmem>> -> memref<64xi32, #tpu.memory_space<vmem>>
      %dma_start3A_229 = arith.constant 0 : i32
      %dma_start3A_230 = arith.constant 0 : i32
      %dma_start3A_231 = tpu.memref_slice %arg24[%dma_start3A_229, %dma_start3A_230] : memref<640x128xf32, #tpu.memory_space<vmem_shared>> -> memref<640x128xf32, #tpu.memory_space<vmem_shared>>
      tpu.enqueue_indirect_dma source(%arg9 : memref<64x128xf32, #tpu.memory_space<vmem>>) target(%dma_start3A_231 : memref<640x128xf32, #tpu.memory_space<vmem_shared>>) offsets(%dma_start3A_228 : memref<64xi32, #tpu.memory_space<vmem>>) semaphore(%run_scoped3A_225 : memref<!tpu.dma_semaphore, #tpu.memory_space<semaphore_mem>>) {add = true}
      %dma_wait3A_232 = arith.constant 0 : i32
      %dma_wait3A_233 = tpu.memref_slice %arg7[%add3A_85, %dma_wait3A_232] : memref<10x64xi32, #tpu.memory_space<vmem>> -> memref<1x64xi32, #tpu.memory_space<vmem>>
      %dma_wait3A_234 = tpu.memref_squeeze %dma_wait3A_233 : memref<1x64xi32, #tpu.memory_space<vmem>> -> memref<64xi32, #tpu.memory_space<vmem>>
      %dma_wait3A_235 = arith.constant 0 : i32
      %dma_wait3A_236 = arith.constant 0 : i32
      %dma_wait3A_237 = tpu.memref_slice %arg24[%dma_wait3A_235, %dma_wait3A_236] : memref<640x128xf32, #tpu.memory_space<vmem_shared>> -> memref<640x128xf32, #tpu.memory_space<vmem_shared>>
      tpu.wait_indirect_dma semaphore(%run_scoped3A_225 : memref<!tpu.dma_semaphore, #tpu.memory_space<semaphore_mem>>) src(%arg9 : memref<64x128xf32, #tpu.memory_space<vmem>>) dst(%dma_wait3A_237 : memref<640x128xf32, #tpu.memory_space<vmem_shared>>)
      tpu.yield
    }) : () -> ()
    %add3A_92 = arith.constant 8 : i32
    %add3A_93 = arith.addi %add3A_85, %add3A_92 : i32
    %lt3A_94 = arith.constant 10 : i32
    %lt3A_95 = arith.cmpi slt, %add3A_93, %lt3A_94 : i32
    %convert_element_type3A_96 = arith.extui %lt3A_95 : i1 to i32
    %cond3A_97 = arith.constant 0 : i32
    %cond3A_98 = arith.cmpi ne, %convert_element_type3A_96, %cond3A_97 : i32
    scf.if %cond3A_98 {
      %add3A_225 = arith.constant 8 : i32
      %add3A_226 = arith.addi %add3A_85, %add3A_225 : i32
      %dma_start3A_227 = arith.constant 0 : i32
      %dma_start3A_228 = tpu.memref_slice %arg6[%add3A_226, %dma_start3A_227] : memref<10x64xi32, #tpu.memory_space<vmem>> -> memref<1x64xi32, #tpu.memory_space<vmem>>
      %dma_start3A_229 = tpu.memref_squeeze %dma_start3A_228 : memref<1x64xi32, #tpu.memory_space<vmem>> -> memref<64xi32, #tpu.memory_space<vmem>>
      %dma_start3A_230 = arith.constant 0 : i32
      %dma_start3A_231 = arith.constant 0 : i32
      %dma_start3A_232 = tpu.memref_slice %arg2[%dma_start3A_230, %dma_start3A_231] : memref<5120x128xf32, #tpu.memory_space<hbm>> -> memref<5120x128xf32, #tpu.memory_space<hbm>>
      tpu.enqueue_indirect_dma source(%dma_start3A_232 : memref<5120x128xf32, #tpu.memory_space<hbm>>) target(%arg9 : memref<64x128xf32, #tpu.memory_space<vmem>>) offsets(%dma_start3A_229 : memref<64xi32, #tpu.memory_space<vmem>>) semaphore(%arg17 : memref<!tpu.dma_semaphore, #tpu.memory_space<semaphore_mem>>)
    } else {
    }
    %mul3A_99 = arith.constant 8 : i32
    %mul3A_100 = arith.muli %scan3A_66, %mul3A_99 : i32
    %add3A_101 = arith.constant 2 : i32
    %add3A_102 = arith.addi %mul3A_100, %add3A_101 : i32
    %dma_wait3A_103 = arith.constant 0 : i32
    %dma_wait3A_104 = tpu.memref_slice %arg6[%add3A_102, %dma_wait3A_103] : memref<10x64xi32, #tpu.memory_space<vmem>> -> memref<1x64xi32, #tpu.memory_space<vmem>>
    %dma_wait3A_105 = tpu.memref_squeeze %dma_wait3A_104 : memref<1x64xi32, #tpu.memory_space<vmem>> -> memref<64xi32, #tpu.memory_space<vmem>>
    %dma_wait3A_106 = arith.constant 0 : i32
    %dma_wait3A_107 = arith.constant 0 : i32
    %dma_wait3A_108 = tpu.memref_slice %arg2[%dma_wait3A_106, %dma_wait3A_107] : memref<5120x128xf32, #tpu.memory_space<hbm>> -> memref<5120x128xf32, #tpu.memory_space<hbm>>
    tpu.wait_indirect_dma semaphore(%arg18 : memref<!tpu.dma_semaphore, #tpu.memory_space<semaphore_mem>>) src(%dma_wait3A_108 : memref<5120x128xf32, #tpu.memory_space<hbm>>) dst(%arg10 : memref<64x128xf32, #tpu.memory_space<vmem>>)
    "tpu.region"() ({
      %run_scoped3A_225 = tpu.sem_alloc : memref<!tpu.dma_semaphore, #tpu.memory_space<semaphore_mem>>
      %dma_start3A_226 = arith.constant 0 : i32
      %dma_start3A_227 = tpu.memref_slice %arg7[%add3A_102, %dma_start3A_226] : memref<10x64xi32, #tpu.memory_space<vmem>> -> memref<1x64xi32, #tpu.memory_space<vmem>>
      %dma_start3A_228 = tpu.memref_squeeze %dma_start3A_227 : memref<1x64xi32, #tpu.memory_space<vmem>> -> memref<64xi32, #tpu.memory_space<vmem>>
      %dma_start3A_229 = arith.constant 0 : i32
      %dma_start3A_230 = arith.constant 0 : i32
      %dma_start3A_231 = tpu.memref_slice %arg24[%dma_start3A_229, %dma_start3A_230] : memref<640x128xf32, #tpu.memory_space<vmem_shared>> -> memref<640x128xf32, #tpu.memory_space<vmem_shared>>
      tpu.enqueue_indirect_dma source(%arg10 : memref<64x128xf32, #tpu.memory_space<vmem>>) target(%dma_start3A_231 : memref<640x128xf32, #tpu.memory_space<vmem_shared>>) offsets(%dma_start3A_228 : memref<64xi32, #tpu.memory_space<vmem>>) semaphore(%run_scoped3A_225 : memref<!tpu.dma_semaphore, #tpu.memory_space<semaphore_mem>>) {add = true}
      %dma_wait3A_232 = arith.constant 0 : i32
      %dma_wait3A_233 = tpu.memref_slice %arg7[%add3A_102, %dma_wait3A_232] : memref<10x64xi32, #tpu.memory_space<vmem>> -> memref<1x64xi32, #tpu.memory_space<vmem>>
      %dma_wait3A_234 = tpu.memref_squeeze %dma_wait3A_233 : memref<1x64xi32, #tpu.memory_space<vmem>> -> memref<64xi32, #tpu.memory_space<vmem>>
      %dma_wait3A_235 = arith.constant 0 : i32
      %dma_wait3A_236 = arith.constant 0 : i32
      %dma_wait3A_237 = tpu.memref_slice %arg24[%dma_wait3A_235, %dma_wait3A_236] : memref<640x128xf32, #tpu.memory_space<vmem_shared>> -> memref<640x128xf32, #tpu.memory_space<vmem_shared>>
      tpu.wait_indirect_dma semaphore(%run_scoped3A_225 : memref<!tpu.dma_semaphore, #tpu.memory_space<semaphore_mem>>) src(%arg10 : memref<64x128xf32, #tpu.memory_space<vmem>>) dst(%dma_wait3A_237 : memref<640x128xf32, #tpu.memory_space<vmem_shared>>)
      tpu.yield
    }) : () -> ()
    %add3A_109 = arith.constant 8 : i32
    %add3A_110 = arith.addi %add3A_102, %add3A_109 : i32
    %lt3A_111 = arith.constant 10 : i32
    %lt3A_112 = arith.cmpi slt, %add3A_110, %lt3A_111 : i32
    %convert_element_type3A_113 = arith.extui %lt3A_112 : i1 to i32
    %cond3A_114 = arith.constant 0 : i32
    %cond3A_115 = arith.cmpi ne, %convert_element_type3A_113, %cond3A_114 : i32
    scf.if %cond3A_115 {
      %add3A_225 = arith.constant 8 : i32
      %add3A_226 = arith.addi %add3A_102, %add3A_225 : i32
      %dma_start3A_227 = arith.constant 0 : i32
      %dma_start3A_228 = tpu.memref_slice %arg6[%add3A_226, %dma_start3A_227] : memref<10x64xi32, #tpu.memory_space<vmem>> -> memref<1x64xi32, #tpu.memory_space<vmem>>
      %dma_start3A_229 = tpu.memref_squeeze %dma_start3A_228 : memref<1x64xi32, #tpu.memory_space<vmem>> -> memref<64xi32, #tpu.memory_space<vmem>>
      %dma_start3A_230 = arith.constant 0 : i32
      %dma_start3A_231 = arith.constant 0 : i32
      %dma_start3A_232 = tpu.memref_slice %arg2[%dma_start3A_230, %dma_start3A_231] : memref<5120x128xf32, #tpu.memory_space<hbm>> -> memref<5120x128xf32, #tpu.memory_space<hbm>>
      tpu.enqueue_indirect_dma source(%dma_start3A_232 : memref<5120x128xf32, #tpu.memory_space<hbm>>) target(%arg10 : memref<64x128xf32, #tpu.memory_space<vmem>>) offsets(%dma_start3A_229 : memref<64xi32, #tpu.memory_space<vmem>>) semaphore(%arg18 : memref<!tpu.dma_semaphore, #tpu.memory_space<semaphore_mem>>)
    } else {
    }
    %mul3A_116 = arith.constant 8 : i32
    %mul3A_117 = arith.muli %scan3A_66, %mul3A_116 : i32
    %add3A_118 = arith.constant 3 : i32
    %add3A_119 = arith.addi %mul3A_117, %add3A_118 : i32
    %dma_wait3A_120 = arith.constant 0 : i32
    %dma_wait3A_121 = tpu.memref_slice %arg6[%add3A_119, %dma_wait3A_120] : memref<10x64xi32, #tpu.memory_space<vmem>> -> memref<1x64xi32, #tpu.memory_space<vmem>>
    %dma_wait3A_122 = tpu.memref_squeeze %dma_wait3A_121 : memref<1x64xi32, #tpu.memory_space<vmem>> -> memref<64xi32, #tpu.memory_space<vmem>>
    %dma_wait3A_123 = arith.constant 0 : i32
    %dma_wait3A_124 = arith.constant 0 : i32
    %dma_wait3A_125 = tpu.memref_slice %arg2[%dma_wait3A_123, %dma_wait3A_124] : memref<5120x128xf32, #tpu.memory_space<hbm>> -> memref<5120x128xf32, #tpu.memory_space<hbm>>
    tpu.wait_indirect_dma semaphore(%arg19 : memref<!tpu.dma_semaphore, #tpu.memory_space<semaphore_mem>>) src(%dma_wait3A_125 : memref<5120x128xf32, #tpu.memory_space<hbm>>) dst(%arg11 : memref<64x128xf32, #tpu.memory_space<vmem>>)
    "tpu.region"() ({
      %run_scoped3A_225 = tpu.sem_alloc : memref<!tpu.dma_semaphore, #tpu.memory_space<semaphore_mem>>
      %dma_start3A_226 = arith.constant 0 : i32
      %dma_start3A_227 = tpu.memref_slice %arg7[%add3A_119, %dma_start3A_226] : memref<10x64xi32, #tpu.memory_space<vmem>> -> memref<1x64xi32, #tpu.memory_space<vmem>>
      %dma_start3A_228 = tpu.memref_squeeze %dma_start3A_227 : memref<1x64xi32, #tpu.memory_space<vmem>> -> memref<64xi32, #tpu.memory_space<vmem>>
      %dma_start3A_229 = arith.constant 0 : i32
      %dma_start3A_230 = arith.constant 0 : i32
      %dma_start3A_231 = tpu.memref_slice %arg24[%dma_start3A_229, %dma_start3A_230] : memref<640x128xf32, #tpu.memory_space<vmem_shared>> -> memref<640x128xf32, #tpu.memory_space<vmem_shared>>
      tpu.enqueue_indirect_dma source(%arg11 : memref<64x128xf32, #tpu.memory_space<vmem>>) target(%dma_start3A_231 : memref<640x128xf32, #tpu.memory_space<vmem_shared>>) offsets(%dma_start3A_228 : memref<64xi32, #tpu.memory_space<vmem>>) semaphore(%run_scoped3A_225 : memref<!tpu.dma_semaphore, #tpu.memory_space<semaphore_mem>>) {add = true}
      %dma_wait3A_232 = arith.constant 0 : i32
      %dma_wait3A_233 = tpu.memref_slice %arg7[%add3A_119, %dma_wait3A_232] : memref<10x64xi32, #tpu.memory_space<vmem>> -> memref<1x64xi32, #tpu.memory_space<vmem>>
      %dma_wait3A_234 = tpu.memref_squeeze %dma_wait3A_233 : memref<1x64xi32, #tpu.memory_space<vmem>> -> memref<64xi32, #tpu.memory_space<vmem>>
      %dma_wait3A_235 = arith.constant 0 : i32
      %dma_wait3A_236 = arith.constant 0 : i32
      %dma_wait3A_237 = tpu.memref_slice %arg24[%dma_wait3A_235, %dma_wait3A_236] : memref<640x128xf32, #tpu.memory_space<vmem_shared>> -> memref<640x128xf32, #tpu.memory_space<vmem_shared>>
      tpu.wait_indirect_dma semaphore(%run_scoped3A_225 : memref<!tpu.dma_semaphore, #tpu.memory_space<semaphore_mem>>) src(%arg11 : memref<64x128xf32, #tpu.memory_space<vmem>>) dst(%dma_wait3A_237 : memref<640x128xf32, #tpu.memory_space<vmem_shared>>)
      tpu.yield
    }) : () -> ()
    %add3A_126 = arith.constant 8 : i32
    %add3A_127 = arith.addi %add3A_119, %add3A_126 : i32
    %lt3A_128 = arith.constant 10 : i32
    %lt3A_129 = arith.cmpi slt, %add3A_127, %lt3A_128 : i32
    %convert_element_type3A_130 = arith.extui %lt3A_129 : i1 to i32
    %cond3A_131 = arith.constant 0 : i32
    %cond3A_132 = arith.cmpi ne, %convert_element_type3A_130, %cond3A_131 : i32
    scf.if %cond3A_132 {
      %add3A_225 = arith.constant 8 : i32
      %add3A_226 = arith.addi %add3A_119, %add3A_225 : i32
      %dma_start3A_227 = arith.constant 0 : i32
      %dma_start3A_228 = tpu.memref_slice %arg6[%add3A_226, %dma_start3A_227] : memref<10x64xi32, #tpu.memory_space<vmem>> -> memref<1x64xi32, #tpu.memory_space<vmem>>
      %dma_start3A_229 = tpu.memref_squeeze %dma_start3A_228 : memref<1x64xi32, #tpu.memory_space<vmem>> -> memref<64xi32, #tpu.memory_space<vmem>>
      %dma_start3A_230 = arith.constant 0 : i32
      %dma_start3A_231 = arith.constant 0 : i32
      %dma_start3A_232 = tpu.memref_slice %arg2[%dma_start3A_230, %dma_start3A_231] : memref<5120x128xf32, #tpu.memory_space<hbm>> -> memref<5120x128xf32, #tpu.memory_space<hbm>>
      tpu.enqueue_indirect_dma source(%dma_start3A_232 : memref<5120x128xf32, #tpu.memory_space<hbm>>) target(%arg11 : memref<64x128xf32, #tpu.memory_space<vmem>>) offsets(%dma_start3A_229 : memref<64xi32, #tpu.memory_space<vmem>>) semaphore(%arg19 : memref<!tpu.dma_semaphore, #tpu.memory_space<semaphore_mem>>)
    } else {
    }
    %mul3A_133 = arith.constant 8 : i32
    %mul3A_134 = arith.muli %scan3A_66, %mul3A_133 : i32
    %add3A_135 = arith.constant 4 : i32
    %add3A_136 = arith.addi %mul3A_134, %add3A_135 : i32
    %dma_wait3A_137 = arith.constant 0 : i32
    %dma_wait3A_138 = tpu.memref_slice %arg6[%add3A_136, %dma_wait3A_137] : memref<10x64xi32, #tpu.memory_space<vmem>> -> memref<1x64xi32, #tpu.memory_space<vmem>>
    %dma_wait3A_139 = tpu.memref_squeeze %dma_wait3A_138 : memref<1x64xi32, #tpu.memory_space<vmem>> -> memref<64xi32, #tpu.memory_space<vmem>>
    %dma_wait3A_140 = arith.constant 0 : i32
    %dma_wait3A_141 = arith.constant 0 : i32
    %dma_wait3A_142 = tpu.memref_slice %arg2[%dma_wait3A_140, %dma_wait3A_141] : memref<5120x128xf32, #tpu.memory_space<hbm>> -> memref<5120x128xf32, #tpu.memory_space<hbm>>
    tpu.wait_indirect_dma semaphore(%arg20 : memref<!tpu.dma_semaphore, #tpu.memory_space<semaphore_mem>>) src(%dma_wait3A_142 : memref<5120x128xf32, #tpu.memory_space<hbm>>) dst(%arg12 : memref<64x128xf32, #tpu.memory_space<vmem>>)
    "tpu.region"() ({
      %run_scoped3A_225 = tpu.sem_alloc : memref<!tpu.dma_semaphore, #tpu.memory_space<semaphore_mem>>
      %dma_start3A_226 = arith.constant 0 : i32
      %dma_start3A_227 = tpu.memref_slice %arg7[%add3A_136, %dma_start3A_226] : memref<10x64xi32, #tpu.memory_space<vmem>> -> memref<1x64xi32, #tpu.memory_space<vmem>>
      %dma_start3A_228 = tpu.memref_squeeze %dma_start3A_227 : memref<1x64xi32, #tpu.memory_space<vmem>> -> memref<64xi32, #tpu.memory_space<vmem>>
      %dma_start3A_229 = arith.constant 0 : i32
      %dma_start3A_230 = arith.constant 0 : i32
      %dma_start3A_231 = tpu.memref_slice %arg24[%dma_start3A_229, %dma_start3A_230] : memref<640x128xf32, #tpu.memory_space<vmem_shared>> -> memref<640x128xf32, #tpu.memory_space<vmem_shared>>
      tpu.enqueue_indirect_dma source(%arg12 : memref<64x128xf32, #tpu.memory_space<vmem>>) target(%dma_start3A_231 : memref<640x128xf32, #tpu.memory_space<vmem_shared>>) offsets(%dma_start3A_228 : memref<64xi32, #tpu.memory_space<vmem>>) semaphore(%run_scoped3A_225 : memref<!tpu.dma_semaphore, #tpu.memory_space<semaphore_mem>>) {add = true}
      %dma_wait3A_232 = arith.constant 0 : i32
      %dma_wait3A_233 = tpu.memref_slice %arg7[%add3A_136, %dma_wait3A_232] : memref<10x64xi32, #tpu.memory_space<vmem>> -> memref<1x64xi32, #tpu.memory_space<vmem>>
      %dma_wait3A_234 = tpu.memref_squeeze %dma_wait3A_233 : memref<1x64xi32, #tpu.memory_space<vmem>> -> memref<64xi32, #tpu.memory_space<vmem>>
      %dma_wait3A_235 = arith.constant 0 : i32
      %dma_wait3A_236 = arith.constant 0 : i32
      %dma_wait3A_237 = tpu.memref_slice %arg24[%dma_wait3A_235, %dma_wait3A_236] : memref<640x128xf32, #tpu.memory_space<vmem_shared>> -> memref<640x128xf32, #tpu.memory_space<vmem_shared>>
      tpu.wait_indirect_dma semaphore(%run_scoped3A_225 : memref<!tpu.dma_semaphore, #tpu.memory_space<semaphore_mem>>) src(%arg12 : memref<64x128xf32, #tpu.memory_space<vmem>>) dst(%dma_wait3A_237 : memref<640x128xf32, #tpu.memory_space<vmem_shared>>)
      tpu.yield
    }) : () -> ()
    %add3A_143 = arith.constant 8 : i32
    %add3A_144 = arith.addi %add3A_136, %add3A_143 : i32
    %lt3A_145 = arith.constant 10 : i32
    %lt3A_146 = arith.cmpi slt, %add3A_144, %lt3A_145 : i32
    %convert_element_type3A_147 = arith.extui %lt3A_146 : i1 to i32
    %cond3A_148 = arith.constant 0 : i32
    %cond3A_149 = arith.cmpi ne, %convert_element_type3A_147, %cond3A_148 : i32
    scf.if %cond3A_149 {
      %add3A_225 = arith.constant 8 : i32
      %add3A_226 = arith.addi %add3A_136, %add3A_225 : i32
      %dma_start3A_227 = arith.constant 0 : i32
      %dma_start3A_228 = tpu.memref_slice %arg6[%add3A_226, %dma_start3A_227] : memref<10x64xi32, #tpu.memory_space<vmem>> -> memref<1x64xi32, #tpu.memory_space<vmem>>
      %dma_start3A_229 = tpu.memref_squeeze %dma_start3A_228 : memref<1x64xi32, #tpu.memory_space<vmem>> -> memref<64xi32, #tpu.memory_space<vmem>>
      %dma_start3A_230 = arith.constant 0 : i32
      %dma_start3A_231 = arith.constant 0 : i32
      %dma_start3A_232 = tpu.memref_slice %arg2[%dma_start3A_230, %dma_start3A_231] : memref<5120x128xf32, #tpu.memory_space<hbm>> -> memref<5120x128xf32, #tpu.memory_space<hbm>>
      tpu.enqueue_indirect_dma source(%dma_start3A_232 : memref<5120x128xf32, #tpu.memory_space<hbm>>) target(%arg12 : memref<64x128xf32, #tpu.memory_space<vmem>>) offsets(%dma_start3A_229 : memref<64xi32, #tpu.memory_space<vmem>>) semaphore(%arg20 : memref<!tpu.dma_semaphore, #tpu.memory_space<semaphore_mem>>)
    } else {
    }
    %mul3A_150 = arith.constant 8 : i32
    %mul3A_151 = arith.muli %scan3A_66, %mul3A_150 : i32
    %add3A_152 = arith.constant 5 : i32
    %add3A_153 = arith.addi %mul3A_151, %add3A_152 : i32
    %dma_wait3A_154 = arith.constant 0 : i32
    %dma_wait3A_155 = tpu.memref_slice %arg6[%add3A_153, %dma_wait3A_154] : memref<10x64xi32, #tpu.memory_space<vmem>> -> memref<1x64xi32, #tpu.memory_space<vmem>>
    %dma_wait3A_156 = tpu.memref_squeeze %dma_wait3A_155 : memref<1x64xi32, #tpu.memory_space<vmem>> -> memref<64xi32, #tpu.memory_space<vmem>>
    %dma_wait3A_157 = arith.constant 0 : i32
    %dma_wait3A_158 = arith.constant 0 : i32
    %dma_wait3A_159 = tpu.memref_slice %arg2[%dma_wait3A_157, %dma_wait3A_158] : memref<5120x128xf32, #tpu.memory_space<hbm>> -> memref<5120x128xf32, #tpu.memory_space<hbm>>
    tpu.wait_indirect_dma semaphore(%arg21 : memref<!tpu.dma_semaphore, #tpu.memory_space<semaphore_mem>>) src(%dma_wait3A_159 : memref<5120x128xf32, #tpu.memory_space<hbm>>) dst(%arg13 : memref<64x128xf32, #tpu.memory_space<vmem>>)
    "tpu.region"() ({
      %run_scoped3A_225 = tpu.sem_alloc : memref<!tpu.dma_semaphore, #tpu.memory_space<semaphore_mem>>
      %dma_start3A_226 = arith.constant 0 : i32
      %dma_start3A_227 = tpu.memref_slice %arg7[%add3A_153, %dma_start3A_226] : memref<10x64xi32, #tpu.memory_space<vmem>> -> memref<1x64xi32, #tpu.memory_space<vmem>>
      %dma_start3A_228 = tpu.memref_squeeze %dma_start3A_227 : memref<1x64xi32, #tpu.memory_space<vmem>> -> memref<64xi32, #tpu.memory_space<vmem>>
      %dma_start3A_229 = arith.constant 0 : i32
      %dma_start3A_230 = arith.constant 0 : i32
      %dma_start3A_231 = tpu.memref_slice %arg24[%dma_start3A_229, %dma_start3A_230] : memref<640x128xf32, #tpu.memory_space<vmem_shared>> -> memref<640x128xf32, #tpu.memory_space<vmem_shared>>
      tpu.enqueue_indirect_dma source(%arg13 : memref<64x128xf32, #tpu.memory_space<vmem>>) target(%dma_start3A_231 : memref<640x128xf32, #tpu.memory_space<vmem_shared>>) offsets(%dma_start3A_228 : memref<64xi32, #tpu.memory_space<vmem>>) semaphore(%run_scoped3A_225 : memref<!tpu.dma_semaphore, #tpu.memory_space<semaphore_mem>>) {add = true}
      %dma_wait3A_232 = arith.constant 0 : i32
      %dma_wait3A_233 = tpu.memref_slice %arg7[%add3A_153, %dma_wait3A_232] : memref<10x64xi32, #tpu.memory_space<vmem>> -> memref<1x64xi32, #tpu.memory_space<vmem>>
      %dma_wait3A_234 = tpu.memref_squeeze %dma_wait3A_233 : memref<1x64xi32, #tpu.memory_space<vmem>> -> memref<64xi32, #tpu.memory_space<vmem>>
      %dma_wait3A_235 = arith.constant 0 : i32
      %dma_wait3A_236 = arith.constant 0 : i32
      %dma_wait3A_237 = tpu.memref_slice %arg24[%dma_wait3A_235, %dma_wait3A_236] : memref<640x128xf32, #tpu.memory_space<vmem_shared>> -> memref<640x128xf32, #tpu.memory_space<vmem_shared>>
      tpu.wait_indirect_dma semaphore(%run_scoped3A_225 : memref<!tpu.dma_semaphore, #tpu.memory_space<semaphore_mem>>) src(%arg13 : memref<64x128xf32, #tpu.memory_space<vmem>>) dst(%dma_wait3A_237 : memref<640x128xf32, #tpu.memory_space<vmem_shared>>)
      tpu.yield
    }) : () -> ()
    %add3A_160 = arith.constant 8 : i32
    %add3A_161 = arith.addi %add3A_153, %add3A_160 : i32
    %lt3A_162 = arith.constant 10 : i32
    %lt3A_163 = arith.cmpi slt, %add3A_161, %lt3A_162 : i32
    %convert_element_type3A_164 = arith.extui %lt3A_163 : i1 to i32
    %cond3A_165 = arith.constant 0 : i32
    %cond3A_166 = arith.cmpi ne, %convert_element_type3A_164, %cond3A_165 : i32
    scf.if %cond3A_166 {
      %add3A_225 = arith.constant 8 : i32
      %add3A_226 = arith.addi %add3A_153, %add3A_225 : i32
      %dma_start3A_227 = arith.constant 0 : i32
      %dma_start3A_228 = tpu.memref_slice %arg6[%add3A_226, %dma_start3A_227] : memref<10x64xi32, #tpu.memory_space<vmem>> -> memref<1x64xi32, #tpu.memory_space<vmem>>
      %dma_start3A_229 = tpu.memref_squeeze %dma_start3A_228 : memref<1x64xi32, #tpu.memory_space<vmem>> -> memref<64xi32, #tpu.memory_space<vmem>>
      %dma_start3A_230 = arith.constant 0 : i32
      %dma_start3A_231 = arith.constant 0 : i32
      %dma_start3A_232 = tpu.memref_slice %arg2[%dma_start3A_230, %dma_start3A_231] : memref<5120x128xf32, #tpu.memory_space<hbm>> -> memref<5120x128xf32, #tpu.memory_space<hbm>>
      tpu.enqueue_indirect_dma source(%dma_start3A_232 : memref<5120x128xf32, #tpu.memory_space<hbm>>) target(%arg13 : memref<64x128xf32, #tpu.memory_space<vmem>>) offsets(%dma_start3A_229 : memref<64xi32, #tpu.memory_space<vmem>>) semaphore(%arg21 : memref<!tpu.dma_semaphore, #tpu.memory_space<semaphore_mem>>)
    } else {
    }
    %mul3A_167 = arith.constant 8 : i32
    %mul3A_168 = arith.muli %scan3A_66, %mul3A_167 : i32
    %add3A_169 = arith.constant 6 : i32
    %add3A_170 = arith.addi %mul3A_168, %add3A_169 : i32
    %dma_wait3A_171 = arith.constant 0 : i32
    %dma_wait3A_172 = tpu.memref_slice %arg6[%add3A_170, %dma_wait3A_171] : memref<10x64xi32, #tpu.memory_space<vmem>> -> memref<1x64xi32, #tpu.memory_space<vmem>>
    %dma_wait3A_173 = tpu.memref_squeeze %dma_wait3A_172 : memref<1x64xi32, #tpu.memory_space<vmem>> -> memref<64xi32, #tpu.memory_space<vmem>>
    %dma_wait3A_174 = arith.constant 0 : i32
    %dma_wait3A_175 = arith.constant 0 : i32
    %dma_wait3A_176 = tpu.memref_slice %arg2[%dma_wait3A_174, %dma_wait3A_175] : memref<5120x128xf32, #tpu.memory_space<hbm>> -> memref<5120x128xf32, #tpu.memory_space<hbm>>
    tpu.wait_indirect_dma semaphore(%arg22 : memref<!tpu.dma_semaphore, #tpu.memory_space<semaphore_mem>>) src(%dma_wait3A_176 : memref<5120x128xf32, #tpu.memory_space<hbm>>) dst(%arg14 : memref<64x128xf32, #tpu.memory_space<vmem>>)
    "tpu.region"() ({
      %run_scoped3A_225 = tpu.sem_alloc : memref<!tpu.dma_semaphore, #tpu.memory_space<semaphore_mem>>
      %dma_start3A_226 = arith.constant 0 : i32
      %dma_start3A_227 = tpu.memref_slice %arg7[%add3A_170, %dma_start3A_226] : memref<10x64xi32, #tpu.memory_space<vmem>> -> memref<1x64xi32, #tpu.memory_space<vmem>>
      %dma_start3A_228 = tpu.memref_squeeze %dma_start3A_227 : memref<1x64xi32, #tpu.memory_space<vmem>> -> memref<64xi32, #tpu.memory_space<vmem>>
      %dma_start3A_229 = arith.constant 0 : i32
      %dma_start3A_230 = arith.constant 0 : i32
      %dma_start3A_231 = tpu.memref_slice %arg24[%dma_start3A_229, %dma_start3A_230] : memref<640x128xf32, #tpu.memory_space<vmem_shared>> -> memref<640x128xf32, #tpu.memory_space<vmem_shared>>
      tpu.enqueue_indirect_dma source(%arg14 : memref<64x128xf32, #tpu.memory_space<vmem>>) target(%dma_start3A_231 : memref<640x128xf32, #tpu.memory_space<vmem_shared>>) offsets(%dma_start3A_228 : memref<64xi32, #tpu.memory_space<vmem>>) semaphore(%run_scoped3A_225 : memref<!tpu.dma_semaphore, #tpu.memory_space<semaphore_mem>>) {add = true}
      %dma_wait3A_232 = arith.constant 0 : i32
      %dma_wait3A_233 = tpu.memref_slice %arg7[%add3A_170, %dma_wait3A_232] : memref<10x64xi32, #tpu.memory_space<vmem>> -> memref<1x64xi32, #tpu.memory_space<vmem>>
      %dma_wait3A_234 = tpu.memref_squeeze %dma_wait3A_233 : memref<1x64xi32, #tpu.memory_space<vmem>> -> memref<64xi32, #tpu.memory_space<vmem>>
      %dma_wait3A_235 = arith.constant 0 : i32
      %dma_wait3A_236 = arith.constant 0 : i32
      %dma_wait3A_237 = tpu.memref_slice %arg24[%dma_wait3A_235, %dma_wait3A_236] : memref<640x128xf32, #tpu.memory_space<vmem_shared>> -> memref<640x128xf32, #tpu.memory_space<vmem_shared>>
      tpu.wait_indirect_dma semaphore(%run_scoped3A_225 : memref<!tpu.dma_semaphore, #tpu.memory_space<semaphore_mem>>) src(%arg14 : memref<64x128xf32, #tpu.memory_space<vmem>>) dst(%dma_wait3A_237 : memref<640x128xf32, #tpu.memory_space<vmem_shared>>)
      tpu.yield
    }) : () -> ()
    %add3A_177 = arith.constant 8 : i32
    %add3A_178 = arith.addi %add3A_170, %add3A_177 : i32
    %lt3A_179 = arith.constant 10 : i32
    %lt3A_180 = arith.cmpi slt, %add3A_178, %lt3A_179 : i32
    %convert_element_type3A_181 = arith.extui %lt3A_180 : i1 to i32
    %cond3A_182 = arith.constant 0 : i32
    %cond3A_183 = arith.cmpi ne, %convert_element_type3A_181, %cond3A_182 : i32
    scf.if %cond3A_183 {
      %add3A_225 = arith.constant 8 : i32
      %add3A_226 = arith.addi %add3A_170, %add3A_225 : i32
      %dma_start3A_227 = arith.constant 0 : i32
      %dma_start3A_228 = tpu.memref_slice %arg6[%add3A_226, %dma_start3A_227] : memref<10x64xi32, #tpu.memory_space<vmem>> -> memref<1x64xi32, #tpu.memory_space<vmem>>
      %dma_start3A_229 = tpu.memref_squeeze %dma_start3A_228 : memref<1x64xi32, #tpu.memory_space<vmem>> -> memref<64xi32, #tpu.memory_space<vmem>>
      %dma_start3A_230 = arith.constant 0 : i32
      %dma_start3A_231 = arith.constant 0 : i32
      %dma_start3A_232 = tpu.memref_slice %arg2[%dma_start3A_230, %dma_start3A_231] : memref<5120x128xf32, #tpu.memory_space<hbm>> -> memref<5120x128xf32, #tpu.memory_space<hbm>>
      tpu.enqueue_indirect_dma source(%dma_start3A_232 : memref<5120x128xf32, #tpu.memory_space<hbm>>) target(%arg14 : memref<64x128xf32, #tpu.memory_space<vmem>>) offsets(%dma_start3A_229 : memref<64xi32, #tpu.memory_space<vmem>>) semaphore(%arg22 : memref<!tpu.dma_semaphore, #tpu.memory_space<semaphore_mem>>)
    } else {
    }
    %mul3A_184 = arith.constant 8 : i32
    %mul3A_185 = arith.muli %scan3A_66, %mul3A_184 : i32
    %add3A_186 = arith.constant 7 : i32
    %add3A_187 = arith.addi %mul3A_185, %add3A_186 : i32
    %dma_wait3A_188 = arith.constant 0 : i32
    %dma_wait3A_189 = tpu.memref_slice %arg6[%add3A_187, %dma_wait3A_188] : memref<10x64xi32, #tpu.memory_space<vmem>> -> memref<1x64xi32, #tpu.memory_space<vmem>>
    %dma_wait3A_190 = tpu.memref_squeeze %dma_wait3A_189 : memref<1x64xi32, #tpu.memory_space<vmem>> -> memref<64xi32, #tpu.memory_space<vmem>>
    %dma_wait3A_191 = arith.constant 0 : i32
    %dma_wait3A_192 = arith.constant 0 : i32
    %dma_wait3A_193 = tpu.memref_slice %arg2[%dma_wait3A_191, %dma_wait3A_192] : memref<5120x128xf32, #tpu.memory_space<hbm>> -> memref<5120x128xf32, #tpu.memory_space<hbm>>
    tpu.wait_indirect_dma semaphore(%arg23 : memref<!tpu.dma_semaphore, #tpu.memory_space<semaphore_mem>>) src(%dma_wait3A_193 : memref<5120x128xf32, #tpu.memory_space<hbm>>) dst(%arg15 : memref<64x128xf32, #tpu.memory_space<vmem>>)
    "tpu.region"() ({
      %run_scoped3A_225 = tpu.sem_alloc : memref<!tpu.dma_semaphore, #tpu.memory_space<semaphore_mem>>
      %dma_start3A_226 = arith.constant 0 : i32
      %dma_start3A_227 = tpu.memref_slice %arg7[%add3A_187, %dma_start3A_226] : memref<10x64xi32, #tpu.memory_space<vmem>> -> memref<1x64xi32, #tpu.memory_space<vmem>>
      %dma_start3A_228 = tpu.memref_squeeze %dma_start3A_227 : memref<1x64xi32, #tpu.memory_space<vmem>> -> memref<64xi32, #tpu.memory_space<vmem>>
      %dma_start3A_229 = arith.constant 0 : i32
      %dma_start3A_230 = arith.constant 0 : i32
      %dma_start3A_231 = tpu.memref_slice %arg24[%dma_start3A_229, %dma_start3A_230] : memref<640x128xf32, #tpu.memory_space<vmem_shared>> -> memref<640x128xf32, #tpu.memory_space<vmem_shared>>
      tpu.enqueue_indirect_dma source(%arg15 : memref<64x128xf32, #tpu.memory_space<vmem>>) target(%dma_start3A_231 : memref<640x128xf32, #tpu.memory_space<vmem_shared>>) offsets(%dma_start3A_228 : memref<64xi32, #tpu.memory_space<vmem>>) semaphore(%run_scoped3A_225 : memref<!tpu.dma_semaphore, #tpu.memory_space<semaphore_mem>>) {add = true}
      %dma_wait3A_232 = arith.constant 0 : i32
      %dma_wait3A_233 = tpu.memref_slice %arg7[%add3A_187, %dma_wait3A_232] : memref<10x64xi32, #tpu.memory_space<vmem>> -> memref<1x64xi32, #tpu.memory_space<vmem>>
      %dma_wait3A_234 = tpu.memref_squeeze %dma_wait3A_233 : memref<1x64xi32, #tpu.memory_space<vmem>> -> memref<64xi32, #tpu.memory_space<vmem>>
      %dma_wait3A_235 = arith.constant 0 : i32
      %dma_wait3A_236 = arith.constant 0 : i32
      %dma_wait3A_237 = tpu.memref_slice %arg24[%dma_wait3A_235, %dma_wait3A_236] : memref<640x128xf32, #tpu.memory_space<vmem_shared>> -> memref<640x128xf32, #tpu.memory_space<vmem_shared>>
      tpu.wait_indirect_dma semaphore(%run_scoped3A_225 : memref<!tpu.dma_semaphore, #tpu.memory_space<semaphore_mem>>) src(%arg15 : memref<64x128xf32, #tpu.memory_space<vmem>>) dst(%dma_wait3A_237 : memref<640x128xf32, #tpu.memory_space<vmem_shared>>)
      tpu.yield
    }) : () -> ()
    %add3A_194 = arith.constant 8 : i32
    %add3A_195 = arith.addi %add3A_187, %add3A_194 : i32
    %lt3A_196 = arith.constant 10 : i32
    %lt3A_197 = arith.cmpi slt, %add3A_195, %lt3A_196 : i32
    %convert_element_type3A_198 = arith.extui %lt3A_197 : i1 to i32
    %cond3A_199 = arith.constant 0 : i32
    %cond3A_200 = arith.cmpi ne, %convert_element_type3A_198, %cond3A_199 : i32
    scf.if %cond3A_200 {
      %add3A_225 = arith.constant 8 : i32
      %add3A_226 = arith.addi %add3A_187, %add3A_225 : i32
      %dma_start3A_227 = arith.constant 0 : i32
      %dma_start3A_228 = tpu.memref_slice %arg6[%add3A_226, %dma_start3A_227] : memref<10x64xi32, #tpu.memory_space<vmem>> -> memref<1x64xi32, #tpu.memory_space<vmem>>
      %dma_start3A_229 = tpu.memref_squeeze %dma_start3A_228 : memref<1x64xi32, #tpu.memory_space<vmem>> -> memref<64xi32, #tpu.memory_space<vmem>>
      %dma_start3A_230 = arith.constant 0 : i32
      %dma_start3A_231 = arith.constant 0 : i32
      %dma_start3A_232 = tpu.memref_slice %arg2[%dma_start3A_230, %dma_start3A_231] : memref<5120x128xf32, #tpu.memory_space<hbm>> -> memref<5120x128xf32, #tpu.memory_space<hbm>>
      tpu.enqueue_indirect_dma source(%dma_start3A_232 : memref<5120x128xf32, #tpu.memory_space<hbm>>) target(%arg15 : memref<64x128xf32, #tpu.memory_space<vmem>>) offsets(%dma_start3A_229 : memref<64xi32, #tpu.memory_space<vmem>>) semaphore(%arg23 : memref<!tpu.dma_semaphore, #tpu.memory_space<semaphore_mem>>)
    } else {
    }
    %scan3A_201 = arith.constant 1 : i32
    %dma_wait3A_202 = arith.constant 8 : i32
    %dma_wait3A_203 = arith.constant 0 : i32
    %dma_wait3A_204 = tpu.memref_slice %arg6[%dma_wait3A_202, %dma_wait3A_203] : memref<10x64xi32, #tpu.memory_space<vmem>> -> memref<1x64xi32, #tpu.memory_space<vmem>>
    %dma_wait3A_205 = tpu.memref_squeeze %dma_wait3A_204 : memref<1x64xi32, #tpu.memory_space<vmem>> -> memref<64xi32, #tpu.memory_space<vmem>>
    %dma_wait3A_206 = arith.constant 0 : i32
    %dma_wait3A_207 = arith.constant 0 : i32
    %dma_wait3A_208 = tpu.memref_slice %arg2[%dma_wait3A_206, %dma_wait3A_207] : memref<5120x128xf32, #tpu.memory_space<hbm>> -> memref<5120x128xf32, #tpu.memory_space<hbm>>
    tpu.wait_indirect_dma semaphore(%arg16 : memref<!tpu.dma_semaphore, #tpu.memory_space<semaphore_mem>>) src(%dma_wait3A_208 : memref<5120x128xf32, #tpu.memory_space<hbm>>) dst(%arg8 : memref<64x128xf32, #tpu.memory_space<vmem>>)
    %run_scoped3A = arith.constant 8 : i32
    "tpu.region"() ({
      %run_scoped3A_225 = tpu.sem_alloc : memref<!tpu.dma_semaphore, #tpu.memory_space<semaphore_mem>>
      %dma_start3A_226 = arith.constant 0 : i32
      %dma_start3A_227 = tpu.memref_slice %arg7[%run_scoped3A, %dma_start3A_226] : memref<10x64xi32, #tpu.memory_space<vmem>> -> memref<1x64xi32, #tpu.memory_space<vmem>>
      %dma_start3A_228 = tpu.memref_squeeze %dma_start3A_227 : memref<1x64xi32, #tpu.memory_space<vmem>> -> memref<64xi32, #tpu.memory_space<vmem>>
      %dma_start3A_229 = arith.constant 0 : i32
      %dma_start3A_230 = arith.constant 0 : i32
      %dma_start3A_231 = tpu.memref_slice %arg24[%dma_start3A_229, %dma_start3A_230] : memref<640x128xf32, #tpu.memory_space<vmem_shared>> -> memref<640x128xf32, #tpu.memory_space<vmem_shared>>
      tpu.enqueue_indirect_dma source(%arg8 : memref<64x128xf32, #tpu.memory_space<vmem>>) target(%dma_start3A_231 : memref<640x128xf32, #tpu.memory_space<vmem_shared>>) offsets(%dma_start3A_228 : memref<64xi32, #tpu.memory_space<vmem>>) semaphore(%run_scoped3A_225 : memref<!tpu.dma_semaphore, #tpu.memory_space<semaphore_mem>>) {add = true}
      %dma_wait3A_232 = arith.constant 0 : i32
      %dma_wait3A_233 = tpu.memref_slice %arg7[%run_scoped3A, %dma_wait3A_232] : memref<10x64xi32, #tpu.memory_space<vmem>> -> memref<1x64xi32, #tpu.memory_space<vmem>>
      %dma_wait3A_234 = tpu.memref_squeeze %dma_wait3A_233 : memref<1x64xi32, #tpu.memory_space<vmem>> -> memref<64xi32, #tpu.memory_space<vmem>>
      %dma_wait3A_235 = arith.constant 0 : i32
      %dma_wait3A_236 = arith.constant 0 : i32
      %dma_wait3A_237 = tpu.memref_slice %arg24[%dma_wait3A_235, %dma_wait3A_236] : memref<640x128xf32, #tpu.memory_space<vmem_shared>> -> memref<640x128xf32, #tpu.memory_space<vmem_shared>>
      tpu.wait_indirect_dma semaphore(%run_scoped3A_225 : memref<!tpu.dma_semaphore, #tpu.memory_space<semaphore_mem>>) src(%arg8 : memref<64x128xf32, #tpu.memory_space<vmem>>) dst(%dma_wait3A_237 : memref<640x128xf32, #tpu.memory_space<vmem_shared>>)
      tpu.yield
    }) : () -> ()
    %dma_wait3A_209 = arith.constant 9 : i32
    %dma_wait3A_210 = arith.constant 0 : i32
    %dma_wait3A_211 = tpu.memref_slice %arg6[%dma_wait3A_209, %dma_wait3A_210] : memref<10x64xi32, #tpu.memory_space<vmem>> -> memref<1x64xi32, #tpu.memory_space<vmem>>
    %dma_wait3A_212 = tpu.memref_squeeze %dma_wait3A_211 : memref<1x64xi32, #tpu.memory_space<vmem>> -> memref<64xi32, #tpu.memory_space<vmem>>
    %dma_wait3A_213 = arith.constant 0 : i32
    %dma_wait3A_214 = arith.constant 0 : i32
    %dma_wait3A_215 = tpu.memref_slice %arg2[%dma_wait3A_213, %dma_wait3A_214] : memref<5120x128xf32, #tpu.memory_space<hbm>> -> memref<5120x128xf32, #tpu.memory_space<hbm>>
    tpu.wait_indirect_dma semaphore(%arg17 : memref<!tpu.dma_semaphore, #tpu.memory_space<semaphore_mem>>) src(%dma_wait3A_215 : memref<5120x128xf32, #tpu.memory_space<hbm>>) dst(%arg9 : memref<64x128xf32, #tpu.memory_space<vmem>>)
    %run_scoped3A_216 = arith.constant 9 : i32
    "tpu.region"() ({
      %run_scoped3A_225 = tpu.sem_alloc : memref<!tpu.dma_semaphore, #tpu.memory_space<semaphore_mem>>
      %dma_start3A_226 = arith.constant 0 : i32
      %dma_start3A_227 = tpu.memref_slice %arg7[%run_scoped3A_216, %dma_start3A_226] : memref<10x64xi32, #tpu.memory_space<vmem>> -> memref<1x64xi32, #tpu.memory_space<vmem>>
      %dma_start3A_228 = tpu.memref_squeeze %dma_start3A_227 : memref<1x64xi32, #tpu.memory_space<vmem>> -> memref<64xi32, #tpu.memory_space<vmem>>
      %dma_start3A_229 = arith.constant 0 : i32
      %dma_start3A_230 = arith.constant 0 : i32
      %dma_start3A_231 = tpu.memref_slice %arg24[%dma_start3A_229, %dma_start3A_230] : memref<640x128xf32, #tpu.memory_space<vmem_shared>> -> memref<640x128xf32, #tpu.memory_space<vmem_shared>>
      tpu.enqueue_indirect_dma source(%arg9 : memref<64x128xf32, #tpu.memory_space<vmem>>) target(%dma_start3A_231 : memref<640x128xf32, #tpu.memory_space<vmem_shared>>) offsets(%dma_start3A_228 : memref<64xi32, #tpu.memory_space<vmem>>) semaphore(%run_scoped3A_225 : memref<!tpu.dma_semaphore, #tpu.memory_space<semaphore_mem>>) {add = true}
      %dma_wait3A_232 = arith.constant 0 : i32
      %dma_wait3A_233 = tpu.memref_slice %arg7[%run_scoped3A_216, %dma_wait3A_232] : memref<10x64xi32, #tpu.memory_space<vmem>> -> memref<1x64xi32, #tpu.memory_space<vmem>>
      %dma_wait3A_234 = tpu.memref_squeeze %dma_wait3A_233 : memref<1x64xi32, #tpu.memory_space<vmem>> -> memref<64xi32, #tpu.memory_space<vmem>>
      %dma_wait3A_235 = arith.constant 0 : i32
      %dma_wait3A_236 = arith.constant 0 : i32
      %dma_wait3A_237 = tpu.memref_slice %arg24[%dma_wait3A_235, %dma_wait3A_236] : memref<640x128xf32, #tpu.memory_space<vmem_shared>> -> memref<640x128xf32, #tpu.memory_space<vmem_shared>>
      tpu.wait_indirect_dma semaphore(%run_scoped3A_225 : memref<!tpu.dma_semaphore, #tpu.memory_space<semaphore_mem>>) src(%arg9 : memref<64x128xf32, #tpu.memory_space<vmem>>) dst(%dma_wait3A_237 : memref<640x128xf32, #tpu.memory_space<vmem_shared>>)
      tpu.yield
    }) : () -> ()
    %barrier3A_217 = arith.constant 0 : index
    tpu.barrier barrier_id(%barrier3A_217)
    %mul3A_218 = arith.constant 40 : i32
    %mul3A_219 = arith.muli %arg1, %mul3A_218 : i32
    %mul3A_220 = arith.constant 640 : i32
    %mul3A_221 = arith.muli %arg0, %mul3A_220 : i32
    %mul3A_222 = arith.constant 40 : i32
    %mul3A_223 = arith.muli %arg1, %mul3A_222 : i32
    %add3A_224 = arith.addi %mul3A_221, %mul3A_223 : i32
    "tpu.region"() ({
      %run_scoped3A_225 = tpu.sem_alloc : memref<!tpu.dma_semaphore, #tpu.memory_space<semaphore_mem>>
      %dma_start3A_226 = arith.constant 0 : i32
      %dma_start3A_227 = tpu.memref_slice %arg5[%add3A_224, %dma_start3A_226] : memref<1280x128xf32, #tpu.memory_space<hbm>> -> memref<40x128xf32, #tpu.memory_space<hbm>>
      %dma_start3A_228 = arith.constant 0 : i32
      %dma_start3A_229 = tpu.memref_slice %arg24[%mul3A_219, %dma_start3A_228] : memref<640x128xf32, #tpu.memory_space<vmem_shared>> -> memref<40x128xf32, #tpu.memory_space<vmem_shared>>
      tpu.enqueue_dma source(%dma_start3A_229 : memref<40x128xf32, #tpu.memory_space<vmem_shared>>) target(%dma_start3A_227 : memref<40x128xf32, #tpu.memory_space<hbm>>) target_semaphore(%run_scoped3A_225 : memref<!tpu.dma_semaphore, #tpu.memory_space<semaphore_mem>>)
      %dma_wait3A_230 = arith.constant 0 : i32
      %dma_wait3A_231 = tpu.memref_slice %arg5[%add3A_224, %dma_wait3A_230] : memref<1280x128xf32, #tpu.memory_space<hbm>> -> memref<40x128xf32, #tpu.memory_space<hbm>>
      %dma_wait3A_232 = arith.constant 0 : i32
      %dma_wait3A_233 = tpu.memref_slice %arg24[%mul3A_219, %dma_wait3A_232] : memref<640x128xf32, #tpu.memory_space<vmem_shared>> -> memref<40x128xf32, #tpu.memory_space<vmem_shared>>
      tpu.wait_dma2 semaphore(%run_scoped3A_225 : memref<!tpu.dma_semaphore, #tpu.memory_space<semaphore_mem>>) src(%dma_wait3A_233 : memref<40x128xf32, #tpu.memory_space<vmem_shared>>) dst(%dma_wait3A_231 : memref<40x128xf32, #tpu.memory_space<hbm>>)
      tpu.yield
    }) : () -> ()
    return
  }
}

#map = affine_map<(d0, d1) -> (0, 0)>
#map1 = affine_map<(d0, d1) -> (0, 0, 0)>
module attributes {stable_mosaic.version = 14 : i64} {
  func.func @seg(%arg0: i32, %arg1: i32, %arg2: memref<1280x128xf32, #tpu.memory_space<hbm>>, %arg3: memref<16x10x64xi32, #tpu.memory_space<hbm>>, %arg4: memref<16x10x64xi32, #tpu.memory_space<hbm>>, %arg5: memref<5120x128xf32, #tpu.memory_space<hbm>>, %arg6: memref<10x64xi32, #tpu.memory_space<vmem>>, %arg7: memref<10x64xi32, #tpu.memory_space<vmem>>, %arg8: memref<64x128xf32, #tpu.memory_space<vmem>>, %arg9: memref<64x128xf32, #tpu.memory_space<vmem>>, %arg10: memref<64x128xf32, #tpu.memory_space<vmem>>, %arg11: memref<64x128xf32, #tpu.memory_space<vmem>>, %arg12: memref<64x128xf32, #tpu.memory_space<vmem>>, %arg13: memref<64x128xf32, #tpu.memory_space<vmem>>, %arg14: memref<64x128xf32, #tpu.memory_space<vmem>>, %arg15: memref<64x128xf32, #tpu.memory_space<vmem>>, %arg16: memref<!tpu.dma_semaphore, #tpu.memory_space<semaphore_mem>>, %arg17: memref<!tpu.dma_semaphore, #tpu.memory_space<semaphore_mem>>, %arg18: memref<!tpu.dma_semaphore, #tpu.memory_space<semaphore_mem>>, %arg19: memref<!tpu.dma_semaphore, #tpu.memory_space<semaphore_mem>>, %arg20: memref<!tpu.dma_semaphore, #tpu.memory_space<semaphore_mem>>, %arg21: memref<!tpu.dma_semaphore, #tpu.memory_space<semaphore_mem>>, %arg22: memref<!tpu.dma_semaphore, #tpu.memory_space<semaphore_mem>>, %arg23: memref<!tpu.dma_semaphore, #tpu.memory_space<semaphore_mem>>, %arg24: memref<2560x128xf32, #tpu.memory_space<vmem_shared>>) attributes {dimension_semantics = [#tpu.dimension_semantics<core_parallel>, #tpu.dimension_semantics<subcore_parallel>], iteration_bounds = array<i64: 2, 16>, scalar_prefetch = 0 : i64, scratch_operands = 19 : i64, tpu.core_type = #tpu.core_type<sc_vector_subcore>, window_params = [{transform_indices = #map}, {transform_indices = #map1}, {transform_indices = #map1}, {transform_indices = #map}]} {
    "tpu.region"() ({
      %run_scoped3A_233 = tpu.sem_alloc : memref<!tpu.dma_semaphore, #tpu.memory_space<semaphore_mem>>
      %dma_start3A_234 = arith.constant 0 : i32
      %dma_start3A_235 = arith.constant 0 : i32
      %dma_start3A_236 = tpu.memref_slice %arg3[%arg1, %dma_start3A_234, %dma_start3A_235] : memref<16x10x64xi32, #tpu.memory_space<hbm>> -> memref<1x10x64xi32, #tpu.memory_space<hbm>>
      %dma_start3A_237 = tpu.memref_squeeze %dma_start3A_236 : memref<1x10x64xi32, #tpu.memory_space<hbm>> -> memref<10x64xi32, #tpu.memory_space<hbm>>
      %dma_start3A_238 = arith.constant 0 : i32
      %dma_start3A_239 = arith.constant 0 : i32
      %dma_start3A_240 = tpu.memref_slice %arg3[%arg1, %dma_start3A_238, %dma_start3A_239] : memref<16x10x64xi32, #tpu.memory_space<hbm>> -> memref<1x10x64xi32, #tpu.memory_space<hbm>>
      %dma_start3A_241 = tpu.memref_squeeze %dma_start3A_240 : memref<1x10x64xi32, #tpu.memory_space<hbm>> -> memref<10x64xi32, #tpu.memory_space<hbm>>
      tpu.enqueue_dma source(%dma_start3A_241 : memref<10x64xi32, #tpu.memory_space<hbm>>) target(%arg6 : memref<10x64xi32, #tpu.memory_space<vmem>>) target_semaphore(%run_scoped3A_233 : memref<!tpu.dma_semaphore, #tpu.memory_space<semaphore_mem>>)
      %dma_wait3A_242 = arith.constant 0 : i32
      %dma_wait3A_243 = arith.constant 0 : i32
      %dma_wait3A_244 = tpu.memref_slice %arg3[%arg1, %dma_wait3A_242, %dma_wait3A_243] : memref<16x10x64xi32, #tpu.memory_space<hbm>> -> memref<1x10x64xi32, #tpu.memory_space<hbm>>
      %dma_wait3A_245 = tpu.memref_squeeze %dma_wait3A_244 : memref<1x10x64xi32, #tpu.memory_space<hbm>> -> memref<10x64xi32, #tpu.memory_space<hbm>>
      %dma_wait3A_246 = arith.constant 0 : i32
      %dma_wait3A_247 = arith.constant 0 : i32
      %dma_wait3A_248 = tpu.memref_slice %arg3[%arg1, %dma_wait3A_246, %dma_wait3A_247] : memref<16x10x64xi32, #tpu.memory_space<hbm>> -> memref<1x10x64xi32, #tpu.memory_space<hbm>>
      %dma_wait3A_249 = tpu.memref_squeeze %dma_wait3A_248 : memref<1x10x64xi32, #tpu.memory_space<hbm>> -> memref<10x64xi32, #tpu.memory_space<hbm>>
      tpu.wait_dma2 semaphore(%run_scoped3A_233 : memref<!tpu.dma_semaphore, #tpu.memory_space<semaphore_mem>>) src(%dma_wait3A_249 : memref<10x64xi32, #tpu.memory_space<hbm>>) dst(%arg6 : memref<10x64xi32, #tpu.memory_space<vmem>>)
      tpu.yield
    }) : () -> ()
    "tpu.region"() ({
      %run_scoped3A_233 = tpu.sem_alloc : memref<!tpu.dma_semaphore, #tpu.memory_space<semaphore_mem>>
      %dma_start3A_234 = arith.constant 0 : i32
      %dma_start3A_235 = arith.constant 0 : i32
      %dma_start3A_236 = tpu.memref_slice %arg4[%arg1, %dma_start3A_234, %dma_start3A_235] : memref<16x10x64xi32, #tpu.memory_space<hbm>> -> memref<1x10x64xi32, #tpu.memory_space<hbm>>
      %dma_start3A_237 = tpu.memref_squeeze %dma_start3A_236 : memref<1x10x64xi32, #tpu.memory_space<hbm>> -> memref<10x64xi32, #tpu.memory_space<hbm>>
      %dma_start3A_238 = arith.constant 0 : i32
      %dma_start3A_239 = arith.constant 0 : i32
      %dma_start3A_240 = tpu.memref_slice %arg4[%arg1, %dma_start3A_238, %dma_start3A_239] : memref<16x10x64xi32, #tpu.memory_space<hbm>> -> memref<1x10x64xi32, #tpu.memory_space<hbm>>
      %dma_start3A_241 = tpu.memref_squeeze %dma_start3A_240 : memref<1x10x64xi32, #tpu.memory_space<hbm>> -> memref<10x64xi32, #tpu.memory_space<hbm>>
      tpu.enqueue_dma source(%dma_start3A_241 : memref<10x64xi32, #tpu.memory_space<hbm>>) target(%arg7 : memref<10x64xi32, #tpu.memory_space<vmem>>) target_semaphore(%run_scoped3A_233 : memref<!tpu.dma_semaphore, #tpu.memory_space<semaphore_mem>>)
      %dma_wait3A_242 = arith.constant 0 : i32
      %dma_wait3A_243 = arith.constant 0 : i32
      %dma_wait3A_244 = tpu.memref_slice %arg4[%arg1, %dma_wait3A_242, %dma_wait3A_243] : memref<16x10x64xi32, #tpu.memory_space<hbm>> -> memref<1x10x64xi32, #tpu.memory_space<hbm>>
      %dma_wait3A_245 = tpu.memref_squeeze %dma_wait3A_244 : memref<1x10x64xi32, #tpu.memory_space<hbm>> -> memref<10x64xi32, #tpu.memory_space<hbm>>
      %dma_wait3A_246 = arith.constant 0 : i32
      %dma_wait3A_247 = arith.constant 0 : i32
      %dma_wait3A_248 = tpu.memref_slice %arg4[%arg1, %dma_wait3A_246, %dma_wait3A_247] : memref<16x10x64xi32, #tpu.memory_space<hbm>> -> memref<1x10x64xi32, #tpu.memory_space<hbm>>
      %dma_wait3A_249 = tpu.memref_squeeze %dma_wait3A_248 : memref<1x10x64xi32, #tpu.memory_space<hbm>> -> memref<10x64xi32, #tpu.memory_space<hbm>>
      tpu.wait_dma2 semaphore(%run_scoped3A_233 : memref<!tpu.dma_semaphore, #tpu.memory_space<semaphore_mem>>) src(%dma_wait3A_249 : memref<10x64xi32, #tpu.memory_space<hbm>>) dst(%arg7 : memref<10x64xi32, #tpu.memory_space<vmem>>)
      tpu.yield
    }) : () -> ()
    %broadcast_in_dim3A = arith.constant 0.000000e+00 : f32
    %broadcast_in_dim3A_0 = vector.broadcast %broadcast_in_dim3A : f32 to vector<16xf32>
    %scan3A = arith.constant 0 : i32
    %scan3A_1 = arith.constant 0 : i32
    %scan3A_2 = arith.constant 64 : i32
    %scan3A_3 = arith.addi %scan3A_1, %scan3A_2 : i32
    %scan3A_4 = arith.constant 1 : i32
    scf.for %scan3A_233 = %scan3A_1 to %scan3A_3 step %scan3A_4  : i32 {
      %swap3A = arith.index_cast %scan3A_233 : i32 to index
      %swap3A_234 = arith.constant 0 : index
      %swap3A_235 = tpu.vector_load %arg8[%swap3A, %swap3A_234] {strides = array<i32>} : memref<64x128xf32, #tpu.memory_space<vmem>>, vector<1x16xf32>,
      %swap3A_236 = vector.shape_cast %swap3A_235 : vector<1x16xf32> to vector<16xf32>
      %swap3A_237 = vector.shape_cast %broadcast_in_dim3A_0 : vector<16xf32> to vector<1x16xf32>
      tpu.vector_store %arg8[%swap3A, %swap3A_234], %swap3A_237 {strides = array<i32>} : memref<64x128xf32, #tpu.memory_space<vmem>>, vector<1x16xf32>,
      %swap3A_238 = arith.index_cast %scan3A_233 : i32 to index
      %swap3A_239 = arith.constant 16 : index
      %swap3A_240 = tpu.vector_load %arg8[%swap3A_238, %swap3A_239] {strides = array<i32>} : memref<64x128xf32, #tpu.memory_space<vmem>>, vector<1x16xf32>,
      %swap3A_241 = vector.shape_cast %swap3A_240 : vector<1x16xf32> to vector<16xf32>
      %swap3A_242 = vector.shape_cast %broadcast_in_dim3A_0 : vector<16xf32> to vector<1x16xf32>
      tpu.vector_store %arg8[%swap3A_238, %swap3A_239], %swap3A_242 {strides = array<i32>} : memref<64x128xf32, #tpu.memory_space<vmem>>, vector<1x16xf32>,
      %swap3A_243 = arith.index_cast %scan3A_233 : i32 to index
      %swap3A_244 = arith.constant 32 : index
      %swap3A_245 = tpu.vector_load %arg8[%swap3A_243, %swap3A_244] {strides = array<i32>} : memref<64x128xf32, #tpu.memory_space<vmem>>, vector<1x16xf32>,
      %swap3A_246 = vector.shape_cast %swap3A_245 : vector<1x16xf32> to vector<16xf32>
      %swap3A_247 = vector.shape_cast %broadcast_in_dim3A_0 : vector<16xf32> to vector<1x16xf32>
      tpu.vector_store %arg8[%swap3A_243, %swap3A_244], %swap3A_247 {strides = array<i32>} : memref<64x128xf32, #tpu.memory_space<vmem>>, vector<1x16xf32>,
      %swap3A_248 = arith.index_cast %scan3A_233 : i32 to index
      %swap3A_249 = arith.constant 48 : index
      %swap3A_250 = tpu.vector_load %arg8[%swap3A_248, %swap3A_249] {strides = array<i32>} : memref<64x128xf32, #tpu.memory_space<vmem>>, vector<1x16xf32>,
      %swap3A_251 = vector.shape_cast %swap3A_250 : vector<1x16xf32> to vector<16xf32>
      %swap3A_252 = vector.shape_cast %broadcast_in_dim3A_0 : vector<16xf32> to vector<1x16xf32>
      tpu.vector_store %arg8[%swap3A_248, %swap3A_249], %swap3A_252 {strides = array<i32>} : memref<64x128xf32, #tpu.memory_space<vmem>>, vector<1x16xf32>,
      %swap3A_253 = arith.index_cast %scan3A_233 : i32 to index
      %swap3A_254 = arith.constant 64 : index
      %swap3A_255 = tpu.vector_load %arg8[%swap3A_253, %swap3A_254] {strides = array<i32>} : memref<64x128xf32, #tpu.memory_space<vmem>>, vector<1x16xf32>,
      %swap3A_256 = vector.shape_cast %swap3A_255 : vector<1x16xf32> to vector<16xf32>
      %swap3A_257 = vector.shape_cast %broadcast_in_dim3A_0 : vector<16xf32> to vector<1x16xf32>
      tpu.vector_store %arg8[%swap3A_253, %swap3A_254], %swap3A_257 {strides = array<i32>} : memref<64x128xf32, #tpu.memory_space<vmem>>, vector<1x16xf32>,
      %swap3A_258 = arith.index_cast %scan3A_233 : i32 to index
      %swap3A_259 = arith.constant 80 : index
      %swap3A_260 = tpu.vector_load %arg8[%swap3A_258, %swap3A_259] {strides = array<i32>} : memref<64x128xf32, #tpu.memory_space<vmem>>, vector<1x16xf32>,
      %swap3A_261 = vector.shape_cast %swap3A_260 : vector<1x16xf32> to vector<16xf32>
      %swap3A_262 = vector.shape_cast %broadcast_in_dim3A_0 : vector<16xf32> to vector<1x16xf32>
      tpu.vector_store %arg8[%swap3A_258, %swap3A_259], %swap3A_262 {strides = array<i32>} : memref<64x128xf32, #tpu.memory_space<vmem>>, vector<1x16xf32>,
      %swap3A_263 = arith.index_cast %scan3A_233 : i32 to index
      %swap3A_264 = arith.constant 96 : index
      %swap3A_265 = tpu.vector_load %arg8[%swap3A_263, %swap3A_264] {strides = array<i32>} : memref<64x128xf32, #tpu.memory_space<vmem>>, vector<1x16xf32>,
      %swap3A_266 = vector.shape_cast %swap3A_265 : vector<1x16xf32> to vector<16xf32>
      %swap3A_267 = vector.shape_cast %broadcast_in_dim3A_0 : vector<16xf32> to vector<1x16xf32>
      tpu.vector_store %arg8[%swap3A_263, %swap3A_264], %swap3A_267 {strides = array<i32>} : memref<64x128xf32, #tpu.memory_space<vmem>>, vector<1x16xf32>,
      %swap3A_268 = arith.index_cast %scan3A_233 : i32 to index
      %swap3A_269 = arith.constant 112 : index
      %swap3A_270 = tpu.vector_load %arg8[%swap3A_268, %swap3A_269] {strides = array<i32>} : memref<64x128xf32, #tpu.memory_space<vmem>>, vector<1x16xf32>,
      %swap3A_271 = vector.shape_cast %swap3A_270 : vector<1x16xf32> to vector<16xf32>
      %swap3A_272 = vector.shape_cast %broadcast_in_dim3A_0 : vector<16xf32> to vector<1x16xf32>
      tpu.vector_store %arg8[%swap3A_268, %swap3A_269], %swap3A_272 {strides = array<i32>} : memref<64x128xf32, #tpu.memory_space<vmem>>, vector<1x16xf32>,
    }
    %scan3A_5 = arith.constant 64 : i32
    %mul3A = arith.constant 160 : i32
    %mul3A_6 = arith.muli %arg1, %mul3A : i32
    %add3A = arith.constant 0 : i32
    %add3A_7 = arith.addi %mul3A_6, %add3A : i32
    "tpu.region"() ({
      %run_scoped3A_233 = tpu.sem_alloc : memref<!tpu.dma_semaphore, #tpu.memory_space<semaphore_mem>>
      %dma_start3A_234 = arith.constant 0 : i32
      %dma_start3A_235 = arith.constant 0 : i32
      %dma_start3A_236 = tpu.memref_slice %arg8[%dma_start3A_234, %dma_start3A_235] : memref<64x128xf32, #tpu.memory_space<vmem>> -> memref<64x128xf32, #tpu.memory_space<vmem>>
      %dma_start3A_237 = arith.constant 0 : i32
      %dma_start3A_238 = tpu.memref_slice %arg24[%add3A_7, %dma_start3A_237] : memref<2560x128xf32, #tpu.memory_space<vmem_shared>> -> memref<64x128xf32, #tpu.memory_space<vmem_shared>>
      %dma_start3A_239 = arith.constant 0 : i32
      %dma_start3A_240 = tpu.memref_slice %arg24[%add3A_7, %dma_start3A_239] : memref<2560x128xf32, #tpu.memory_space<vmem_shared>> -> memref<64x128xf32, #tpu.memory_space<vmem_shared>>
      %dma_start3A_241 = arith.constant 0 : i32
      %dma_start3A_242 = arith.constant 0 : i32
      %dma_start3A_243 = tpu.memref_slice %arg8[%dma_start3A_241, %dma_start3A_242] : memref<64x128xf32, #tpu.memory_space<vmem>> -> memref<64x128xf32, #tpu.memory_space<vmem>>
      tpu.enqueue_dma source(%dma_start3A_243 : memref<64x128xf32, #tpu.memory_space<vmem>>) target(%dma_start3A_240 : memref<64x128xf32, #tpu.memory_space<vmem_shared>>) target_semaphore(%run_scoped3A_233 : memref<!tpu.dma_semaphore, #tpu.memory_space<semaphore_mem>>)
      %dma_wait3A_244 = arith.constant 0 : i32
      %dma_wait3A_245 = arith.constant 0 : i32
      %dma_wait3A_246 = tpu.memref_slice %arg8[%dma_wait3A_244, %dma_wait3A_245] : memref<64x128xf32, #tpu.memory_space<vmem>> -> memref<64x128xf32, #tpu.memory_space<vmem>>
      %dma_wait3A_247 = arith.constant 0 : i32
      %dma_wait3A_248 = tpu.memref_slice %arg24[%add3A_7, %dma_wait3A_247] : memref<2560x128xf32, #tpu.memory_space<vmem_shared>> -> memref<64x128xf32, #tpu.memory_space<vmem_shared>>
      %dma_wait3A_249 = arith.constant 0 : i32
      %dma_wait3A_250 = tpu.memref_slice %arg24[%add3A_7, %dma_wait3A_249] : memref<2560x128xf32, #tpu.memory_space<vmem_shared>> -> memref<64x128xf32, #tpu.memory_space<vmem_shared>>
      %dma_wait3A_251 = arith.constant 0 : i32
      %dma_wait3A_252 = arith.constant 0 : i32
      %dma_wait3A_253 = tpu.memref_slice %arg8[%dma_wait3A_251, %dma_wait3A_252] : memref<64x128xf32, #tpu.memory_space<vmem>> -> memref<64x128xf32, #tpu.memory_space<vmem>>
      tpu.wait_dma2 semaphore(%run_scoped3A_233 : memref<!tpu.dma_semaphore, #tpu.memory_space<semaphore_mem>>) src(%dma_wait3A_253 : memref<64x128xf32, #tpu.memory_space<vmem>>) dst(%dma_wait3A_250 : memref<64x128xf32, #tpu.memory_space<vmem_shared>>)
      tpu.yield
    }) : () -> ()
    %mul3A_8 = arith.constant 160 : i32
    %mul3A_9 = arith.muli %arg1, %mul3A_8 : i32
    %add3A_10 = arith.constant 64 : i32
    %add3A_11 = arith.addi %mul3A_9, %add3A_10 : i32
    "tpu.region"() ({
      %run_scoped3A_233 = tpu.sem_alloc : memref<!tpu.dma_semaphore, #tpu.memory_space<semaphore_mem>>
      %dma_start3A_234 = arith.constant 0 : i32
      %dma_start3A_235 = arith.constant 0 : i32
      %dma_start3A_236 = tpu.memref_slice %arg8[%dma_start3A_234, %dma_start3A_235] : memref<64x128xf32, #tpu.memory_space<vmem>> -> memref<64x128xf32, #tpu.memory_space<vmem>>
      %dma_start3A_237 = arith.constant 0 : i32
      %dma_start3A_238 = tpu.memref_slice %arg24[%add3A_11, %dma_start3A_237] : memref<2560x128xf32, #tpu.memory_space<vmem_shared>> -> memref<64x128xf32, #tpu.memory_space<vmem_shared>>
      %dma_start3A_239 = arith.constant 0 : i32
      %dma_start3A_240 = tpu.memref_slice %arg24[%add3A_11, %dma_start3A_239] : memref<2560x128xf32, #tpu.memory_space<vmem_shared>> -> memref<64x128xf32, #tpu.memory_space<vmem_shared>>
      %dma_start3A_241 = arith.constant 0 : i32
      %dma_start3A_242 = arith.constant 0 : i32
      %dma_start3A_243 = tpu.memref_slice %arg8[%dma_start3A_241, %dma_start3A_242] : memref<64x128xf32, #tpu.memory_space<vmem>> -> memref<64x128xf32, #tpu.memory_space<vmem>>
      tpu.enqueue_dma source(%dma_start3A_243 : memref<64x128xf32, #tpu.memory_space<vmem>>) target(%dma_start3A_240 : memref<64x128xf32, #tpu.memory_space<vmem_shared>>) target_semaphore(%run_scoped3A_233 : memref<!tpu.dma_semaphore, #tpu.memory_space<semaphore_mem>>)
      %dma_wait3A_244 = arith.constant 0 : i32
      %dma_wait3A_245 = arith.constant 0 : i32
      %dma_wait3A_246 = tpu.memref_slice %arg8[%dma_wait3A_244, %dma_wait3A_245] : memref<64x128xf32, #tpu.memory_space<vmem>> -> memref<64x128xf32, #tpu.memory_space<vmem>>
      %dma_wait3A_247 = arith.constant 0 : i32
      %dma_wait3A_248 = tpu.memref_slice %arg24[%add3A_11, %dma_wait3A_247] : memref<2560x128xf32, #tpu.memory_space<vmem_shared>> -> memref<64x128xf32, #tpu.memory_space<vmem_shared>>
      %dma_wait3A_249 = arith.constant 0 : i32
      %dma_wait3A_250 = tpu.memref_slice %arg24[%add3A_11, %dma_wait3A_249] : memref<2560x128xf32, #tpu.memory_space<vmem_shared>> -> memref<64x128xf32, #tpu.memory_space<vmem_shared>>
      %dma_wait3A_251 = arith.constant 0 : i32
      %dma_wait3A_252 = arith.constant 0 : i32
      %dma_wait3A_253 = tpu.memref_slice %arg8[%dma_wait3A_251, %dma_wait3A_252] : memref<64x128xf32, #tpu.memory_space<vmem>> -> memref<64x128xf32, #tpu.memory_space<vmem>>
      tpu.wait_dma2 semaphore(%run_scoped3A_233 : memref<!tpu.dma_semaphore, #tpu.memory_space<semaphore_mem>>) src(%dma_wait3A_253 : memref<64x128xf32, #tpu.memory_space<vmem>>) dst(%dma_wait3A_250 : memref<64x128xf32, #tpu.memory_space<vmem_shared>>)
      tpu.yield
    }) : () -> ()
    %mul3A_12 = arith.constant 160 : i32
    %mul3A_13 = arith.muli %arg1, %mul3A_12 : i32
    %add3A_14 = arith.constant 128 : i32
    %add3A_15 = arith.addi %mul3A_13, %add3A_14 : i32
    "tpu.region"() ({
      %run_scoped3A_233 = tpu.sem_alloc : memref<!tpu.dma_semaphore, #tpu.memory_space<semaphore_mem>>
      %dma_start3A_234 = arith.constant 0 : i32
      %dma_start3A_235 = arith.constant 0 : i32
      %dma_start3A_236 = tpu.memref_slice %arg8[%dma_start3A_234, %dma_start3A_235] : memref<64x128xf32, #tpu.memory_space<vmem>> -> memref<32x128xf32, #tpu.memory_space<vmem>>
      %dma_start3A_237 = arith.constant 0 : i32
      %dma_start3A_238 = tpu.memref_slice %arg24[%add3A_15, %dma_start3A_237] : memref<2560x128xf32, #tpu.memory_space<vmem_shared>> -> memref<32x128xf32, #tpu.memory_space<vmem_shared>>
      %dma_start3A_239 = arith.constant 0 : i32
      %dma_start3A_240 = tpu.memref_slice %arg24[%add3A_15, %dma_start3A_239] : memref<2560x128xf32, #tpu.memory_space<vmem_shared>> -> memref<32x128xf32, #tpu.memory_space<vmem_shared>>
      %dma_start3A_241 = arith.constant 0 : i32
      %dma_start3A_242 = arith.constant 0 : i32
      %dma_start3A_243 = tpu.memref_slice %arg8[%dma_start3A_241, %dma_start3A_242] : memref<64x128xf32, #tpu.memory_space<vmem>> -> memref<32x128xf32, #tpu.memory_space<vmem>>
      tpu.enqueue_dma source(%dma_start3A_243 : memref<32x128xf32, #tpu.memory_space<vmem>>) target(%dma_start3A_240 : memref<32x128xf32, #tpu.memory_space<vmem_shared>>) target_semaphore(%run_scoped3A_233 : memref<!tpu.dma_semaphore, #tpu.memory_space<semaphore_mem>>)
      %dma_wait3A_244 = arith.constant 0 : i32
      %dma_wait3A_245 = arith.constant 0 : i32
      %dma_wait3A_246 = tpu.memref_slice %arg8[%dma_wait3A_244, %dma_wait3A_245] : memref<64x128xf32, #tpu.memory_space<vmem>> -> memref<32x128xf32, #tpu.memory_space<vmem>>
      %dma_wait3A_247 = arith.constant 0 : i32
      %dma_wait3A_248 = tpu.memref_slice %arg24[%add3A_15, %dma_wait3A_247] : memref<2560x128xf32, #tpu.memory_space<vmem_shared>> -> memref<32x128xf32, #tpu.memory_space<vmem_shared>>
      %dma_wait3A_249 = arith.constant 0 : i32
      %dma_wait3A_250 = tpu.memref_slice %arg24[%add3A_15, %dma_wait3A_249] : memref<2560x128xf32, #tpu.memory_space<vmem_shared>> -> memref<32x128xf32, #tpu.memory_space<vmem_shared>>
      %dma_wait3A_251 = arith.constant 0 : i32
      %dma_wait3A_252 = arith.constant 0 : i32
      %dma_wait3A_253 = tpu.memref_slice %arg8[%dma_wait3A_251, %dma_wait3A_252] : memref<64x128xf32, #tpu.memory_space<vmem>> -> memref<32x128xf32, #tpu.memory_space<vmem>>
      tpu.wait_dma2 semaphore(%run_scoped3A_233 : memref<!tpu.dma_semaphore, #tpu.memory_space<semaphore_mem>>) src(%dma_wait3A_253 : memref<32x128xf32, #tpu.memory_space<vmem>>) dst(%dma_wait3A_250 : memref<32x128xf32, #tpu.memory_space<vmem_shared>>)
      tpu.yield
    }) : () -> ()
    %eq3A = arith.constant 1 : i32
    %eq3A_16 = arith.cmpi eq, %arg0, %eq3A : i32
    %convert_element_type3A = arith.extui %eq3A_16 : i1 to i32
    %cond3A = arith.constant 0 : i32
    %cond3A_17 = arith.cmpi ne, %convert_element_type3A, %cond3A : i32
    scf.if %cond3A_17 {
      %scan3A_233 = arith.constant 0 : i32
      %scan3A_234 = arith.constant 0 : i32
      %scan3A_235 = arith.constant 10 : i32
      %scan3A_236 = arith.addi %scan3A_234, %scan3A_235 : i32
      %scan3A_237 = arith.constant 1 : i32
      scf.for %scan3A_239 = %scan3A_234 to %scan3A_236 step %scan3A_237  : i32 {
        %get3A = arith.index_cast %scan3A_239 : i32 to index
        %get3A_240 = arith.constant 0 : index
        %get3A_241 = tpu.vector_load %arg6[%get3A, %get3A_240] {strides = array<i32>} : memref<10x64xi32, #tpu.memory_space<vmem>>, vector<1x16xi32>,
        %get3A_242 = vector.shape_cast %get3A_241 : vector<1x16xi32> to vector<16xi32>
        %add3A_243 = arith.constant 640 : i32
        %add3A_244 = vector.broadcast %add3A_243 : i32 to vector<16xi32>
        %add3A_245 = arith.addi %get3A_242, %add3A_244 : vector<16xi32>
        %swap3A = arith.index_cast %scan3A_239 : i32 to index
        %swap3A_246 = arith.constant 0 : index
        %swap3A_247 = tpu.vector_load %arg6[%swap3A, %swap3A_246] {strides = array<i32>} : memref<10x64xi32, #tpu.memory_space<vmem>>, vector<1x16xi32>,
        %swap3A_248 = vector.shape_cast %swap3A_247 : vector<1x16xi32> to vector<16xi32>
        %swap3A_249 = vector.shape_cast %add3A_245 : vector<16xi32> to vector<1x16xi32>
        tpu.vector_store %arg6[%swap3A, %swap3A_246], %swap3A_249 {strides = array<i32>} : memref<10x64xi32, #tpu.memory_space<vmem>>, vector<1x16xi32>,
        %get3A_250 = arith.index_cast %scan3A_239 : i32 to index
        %get3A_251 = arith.constant 16 : index
        %get3A_252 = tpu.vector_load %arg6[%get3A_250, %get3A_251] {strides = array<i32>} : memref<10x64xi32, #tpu.memory_space<vmem>>, vector<1x16xi32>,
        %get3A_253 = vector.shape_cast %get3A_252 : vector<1x16xi32> to vector<16xi32>
        %add3A_254 = arith.constant 640 : i32
        %add3A_255 = vector.broadcast %add3A_254 : i32 to vector<16xi32>
        %add3A_256 = arith.addi %get3A_253, %add3A_255 : vector<16xi32>
        %swap3A_257 = arith.index_cast %scan3A_239 : i32 to index
        %swap3A_258 = arith.constant 16 : index
        %swap3A_259 = tpu.vector_load %arg6[%swap3A_257, %swap3A_258] {strides = array<i32>} : memref<10x64xi32, #tpu.memory_space<vmem>>, vector<1x16xi32>,
        %swap3A_260 = vector.shape_cast %swap3A_259 : vector<1x16xi32> to vector<16xi32>
        %swap3A_261 = vector.shape_cast %add3A_256 : vector<16xi32> to vector<1x16xi32>
        tpu.vector_store %arg6[%swap3A_257, %swap3A_258], %swap3A_261 {strides = array<i32>} : memref<10x64xi32, #tpu.memory_space<vmem>>, vector<1x16xi32>,
        %get3A_262 = arith.index_cast %scan3A_239 : i32 to index
        %get3A_263 = arith.constant 32 : index
        %get3A_264 = tpu.vector_load %arg6[%get3A_262, %get3A_263] {strides = array<i32>} : memref<10x64xi32, #tpu.memory_space<vmem>>, vector<1x16xi32>,
        %get3A_265 = vector.shape_cast %get3A_264 : vector<1x16xi32> to vector<16xi32>
        %add3A_266 = arith.constant 640 : i32
        %add3A_267 = vector.broadcast %add3A_266 : i32 to vector<16xi32>
        %add3A_268 = arith.addi %get3A_265, %add3A_267 : vector<16xi32>
        %swap3A_269 = arith.index_cast %scan3A_239 : i32 to index
        %swap3A_270 = arith.constant 32 : index
        %swap3A_271 = tpu.vector_load %arg6[%swap3A_269, %swap3A_270] {strides = array<i32>} : memref<10x64xi32, #tpu.memory_space<vmem>>, vector<1x16xi32>,
        %swap3A_272 = vector.shape_cast %swap3A_271 : vector<1x16xi32> to vector<16xi32>
        %swap3A_273 = vector.shape_cast %add3A_268 : vector<16xi32> to vector<1x16xi32>
        tpu.vector_store %arg6[%swap3A_269, %swap3A_270], %swap3A_273 {strides = array<i32>} : memref<10x64xi32, #tpu.memory_space<vmem>>, vector<1x16xi32>,
        %get3A_274 = arith.index_cast %scan3A_239 : i32 to index
        %get3A_275 = arith.constant 48 : index
        %get3A_276 = tpu.vector_load %arg6[%get3A_274, %get3A_275] {strides = array<i32>} : memref<10x64xi32, #tpu.memory_space<vmem>>, vector<1x16xi32>,
        %get3A_277 = vector.shape_cast %get3A_276 : vector<1x16xi32> to vector<16xi32>
        %add3A_278 = arith.constant 640 : i32
        %add3A_279 = vector.broadcast %add3A_278 : i32 to vector<16xi32>
        %add3A_280 = arith.addi %get3A_277, %add3A_279 : vector<16xi32>
        %swap3A_281 = arith.index_cast %scan3A_239 : i32 to index
        %swap3A_282 = arith.constant 48 : index
        %swap3A_283 = tpu.vector_load %arg6[%swap3A_281, %swap3A_282] {strides = array<i32>} : memref<10x64xi32, #tpu.memory_space<vmem>>, vector<1x16xi32>,
        %swap3A_284 = vector.shape_cast %swap3A_283 : vector<1x16xi32> to vector<16xi32>
        %swap3A_285 = vector.shape_cast %add3A_280 : vector<16xi32> to vector<1x16xi32>
        tpu.vector_store %arg6[%swap3A_281, %swap3A_282], %swap3A_285 {strides = array<i32>} : memref<10x64xi32, #tpu.memory_space<vmem>>, vector<1x16xi32>,
      }
      %scan3A_238 = arith.constant 10 : i32
    } else {
    }
    %barrier3A = arith.constant 0 : index
    tpu.barrier barrier_id(%barrier3A)
    %dma_start3A = arith.constant 0 : i32
    %dma_start3A_18 = arith.constant 0 : i32
    %dma_start3A_19 = tpu.memref_slice %arg6[%dma_start3A, %dma_start3A_18] : memref<10x64xi32, #tpu.memory_space<vmem>> -> memref<1x64xi32, #tpu.memory_space<vmem>>
    %dma_start3A_20 = tpu.memref_squeeze %dma_start3A_19 : memref<1x64xi32, #tpu.memory_space<vmem>> -> memref<64xi32, #tpu.memory_space<vmem>>
    %dma_start3A_21 = arith.constant 0 : i32
    %dma_start3A_22 = arith.constant 0 : i32
    %dma_start3A_23 = tpu.memref_slice %arg2[%dma_start3A_21, %dma_start3A_22] : memref<1280x128xf32, #tpu.memory_space<hbm>> -> memref<1280x128xf32, #tpu.memory_space<hbm>>
    tpu.enqueue_indirect_dma source(%dma_start3A_23 : memref<1280x128xf32, #tpu.memory_space<hbm>>) target(%arg8 : memref<64x128xf32, #tpu.memory_space<vmem>>) offsets(%dma_start3A_20 : memref<64xi32, #tpu.memory_space<vmem>>) semaphore(%arg16 : memref<!tpu.dma_semaphore, #tpu.memory_space<semaphore_mem>>)
    %dma_start3A_24 = arith.constant 1 : i32
    %dma_start3A_25 = arith.constant 0 : i32
    %dma_start3A_26 = tpu.memref_slice %arg6[%dma_start3A_24, %dma_start3A_25] : memref<10x64xi32, #tpu.memory_space<vmem>> -> memref<1x64xi32, #tpu.memory_space<vmem>>
    %dma_start3A_27 = tpu.memref_squeeze %dma_start3A_26 : memref<1x64xi32, #tpu.memory_space<vmem>> -> memref<64xi32, #tpu.memory_space<vmem>>
    %dma_start3A_28 = arith.constant 0 : i32
    %dma_start3A_29 = arith.constant 0 : i32
    %dma_start3A_30 = tpu.memref_slice %arg2[%dma_start3A_28, %dma_start3A_29] : memref<1280x128xf32, #tpu.memory_space<hbm>> -> memref<1280x128xf32, #tpu.memory_space<hbm>>
    tpu.enqueue_indirect_dma source(%dma_start3A_30 : memref<1280x128xf32, #tpu.memory_space<hbm>>) target(%arg9 : memref<64x128xf32, #tpu.memory_space<vmem>>) offsets(%dma_start3A_27 : memref<64xi32, #tpu.memory_space<vmem>>) semaphore(%arg17 : memref<!tpu.dma_semaphore, #tpu.memory_space<semaphore_mem>>)
    %dma_start3A_31 = arith.constant 2 : i32
    %dma_start3A_32 = arith.constant 0 : i32
    %dma_start3A_33 = tpu.memref_slice %arg6[%dma_start3A_31, %dma_start3A_32] : memref<10x64xi32, #tpu.memory_space<vmem>> -> memref<1x64xi32, #tpu.memory_space<vmem>>
    %dma_start3A_34 = tpu.memref_squeeze %dma_start3A_33 : memref<1x64xi32, #tpu.memory_space<vmem>> -> memref<64xi32, #tpu.memory_space<vmem>>
    %dma_start3A_35 = arith.constant 0 : i32
    %dma_start3A_36 = arith.constant 0 : i32
    %dma_start3A_37 = tpu.memref_slice %arg2[%dma_start3A_35, %dma_start3A_36] : memref<1280x128xf32, #tpu.memory_space<hbm>> -> memref<1280x128xf32, #tpu.memory_space<hbm>>
    tpu.enqueue_indirect_dma source(%dma_start3A_37 : memref<1280x128xf32, #tpu.memory_space<hbm>>) target(%arg10 : memref<64x128xf32, #tpu.memory_space<vmem>>) offsets(%dma_start3A_34 : memref<64xi32, #tpu.memory_space<vmem>>) semaphore(%arg18 : memref<!tpu.dma_semaphore, #tpu.memory_space<semaphore_mem>>)
    %dma_start3A_38 = arith.constant 3 : i32
    %dma_start3A_39 = arith.constant 0 : i32
    %dma_start3A_40 = tpu.memref_slice %arg6[%dma_start3A_38, %dma_start3A_39] : memref<10x64xi32, #tpu.memory_space<vmem>> -> memref<1x64xi32, #tpu.memory_space<vmem>>
    %dma_start3A_41 = tpu.memref_squeeze %dma_start3A_40 : memref<1x64xi32, #tpu.memory_space<vmem>> -> memref<64xi32, #tpu.memory_space<vmem>>
    %dma_start3A_42 = arith.constant 0 : i32
    %dma_start3A_43 = arith.constant 0 : i32
    %dma_start3A_44 = tpu.memref_slice %arg2[%dma_start3A_42, %dma_start3A_43] : memref<1280x128xf32, #tpu.memory_space<hbm>> -> memref<1280x128xf32, #tpu.memory_space<hbm>>
    tpu.enqueue_indirect_dma source(%dma_start3A_44 : memref<1280x128xf32, #tpu.memory_space<hbm>>) target(%arg11 : memref<64x128xf32, #tpu.memory_space<vmem>>) offsets(%dma_start3A_41 : memref<64xi32, #tpu.memory_space<vmem>>) semaphore(%arg19 : memref<!tpu.dma_semaphore, #tpu.memory_space<semaphore_mem>>)
    %dma_start3A_45 = arith.constant 4 : i32
    %dma_start3A_46 = arith.constant 0 : i32
    %dma_start3A_47 = tpu.memref_slice %arg6[%dma_start3A_45, %dma_start3A_46] : memref<10x64xi32, #tpu.memory_space<vmem>> -> memref<1x64xi32, #tpu.memory_space<vmem>>
    %dma_start3A_48 = tpu.memref_squeeze %dma_start3A_47 : memref<1x64xi32, #tpu.memory_space<vmem>> -> memref<64xi32, #tpu.memory_space<vmem>>
    %dma_start3A_49 = arith.constant 0 : i32
    %dma_start3A_50 = arith.constant 0 : i32
    %dma_start3A_51 = tpu.memref_slice %arg2[%dma_start3A_49, %dma_start3A_50] : memref<1280x128xf32, #tpu.memory_space<hbm>> -> memref<1280x128xf32, #tpu.memory_space<hbm>>
    tpu.enqueue_indirect_dma source(%dma_start3A_51 : memref<1280x128xf32, #tpu.memory_space<hbm>>) target(%arg12 : memref<64x128xf32, #tpu.memory_space<vmem>>) offsets(%dma_start3A_48 : memref<64xi32, #tpu.memory_space<vmem>>) semaphore(%arg20 : memref<!tpu.dma_semaphore, #tpu.memory_space<semaphore_mem>>)
    %dma_start3A_52 = arith.constant 5 : i32
    %dma_start3A_53 = arith.constant 0 : i32
    %dma_start3A_54 = tpu.memref_slice %arg6[%dma_start3A_52, %dma_start3A_53] : memref<10x64xi32, #tpu.memory_space<vmem>> -> memref<1x64xi32, #tpu.memory_space<vmem>>
    %dma_start3A_55 = tpu.memref_squeeze %dma_start3A_54 : memref<1x64xi32, #tpu.memory_space<vmem>> -> memref<64xi32, #tpu.memory_space<vmem>>
    %dma_start3A_56 = arith.constant 0 : i32
    %dma_start3A_57 = arith.constant 0 : i32
    %dma_start3A_58 = tpu.memref_slice %arg2[%dma_start3A_56, %dma_start3A_57] : memref<1280x128xf32, #tpu.memory_space<hbm>> -> memref<1280x128xf32, #tpu.memory_space<hbm>>
    tpu.enqueue_indirect_dma source(%dma_start3A_58 : memref<1280x128xf32, #tpu.memory_space<hbm>>) target(%arg13 : memref<64x128xf32, #tpu.memory_space<vmem>>) offsets(%dma_start3A_55 : memref<64xi32, #tpu.memory_space<vmem>>) semaphore(%arg21 : memref<!tpu.dma_semaphore, #tpu.memory_space<semaphore_mem>>)
    %dma_start3A_59 = arith.constant 6 : i32
    %dma_start3A_60 = arith.constant 0 : i32
    %dma_start3A_61 = tpu.memref_slice %arg6[%dma_start3A_59, %dma_start3A_60] : memref<10x64xi32, #tpu.memory_space<vmem>> -> memref<1x64xi32, #tpu.memory_space<vmem>>
    %dma_start3A_62 = tpu.memref_squeeze %dma_start3A_61 : memref<1x64xi32, #tpu.memory_space<vmem>> -> memref<64xi32, #tpu.memory_space<vmem>>
    %dma_start3A_63 = arith.constant 0 : i32
    %dma_start3A_64 = arith.constant 0 : i32
    %dma_start3A_65 = tpu.memref_slice %arg2[%dma_start3A_63, %dma_start3A_64] : memref<1280x128xf32, #tpu.memory_space<hbm>> -> memref<1280x128xf32, #tpu.memory_space<hbm>>
    tpu.enqueue_indirect_dma source(%dma_start3A_65 : memref<1280x128xf32, #tpu.memory_space<hbm>>) target(%arg14 : memref<64x128xf32, #tpu.memory_space<vmem>>) offsets(%dma_start3A_62 : memref<64xi32, #tpu.memory_space<vmem>>) semaphore(%arg22 : memref<!tpu.dma_semaphore, #tpu.memory_space<semaphore_mem>>)
    %dma_start3A_66 = arith.constant 7 : i32
    %dma_start3A_67 = arith.constant 0 : i32
    %dma_start3A_68 = tpu.memref_slice %arg6[%dma_start3A_66, %dma_start3A_67] : memref<10x64xi32, #tpu.memory_space<vmem>> -> memref<1x64xi32, #tpu.memory_space<vmem>>
    %dma_start3A_69 = tpu.memref_squeeze %dma_start3A_68 : memref<1x64xi32, #tpu.memory_space<vmem>> -> memref<64xi32, #tpu.memory_space<vmem>>
    %dma_start3A_70 = arith.constant 0 : i32
    %dma_start3A_71 = arith.constant 0 : i32
    %dma_start3A_72 = tpu.memref_slice %arg2[%dma_start3A_70, %dma_start3A_71] : memref<1280x128xf32, #tpu.memory_space<hbm>> -> memref<1280x128xf32, #tpu.memory_space<hbm>>
    tpu.enqueue_indirect_dma source(%dma_start3A_72 : memref<1280x128xf32, #tpu.memory_space<hbm>>) target(%arg15 : memref<64x128xf32, #tpu.memory_space<vmem>>) offsets(%dma_start3A_69 : memref<64xi32, #tpu.memory_space<vmem>>) semaphore(%arg23 : memref<!tpu.dma_semaphore, #tpu.memory_space<semaphore_mem>>)
    %scan3A_73 = arith.constant 0 : i32
    %scan3A_74 = arith.constant 0 : i32
    %mul3A_75 = arith.constant 8 : i32
    %mul3A_76 = arith.muli %scan3A_74, %mul3A_75 : i32
    %add3A_77 = arith.constant 0 : i32
    %add3A_78 = arith.addi %mul3A_76, %add3A_77 : i32
    %dma_wait3A = arith.constant 0 : i32
    %dma_wait3A_79 = tpu.memref_slice %arg6[%add3A_78, %dma_wait3A] : memref<10x64xi32, #tpu.memory_space<vmem>> -> memref<1x64xi32, #tpu.memory_space<vmem>>
    %dma_wait3A_80 = tpu.memref_squeeze %dma_wait3A_79 : memref<1x64xi32, #tpu.memory_space<vmem>> -> memref<64xi32, #tpu.memory_space<vmem>>
    %dma_wait3A_81 = arith.constant 0 : i32
    %dma_wait3A_82 = arith.constant 0 : i32
    %dma_wait3A_83 = tpu.memref_slice %arg2[%dma_wait3A_81, %dma_wait3A_82] : memref<1280x128xf32, #tpu.memory_space<hbm>> -> memref<1280x128xf32, #tpu.memory_space<hbm>>
    tpu.wait_indirect_dma semaphore(%arg16 : memref<!tpu.dma_semaphore, #tpu.memory_space<semaphore_mem>>) src(%dma_wait3A_83 : memref<1280x128xf32, #tpu.memory_space<hbm>>) dst(%arg8 : memref<64x128xf32, #tpu.memory_space<vmem>>)
    "tpu.region"() ({
      %run_scoped3A_233 = tpu.sem_alloc : memref<!tpu.dma_semaphore, #tpu.memory_space<semaphore_mem>>
      %dma_start3A_234 = arith.constant 0 : i32
      %dma_start3A_235 = tpu.memref_slice %arg7[%add3A_78, %dma_start3A_234] : memref<10x64xi32, #tpu.memory_space<vmem>> -> memref<1x64xi32, #tpu.memory_space<vmem>>
      %dma_start3A_236 = tpu.memref_squeeze %dma_start3A_235 : memref<1x64xi32, #tpu.memory_space<vmem>> -> memref<64xi32, #tpu.memory_space<vmem>>
      %dma_start3A_237 = arith.constant 0 : i32
      %dma_start3A_238 = arith.constant 0 : i32
      %dma_start3A_239 = tpu.memref_slice %arg24[%dma_start3A_237, %dma_start3A_238] : memref<2560x128xf32, #tpu.memory_space<vmem_shared>> -> memref<2560x128xf32, #tpu.memory_space<vmem_shared>>
      tpu.enqueue_indirect_dma source(%arg8 : memref<64x128xf32, #tpu.memory_space<vmem>>) target(%dma_start3A_239 : memref<2560x128xf32, #tpu.memory_space<vmem_shared>>) offsets(%dma_start3A_236 : memref<64xi32, #tpu.memory_space<vmem>>) semaphore(%run_scoped3A_233 : memref<!tpu.dma_semaphore, #tpu.memory_space<semaphore_mem>>) {add = true}
      %dma_wait3A_240 = arith.constant 0 : i32
      %dma_wait3A_241 = tpu.memref_slice %arg7[%add3A_78, %dma_wait3A_240] : memref<10x64xi32, #tpu.memory_space<vmem>> -> memref<1x64xi32, #tpu.memory_space<vmem>>
      %dma_wait3A_242 = tpu.memref_squeeze %dma_wait3A_241 : memref<1x64xi32, #tpu.memory_space<vmem>> -> memref<64xi32, #tpu.memory_space<vmem>>
      %dma_wait3A_243 = arith.constant 0 : i32
      %dma_wait3A_244 = arith.constant 0 : i32
      %dma_wait3A_245 = tpu.memref_slice %arg24[%dma_wait3A_243, %dma_wait3A_244] : memref<2560x128xf32, #tpu.memory_space<vmem_shared>> -> memref<2560x128xf32, #tpu.memory_space<vmem_shared>>
      tpu.wait_indirect_dma semaphore(%run_scoped3A_233 : memref<!tpu.dma_semaphore, #tpu.memory_space<semaphore_mem>>) src(%arg8 : memref<64x128xf32, #tpu.memory_space<vmem>>) dst(%dma_wait3A_245 : memref<2560x128xf32, #tpu.memory_space<vmem_shared>>)
      tpu.yield
    }) : () -> ()
    %add3A_84 = arith.constant 8 : i32
    %add3A_85 = arith.addi %add3A_78, %add3A_84 : i32
    %lt3A = arith.constant 10 : i32
    %lt3A_86 = arith.cmpi slt, %add3A_85, %lt3A : i32
    %convert_element_type3A_87 = arith.extui %lt3A_86 : i1 to i32
    %cond3A_88 = arith.constant 0 : i32
    %cond3A_89 = arith.cmpi ne, %convert_element_type3A_87, %cond3A_88 : i32
    scf.if %cond3A_89 {
      %add3A_233 = arith.constant 8 : i32
      %add3A_234 = arith.addi %add3A_78, %add3A_233 : i32
      %dma_start3A_235 = arith.constant 0 : i32
      %dma_start3A_236 = tpu.memref_slice %arg6[%add3A_234, %dma_start3A_235] : memref<10x64xi32, #tpu.memory_space<vmem>> -> memref<1x64xi32, #tpu.memory_space<vmem>>
      %dma_start3A_237 = tpu.memref_squeeze %dma_start3A_236 : memref<1x64xi32, #tpu.memory_space<vmem>> -> memref<64xi32, #tpu.memory_space<vmem>>
      %dma_start3A_238 = arith.constant 0 : i32
      %dma_start3A_239 = arith.constant 0 : i32
      %dma_start3A_240 = tpu.memref_slice %arg2[%dma_start3A_238, %dma_start3A_239] : memref<1280x128xf32, #tpu.memory_space<hbm>> -> memref<1280x128xf32, #tpu.memory_space<hbm>>
      tpu.enqueue_indirect_dma source(%dma_start3A_240 : memref<1280x128xf32, #tpu.memory_space<hbm>>) target(%arg8 : memref<64x128xf32, #tpu.memory_space<vmem>>) offsets(%dma_start3A_237 : memref<64xi32, #tpu.memory_space<vmem>>) semaphore(%arg16 : memref<!tpu.dma_semaphore, #tpu.memory_space<semaphore_mem>>)
    } else {
    }
    %mul3A_90 = arith.constant 8 : i32
    %mul3A_91 = arith.muli %scan3A_74, %mul3A_90 : i32
    %add3A_92 = arith.constant 1 : i32
    %add3A_93 = arith.addi %mul3A_91, %add3A_92 : i32
    %dma_wait3A_94 = arith.constant 0 : i32
    %dma_wait3A_95 = tpu.memref_slice %arg6[%add3A_93, %dma_wait3A_94] : memref<10x64xi32, #tpu.memory_space<vmem>> -> memref<1x64xi32, #tpu.memory_space<vmem>>
    %dma_wait3A_96 = tpu.memref_squeeze %dma_wait3A_95 : memref<1x64xi32, #tpu.memory_space<vmem>> -> memref<64xi32, #tpu.memory_space<vmem>>
    %dma_wait3A_97 = arith.constant 0 : i32
    %dma_wait3A_98 = arith.constant 0 : i32
    %dma_wait3A_99 = tpu.memref_slice %arg2[%dma_wait3A_97, %dma_wait3A_98] : memref<1280x128xf32, #tpu.memory_space<hbm>> -> memref<1280x128xf32, #tpu.memory_space<hbm>>
    tpu.wait_indirect_dma semaphore(%arg17 : memref<!tpu.dma_semaphore, #tpu.memory_space<semaphore_mem>>) src(%dma_wait3A_99 : memref<1280x128xf32, #tpu.memory_space<hbm>>) dst(%arg9 : memref<64x128xf32, #tpu.memory_space<vmem>>)
    "tpu.region"() ({
      %run_scoped3A_233 = tpu.sem_alloc : memref<!tpu.dma_semaphore, #tpu.memory_space<semaphore_mem>>
      %dma_start3A_234 = arith.constant 0 : i32
      %dma_start3A_235 = tpu.memref_slice %arg7[%add3A_93, %dma_start3A_234] : memref<10x64xi32, #tpu.memory_space<vmem>> -> memref<1x64xi32, #tpu.memory_space<vmem>>
      %dma_start3A_236 = tpu.memref_squeeze %dma_start3A_235 : memref<1x64xi32, #tpu.memory_space<vmem>> -> memref<64xi32, #tpu.memory_space<vmem>>
      %dma_start3A_237 = arith.constant 0 : i32
      %dma_start3A_238 = arith.constant 0 : i32
      %dma_start3A_239 = tpu.memref_slice %arg24[%dma_start3A_237, %dma_start3A_238] : memref<2560x128xf32, #tpu.memory_space<vmem_shared>> -> memref<2560x128xf32, #tpu.memory_space<vmem_shared>>
      tpu.enqueue_indirect_dma source(%arg9 : memref<64x128xf32, #tpu.memory_space<vmem>>) target(%dma_start3A_239 : memref<2560x128xf32, #tpu.memory_space<vmem_shared>>) offsets(%dma_start3A_236 : memref<64xi32, #tpu.memory_space<vmem>>) semaphore(%run_scoped3A_233 : memref<!tpu.dma_semaphore, #tpu.memory_space<semaphore_mem>>) {add = true}
      %dma_wait3A_240 = arith.constant 0 : i32
      %dma_wait3A_241 = tpu.memref_slice %arg7[%add3A_93, %dma_wait3A_240] : memref<10x64xi32, #tpu.memory_space<vmem>> -> memref<1x64xi32, #tpu.memory_space<vmem>>
      %dma_wait3A_242 = tpu.memref_squeeze %dma_wait3A_241 : memref<1x64xi32, #tpu.memory_space<vmem>> -> memref<64xi32, #tpu.memory_space<vmem>>
      %dma_wait3A_243 = arith.constant 0 : i32
      %dma_wait3A_244 = arith.constant 0 : i32
      %dma_wait3A_245 = tpu.memref_slice %arg24[%dma_wait3A_243, %dma_wait3A_244] : memref<2560x128xf32, #tpu.memory_space<vmem_shared>> -> memref<2560x128xf32, #tpu.memory_space<vmem_shared>>
      tpu.wait_indirect_dma semaphore(%run_scoped3A_233 : memref<!tpu.dma_semaphore, #tpu.memory_space<semaphore_mem>>) src(%arg9 : memref<64x128xf32, #tpu.memory_space<vmem>>) dst(%dma_wait3A_245 : memref<2560x128xf32, #tpu.memory_space<vmem_shared>>)
      tpu.yield
    }) : () -> ()
    %add3A_100 = arith.constant 8 : i32
    %add3A_101 = arith.addi %add3A_93, %add3A_100 : i32
    %lt3A_102 = arith.constant 10 : i32
    %lt3A_103 = arith.cmpi slt, %add3A_101, %lt3A_102 : i32
    %convert_element_type3A_104 = arith.extui %lt3A_103 : i1 to i32
    %cond3A_105 = arith.constant 0 : i32
    %cond3A_106 = arith.cmpi ne, %convert_element_type3A_104, %cond3A_105 : i32
    scf.if %cond3A_106 {
      %add3A_233 = arith.constant 8 : i32
      %add3A_234 = arith.addi %add3A_93, %add3A_233 : i32
      %dma_start3A_235 = arith.constant 0 : i32
      %dma_start3A_236 = tpu.memref_slice %arg6[%add3A_234, %dma_start3A_235] : memref<10x64xi32, #tpu.memory_space<vmem>> -> memref<1x64xi32, #tpu.memory_space<vmem>>
      %dma_start3A_237 = tpu.memref_squeeze %dma_start3A_236 : memref<1x64xi32, #tpu.memory_space<vmem>> -> memref<64xi32, #tpu.memory_space<vmem>>
      %dma_start3A_238 = arith.constant 0 : i32
      %dma_start3A_239 = arith.constant 0 : i32
      %dma_start3A_240 = tpu.memref_slice %arg2[%dma_start3A_238, %dma_start3A_239] : memref<1280x128xf32, #tpu.memory_space<hbm>> -> memref<1280x128xf32, #tpu.memory_space<hbm>>
      tpu.enqueue_indirect_dma source(%dma_start3A_240 : memref<1280x128xf32, #tpu.memory_space<hbm>>) target(%arg9 : memref<64x128xf32, #tpu.memory_space<vmem>>) offsets(%dma_start3A_237 : memref<64xi32, #tpu.memory_space<vmem>>) semaphore(%arg17 : memref<!tpu.dma_semaphore, #tpu.memory_space<semaphore_mem>>)
    } else {
    }
    %mul3A_107 = arith.constant 8 : i32
    %mul3A_108 = arith.muli %scan3A_74, %mul3A_107 : i32
    %add3A_109 = arith.constant 2 : i32
    %add3A_110 = arith.addi %mul3A_108, %add3A_109 : i32
    %dma_wait3A_111 = arith.constant 0 : i32
    %dma_wait3A_112 = tpu.memref_slice %arg6[%add3A_110, %dma_wait3A_111] : memref<10x64xi32, #tpu.memory_space<vmem>> -> memref<1x64xi32, #tpu.memory_space<vmem>>
    %dma_wait3A_113 = tpu.memref_squeeze %dma_wait3A_112 : memref<1x64xi32, #tpu.memory_space<vmem>> -> memref<64xi32, #tpu.memory_space<vmem>>
    %dma_wait3A_114 = arith.constant 0 : i32
    %dma_wait3A_115 = arith.constant 0 : i32
    %dma_wait3A_116 = tpu.memref_slice %arg2[%dma_wait3A_114, %dma_wait3A_115] : memref<1280x128xf32, #tpu.memory_space<hbm>> -> memref<1280x128xf32, #tpu.memory_space<hbm>>
    tpu.wait_indirect_dma semaphore(%arg18 : memref<!tpu.dma_semaphore, #tpu.memory_space<semaphore_mem>>) src(%dma_wait3A_116 : memref<1280x128xf32, #tpu.memory_space<hbm>>) dst(%arg10 : memref<64x128xf32, #tpu.memory_space<vmem>>)
    "tpu.region"() ({
      %run_scoped3A_233 = tpu.sem_alloc : memref<!tpu.dma_semaphore, #tpu.memory_space<semaphore_mem>>
      %dma_start3A_234 = arith.constant 0 : i32
      %dma_start3A_235 = tpu.memref_slice %arg7[%add3A_110, %dma_start3A_234] : memref<10x64xi32, #tpu.memory_space<vmem>> -> memref<1x64xi32, #tpu.memory_space<vmem>>
      %dma_start3A_236 = tpu.memref_squeeze %dma_start3A_235 : memref<1x64xi32, #tpu.memory_space<vmem>> -> memref<64xi32, #tpu.memory_space<vmem>>
      %dma_start3A_237 = arith.constant 0 : i32
      %dma_start3A_238 = arith.constant 0 : i32
      %dma_start3A_239 = tpu.memref_slice %arg24[%dma_start3A_237, %dma_start3A_238] : memref<2560x128xf32, #tpu.memory_space<vmem_shared>> -> memref<2560x128xf32, #tpu.memory_space<vmem_shared>>
      tpu.enqueue_indirect_dma source(%arg10 : memref<64x128xf32, #tpu.memory_space<vmem>>) target(%dma_start3A_239 : memref<2560x128xf32, #tpu.memory_space<vmem_shared>>) offsets(%dma_start3A_236 : memref<64xi32, #tpu.memory_space<vmem>>) semaphore(%run_scoped3A_233 : memref<!tpu.dma_semaphore, #tpu.memory_space<semaphore_mem>>) {add = true}
      %dma_wait3A_240 = arith.constant 0 : i32
      %dma_wait3A_241 = tpu.memref_slice %arg7[%add3A_110, %dma_wait3A_240] : memref<10x64xi32, #tpu.memory_space<vmem>> -> memref<1x64xi32, #tpu.memory_space<vmem>>
      %dma_wait3A_242 = tpu.memref_squeeze %dma_wait3A_241 : memref<1x64xi32, #tpu.memory_space<vmem>> -> memref<64xi32, #tpu.memory_space<vmem>>
      %dma_wait3A_243 = arith.constant 0 : i32
      %dma_wait3A_244 = arith.constant 0 : i32
      %dma_wait3A_245 = tpu.memref_slice %arg24[%dma_wait3A_243, %dma_wait3A_244] : memref<2560x128xf32, #tpu.memory_space<vmem_shared>> -> memref<2560x128xf32, #tpu.memory_space<vmem_shared>>
      tpu.wait_indirect_dma semaphore(%run_scoped3A_233 : memref<!tpu.dma_semaphore, #tpu.memory_space<semaphore_mem>>) src(%arg10 : memref<64x128xf32, #tpu.memory_space<vmem>>) dst(%dma_wait3A_245 : memref<2560x128xf32, #tpu.memory_space<vmem_shared>>)
      tpu.yield
    }) : () -> ()
    %add3A_117 = arith.constant 8 : i32
    %add3A_118 = arith.addi %add3A_110, %add3A_117 : i32
    %lt3A_119 = arith.constant 10 : i32
    %lt3A_120 = arith.cmpi slt, %add3A_118, %lt3A_119 : i32
    %convert_element_type3A_121 = arith.extui %lt3A_120 : i1 to i32
    %cond3A_122 = arith.constant 0 : i32
    %cond3A_123 = arith.cmpi ne, %convert_element_type3A_121, %cond3A_122 : i32
    scf.if %cond3A_123 {
      %add3A_233 = arith.constant 8 : i32
      %add3A_234 = arith.addi %add3A_110, %add3A_233 : i32
      %dma_start3A_235 = arith.constant 0 : i32
      %dma_start3A_236 = tpu.memref_slice %arg6[%add3A_234, %dma_start3A_235] : memref<10x64xi32, #tpu.memory_space<vmem>> -> memref<1x64xi32, #tpu.memory_space<vmem>>
      %dma_start3A_237 = tpu.memref_squeeze %dma_start3A_236 : memref<1x64xi32, #tpu.memory_space<vmem>> -> memref<64xi32, #tpu.memory_space<vmem>>
      %dma_start3A_238 = arith.constant 0 : i32
      %dma_start3A_239 = arith.constant 0 : i32
      %dma_start3A_240 = tpu.memref_slice %arg2[%dma_start3A_238, %dma_start3A_239] : memref<1280x128xf32, #tpu.memory_space<hbm>> -> memref<1280x128xf32, #tpu.memory_space<hbm>>
      tpu.enqueue_indirect_dma source(%dma_start3A_240 : memref<1280x128xf32, #tpu.memory_space<hbm>>) target(%arg10 : memref<64x128xf32, #tpu.memory_space<vmem>>) offsets(%dma_start3A_237 : memref<64xi32, #tpu.memory_space<vmem>>) semaphore(%arg18 : memref<!tpu.dma_semaphore, #tpu.memory_space<semaphore_mem>>)
    } else {
    }
    %mul3A_124 = arith.constant 8 : i32
    %mul3A_125 = arith.muli %scan3A_74, %mul3A_124 : i32
    %add3A_126 = arith.constant 3 : i32
    %add3A_127 = arith.addi %mul3A_125, %add3A_126 : i32
    %dma_wait3A_128 = arith.constant 0 : i32
    %dma_wait3A_129 = tpu.memref_slice %arg6[%add3A_127, %dma_wait3A_128] : memref<10x64xi32, #tpu.memory_space<vmem>> -> memref<1x64xi32, #tpu.memory_space<vmem>>
    %dma_wait3A_130 = tpu.memref_squeeze %dma_wait3A_129 : memref<1x64xi32, #tpu.memory_space<vmem>> -> memref<64xi32, #tpu.memory_space<vmem>>
    %dma_wait3A_131 = arith.constant 0 : i32
    %dma_wait3A_132 = arith.constant 0 : i32
    %dma_wait3A_133 = tpu.memref_slice %arg2[%dma_wait3A_131, %dma_wait3A_132] : memref<1280x128xf32, #tpu.memory_space<hbm>> -> memref<1280x128xf32, #tpu.memory_space<hbm>>
    tpu.wait_indirect_dma semaphore(%arg19 : memref<!tpu.dma_semaphore, #tpu.memory_space<semaphore_mem>>) src(%dma_wait3A_133 : memref<1280x128xf32, #tpu.memory_space<hbm>>) dst(%arg11 : memref<64x128xf32, #tpu.memory_space<vmem>>)
    "tpu.region"() ({
      %run_scoped3A_233 = tpu.sem_alloc : memref<!tpu.dma_semaphore, #tpu.memory_space<semaphore_mem>>
      %dma_start3A_234 = arith.constant 0 : i32
      %dma_start3A_235 = tpu.memref_slice %arg7[%add3A_127, %dma_start3A_234] : memref<10x64xi32, #tpu.memory_space<vmem>> -> memref<1x64xi32, #tpu.memory_space<vmem>>
      %dma_start3A_236 = tpu.memref_squeeze %dma_start3A_235 : memref<1x64xi32, #tpu.memory_space<vmem>> -> memref<64xi32, #tpu.memory_space<vmem>>
      %dma_start3A_237 = arith.constant 0 : i32
      %dma_start3A_238 = arith.constant 0 : i32
      %dma_start3A_239 = tpu.memref_slice %arg24[%dma_start3A_237, %dma_start3A_238] : memref<2560x128xf32, #tpu.memory_space<vmem_shared>> -> memref<2560x128xf32, #tpu.memory_space<vmem_shared>>
      tpu.enqueue_indirect_dma source(%arg11 : memref<64x128xf32, #tpu.memory_space<vmem>>) target(%dma_start3A_239 : memref<2560x128xf32, #tpu.memory_space<vmem_shared>>) offsets(%dma_start3A_236 : memref<64xi32, #tpu.memory_space<vmem>>) semaphore(%run_scoped3A_233 : memref<!tpu.dma_semaphore, #tpu.memory_space<semaphore_mem>>) {add = true}
      %dma_wait3A_240 = arith.constant 0 : i32
      %dma_wait3A_241 = tpu.memref_slice %arg7[%add3A_127, %dma_wait3A_240] : memref<10x64xi32, #tpu.memory_space<vmem>> -> memref<1x64xi32, #tpu.memory_space<vmem>>
      %dma_wait3A_242 = tpu.memref_squeeze %dma_wait3A_241 : memref<1x64xi32, #tpu.memory_space<vmem>> -> memref<64xi32, #tpu.memory_space<vmem>>
      %dma_wait3A_243 = arith.constant 0 : i32
      %dma_wait3A_244 = arith.constant 0 : i32
      %dma_wait3A_245 = tpu.memref_slice %arg24[%dma_wait3A_243, %dma_wait3A_244] : memref<2560x128xf32, #tpu.memory_space<vmem_shared>> -> memref<2560x128xf32, #tpu.memory_space<vmem_shared>>
      tpu.wait_indirect_dma semaphore(%run_scoped3A_233 : memref<!tpu.dma_semaphore, #tpu.memory_space<semaphore_mem>>) src(%arg11 : memref<64x128xf32, #tpu.memory_space<vmem>>) dst(%dma_wait3A_245 : memref<2560x128xf32, #tpu.memory_space<vmem_shared>>)
      tpu.yield
    }) : () -> ()
    %add3A_134 = arith.constant 8 : i32
    %add3A_135 = arith.addi %add3A_127, %add3A_134 : i32
    %lt3A_136 = arith.constant 10 : i32
    %lt3A_137 = arith.cmpi slt, %add3A_135, %lt3A_136 : i32
    %convert_element_type3A_138 = arith.extui %lt3A_137 : i1 to i32
    %cond3A_139 = arith.constant 0 : i32
    %cond3A_140 = arith.cmpi ne, %convert_element_type3A_138, %cond3A_139 : i32
    scf.if %cond3A_140 {
      %add3A_233 = arith.constant 8 : i32
      %add3A_234 = arith.addi %add3A_127, %add3A_233 : i32
      %dma_start3A_235 = arith.constant 0 : i32
      %dma_start3A_236 = tpu.memref_slice %arg6[%add3A_234, %dma_start3A_235] : memref<10x64xi32, #tpu.memory_space<vmem>> -> memref<1x64xi32, #tpu.memory_space<vmem>>
      %dma_start3A_237 = tpu.memref_squeeze %dma_start3A_236 : memref<1x64xi32, #tpu.memory_space<vmem>> -> memref<64xi32, #tpu.memory_space<vmem>>
      %dma_start3A_238 = arith.constant 0 : i32
      %dma_start3A_239 = arith.constant 0 : i32
      %dma_start3A_240 = tpu.memref_slice %arg2[%dma_start3A_238, %dma_start3A_239] : memref<1280x128xf32, #tpu.memory_space<hbm>> -> memref<1280x128xf32, #tpu.memory_space<hbm>>
      tpu.enqueue_indirect_dma source(%dma_start3A_240 : memref<1280x128xf32, #tpu.memory_space<hbm>>) target(%arg11 : memref<64x128xf32, #tpu.memory_space<vmem>>) offsets(%dma_start3A_237 : memref<64xi32, #tpu.memory_space<vmem>>) semaphore(%arg19 : memref<!tpu.dma_semaphore, #tpu.memory_space<semaphore_mem>>)
    } else {
    }
    %mul3A_141 = arith.constant 8 : i32
    %mul3A_142 = arith.muli %scan3A_74, %mul3A_141 : i32
    %add3A_143 = arith.constant 4 : i32
    %add3A_144 = arith.addi %mul3A_142, %add3A_143 : i32
    %dma_wait3A_145 = arith.constant 0 : i32
    %dma_wait3A_146 = tpu.memref_slice %arg6[%add3A_144, %dma_wait3A_145] : memref<10x64xi32, #tpu.memory_space<vmem>> -> memref<1x64xi32, #tpu.memory_space<vmem>>
    %dma_wait3A_147 = tpu.memref_squeeze %dma_wait3A_146 : memref<1x64xi32, #tpu.memory_space<vmem>> -> memref<64xi32, #tpu.memory_space<vmem>>
    %dma_wait3A_148 = arith.constant 0 : i32
    %dma_wait3A_149 = arith.constant 0 : i32
    %dma_wait3A_150 = tpu.memref_slice %arg2[%dma_wait3A_148, %dma_wait3A_149] : memref<1280x128xf32, #tpu.memory_space<hbm>> -> memref<1280x128xf32, #tpu.memory_space<hbm>>
    tpu.wait_indirect_dma semaphore(%arg20 : memref<!tpu.dma_semaphore, #tpu.memory_space<semaphore_mem>>) src(%dma_wait3A_150 : memref<1280x128xf32, #tpu.memory_space<hbm>>) dst(%arg12 : memref<64x128xf32, #tpu.memory_space<vmem>>)
    "tpu.region"() ({
      %run_scoped3A_233 = tpu.sem_alloc : memref<!tpu.dma_semaphore, #tpu.memory_space<semaphore_mem>>
      %dma_start3A_234 = arith.constant 0 : i32
      %dma_start3A_235 = tpu.memref_slice %arg7[%add3A_144, %dma_start3A_234] : memref<10x64xi32, #tpu.memory_space<vmem>> -> memref<1x64xi32, #tpu.memory_space<vmem>>
      %dma_start3A_236 = tpu.memref_squeeze %dma_start3A_235 : memref<1x64xi32, #tpu.memory_space<vmem>> -> memref<64xi32, #tpu.memory_space<vmem>>
      %dma_start3A_237 = arith.constant 0 : i32
      %dma_start3A_238 = arith.constant 0 : i32
      %dma_start3A_239 = tpu.memref_slice %arg24[%dma_start3A_237, %dma_start3A_238] : memref<2560x128xf32, #tpu.memory_space<vmem_shared>> -> memref<2560x128xf32, #tpu.memory_space<vmem_shared>>
      tpu.enqueue_indirect_dma source(%arg12 : memref<64x128xf32, #tpu.memory_space<vmem>>) target(%dma_start3A_239 : memref<2560x128xf32, #tpu.memory_space<vmem_shared>>) offsets(%dma_start3A_236 : memref<64xi32, #tpu.memory_space<vmem>>) semaphore(%run_scoped3A_233 : memref<!tpu.dma_semaphore, #tpu.memory_space<semaphore_mem>>) {add = true}
      %dma_wait3A_240 = arith.constant 0 : i32
      %dma_wait3A_241 = tpu.memref_slice %arg7[%add3A_144, %dma_wait3A_240] : memref<10x64xi32, #tpu.memory_space<vmem>> -> memref<1x64xi32, #tpu.memory_space<vmem>>
      %dma_wait3A_242 = tpu.memref_squeeze %dma_wait3A_241 : memref<1x64xi32, #tpu.memory_space<vmem>> -> memref<64xi32, #tpu.memory_space<vmem>>
      %dma_wait3A_243 = arith.constant 0 : i32
      %dma_wait3A_244 = arith.constant 0 : i32
      %dma_wait3A_245 = tpu.memref_slice %arg24[%dma_wait3A_243, %dma_wait3A_244] : memref<2560x128xf32, #tpu.memory_space<vmem_shared>> -> memref<2560x128xf32, #tpu.memory_space<vmem_shared>>
      tpu.wait_indirect_dma semaphore(%run_scoped3A_233 : memref<!tpu.dma_semaphore, #tpu.memory_space<semaphore_mem>>) src(%arg12 : memref<64x128xf32, #tpu.memory_space<vmem>>) dst(%dma_wait3A_245 : memref<2560x128xf32, #tpu.memory_space<vmem_shared>>)
      tpu.yield
    }) : () -> ()
    %add3A_151 = arith.constant 8 : i32
    %add3A_152 = arith.addi %add3A_144, %add3A_151 : i32
    %lt3A_153 = arith.constant 10 : i32
    %lt3A_154 = arith.cmpi slt, %add3A_152, %lt3A_153 : i32
    %convert_element_type3A_155 = arith.extui %lt3A_154 : i1 to i32
    %cond3A_156 = arith.constant 0 : i32
    %cond3A_157 = arith.cmpi ne, %convert_element_type3A_155, %cond3A_156 : i32
    scf.if %cond3A_157 {
      %add3A_233 = arith.constant 8 : i32
      %add3A_234 = arith.addi %add3A_144, %add3A_233 : i32
      %dma_start3A_235 = arith.constant 0 : i32
      %dma_start3A_236 = tpu.memref_slice %arg6[%add3A_234, %dma_start3A_235] : memref<10x64xi32, #tpu.memory_space<vmem>> -> memref<1x64xi32, #tpu.memory_space<vmem>>
      %dma_start3A_237 = tpu.memref_squeeze %dma_start3A_236 : memref<1x64xi32, #tpu.memory_space<vmem>> -> memref<64xi32, #tpu.memory_space<vmem>>
      %dma_start3A_238 = arith.constant 0 : i32
      %dma_start3A_239 = arith.constant 0 : i32
      %dma_start3A_240 = tpu.memref_slice %arg2[%dma_start3A_238, %dma_start3A_239] : memref<1280x128xf32, #tpu.memory_space<hbm>> -> memref<1280x128xf32, #tpu.memory_space<hbm>>
      tpu.enqueue_indirect_dma source(%dma_start3A_240 : memref<1280x128xf32, #tpu.memory_space<hbm>>) target(%arg12 : memref<64x128xf32, #tpu.memory_space<vmem>>) offsets(%dma_start3A_237 : memref<64xi32, #tpu.memory_space<vmem>>) semaphore(%arg20 : memref<!tpu.dma_semaphore, #tpu.memory_space<semaphore_mem>>)
    } else {
    }
    %mul3A_158 = arith.constant 8 : i32
    %mul3A_159 = arith.muli %scan3A_74, %mul3A_158 : i32
    %add3A_160 = arith.constant 5 : i32
    %add3A_161 = arith.addi %mul3A_159, %add3A_160 : i32
    %dma_wait3A_162 = arith.constant 0 : i32
    %dma_wait3A_163 = tpu.memref_slice %arg6[%add3A_161, %dma_wait3A_162] : memref<10x64xi32, #tpu.memory_space<vmem>> -> memref<1x64xi32, #tpu.memory_space<vmem>>
    %dma_wait3A_164 = tpu.memref_squeeze %dma_wait3A_163 : memref<1x64xi32, #tpu.memory_space<vmem>> -> memref<64xi32, #tpu.memory_space<vmem>>
    %dma_wait3A_165 = arith.constant 0 : i32
    %dma_wait3A_166 = arith.constant 0 : i32
    %dma_wait3A_167 = tpu.memref_slice %arg2[%dma_wait3A_165, %dma_wait3A_166] : memref<1280x128xf32, #tpu.memory_space<hbm>> -> memref<1280x128xf32, #tpu.memory_space<hbm>>
    tpu.wait_indirect_dma semaphore(%arg21 : memref<!tpu.dma_semaphore, #tpu.memory_space<semaphore_mem>>) src(%dma_wait3A_167 : memref<1280x128xf32, #tpu.memory_space<hbm>>) dst(%arg13 : memref<64x128xf32, #tpu.memory_space<vmem>>)
    "tpu.region"() ({
      %run_scoped3A_233 = tpu.sem_alloc : memref<!tpu.dma_semaphore, #tpu.memory_space<semaphore_mem>>
      %dma_start3A_234 = arith.constant 0 : i32
      %dma_start3A_235 = tpu.memref_slice %arg7[%add3A_161, %dma_start3A_234] : memref<10x64xi32, #tpu.memory_space<vmem>> -> memref<1x64xi32, #tpu.memory_space<vmem>>
      %dma_start3A_236 = tpu.memref_squeeze %dma_start3A_235 : memref<1x64xi32, #tpu.memory_space<vmem>> -> memref<64xi32, #tpu.memory_space<vmem>>
      %dma_start3A_237 = arith.constant 0 : i32
      %dma_start3A_238 = arith.constant 0 : i32
      %dma_start3A_239 = tpu.memref_slice %arg24[%dma_start3A_237, %dma_start3A_238] : memref<2560x128xf32, #tpu.memory_space<vmem_shared>> -> memref<2560x128xf32, #tpu.memory_space<vmem_shared>>
      tpu.enqueue_indirect_dma source(%arg13 : memref<64x128xf32, #tpu.memory_space<vmem>>) target(%dma_start3A_239 : memref<2560x128xf32, #tpu.memory_space<vmem_shared>>) offsets(%dma_start3A_236 : memref<64xi32, #tpu.memory_space<vmem>>) semaphore(%run_scoped3A_233 : memref<!tpu.dma_semaphore, #tpu.memory_space<semaphore_mem>>) {add = true}
      %dma_wait3A_240 = arith.constant 0 : i32
      %dma_wait3A_241 = tpu.memref_slice %arg7[%add3A_161, %dma_wait3A_240] : memref<10x64xi32, #tpu.memory_space<vmem>> -> memref<1x64xi32, #tpu.memory_space<vmem>>
      %dma_wait3A_242 = tpu.memref_squeeze %dma_wait3A_241 : memref<1x64xi32, #tpu.memory_space<vmem>> -> memref<64xi32, #tpu.memory_space<vmem>>
      %dma_wait3A_243 = arith.constant 0 : i32
      %dma_wait3A_244 = arith.constant 0 : i32
      %dma_wait3A_245 = tpu.memref_slice %arg24[%dma_wait3A_243, %dma_wait3A_244] : memref<2560x128xf32, #tpu.memory_space<vmem_shared>> -> memref<2560x128xf32, #tpu.memory_space<vmem_shared>>
      tpu.wait_indirect_dma semaphore(%run_scoped3A_233 : memref<!tpu.dma_semaphore, #tpu.memory_space<semaphore_mem>>) src(%arg13 : memref<64x128xf32, #tpu.memory_space<vmem>>) dst(%dma_wait3A_245 : memref<2560x128xf32, #tpu.memory_space<vmem_shared>>)
      tpu.yield
    }) : () -> ()
    %add3A_168 = arith.constant 8 : i32
    %add3A_169 = arith.addi %add3A_161, %add3A_168 : i32
    %lt3A_170 = arith.constant 10 : i32
    %lt3A_171 = arith.cmpi slt, %add3A_169, %lt3A_170 : i32
    %convert_element_type3A_172 = arith.extui %lt3A_171 : i1 to i32
    %cond3A_173 = arith.constant 0 : i32
    %cond3A_174 = arith.cmpi ne, %convert_element_type3A_172, %cond3A_173 : i32
    scf.if %cond3A_174 {
      %add3A_233 = arith.constant 8 : i32
      %add3A_234 = arith.addi %add3A_161, %add3A_233 : i32
      %dma_start3A_235 = arith.constant 0 : i32
      %dma_start3A_236 = tpu.memref_slice %arg6[%add3A_234, %dma_start3A_235] : memref<10x64xi32, #tpu.memory_space<vmem>> -> memref<1x64xi32, #tpu.memory_space<vmem>>
      %dma_start3A_237 = tpu.memref_squeeze %dma_start3A_236 : memref<1x64xi32, #tpu.memory_space<vmem>> -> memref<64xi32, #tpu.memory_space<vmem>>
      %dma_start3A_238 = arith.constant 0 : i32
      %dma_start3A_239 = arith.constant 0 : i32
      %dma_start3A_240 = tpu.memref_slice %arg2[%dma_start3A_238, %dma_start3A_239] : memref<1280x128xf32, #tpu.memory_space<hbm>> -> memref<1280x128xf32, #tpu.memory_space<hbm>>
      tpu.enqueue_indirect_dma source(%dma_start3A_240 : memref<1280x128xf32, #tpu.memory_space<hbm>>) target(%arg13 : memref<64x128xf32, #tpu.memory_space<vmem>>) offsets(%dma_start3A_237 : memref<64xi32, #tpu.memory_space<vmem>>) semaphore(%arg21 : memref<!tpu.dma_semaphore, #tpu.memory_space<semaphore_mem>>)
    } else {
    }
    %mul3A_175 = arith.constant 8 : i32
    %mul3A_176 = arith.muli %scan3A_74, %mul3A_175 : i32
    %add3A_177 = arith.constant 6 : i32
    %add3A_178 = arith.addi %mul3A_176, %add3A_177 : i32
    %dma_wait3A_179 = arith.constant 0 : i32
    %dma_wait3A_180 = tpu.memref_slice %arg6[%add3A_178, %dma_wait3A_179] : memref<10x64xi32, #tpu.memory_space<vmem>> -> memref<1x64xi32, #tpu.memory_space<vmem>>
    %dma_wait3A_181 = tpu.memref_squeeze %dma_wait3A_180 : memref<1x64xi32, #tpu.memory_space<vmem>> -> memref<64xi32, #tpu.memory_space<vmem>>
    %dma_wait3A_182 = arith.constant 0 : i32
    %dma_wait3A_183 = arith.constant 0 : i32
    %dma_wait3A_184 = tpu.memref_slice %arg2[%dma_wait3A_182, %dma_wait3A_183] : memref<1280x128xf32, #tpu.memory_space<hbm>> -> memref<1280x128xf32, #tpu.memory_space<hbm>>
    tpu.wait_indirect_dma semaphore(%arg22 : memref<!tpu.dma_semaphore, #tpu.memory_space<semaphore_mem>>) src(%dma_wait3A_184 : memref<1280x128xf32, #tpu.memory_space<hbm>>) dst(%arg14 : memref<64x128xf32, #tpu.memory_space<vmem>>)
    "tpu.region"() ({
      %run_scoped3A_233 = tpu.sem_alloc : memref<!tpu.dma_semaphore, #tpu.memory_space<semaphore_mem>>
      %dma_start3A_234 = arith.constant 0 : i32
      %dma_start3A_235 = tpu.memref_slice %arg7[%add3A_178, %dma_start3A_234] : memref<10x64xi32, #tpu.memory_space<vmem>> -> memref<1x64xi32, #tpu.memory_space<vmem>>
      %dma_start3A_236 = tpu.memref_squeeze %dma_start3A_235 : memref<1x64xi32, #tpu.memory_space<vmem>> -> memref<64xi32, #tpu.memory_space<vmem>>
      %dma_start3A_237 = arith.constant 0 : i32
      %dma_start3A_238 = arith.constant 0 : i32
      %dma_start3A_239 = tpu.memref_slice %arg24[%dma_start3A_237, %dma_start3A_238] : memref<2560x128xf32, #tpu.memory_space<vmem_shared>> -> memref<2560x128xf32, #tpu.memory_space<vmem_shared>>
      tpu.enqueue_indirect_dma source(%arg14 : memref<64x128xf32, #tpu.memory_space<vmem>>) target(%dma_start3A_239 : memref<2560x128xf32, #tpu.memory_space<vmem_shared>>) offsets(%dma_start3A_236 : memref<64xi32, #tpu.memory_space<vmem>>) semaphore(%run_scoped3A_233 : memref<!tpu.dma_semaphore, #tpu.memory_space<semaphore_mem>>) {add = true}
      %dma_wait3A_240 = arith.constant 0 : i32
      %dma_wait3A_241 = tpu.memref_slice %arg7[%add3A_178, %dma_wait3A_240] : memref<10x64xi32, #tpu.memory_space<vmem>> -> memref<1x64xi32, #tpu.memory_space<vmem>>
      %dma_wait3A_242 = tpu.memref_squeeze %dma_wait3A_241 : memref<1x64xi32, #tpu.memory_space<vmem>> -> memref<64xi32, #tpu.memory_space<vmem>>
      %dma_wait3A_243 = arith.constant 0 : i32
      %dma_wait3A_244 = arith.constant 0 : i32
      %dma_wait3A_245 = tpu.memref_slice %arg24[%dma_wait3A_243, %dma_wait3A_244] : memref<2560x128xf32, #tpu.memory_space<vmem_shared>> -> memref<2560x128xf32, #tpu.memory_space<vmem_shared>>
      tpu.wait_indirect_dma semaphore(%run_scoped3A_233 : memref<!tpu.dma_semaphore, #tpu.memory_space<semaphore_mem>>) src(%arg14 : memref<64x128xf32, #tpu.memory_space<vmem>>) dst(%dma_wait3A_245 : memref<2560x128xf32, #tpu.memory_space<vmem_shared>>)
      tpu.yield
    }) : () -> ()
    %add3A_185 = arith.constant 8 : i32
    %add3A_186 = arith.addi %add3A_178, %add3A_185 : i32
    %lt3A_187 = arith.constant 10 : i32
    %lt3A_188 = arith.cmpi slt, %add3A_186, %lt3A_187 : i32
    %convert_element_type3A_189 = arith.extui %lt3A_188 : i1 to i32
    %cond3A_190 = arith.constant 0 : i32
    %cond3A_191 = arith.cmpi ne, %convert_element_type3A_189, %cond3A_190 : i32
    scf.if %cond3A_191 {
      %add3A_233 = arith.constant 8 : i32
      %add3A_234 = arith.addi %add3A_178, %add3A_233 : i32
      %dma_start3A_235 = arith.constant 0 : i32
      %dma_start3A_236 = tpu.memref_slice %arg6[%add3A_234, %dma_start3A_235] : memref<10x64xi32, #tpu.memory_space<vmem>> -> memref<1x64xi32, #tpu.memory_space<vmem>>
      %dma_start3A_237 = tpu.memref_squeeze %dma_start3A_236 : memref<1x64xi32, #tpu.memory_space<vmem>> -> memref<64xi32, #tpu.memory_space<vmem>>
      %dma_start3A_238 = arith.constant 0 : i32
      %dma_start3A_239 = arith.constant 0 : i32
      %dma_start3A_240 = tpu.memref_slice %arg2[%dma_start3A_238, %dma_start3A_239] : memref<1280x128xf32, #tpu.memory_space<hbm>> -> memref<1280x128xf32, #tpu.memory_space<hbm>>
      tpu.enqueue_indirect_dma source(%dma_start3A_240 : memref<1280x128xf32, #tpu.memory_space<hbm>>) target(%arg14 : memref<64x128xf32, #tpu.memory_space<vmem>>) offsets(%dma_start3A_237 : memref<64xi32, #tpu.memory_space<vmem>>) semaphore(%arg22 : memref<!tpu.dma_semaphore, #tpu.memory_space<semaphore_mem>>)
    } else {
    }
    %mul3A_192 = arith.constant 8 : i32
    %mul3A_193 = arith.muli %scan3A_74, %mul3A_192 : i32
    %add3A_194 = arith.constant 7 : i32
    %add3A_195 = arith.addi %mul3A_193, %add3A_194 : i32
    %dma_wait3A_196 = arith.constant 0 : i32
    %dma_wait3A_197 = tpu.memref_slice %arg6[%add3A_195, %dma_wait3A_196] : memref<10x64xi32, #tpu.memory_space<vmem>> -> memref<1x64xi32, #tpu.memory_space<vmem>>
    %dma_wait3A_198 = tpu.memref_squeeze %dma_wait3A_197 : memref<1x64xi32, #tpu.memory_space<vmem>> -> memref<64xi32, #tpu.memory_space<vmem>>
    %dma_wait3A_199 = arith.constant 0 : i32
    %dma_wait3A_200 = arith.constant 0 : i32
    %dma_wait3A_201 = tpu.memref_slice %arg2[%dma_wait3A_199, %dma_wait3A_200] : memref<1280x128xf32, #tpu.memory_space<hbm>> -> memref<1280x128xf32, #tpu.memory_space<hbm>>
    tpu.wait_indirect_dma semaphore(%arg23 : memref<!tpu.dma_semaphore, #tpu.memory_space<semaphore_mem>>) src(%dma_wait3A_201 : memref<1280x128xf32, #tpu.memory_space<hbm>>) dst(%arg15 : memref<64x128xf32, #tpu.memory_space<vmem>>)
    "tpu.region"() ({
      %run_scoped3A_233 = tpu.sem_alloc : memref<!tpu.dma_semaphore, #tpu.memory_space<semaphore_mem>>
      %dma_start3A_234 = arith.constant 0 : i32
      %dma_start3A_235 = tpu.memref_slice %arg7[%add3A_195, %dma_start3A_234] : memref<10x64xi32, #tpu.memory_space<vmem>> -> memref<1x64xi32, #tpu.memory_space<vmem>>
      %dma_start3A_236 = tpu.memref_squeeze %dma_start3A_235 : memref<1x64xi32, #tpu.memory_space<vmem>> -> memref<64xi32, #tpu.memory_space<vmem>>
      %dma_start3A_237 = arith.constant 0 : i32
      %dma_start3A_238 = arith.constant 0 : i32
      %dma_start3A_239 = tpu.memref_slice %arg24[%dma_start3A_237, %dma_start3A_238] : memref<2560x128xf32, #tpu.memory_space<vmem_shared>> -> memref<2560x128xf32, #tpu.memory_space<vmem_shared>>
      tpu.enqueue_indirect_dma source(%arg15 : memref<64x128xf32, #tpu.memory_space<vmem>>) target(%dma_start3A_239 : memref<2560x128xf32, #tpu.memory_space<vmem_shared>>) offsets(%dma_start3A_236 : memref<64xi32, #tpu.memory_space<vmem>>) semaphore(%run_scoped3A_233 : memref<!tpu.dma_semaphore, #tpu.memory_space<semaphore_mem>>) {add = true}
      %dma_wait3A_240 = arith.constant 0 : i32
      %dma_wait3A_241 = tpu.memref_slice %arg7[%add3A_195, %dma_wait3A_240] : memref<10x64xi32, #tpu.memory_space<vmem>> -> memref<1x64xi32, #tpu.memory_space<vmem>>
      %dma_wait3A_242 = tpu.memref_squeeze %dma_wait3A_241 : memref<1x64xi32, #tpu.memory_space<vmem>> -> memref<64xi32, #tpu.memory_space<vmem>>
      %dma_wait3A_243 = arith.constant 0 : i32
      %dma_wait3A_244 = arith.constant 0 : i32
      %dma_wait3A_245 = tpu.memref_slice %arg24[%dma_wait3A_243, %dma_wait3A_244] : memref<2560x128xf32, #tpu.memory_space<vmem_shared>> -> memref<2560x128xf32, #tpu.memory_space<vmem_shared>>
      tpu.wait_indirect_dma semaphore(%run_scoped3A_233 : memref<!tpu.dma_semaphore, #tpu.memory_space<semaphore_mem>>) src(%arg15 : memref<64x128xf32, #tpu.memory_space<vmem>>) dst(%dma_wait3A_245 : memref<2560x128xf32, #tpu.memory_space<vmem_shared>>)
      tpu.yield
    }) : () -> ()
    %add3A_202 = arith.constant 8 : i32
    %add3A_203 = arith.addi %add3A_195, %add3A_202 : i32
    %lt3A_204 = arith.constant 10 : i32
    %lt3A_205 = arith.cmpi slt, %add3A_203, %lt3A_204 : i32
    %convert_element_type3A_206 = arith.extui %lt3A_205 : i1 to i32
    %cond3A_207 = arith.constant 0 : i32
    %cond3A_208 = arith.cmpi ne, %convert_element_type3A_206, %cond3A_207 : i32
    scf.if %cond3A_208 {
      %add3A_233 = arith.constant 8 : i32
      %add3A_234 = arith.addi %add3A_195, %add3A_233 : i32
      %dma_start3A_235 = arith.constant 0 : i32
      %dma_start3A_236 = tpu.memref_slice %arg6[%add3A_234, %dma_start3A_235] : memref<10x64xi32, #tpu.memory_space<vmem>> -> memref<1x64xi32, #tpu.memory_space<vmem>>
      %dma_start3A_237 = tpu.memref_squeeze %dma_start3A_236 : memref<1x64xi32, #tpu.memory_space<vmem>> -> memref<64xi32, #tpu.memory_space<vmem>>
      %dma_start3A_238 = arith.constant 0 : i32
      %dma_start3A_239 = arith.constant 0 : i32
      %dma_start3A_240 = tpu.memref_slice %arg2[%dma_start3A_238, %dma_start3A_239] : memref<1280x128xf32, #tpu.memory_space<hbm>> -> memref<1280x128xf32, #tpu.memory_space<hbm>>
      tpu.enqueue_indirect_dma source(%dma_start3A_240 : memref<1280x128xf32, #tpu.memory_space<hbm>>) target(%arg15 : memref<64x128xf32, #tpu.memory_space<vmem>>) offsets(%dma_start3A_237 : memref<64xi32, #tpu.memory_space<vmem>>) semaphore(%arg23 : memref<!tpu.dma_semaphore, #tpu.memory_space<semaphore_mem>>)
    } else {
    }
    %scan3A_209 = arith.constant 1 : i32
    %dma_wait3A_210 = arith.constant 8 : i32
    %dma_wait3A_211 = arith.constant 0 : i32
    %dma_wait3A_212 = tpu.memref_slice %arg6[%dma_wait3A_210, %dma_wait3A_211] : memref<10x64xi32, #tpu.memory_space<vmem>> -> memref<1x64xi32, #tpu.memory_space<vmem>>
    %dma_wait3A_213 = tpu.memref_squeeze %dma_wait3A_212 : memref<1x64xi32, #tpu.memory_space<vmem>> -> memref<64xi32, #tpu.memory_space<vmem>>
    %dma_wait3A_214 = arith.constant 0 : i32
    %dma_wait3A_215 = arith.constant 0 : i32
    %dma_wait3A_216 = tpu.memref_slice %arg2[%dma_wait3A_214, %dma_wait3A_215] : memref<1280x128xf32, #tpu.memory_space<hbm>> -> memref<1280x128xf32, #tpu.memory_space<hbm>>
    tpu.wait_indirect_dma semaphore(%arg16 : memref<!tpu.dma_semaphore, #tpu.memory_space<semaphore_mem>>) src(%dma_wait3A_216 : memref<1280x128xf32, #tpu.memory_space<hbm>>) dst(%arg8 : memref<64x128xf32, #tpu.memory_space<vmem>>)
    %run_scoped3A = arith.constant 8 : i32
    "tpu.region"() ({
      %run_scoped3A_233 = tpu.sem_alloc : memref<!tpu.dma_semaphore, #tpu.memory_space<semaphore_mem>>
      %dma_start3A_234 = arith.constant 0 : i32
      %dma_start3A_235 = tpu.memref_slice %arg7[%run_scoped3A, %dma_start3A_234] : memref<10x64xi32, #tpu.memory_space<vmem>> -> memref<1x64xi32, #tpu.memory_space<vmem>>
      %dma_start3A_236 = tpu.memref_squeeze %dma_start3A_235 : memref<1x64xi32, #tpu.memory_space<vmem>> -> memref<64xi32, #tpu.memory_space<vmem>>
      %dma_start3A_237 = arith.constant 0 : i32
      %dma_start3A_238 = arith.constant 0 : i32
      %dma_start3A_239 = tpu.memref_slice %arg24[%dma_start3A_237, %dma_start3A_238] : memref<2560x128xf32, #tpu.memory_space<vmem_shared>> -> memref<2560x128xf32, #tpu.memory_space<vmem_shared>>
      tpu.enqueue_indirect_dma source(%arg8 : memref<64x128xf32, #tpu.memory_space<vmem>>) target(%dma_start3A_239 : memref<2560x128xf32, #tpu.memory_space<vmem_shared>>) offsets(%dma_start3A_236 : memref<64xi32, #tpu.memory_space<vmem>>) semaphore(%run_scoped3A_233 : memref<!tpu.dma_semaphore, #tpu.memory_space<semaphore_mem>>) {add = true}
      %dma_wait3A_240 = arith.constant 0 : i32
      %dma_wait3A_241 = tpu.memref_slice %arg7[%run_scoped3A, %dma_wait3A_240] : memref<10x64xi32, #tpu.memory_space<vmem>> -> memref<1x64xi32, #tpu.memory_space<vmem>>
      %dma_wait3A_242 = tpu.memref_squeeze %dma_wait3A_241 : memref<1x64xi32, #tpu.memory_space<vmem>> -> memref<64xi32, #tpu.memory_space<vmem>>
      %dma_wait3A_243 = arith.constant 0 : i32
      %dma_wait3A_244 = arith.constant 0 : i32
      %dma_wait3A_245 = tpu.memref_slice %arg24[%dma_wait3A_243, %dma_wait3A_244] : memref<2560x128xf32, #tpu.memory_space<vmem_shared>> -> memref<2560x128xf32, #tpu.memory_space<vmem_shared>>
      tpu.wait_indirect_dma semaphore(%run_scoped3A_233 : memref<!tpu.dma_semaphore, #tpu.memory_space<semaphore_mem>>) src(%arg8 : memref<64x128xf32, #tpu.memory_space<vmem>>) dst(%dma_wait3A_245 : memref<2560x128xf32, #tpu.memory_space<vmem_shared>>)
      tpu.yield
    }) : () -> ()
    %dma_wait3A_217 = arith.constant 9 : i32
    %dma_wait3A_218 = arith.constant 0 : i32
    %dma_wait3A_219 = tpu.memref_slice %arg6[%dma_wait3A_217, %dma_wait3A_218] : memref<10x64xi32, #tpu.memory_space<vmem>> -> memref<1x64xi32, #tpu.memory_space<vmem>>
    %dma_wait3A_220 = tpu.memref_squeeze %dma_wait3A_219 : memref<1x64xi32, #tpu.memory_space<vmem>> -> memref<64xi32, #tpu.memory_space<vmem>>
    %dma_wait3A_221 = arith.constant 0 : i32
    %dma_wait3A_222 = arith.constant 0 : i32
    %dma_wait3A_223 = tpu.memref_slice %arg2[%dma_wait3A_221, %dma_wait3A_222] : memref<1280x128xf32, #tpu.memory_space<hbm>> -> memref<1280x128xf32, #tpu.memory_space<hbm>>
    tpu.wait_indirect_dma semaphore(%arg17 : memref<!tpu.dma_semaphore, #tpu.memory_space<semaphore_mem>>) src(%dma_wait3A_223 : memref<1280x128xf32, #tpu.memory_space<hbm>>) dst(%arg9 : memref<64x128xf32, #tpu.memory_space<vmem>>)
    %run_scoped3A_224 = arith.constant 9 : i32
    "tpu.region"() ({
      %run_scoped3A_233 = tpu.sem_alloc : memref<!tpu.dma_semaphore, #tpu.memory_space<semaphore_mem>>
      %dma_start3A_234 = arith.constant 0 : i32
      %dma_start3A_235 = tpu.memref_slice %arg7[%run_scoped3A_224, %dma_start3A_234] : memref<10x64xi32, #tpu.memory_space<vmem>> -> memref<1x64xi32, #tpu.memory_space<vmem>>
      %dma_start3A_236 = tpu.memref_squeeze %dma_start3A_235 : memref<1x64xi32, #tpu.memory_space<vmem>> -> memref<64xi32, #tpu.memory_space<vmem>>
      %dma_start3A_237 = arith.constant 0 : i32
      %dma_start3A_238 = arith.constant 0 : i32
      %dma_start3A_239 = tpu.memref_slice %arg24[%dma_start3A_237, %dma_start3A_238] : memref<2560x128xf32, #tpu.memory_space<vmem_shared>> -> memref<2560x128xf32, #tpu.memory_space<vmem_shared>>
      tpu.enqueue_indirect_dma source(%arg9 : memref<64x128xf32, #tpu.memory_space<vmem>>) target(%dma_start3A_239 : memref<2560x128xf32, #tpu.memory_space<vmem_shared>>) offsets(%dma_start3A_236 : memref<64xi32, #tpu.memory_space<vmem>>) semaphore(%run_scoped3A_233 : memref<!tpu.dma_semaphore, #tpu.memory_space<semaphore_mem>>) {add = true}
      %dma_wait3A_240 = arith.constant 0 : i32
      %dma_wait3A_241 = tpu.memref_slice %arg7[%run_scoped3A_224, %dma_wait3A_240] : memref<10x64xi32, #tpu.memory_space<vmem>> -> memref<1x64xi32, #tpu.memory_space<vmem>>
      %dma_wait3A_242 = tpu.memref_squeeze %dma_wait3A_241 : memref<1x64xi32, #tpu.memory_space<vmem>> -> memref<64xi32, #tpu.memory_space<vmem>>
      %dma_wait3A_243 = arith.constant 0 : i32
      %dma_wait3A_244 = arith.constant 0 : i32
      %dma_wait3A_245 = tpu.memref_slice %arg24[%dma_wait3A_243, %dma_wait3A_244] : memref<2560x128xf32, #tpu.memory_space<vmem_shared>> -> memref<2560x128xf32, #tpu.memory_space<vmem_shared>>
      tpu.wait_indirect_dma semaphore(%run_scoped3A_233 : memref<!tpu.dma_semaphore, #tpu.memory_space<semaphore_mem>>) src(%arg9 : memref<64x128xf32, #tpu.memory_space<vmem>>) dst(%dma_wait3A_245 : memref<2560x128xf32, #tpu.memory_space<vmem_shared>>)
      tpu.yield
    }) : () -> ()
    %barrier3A_225 = arith.constant 0 : index
    tpu.barrier barrier_id(%barrier3A_225)
    %mul3A_226 = arith.constant 160 : i32
    %mul3A_227 = arith.muli %arg1, %mul3A_226 : i32
    %mul3A_228 = arith.constant 2560 : i32
    %mul3A_229 = arith.muli %arg0, %mul3A_228 : i32
    %mul3A_230 = arith.constant 160 : i32
    %mul3A_231 = arith.muli %arg1, %mul3A_230 : i32
    %add3A_232 = arith.addi %mul3A_229, %mul3A_231 : i32
    "tpu.region"() ({
      %run_scoped3A_233 = tpu.sem_alloc : memref<!tpu.dma_semaphore, #tpu.memory_space<semaphore_mem>>
      %dma_start3A_234 = arith.constant 0 : i32
      %dma_start3A_235 = tpu.memref_slice %arg5[%add3A_232, %dma_start3A_234] : memref<5120x128xf32, #tpu.memory_space<hbm>> -> memref<160x128xf32, #tpu.memory_space<hbm>>
      %dma_start3A_236 = arith.constant 0 : i32
      %dma_start3A_237 = tpu.memref_slice %arg24[%mul3A_227, %dma_start3A_236] : memref<2560x128xf32, #tpu.memory_space<vmem_shared>> -> memref<160x128xf32, #tpu.memory_space<vmem_shared>>
      tpu.enqueue_dma source(%dma_start3A_237 : memref<160x128xf32, #tpu.memory_space<vmem_shared>>) target(%dma_start3A_235 : memref<160x128xf32, #tpu.memory_space<hbm>>) target_semaphore(%run_scoped3A_233 : memref<!tpu.dma_semaphore, #tpu.memory_space<semaphore_mem>>)
      %dma_wait3A_238 = arith.constant 0 : i32
      %dma_wait3A_239 = tpu.memref_slice %arg5[%add3A_232, %dma_wait3A_238] : memref<5120x128xf32, #tpu.memory_space<hbm>> -> memref<160x128xf32, #tpu.memory_space<hbm>>
      %dma_wait3A_240 = arith.constant 0 : i32
      %dma_wait3A_241 = tpu.memref_slice %arg24[%mul3A_227, %dma_wait3A_240] : memref<2560x128xf32, #tpu.memory_space<vmem_shared>> -> memref<160x128xf32, #tpu.memory_space<vmem_shared>>
      tpu.wait_dma2 semaphore(%run_scoped3A_233 : memref<!tpu.dma_semaphore, #tpu.memory_space<semaphore_mem>>) src(%dma_wait3A_241 : memref<160x128xf32, #tpu.memory_space<vmem_shared>>) dst(%dma_wait3A_239 : memref<160x128xf32, #tpu.memory_space<hbm>>)
      tpu.yield
    }) : () -> ()
    return
  }
}

#map = affine_map<(d0, d1) -> (0, 0)>
#map1 = affine_map<(d0, d1) -> (0, 0, 0)>
module attributes {stable_mosaic.version = 14 : i64} {
  func.func @seg(%arg0: i32, %arg1: i32, %arg2: memref<20480x128xf32, #tpu.memory_space<hbm>>, %arg3: memref<16x40x64xi32, #tpu.memory_space<hbm>>, %arg4: memref<16x40x64xi32, #tpu.memory_space<hbm>>, %arg5: memref<5120x128xf32, #tpu.memory_space<hbm>>, %arg6: memref<40x64xi32, #tpu.memory_space<vmem>>, %arg7: memref<40x64xi32, #tpu.memory_space<vmem>>, %arg8: memref<64x128xf32, #tpu.memory_space<vmem>>, %arg9: memref<64x128xf32, #tpu.memory_space<vmem>>, %arg10: memref<64x128xf32, #tpu.memory_space<vmem>>, %arg11: memref<64x128xf32, #tpu.memory_space<vmem>>, %arg12: memref<64x128xf32, #tpu.memory_space<vmem>>, %arg13: memref<64x128xf32, #tpu.memory_space<vmem>>, %arg14: memref<64x128xf32, #tpu.memory_space<vmem>>, %arg15: memref<64x128xf32, #tpu.memory_space<vmem>>, %arg16: memref<!tpu.dma_semaphore, #tpu.memory_space<semaphore_mem>>, %arg17: memref<!tpu.dma_semaphore, #tpu.memory_space<semaphore_mem>>, %arg18: memref<!tpu.dma_semaphore, #tpu.memory_space<semaphore_mem>>, %arg19: memref<!tpu.dma_semaphore, #tpu.memory_space<semaphore_mem>>, %arg20: memref<!tpu.dma_semaphore, #tpu.memory_space<semaphore_mem>>, %arg21: memref<!tpu.dma_semaphore, #tpu.memory_space<semaphore_mem>>, %arg22: memref<!tpu.dma_semaphore, #tpu.memory_space<semaphore_mem>>, %arg23: memref<!tpu.dma_semaphore, #tpu.memory_space<semaphore_mem>>, %arg24: memref<2560x128xf32, #tpu.memory_space<vmem_shared>>) attributes {dimension_semantics = [#tpu.dimension_semantics<core_parallel>, #tpu.dimension_semantics<subcore_parallel>], iteration_bounds = array<i64: 2, 16>, scalar_prefetch = 0 : i64, scratch_operands = 19 : i64, tpu.core_type = #tpu.core_type<sc_vector_subcore>, window_params = [{transform_indices = #map}, {transform_indices = #map1}, {transform_indices = #map1}, {transform_indices = #map}]} {
    "tpu.region"() ({
      %run_scoped3A = tpu.sem_alloc : memref<!tpu.dma_semaphore, #tpu.memory_space<semaphore_mem>>
      %dma_start3A_87 = arith.constant 0 : i32
      %dma_start3A_88 = arith.constant 0 : i32
      %dma_start3A_89 = tpu.memref_slice %arg3[%arg1, %dma_start3A_87, %dma_start3A_88] : memref<16x40x64xi32, #tpu.memory_space<hbm>> -> memref<1x40x64xi32, #tpu.memory_space<hbm>>
      %dma_start3A_90 = tpu.memref_squeeze %dma_start3A_89 : memref<1x40x64xi32, #tpu.memory_space<hbm>> -> memref<40x64xi32, #tpu.memory_space<hbm>>
      %dma_start3A_91 = arith.constant 0 : i32
      %dma_start3A_92 = arith.constant 0 : i32
      %dma_start3A_93 = tpu.memref_slice %arg3[%arg1, %dma_start3A_91, %dma_start3A_92] : memref<16x40x64xi32, #tpu.memory_space<hbm>> -> memref<1x40x64xi32, #tpu.memory_space<hbm>>
      %dma_start3A_94 = tpu.memref_squeeze %dma_start3A_93 : memref<1x40x64xi32, #tpu.memory_space<hbm>> -> memref<40x64xi32, #tpu.memory_space<hbm>>
      tpu.enqueue_dma source(%dma_start3A_94 : memref<40x64xi32, #tpu.memory_space<hbm>>) target(%arg6 : memref<40x64xi32, #tpu.memory_space<vmem>>) target_semaphore(%run_scoped3A : memref<!tpu.dma_semaphore, #tpu.memory_space<semaphore_mem>>)
      %dma_wait3A = arith.constant 0 : i32
      %dma_wait3A_95 = arith.constant 0 : i32
      %dma_wait3A_96 = tpu.memref_slice %arg3[%arg1, %dma_wait3A, %dma_wait3A_95] : memref<16x40x64xi32, #tpu.memory_space<hbm>> -> memref<1x40x64xi32, #tpu.memory_space<hbm>>
      %dma_wait3A_97 = tpu.memref_squeeze %dma_wait3A_96 : memref<1x40x64xi32, #tpu.memory_space<hbm>> -> memref<40x64xi32, #tpu.memory_space<hbm>>
      %dma_wait3A_98 = arith.constant 0 : i32
      %dma_wait3A_99 = arith.constant 0 : i32
      %dma_wait3A_100 = tpu.memref_slice %arg3[%arg1, %dma_wait3A_98, %dma_wait3A_99] : memref<16x40x64xi32, #tpu.memory_space<hbm>> -> memref<1x40x64xi32, #tpu.memory_space<hbm>>
      %dma_wait3A_101 = tpu.memref_squeeze %dma_wait3A_100 : memref<1x40x64xi32, #tpu.memory_space<hbm>> -> memref<40x64xi32, #tpu.memory_space<hbm>>
      tpu.wait_dma2 semaphore(%run_scoped3A : memref<!tpu.dma_semaphore, #tpu.memory_space<semaphore_mem>>) src(%dma_wait3A_101 : memref<40x64xi32, #tpu.memory_space<hbm>>) dst(%arg6 : memref<40x64xi32, #tpu.memory_space<vmem>>)
      tpu.yield
    }) : () -> ()
    "tpu.region"() ({
      %run_scoped3A = tpu.sem_alloc : memref<!tpu.dma_semaphore, #tpu.memory_space<semaphore_mem>>
      %dma_start3A_87 = arith.constant 0 : i32
      %dma_start3A_88 = arith.constant 0 : i32
      %dma_start3A_89 = tpu.memref_slice %arg4[%arg1, %dma_start3A_87, %dma_start3A_88] : memref<16x40x64xi32, #tpu.memory_space<hbm>> -> memref<1x40x64xi32, #tpu.memory_space<hbm>>
      %dma_start3A_90 = tpu.memref_squeeze %dma_start3A_89 : memref<1x40x64xi32, #tpu.memory_space<hbm>> -> memref<40x64xi32, #tpu.memory_space<hbm>>
      %dma_start3A_91 = arith.constant 0 : i32
      %dma_start3A_92 = arith.constant 0 : i32
      %dma_start3A_93 = tpu.memref_slice %arg4[%arg1, %dma_start3A_91, %dma_start3A_92] : memref<16x40x64xi32, #tpu.memory_space<hbm>> -> memref<1x40x64xi32, #tpu.memory_space<hbm>>
      %dma_start3A_94 = tpu.memref_squeeze %dma_start3A_93 : memref<1x40x64xi32, #tpu.memory_space<hbm>> -> memref<40x64xi32, #tpu.memory_space<hbm>>
      tpu.enqueue_dma source(%dma_start3A_94 : memref<40x64xi32, #tpu.memory_space<hbm>>) target(%arg7 : memref<40x64xi32, #tpu.memory_space<vmem>>) target_semaphore(%run_scoped3A : memref<!tpu.dma_semaphore, #tpu.memory_space<semaphore_mem>>)
      %dma_wait3A = arith.constant 0 : i32
      %dma_wait3A_95 = arith.constant 0 : i32
      %dma_wait3A_96 = tpu.memref_slice %arg4[%arg1, %dma_wait3A, %dma_wait3A_95] : memref<16x40x64xi32, #tpu.memory_space<hbm>> -> memref<1x40x64xi32, #tpu.memory_space<hbm>>
      %dma_wait3A_97 = tpu.memref_squeeze %dma_wait3A_96 : memref<1x40x64xi32, #tpu.memory_space<hbm>> -> memref<40x64xi32, #tpu.memory_space<hbm>>
      %dma_wait3A_98 = arith.constant 0 : i32
      %dma_wait3A_99 = arith.constant 0 : i32
      %dma_wait3A_100 = tpu.memref_slice %arg4[%arg1, %dma_wait3A_98, %dma_wait3A_99] : memref<16x40x64xi32, #tpu.memory_space<hbm>> -> memref<1x40x64xi32, #tpu.memory_space<hbm>>
      %dma_wait3A_101 = tpu.memref_squeeze %dma_wait3A_100 : memref<1x40x64xi32, #tpu.memory_space<hbm>> -> memref<40x64xi32, #tpu.memory_space<hbm>>
      tpu.wait_dma2 semaphore(%run_scoped3A : memref<!tpu.dma_semaphore, #tpu.memory_space<semaphore_mem>>) src(%dma_wait3A_101 : memref<40x64xi32, #tpu.memory_space<hbm>>) dst(%arg7 : memref<40x64xi32, #tpu.memory_space<vmem>>)
      tpu.yield
    }) : () -> ()
    %broadcast_in_dim3A = arith.constant 0.000000e+00 : f32
    %broadcast_in_dim3A_0 = vector.broadcast %broadcast_in_dim3A : f32 to vector<16xf32>
    %scan3A = arith.constant 0 : i32
    %scan3A_1 = arith.constant 0 : i32
    %scan3A_2 = arith.constant 64 : i32
    %scan3A_3 = arith.addi %scan3A_1, %scan3A_2 : i32
    %scan3A_4 = arith.constant 1 : i32
    scf.for %scan3A_87 = %scan3A_1 to %scan3A_3 step %scan3A_4  : i32 {
      %swap3A = arith.index_cast %scan3A_87 : i32 to index
      %swap3A_88 = arith.constant 0 : index
      %swap3A_89 = tpu.vector_load %arg8[%swap3A, %swap3A_88] {strides = array<i32>} : memref<64x128xf32, #tpu.memory_space<vmem>>, vector<1x16xf32>,
      %swap3A_90 = vector.shape_cast %swap3A_89 : vector<1x16xf32> to vector<16xf32>
      %swap3A_91 = vector.shape_cast %broadcast_in_dim3A_0 : vector<16xf32> to vector<1x16xf32>
      tpu.vector_store %arg8[%swap3A, %swap3A_88], %swap3A_91 {strides = array<i32>} : memref<64x128xf32, #tpu.memory_space<vmem>>, vector<1x16xf32>,
      %swap3A_92 = arith.index_cast %scan3A_87 : i32 to index
      %swap3A_93 = arith.constant 16 : index
      %swap3A_94 = tpu.vector_load %arg8[%swap3A_92, %swap3A_93] {strides = array<i32>} : memref<64x128xf32, #tpu.memory_space<vmem>>, vector<1x16xf32>,
      %swap3A_95 = vector.shape_cast %swap3A_94 : vector<1x16xf32> to vector<16xf32>
      %swap3A_96 = vector.shape_cast %broadcast_in_dim3A_0 : vector<16xf32> to vector<1x16xf32>
      tpu.vector_store %arg8[%swap3A_92, %swap3A_93], %swap3A_96 {strides = array<i32>} : memref<64x128xf32, #tpu.memory_space<vmem>>, vector<1x16xf32>,
      %swap3A_97 = arith.index_cast %scan3A_87 : i32 to index
      %swap3A_98 = arith.constant 32 : index
      %swap3A_99 = tpu.vector_load %arg8[%swap3A_97, %swap3A_98] {strides = array<i32>} : memref<64x128xf32, #tpu.memory_space<vmem>>, vector<1x16xf32>,
      %swap3A_100 = vector.shape_cast %swap3A_99 : vector<1x16xf32> to vector<16xf32>
      %swap3A_101 = vector.shape_cast %broadcast_in_dim3A_0 : vector<16xf32> to vector<1x16xf32>
      tpu.vector_store %arg8[%swap3A_97, %swap3A_98], %swap3A_101 {strides = array<i32>} : memref<64x128xf32, #tpu.memory_space<vmem>>, vector<1x16xf32>,
      %swap3A_102 = arith.index_cast %scan3A_87 : i32 to index
      %swap3A_103 = arith.constant 48 : index
      %swap3A_104 = tpu.vector_load %arg8[%swap3A_102, %swap3A_103] {strides = array<i32>} : memref<64x128xf32, #tpu.memory_space<vmem>>, vector<1x16xf32>,
      %swap3A_105 = vector.shape_cast %swap3A_104 : vector<1x16xf32> to vector<16xf32>
      %swap3A_106 = vector.shape_cast %broadcast_in_dim3A_0 : vector<16xf32> to vector<1x16xf32>
      tpu.vector_store %arg8[%swap3A_102, %swap3A_103], %swap3A_106 {strides = array<i32>} : memref<64x128xf32, #tpu.memory_space<vmem>>, vector<1x16xf32>,
      %swap3A_107 = arith.index_cast %scan3A_87 : i32 to index
      %swap3A_108 = arith.constant 64 : index
      %swap3A_109 = tpu.vector_load %arg8[%swap3A_107, %swap3A_108] {strides = array<i32>} : memref<64x128xf32, #tpu.memory_space<vmem>>, vector<1x16xf32>,
      %swap3A_110 = vector.shape_cast %swap3A_109 : vector<1x16xf32> to vector<16xf32>
      %swap3A_111 = vector.shape_cast %broadcast_in_dim3A_0 : vector<16xf32> to vector<1x16xf32>
      tpu.vector_store %arg8[%swap3A_107, %swap3A_108], %swap3A_111 {strides = array<i32>} : memref<64x128xf32, #tpu.memory_space<vmem>>, vector<1x16xf32>,
      %swap3A_112 = arith.index_cast %scan3A_87 : i32 to index
      %swap3A_113 = arith.constant 80 : index
      %swap3A_114 = tpu.vector_load %arg8[%swap3A_112, %swap3A_113] {strides = array<i32>} : memref<64x128xf32, #tpu.memory_space<vmem>>, vector<1x16xf32>,
      %swap3A_115 = vector.shape_cast %swap3A_114 : vector<1x16xf32> to vector<16xf32>
      %swap3A_116 = vector.shape_cast %broadcast_in_dim3A_0 : vector<16xf32> to vector<1x16xf32>
      tpu.vector_store %arg8[%swap3A_112, %swap3A_113], %swap3A_116 {strides = array<i32>} : memref<64x128xf32, #tpu.memory_space<vmem>>, vector<1x16xf32>,
      %swap3A_117 = arith.index_cast %scan3A_87 : i32 to index
      %swap3A_118 = arith.constant 96 : index
      %swap3A_119 = tpu.vector_load %arg8[%swap3A_117, %swap3A_118] {strides = array<i32>} : memref<64x128xf32, #tpu.memory_space<vmem>>, vector<1x16xf32>,
      %swap3A_120 = vector.shape_cast %swap3A_119 : vector<1x16xf32> to vector<16xf32>
      %swap3A_121 = vector.shape_cast %broadcast_in_dim3A_0 : vector<16xf32> to vector<1x16xf32>
      tpu.vector_store %arg8[%swap3A_117, %swap3A_118], %swap3A_121 {strides = array<i32>} : memref<64x128xf32, #tpu.memory_space<vmem>>, vector<1x16xf32>,
      %swap3A_122 = arith.index_cast %scan3A_87 : i32 to index
      %swap3A_123 = arith.constant 112 : index
      %swap3A_124 = tpu.vector_load %arg8[%swap3A_122, %swap3A_123] {strides = array<i32>} : memref<64x128xf32, #tpu.memory_space<vmem>>, vector<1x16xf32>,
      %swap3A_125 = vector.shape_cast %swap3A_124 : vector<1x16xf32> to vector<16xf32>
      %swap3A_126 = vector.shape_cast %broadcast_in_dim3A_0 : vector<16xf32> to vector<1x16xf32>
      tpu.vector_store %arg8[%swap3A_122, %swap3A_123], %swap3A_126 {strides = array<i32>} : memref<64x128xf32, #tpu.memory_space<vmem>>, vector<1x16xf32>,
    }
    %scan3A_5 = arith.constant 64 : i32
    %mul3A = arith.constant 160 : i32
    %mul3A_6 = arith.muli %arg1, %mul3A : i32
    %add3A = arith.constant 0 : i32
    %add3A_7 = arith.addi %mul3A_6, %add3A : i32
    "tpu.region"() ({
      %run_scoped3A = tpu.sem_alloc : memref<!tpu.dma_semaphore, #tpu.memory_space<semaphore_mem>>
      %dma_start3A_87 = arith.constant 0 : i32
      %dma_start3A_88 = arith.constant 0 : i32
      %dma_start3A_89 = tpu.memref_slice %arg8[%dma_start3A_87, %dma_start3A_88] : memref<64x128xf32, #tpu.memory_space<vmem>> -> memref<64x128xf32, #tpu.memory_space<vmem>>
      %dma_start3A_90 = arith.constant 0 : i32
      %dma_start3A_91 = tpu.memref_slice %arg24[%add3A_7, %dma_start3A_90] : memref<2560x128xf32, #tpu.memory_space<vmem_shared>> -> memref<64x128xf32, #tpu.memory_space<vmem_shared>>
      %dma_start3A_92 = arith.constant 0 : i32
      %dma_start3A_93 = tpu.memref_slice %arg24[%add3A_7, %dma_start3A_92] : memref<2560x128xf32, #tpu.memory_space<vmem_shared>> -> memref<64x128xf32, #tpu.memory_space<vmem_shared>>
      %dma_start3A_94 = arith.constant 0 : i32
      %dma_start3A_95 = arith.constant 0 : i32
      %dma_start3A_96 = tpu.memref_slice %arg8[%dma_start3A_94, %dma_start3A_95] : memref<64x128xf32, #tpu.memory_space<vmem>> -> memref<64x128xf32, #tpu.memory_space<vmem>>
      tpu.enqueue_dma source(%dma_start3A_96 : memref<64x128xf32, #tpu.memory_space<vmem>>) target(%dma_start3A_93 : memref<64x128xf32, #tpu.memory_space<vmem_shared>>) target_semaphore(%run_scoped3A : memref<!tpu.dma_semaphore, #tpu.memory_space<semaphore_mem>>)
      %dma_wait3A = arith.constant 0 : i32
      %dma_wait3A_97 = arith.constant 0 : i32
      %dma_wait3A_98 = tpu.memref_slice %arg8[%dma_wait3A, %dma_wait3A_97] : memref<64x128xf32, #tpu.memory_space<vmem>> -> memref<64x128xf32, #tpu.memory_space<vmem>>
      %dma_wait3A_99 = arith.constant 0 : i32
      %dma_wait3A_100 = tpu.memref_slice %arg24[%add3A_7, %dma_wait3A_99] : memref<2560x128xf32, #tpu.memory_space<vmem_shared>> -> memref<64x128xf32, #tpu.memory_space<vmem_shared>>
      %dma_wait3A_101 = arith.constant 0 : i32
      %dma_wait3A_102 = tpu.memref_slice %arg24[%add3A_7, %dma_wait3A_101] : memref<2560x128xf32, #tpu.memory_space<vmem_shared>> -> memref<64x128xf32, #tpu.memory_space<vmem_shared>>
      %dma_wait3A_103 = arith.constant 0 : i32
      %dma_wait3A_104 = arith.constant 0 : i32
      %dma_wait3A_105 = tpu.memref_slice %arg8[%dma_wait3A_103, %dma_wait3A_104] : memref<64x128xf32, #tpu.memory_space<vmem>> -> memref<64x128xf32, #tpu.memory_space<vmem>>
      tpu.wait_dma2 semaphore(%run_scoped3A : memref<!tpu.dma_semaphore, #tpu.memory_space<semaphore_mem>>) src(%dma_wait3A_105 : memref<64x128xf32, #tpu.memory_space<vmem>>) dst(%dma_wait3A_102 : memref<64x128xf32, #tpu.memory_space<vmem_shared>>)
      tpu.yield
    }) : () -> ()
    %mul3A_8 = arith.constant 160 : i32
    %mul3A_9 = arith.muli %arg1, %mul3A_8 : i32
    %add3A_10 = arith.constant 64 : i32
    %add3A_11 = arith.addi %mul3A_9, %add3A_10 : i32
    "tpu.region"() ({
      %run_scoped3A = tpu.sem_alloc : memref<!tpu.dma_semaphore, #tpu.memory_space<semaphore_mem>>
      %dma_start3A_87 = arith.constant 0 : i32
      %dma_start3A_88 = arith.constant 0 : i32
      %dma_start3A_89 = tpu.memref_slice %arg8[%dma_start3A_87, %dma_start3A_88] : memref<64x128xf32, #tpu.memory_space<vmem>> -> memref<64x128xf32, #tpu.memory_space<vmem>>
      %dma_start3A_90 = arith.constant 0 : i32
      %dma_start3A_91 = tpu.memref_slice %arg24[%add3A_11, %dma_start3A_90] : memref<2560x128xf32, #tpu.memory_space<vmem_shared>> -> memref<64x128xf32, #tpu.memory_space<vmem_shared>>
      %dma_start3A_92 = arith.constant 0 : i32
      %dma_start3A_93 = tpu.memref_slice %arg24[%add3A_11, %dma_start3A_92] : memref<2560x128xf32, #tpu.memory_space<vmem_shared>> -> memref<64x128xf32, #tpu.memory_space<vmem_shared>>
      %dma_start3A_94 = arith.constant 0 : i32
      %dma_start3A_95 = arith.constant 0 : i32
      %dma_start3A_96 = tpu.memref_slice %arg8[%dma_start3A_94, %dma_start3A_95] : memref<64x128xf32, #tpu.memory_space<vmem>> -> memref<64x128xf32, #tpu.memory_space<vmem>>
      tpu.enqueue_dma source(%dma_start3A_96 : memref<64x128xf32, #tpu.memory_space<vmem>>) target(%dma_start3A_93 : memref<64x128xf32, #tpu.memory_space<vmem_shared>>) target_semaphore(%run_scoped3A : memref<!tpu.dma_semaphore, #tpu.memory_space<semaphore_mem>>)
      %dma_wait3A = arith.constant 0 : i32
      %dma_wait3A_97 = arith.constant 0 : i32
      %dma_wait3A_98 = tpu.memref_slice %arg8[%dma_wait3A, %dma_wait3A_97] : memref<64x128xf32, #tpu.memory_space<vmem>> -> memref<64x128xf32, #tpu.memory_space<vmem>>
      %dma_wait3A_99 = arith.constant 0 : i32
      %dma_wait3A_100 = tpu.memref_slice %arg24[%add3A_11, %dma_wait3A_99] : memref<2560x128xf32, #tpu.memory_space<vmem_shared>> -> memref<64x128xf32, #tpu.memory_space<vmem_shared>>
      %dma_wait3A_101 = arith.constant 0 : i32
      %dma_wait3A_102 = tpu.memref_slice %arg24[%add3A_11, %dma_wait3A_101] : memref<2560x128xf32, #tpu.memory_space<vmem_shared>> -> memref<64x128xf32, #tpu.memory_space<vmem_shared>>
      %dma_wait3A_103 = arith.constant 0 : i32
      %dma_wait3A_104 = arith.constant 0 : i32
      %dma_wait3A_105 = tpu.memref_slice %arg8[%dma_wait3A_103, %dma_wait3A_104] : memref<64x128xf32, #tpu.memory_space<vmem>> -> memref<64x128xf32, #tpu.memory_space<vmem>>
      tpu.wait_dma2 semaphore(%run_scoped3A : memref<!tpu.dma_semaphore, #tpu.memory_space<semaphore_mem>>) src(%dma_wait3A_105 : memref<64x128xf32, #tpu.memory_space<vmem>>) dst(%dma_wait3A_102 : memref<64x128xf32, #tpu.memory_space<vmem_shared>>)
      tpu.yield
    }) : () -> ()
    %mul3A_12 = arith.constant 160 : i32
    %mul3A_13 = arith.muli %arg1, %mul3A_12 : i32
    %add3A_14 = arith.constant 128 : i32
    %add3A_15 = arith.addi %mul3A_13, %add3A_14 : i32
    "tpu.region"() ({
      %run_scoped3A = tpu.sem_alloc : memref<!tpu.dma_semaphore, #tpu.memory_space<semaphore_mem>>
      %dma_start3A_87 = arith.constant 0 : i32
      %dma_start3A_88 = arith.constant 0 : i32
      %dma_start3A_89 = tpu.memref_slice %arg8[%dma_start3A_87, %dma_start3A_88] : memref<64x128xf32, #tpu.memory_space<vmem>> -> memref<32x128xf32, #tpu.memory_space<vmem>>
      %dma_start3A_90 = arith.constant 0 : i32
      %dma_start3A_91 = tpu.memref_slice %arg24[%add3A_15, %dma_start3A_90] : memref<2560x128xf32, #tpu.memory_space<vmem_shared>> -> memref<32x128xf32, #tpu.memory_space<vmem_shared>>
      %dma_start3A_92 = arith.constant 0 : i32
      %dma_start3A_93 = tpu.memref_slice %arg24[%add3A_15, %dma_start3A_92] : memref<2560x128xf32, #tpu.memory_space<vmem_shared>> -> memref<32x128xf32, #tpu.memory_space<vmem_shared>>
      %dma_start3A_94 = arith.constant 0 : i32
      %dma_start3A_95 = arith.constant 0 : i32
      %dma_start3A_96 = tpu.memref_slice %arg8[%dma_start3A_94, %dma_start3A_95] : memref<64x128xf32, #tpu.memory_space<vmem>> -> memref<32x128xf32, #tpu.memory_space<vmem>>
      tpu.enqueue_dma source(%dma_start3A_96 : memref<32x128xf32, #tpu.memory_space<vmem>>) target(%dma_start3A_93 : memref<32x128xf32, #tpu.memory_space<vmem_shared>>) target_semaphore(%run_scoped3A : memref<!tpu.dma_semaphore, #tpu.memory_space<semaphore_mem>>)
      %dma_wait3A = arith.constant 0 : i32
      %dma_wait3A_97 = arith.constant 0 : i32
      %dma_wait3A_98 = tpu.memref_slice %arg8[%dma_wait3A, %dma_wait3A_97] : memref<64x128xf32, #tpu.memory_space<vmem>> -> memref<32x128xf32, #tpu.memory_space<vmem>>
      %dma_wait3A_99 = arith.constant 0 : i32
      %dma_wait3A_100 = tpu.memref_slice %arg24[%add3A_15, %dma_wait3A_99] : memref<2560x128xf32, #tpu.memory_space<vmem_shared>> -> memref<32x128xf32, #tpu.memory_space<vmem_shared>>
      %dma_wait3A_101 = arith.constant 0 : i32
      %dma_wait3A_102 = tpu.memref_slice %arg24[%add3A_15, %dma_wait3A_101] : memref<2560x128xf32, #tpu.memory_space<vmem_shared>> -> memref<32x128xf32, #tpu.memory_space<vmem_shared>>
      %dma_wait3A_103 = arith.constant 0 : i32
      %dma_wait3A_104 = arith.constant 0 : i32
      %dma_wait3A_105 = tpu.memref_slice %arg8[%dma_wait3A_103, %dma_wait3A_104] : memref<64x128xf32, #tpu.memory_space<vmem>> -> memref<32x128xf32, #tpu.memory_space<vmem>>
      tpu.wait_dma2 semaphore(%run_scoped3A : memref<!tpu.dma_semaphore, #tpu.memory_space<semaphore_mem>>) src(%dma_wait3A_105 : memref<32x128xf32, #tpu.memory_space<vmem>>) dst(%dma_wait3A_102 : memref<32x128xf32, #tpu.memory_space<vmem_shared>>)
      tpu.yield
    }) : () -> ()
    %eq3A = arith.constant 1 : i32
    %eq3A_16 = arith.cmpi eq, %arg0, %eq3A : i32
    %convert_element_type3A = arith.extui %eq3A_16 : i1 to i32
    %cond3A = arith.constant 0 : i32
    %cond3A_17 = arith.cmpi ne, %convert_element_type3A, %cond3A : i32
    scf.if %cond3A_17 {
      %scan3A_87 = arith.constant 0 : i32
      %scan3A_88 = arith.constant 0 : i32
      %scan3A_89 = arith.constant 40 : i32
      %scan3A_90 = arith.addi %scan3A_88, %scan3A_89 : i32
      %scan3A_91 = arith.constant 1 : i32
      scf.for %scan3A_93 = %scan3A_88 to %scan3A_90 step %scan3A_91  : i32 {
        %get3A = arith.index_cast %scan3A_93 : i32 to index
        %get3A_94 = arith.constant 0 : index
        %get3A_95 = tpu.vector_load %arg6[%get3A, %get3A_94] {strides = array<i32>} : memref<40x64xi32, #tpu.memory_space<vmem>>, vector<1x16xi32>,
        %get3A_96 = vector.shape_cast %get3A_95 : vector<1x16xi32> to vector<16xi32>
        %add3A_97 = arith.constant 10240 : i32
        %add3A_98 = vector.broadcast %add3A_97 : i32 to vector<16xi32>
        %add3A_99 = arith.addi %get3A_96, %add3A_98 : vector<16xi32>
        %swap3A = arith.index_cast %scan3A_93 : i32 to index
        %swap3A_100 = arith.constant 0 : index
        %swap3A_101 = tpu.vector_load %arg6[%swap3A, %swap3A_100] {strides = array<i32>} : memref<40x64xi32, #tpu.memory_space<vmem>>, vector<1x16xi32>,
        %swap3A_102 = vector.shape_cast %swap3A_101 : vector<1x16xi32> to vector<16xi32>
        %swap3A_103 = vector.shape_cast %add3A_99 : vector<16xi32> to vector<1x16xi32>
        tpu.vector_store %arg6[%swap3A, %swap3A_100], %swap3A_103 {strides = array<i32>} : memref<40x64xi32, #tpu.memory_space<vmem>>, vector<1x16xi32>,
        %get3A_104 = arith.index_cast %scan3A_93 : i32 to index
        %get3A_105 = arith.constant 16 : index
        %get3A_106 = tpu.vector_load %arg6[%get3A_104, %get3A_105] {strides = array<i32>} : memref<40x64xi32, #tpu.memory_space<vmem>>, vector<1x16xi32>,
        %get3A_107 = vector.shape_cast %get3A_106 : vector<1x16xi32> to vector<16xi32>
        %add3A_108 = arith.constant 10240 : i32
        %add3A_109 = vector.broadcast %add3A_108 : i32 to vector<16xi32>
        %add3A_110 = arith.addi %get3A_107, %add3A_109 : vector<16xi32>
        %swap3A_111 = arith.index_cast %scan3A_93 : i32 to index
        %swap3A_112 = arith.constant 16 : index
        %swap3A_113 = tpu.vector_load %arg6[%swap3A_111, %swap3A_112] {strides = array<i32>} : memref<40x64xi32, #tpu.memory_space<vmem>>, vector<1x16xi32>,
        %swap3A_114 = vector.shape_cast %swap3A_113 : vector<1x16xi32> to vector<16xi32>
        %swap3A_115 = vector.shape_cast %add3A_110 : vector<16xi32> to vector<1x16xi32>
        tpu.vector_store %arg6[%swap3A_111, %swap3A_112], %swap3A_115 {strides = array<i32>} : memref<40x64xi32, #tpu.memory_space<vmem>>, vector<1x16xi32>,
        %get3A_116 = arith.index_cast %scan3A_93 : i32 to index
        %get3A_117 = arith.constant 32 : index
        %get3A_118 = tpu.vector_load %arg6[%get3A_116, %get3A_117] {strides = array<i32>} : memref<40x64xi32, #tpu.memory_space<vmem>>, vector<1x16xi32>,
        %get3A_119 = vector.shape_cast %get3A_118 : vector<1x16xi32> to vector<16xi32>
        %add3A_120 = arith.constant 10240 : i32
        %add3A_121 = vector.broadcast %add3A_120 : i32 to vector<16xi32>
        %add3A_122 = arith.addi %get3A_119, %add3A_121 : vector<16xi32>
        %swap3A_123 = arith.index_cast %scan3A_93 : i32 to index
        %swap3A_124 = arith.constant 32 : index
        %swap3A_125 = tpu.vector_load %arg6[%swap3A_123, %swap3A_124] {strides = array<i32>} : memref<40x64xi32, #tpu.memory_space<vmem>>, vector<1x16xi32>,
        %swap3A_126 = vector.shape_cast %swap3A_125 : vector<1x16xi32> to vector<16xi32>
        %swap3A_127 = vector.shape_cast %add3A_122 : vector<16xi32> to vector<1x16xi32>
        tpu.vector_store %arg6[%swap3A_123, %swap3A_124], %swap3A_127 {strides = array<i32>} : memref<40x64xi32, #tpu.memory_space<vmem>>, vector<1x16xi32>,
        %get3A_128 = arith.index_cast %scan3A_93 : i32 to index
        %get3A_129 = arith.constant 48 : index
        %get3A_130 = tpu.vector_load %arg6[%get3A_128, %get3A_129] {strides = array<i32>} : memref<40x64xi32, #tpu.memory_space<vmem>>, vector<1x16xi32>,
        %get3A_131 = vector.shape_cast %get3A_130 : vector<1x16xi32> to vector<16xi32>
        %add3A_132 = arith.constant 10240 : i32
        %add3A_133 = vector.broadcast %add3A_132 : i32 to vector<16xi32>
        %add3A_134 = arith.addi %get3A_131, %add3A_133 : vector<16xi32>
        %swap3A_135 = arith.index_cast %scan3A_93 : i32 to index
        %swap3A_136 = arith.constant 48 : index
        %swap3A_137 = tpu.vector_load %arg6[%swap3A_135, %swap3A_136] {strides = array<i32>} : memref<40x64xi32, #tpu.memory_space<vmem>>, vector<1x16xi32>,
        %swap3A_138 = vector.shape_cast %swap3A_137 : vector<1x16xi32> to vector<16xi32>
        %swap3A_139 = vector.shape_cast %add3A_134 : vector<16xi32> to vector<1x16xi32>
        tpu.vector_store %arg6[%swap3A_135, %swap3A_136], %swap3A_139 {strides = array<i32>} : memref<40x64xi32, #tpu.memory_space<vmem>>, vector<1x16xi32>,
      }
      %scan3A_92 = arith.constant 40 : i32
    } else {
    }
    %barrier3A = arith.constant 0 : index
    tpu.barrier barrier_id(%barrier3A)
    %dma_start3A = arith.constant 0 : i32
    %dma_start3A_18 = arith.constant 0 : i32
    %dma_start3A_19 = tpu.memref_slice %arg6[%dma_start3A, %dma_start3A_18] : memref<40x64xi32, #tpu.memory_space<vmem>> -> memref<1x64xi32, #tpu.memory_space<vmem>>
    %dma_start3A_20 = tpu.memref_squeeze %dma_start3A_19 : memref<1x64xi32, #tpu.memory_space<vmem>> -> memref<64xi32, #tpu.memory_space<vmem>>
    %dma_start3A_21 = arith.constant 0 : i32
    %dma_start3A_22 = arith.constant 0 : i32
    %dma_start3A_23 = tpu.memref_slice %arg2[%dma_start3A_21, %dma_start3A_22] : memref<20480x128xf32, #tpu.memory_space<hbm>> -> memref<20480x128xf32, #tpu.memory_space<hbm>>
    tpu.enqueue_indirect_dma source(%dma_start3A_23 : memref<20480x128xf32, #tpu.memory_space<hbm>>) target(%arg8 : memref<64x128xf32, #tpu.memory_space<vmem>>) offsets(%dma_start3A_20 : memref<64xi32, #tpu.memory_space<vmem>>) semaphore(%arg16 : memref<!tpu.dma_semaphore, #tpu.memory_space<semaphore_mem>>)
    %dma_start3A_24 = arith.constant 1 : i32
    %dma_start3A_25 = arith.constant 0 : i32
    %dma_start3A_26 = tpu.memref_slice %arg6[%dma_start3A_24, %dma_start3A_25] : memref<40x64xi32, #tpu.memory_space<vmem>> -> memref<1x64xi32, #tpu.memory_space<vmem>>
    %dma_start3A_27 = tpu.memref_squeeze %dma_start3A_26 : memref<1x64xi32, #tpu.memory_space<vmem>> -> memref<64xi32, #tpu.memory_space<vmem>>
    %dma_start3A_28 = arith.constant 0 : i32
    %dma_start3A_29 = arith.constant 0 : i32
    %dma_start3A_30 = tpu.memref_slice %arg2[%dma_start3A_28, %dma_start3A_29] : memref<20480x128xf32, #tpu.memory_space<hbm>> -> memref<20480x128xf32, #tpu.memory_space<hbm>>
    tpu.enqueue_indirect_dma source(%dma_start3A_30 : memref<20480x128xf32, #tpu.memory_space<hbm>>) target(%arg9 : memref<64x128xf32, #tpu.memory_space<vmem>>) offsets(%dma_start3A_27 : memref<64xi32, #tpu.memory_space<vmem>>) semaphore(%arg17 : memref<!tpu.dma_semaphore, #tpu.memory_space<semaphore_mem>>)
    %dma_start3A_31 = arith.constant 2 : i32
    %dma_start3A_32 = arith.constant 0 : i32
    %dma_start3A_33 = tpu.memref_slice %arg6[%dma_start3A_31, %dma_start3A_32] : memref<40x64xi32, #tpu.memory_space<vmem>> -> memref<1x64xi32, #tpu.memory_space<vmem>>
    %dma_start3A_34 = tpu.memref_squeeze %dma_start3A_33 : memref<1x64xi32, #tpu.memory_space<vmem>> -> memref<64xi32, #tpu.memory_space<vmem>>
    %dma_start3A_35 = arith.constant 0 : i32
    %dma_start3A_36 = arith.constant 0 : i32
    %dma_start3A_37 = tpu.memref_slice %arg2[%dma_start3A_35, %dma_start3A_36] : memref<20480x128xf32, #tpu.memory_space<hbm>> -> memref<20480x128xf32, #tpu.memory_space<hbm>>
    tpu.enqueue_indirect_dma source(%dma_start3A_37 : memref<20480x128xf32, #tpu.memory_space<hbm>>) target(%arg10 : memref<64x128xf32, #tpu.memory_space<vmem>>) offsets(%dma_start3A_34 : memref<64xi32, #tpu.memory_space<vmem>>) semaphore(%arg18 : memref<!tpu.dma_semaphore, #tpu.memory_space<semaphore_mem>>)
    %dma_start3A_38 = arith.constant 3 : i32
    %dma_start3A_39 = arith.constant 0 : i32
    %dma_start3A_40 = tpu.memref_slice %arg6[%dma_start3A_38, %dma_start3A_39] : memref<40x64xi32, #tpu.memory_space<vmem>> -> memref<1x64xi32, #tpu.memory_space<vmem>>
    %dma_start3A_41 = tpu.memref_squeeze %dma_start3A_40 : memref<1x64xi32, #tpu.memory_space<vmem>> -> memref<64xi32, #tpu.memory_space<vmem>>
    %dma_start3A_42 = arith.constant 0 : i32
    %dma_start3A_43 = arith.constant 0 : i32
    %dma_start3A_44 = tpu.memref_slice %arg2[%dma_start3A_42, %dma_start3A_43] : memref<20480x128xf32, #tpu.memory_space<hbm>> -> memref<20480x128xf32, #tpu.memory_space<hbm>>
    tpu.enqueue_indirect_dma source(%dma_start3A_44 : memref<20480x128xf32, #tpu.memory_space<hbm>>) target(%arg11 : memref<64x128xf32, #tpu.memory_space<vmem>>) offsets(%dma_start3A_41 : memref<64xi32, #tpu.memory_space<vmem>>) semaphore(%arg19 : memref<!tpu.dma_semaphore, #tpu.memory_space<semaphore_mem>>)
    %dma_start3A_45 = arith.constant 4 : i32
    %dma_start3A_46 = arith.constant 0 : i32
    %dma_start3A_47 = tpu.memref_slice %arg6[%dma_start3A_45, %dma_start3A_46] : memref<40x64xi32, #tpu.memory_space<vmem>> -> memref<1x64xi32, #tpu.memory_space<vmem>>
    %dma_start3A_48 = tpu.memref_squeeze %dma_start3A_47 : memref<1x64xi32, #tpu.memory_space<vmem>> -> memref<64xi32, #tpu.memory_space<vmem>>
    %dma_start3A_49 = arith.constant 0 : i32
    %dma_start3A_50 = arith.constant 0 : i32
    %dma_start3A_51 = tpu.memref_slice %arg2[%dma_start3A_49, %dma_start3A_50] : memref<20480x128xf32, #tpu.memory_space<hbm>> -> memref<20480x128xf32, #tpu.memory_space<hbm>>
    tpu.enqueue_indirect_dma source(%dma_start3A_51 : memref<20480x128xf32, #tpu.memory_space<hbm>>) target(%arg12 : memref<64x128xf32, #tpu.memory_space<vmem>>) offsets(%dma_start3A_48 : memref<64xi32, #tpu.memory_space<vmem>>) semaphore(%arg20 : memref<!tpu.dma_semaphore, #tpu.memory_space<semaphore_mem>>)
    %dma_start3A_52 = arith.constant 5 : i32
    %dma_start3A_53 = arith.constant 0 : i32
    %dma_start3A_54 = tpu.memref_slice %arg6[%dma_start3A_52, %dma_start3A_53] : memref<40x64xi32, #tpu.memory_space<vmem>> -> memref<1x64xi32, #tpu.memory_space<vmem>>
    %dma_start3A_55 = tpu.memref_squeeze %dma_start3A_54 : memref<1x64xi32, #tpu.memory_space<vmem>> -> memref<64xi32, #tpu.memory_space<vmem>>
    %dma_start3A_56 = arith.constant 0 : i32
    %dma_start3A_57 = arith.constant 0 : i32
    %dma_start3A_58 = tpu.memref_slice %arg2[%dma_start3A_56, %dma_start3A_57] : memref<20480x128xf32, #tpu.memory_space<hbm>> -> memref<20480x128xf32, #tpu.memory_space<hbm>>
    tpu.enqueue_indirect_dma source(%dma_start3A_58 : memref<20480x128xf32, #tpu.memory_space<hbm>>) target(%arg13 : memref<64x128xf32, #tpu.memory_space<vmem>>) offsets(%dma_start3A_55 : memref<64xi32, #tpu.memory_space<vmem>>) semaphore(%arg21 : memref<!tpu.dma_semaphore, #tpu.memory_space<semaphore_mem>>)
    %dma_start3A_59 = arith.constant 6 : i32
    %dma_start3A_60 = arith.constant 0 : i32
    %dma_start3A_61 = tpu.memref_slice %arg6[%dma_start3A_59, %dma_start3A_60] : memref<40x64xi32, #tpu.memory_space<vmem>> -> memref<1x64xi32, #tpu.memory_space<vmem>>
    %dma_start3A_62 = tpu.memref_squeeze %dma_start3A_61 : memref<1x64xi32, #tpu.memory_space<vmem>> -> memref<64xi32, #tpu.memory_space<vmem>>
    %dma_start3A_63 = arith.constant 0 : i32
    %dma_start3A_64 = arith.constant 0 : i32
    %dma_start3A_65 = tpu.memref_slice %arg2[%dma_start3A_63, %dma_start3A_64] : memref<20480x128xf32, #tpu.memory_space<hbm>> -> memref<20480x128xf32, #tpu.memory_space<hbm>>
    tpu.enqueue_indirect_dma source(%dma_start3A_65 : memref<20480x128xf32, #tpu.memory_space<hbm>>) target(%arg14 : memref<64x128xf32, #tpu.memory_space<vmem>>) offsets(%dma_start3A_62 : memref<64xi32, #tpu.memory_space<vmem>>) semaphore(%arg22 : memref<!tpu.dma_semaphore, #tpu.memory_space<semaphore_mem>>)
    %dma_start3A_66 = arith.constant 7 : i32
    %dma_start3A_67 = arith.constant 0 : i32
    %dma_start3A_68 = tpu.memref_slice %arg6[%dma_start3A_66, %dma_start3A_67] : memref<40x64xi32, #tpu.memory_space<vmem>> -> memref<1x64xi32, #tpu.memory_space<vmem>>
    %dma_start3A_69 = tpu.memref_squeeze %dma_start3A_68 : memref<1x64xi32, #tpu.memory_space<vmem>> -> memref<64xi32, #tpu.memory_space<vmem>>
    %dma_start3A_70 = arith.constant 0 : i32
    %dma_start3A_71 = arith.constant 0 : i32
    %dma_start3A_72 = tpu.memref_slice %arg2[%dma_start3A_70, %dma_start3A_71] : memref<20480x128xf32, #tpu.memory_space<hbm>> -> memref<20480x128xf32, #tpu.memory_space<hbm>>
    tpu.enqueue_indirect_dma source(%dma_start3A_72 : memref<20480x128xf32, #tpu.memory_space<hbm>>) target(%arg15 : memref<64x128xf32, #tpu.memory_space<vmem>>) offsets(%dma_start3A_69 : memref<64xi32, #tpu.memory_space<vmem>>) semaphore(%arg23 : memref<!tpu.dma_semaphore, #tpu.memory_space<semaphore_mem>>)
    %scan3A_73 = arith.constant 0 : i32
    %scan3A_74 = arith.constant 0 : i32
    %scan3A_75 = arith.constant 5 : i32
    %scan3A_76 = arith.addi %scan3A_74, %scan3A_75 : i32
    %scan3A_77 = arith.constant 1 : i32
    scf.for %scan3A_87 = %scan3A_74 to %scan3A_76 step %scan3A_77  : i32 {
      %mul3A_88 = arith.constant 8 : i32
      %mul3A_89 = arith.muli %scan3A_87, %mul3A_88 : i32
      %add3A_90 = arith.constant 0 : i32
      %add3A_91 = arith.addi %mul3A_89, %add3A_90 : i32
      %dma_wait3A = arith.constant 0 : i32
      %dma_wait3A_92 = tpu.memref_slice %arg6[%add3A_91, %dma_wait3A] : memref<40x64xi32, #tpu.memory_space<vmem>> -> memref<1x64xi32, #tpu.memory_space<vmem>>
      %dma_wait3A_93 = tpu.memref_squeeze %dma_wait3A_92 : memref<1x64xi32, #tpu.memory_space<vmem>> -> memref<64xi32, #tpu.memory_space<vmem>>
      %dma_wait3A_94 = arith.constant 0 : i32
      %dma_wait3A_95 = arith.constant 0 : i32
      %dma_wait3A_96 = tpu.memref_slice %arg2[%dma_wait3A_94, %dma_wait3A_95] : memref<20480x128xf32, #tpu.memory_space<hbm>> -> memref<20480x128xf32, #tpu.memory_space<hbm>>
      tpu.wait_indirect_dma semaphore(%arg16 : memref<!tpu.dma_semaphore, #tpu.memory_space<semaphore_mem>>) src(%dma_wait3A_96 : memref<20480x128xf32, #tpu.memory_space<hbm>>) dst(%arg8 : memref<64x128xf32, #tpu.memory_space<vmem>>)
      "tpu.region"() ({
        %run_scoped3A = tpu.sem_alloc : memref<!tpu.dma_semaphore, #tpu.memory_space<semaphore_mem>>
        %dma_start3A_222 = arith.constant 0 : i32
        %dma_start3A_223 = tpu.memref_slice %arg7[%add3A_91, %dma_start3A_222] : memref<40x64xi32, #tpu.memory_space<vmem>> -> memref<1x64xi32, #tpu.memory_space<vmem>>
        %dma_start3A_224 = tpu.memref_squeeze %dma_start3A_223 : memref<1x64xi32, #tpu.memory_space<vmem>> -> memref<64xi32, #tpu.memory_space<vmem>>
        %dma_start3A_225 = arith.constant 0 : i32
        %dma_start3A_226 = arith.constant 0 : i32
        %dma_start3A_227 = tpu.memref_slice %arg24[%dma_start3A_225, %dma_start3A_226] : memref<2560x128xf32, #tpu.memory_space<vmem_shared>> -> memref<2560x128xf32, #tpu.memory_space<vmem_shared>>
        tpu.enqueue_indirect_dma source(%arg8 : memref<64x128xf32, #tpu.memory_space<vmem>>) target(%dma_start3A_227 : memref<2560x128xf32, #tpu.memory_space<vmem_shared>>) offsets(%dma_start3A_224 : memref<64xi32, #tpu.memory_space<vmem>>) semaphore(%run_scoped3A : memref<!tpu.dma_semaphore, #tpu.memory_space<semaphore_mem>>) {add = true}
        %dma_wait3A_228 = arith.constant 0 : i32
        %dma_wait3A_229 = tpu.memref_slice %arg7[%add3A_91, %dma_wait3A_228] : memref<40x64xi32, #tpu.memory_space<vmem>> -> memref<1x64xi32, #tpu.memory_space<vmem>>
        %dma_wait3A_230 = tpu.memref_squeeze %dma_wait3A_229 : memref<1x64xi32, #tpu.memory_space<vmem>> -> memref<64xi32, #tpu.memory_space<vmem>>
        %dma_wait3A_231 = arith.constant 0 : i32
        %dma_wait3A_232 = arith.constant 0 : i32
        %dma_wait3A_233 = tpu.memref_slice %arg24[%dma_wait3A_231, %dma_wait3A_232] : memref<2560x128xf32, #tpu.memory_space<vmem_shared>> -> memref<2560x128xf32, #tpu.memory_space<vmem_shared>>
        tpu.wait_indirect_dma semaphore(%run_scoped3A : memref<!tpu.dma_semaphore, #tpu.memory_space<semaphore_mem>>) src(%arg8 : memref<64x128xf32, #tpu.memory_space<vmem>>) dst(%dma_wait3A_233 : memref<2560x128xf32, #tpu.memory_space<vmem_shared>>)
        tpu.yield
      }) : () -> ()
      %add3A_97 = arith.constant 8 : i32
      %add3A_98 = arith.addi %add3A_91, %add3A_97 : i32
      %lt3A = arith.constant 40 : i32
      %lt3A_99 = arith.cmpi slt, %add3A_98, %lt3A : i32
      %convert_element_type3A_100 = arith.extui %lt3A_99 : i1 to i32
      %cond3A_101 = arith.constant 0 : i32
      %cond3A_102 = arith.cmpi ne, %convert_element_type3A_100, %cond3A_101 : i32
      scf.if %cond3A_102 {
        %add3A_222 = arith.constant 8 : i32
        %add3A_223 = arith.addi %add3A_91, %add3A_222 : i32
        %dma_start3A_224 = arith.constant 0 : i32
        %dma_start3A_225 = tpu.memref_slice %arg6[%add3A_223, %dma_start3A_224] : memref<40x64xi32, #tpu.memory_space<vmem>> -> memref<1x64xi32, #tpu.memory_space<vmem>>
        %dma_start3A_226 = tpu.memref_squeeze %dma_start3A_225 : memref<1x64xi32, #tpu.memory_space<vmem>> -> memref<64xi32, #tpu.memory_space<vmem>>
        %dma_start3A_227 = arith.constant 0 : i32
        %dma_start3A_228 = arith.constant 0 : i32
        %dma_start3A_229 = tpu.memref_slice %arg2[%dma_start3A_227, %dma_start3A_228] : memref<20480x128xf32, #tpu.memory_space<hbm>> -> memref<20480x128xf32, #tpu.memory_space<hbm>>
        tpu.enqueue_indirect_dma source(%dma_start3A_229 : memref<20480x128xf32, #tpu.memory_space<hbm>>) target(%arg8 : memref<64x128xf32, #tpu.memory_space<vmem>>) offsets(%dma_start3A_226 : memref<64xi32, #tpu.memory_space<vmem>>) semaphore(%arg16 : memref<!tpu.dma_semaphore, #tpu.memory_space<semaphore_mem>>)
      } else {
      }
      %mul3A_103 = arith.constant 8 : i32
      %mul3A_104 = arith.muli %scan3A_87, %mul3A_103 : i32
      %add3A_105 = arith.constant 1 : i32
      %add3A_106 = arith.addi %mul3A_104, %add3A_105 : i32
      %dma_wait3A_107 = arith.constant 0 : i32
      %dma_wait3A_108 = tpu.memref_slice %arg6[%add3A_106, %dma_wait3A_107] : memref<40x64xi32, #tpu.memory_space<vmem>> -> memref<1x64xi32, #tpu.memory_space<vmem>>
      %dma_wait3A_109 = tpu.memref_squeeze %dma_wait3A_108 : memref<1x64xi32, #tpu.memory_space<vmem>> -> memref<64xi32, #tpu.memory_space<vmem>>
      %dma_wait3A_110 = arith.constant 0 : i32
      %dma_wait3A_111 = arith.constant 0 : i32
      %dma_wait3A_112 = tpu.memref_slice %arg2[%dma_wait3A_110, %dma_wait3A_111] : memref<20480x128xf32, #tpu.memory_space<hbm>> -> memref<20480x128xf32, #tpu.memory_space<hbm>>
      tpu.wait_indirect_dma semaphore(%arg17 : memref<!tpu.dma_semaphore, #tpu.memory_space<semaphore_mem>>) src(%dma_wait3A_112 : memref<20480x128xf32, #tpu.memory_space<hbm>>) dst(%arg9 : memref<64x128xf32, #tpu.memory_space<vmem>>)
      "tpu.region"() ({
        %run_scoped3A = tpu.sem_alloc : memref<!tpu.dma_semaphore, #tpu.memory_space<semaphore_mem>>
        %dma_start3A_222 = arith.constant 0 : i32
        %dma_start3A_223 = tpu.memref_slice %arg7[%add3A_106, %dma_start3A_222] : memref<40x64xi32, #tpu.memory_space<vmem>> -> memref<1x64xi32, #tpu.memory_space<vmem>>
        %dma_start3A_224 = tpu.memref_squeeze %dma_start3A_223 : memref<1x64xi32, #tpu.memory_space<vmem>> -> memref<64xi32, #tpu.memory_space<vmem>>
        %dma_start3A_225 = arith.constant 0 : i32
        %dma_start3A_226 = arith.constant 0 : i32
        %dma_start3A_227 = tpu.memref_slice %arg24[%dma_start3A_225, %dma_start3A_226] : memref<2560x128xf32, #tpu.memory_space<vmem_shared>> -> memref<2560x128xf32, #tpu.memory_space<vmem_shared>>
        tpu.enqueue_indirect_dma source(%arg9 : memref<64x128xf32, #tpu.memory_space<vmem>>) target(%dma_start3A_227 : memref<2560x128xf32, #tpu.memory_space<vmem_shared>>) offsets(%dma_start3A_224 : memref<64xi32, #tpu.memory_space<vmem>>) semaphore(%run_scoped3A : memref<!tpu.dma_semaphore, #tpu.memory_space<semaphore_mem>>) {add = true}
        %dma_wait3A_228 = arith.constant 0 : i32
        %dma_wait3A_229 = tpu.memref_slice %arg7[%add3A_106, %dma_wait3A_228] : memref<40x64xi32, #tpu.memory_space<vmem>> -> memref<1x64xi32, #tpu.memory_space<vmem>>
        %dma_wait3A_230 = tpu.memref_squeeze %dma_wait3A_229 : memref<1x64xi32, #tpu.memory_space<vmem>> -> memref<64xi32, #tpu.memory_space<vmem>>
        %dma_wait3A_231 = arith.constant 0 : i32
        %dma_wait3A_232 = arith.constant 0 : i32
        %dma_wait3A_233 = tpu.memref_slice %arg24[%dma_wait3A_231, %dma_wait3A_232] : memref<2560x128xf32, #tpu.memory_space<vmem_shared>> -> memref<2560x128xf32, #tpu.memory_space<vmem_shared>>
        tpu.wait_indirect_dma semaphore(%run_scoped3A : memref<!tpu.dma_semaphore, #tpu.memory_space<semaphore_mem>>) src(%arg9 : memref<64x128xf32, #tpu.memory_space<vmem>>) dst(%dma_wait3A_233 : memref<2560x128xf32, #tpu.memory_space<vmem_shared>>)
        tpu.yield
      }) : () -> ()
      %add3A_113 = arith.constant 8 : i32
      %add3A_114 = arith.addi %add3A_106, %add3A_113 : i32
      %lt3A_115 = arith.constant 40 : i32
      %lt3A_116 = arith.cmpi slt, %add3A_114, %lt3A_115 : i32
      %convert_element_type3A_117 = arith.extui %lt3A_116 : i1 to i32
      %cond3A_118 = arith.constant 0 : i32
      %cond3A_119 = arith.cmpi ne, %convert_element_type3A_117, %cond3A_118 : i32
      scf.if %cond3A_119 {
        %add3A_222 = arith.constant 8 : i32
        %add3A_223 = arith.addi %add3A_106, %add3A_222 : i32
        %dma_start3A_224 = arith.constant 0 : i32
        %dma_start3A_225 = tpu.memref_slice %arg6[%add3A_223, %dma_start3A_224] : memref<40x64xi32, #tpu.memory_space<vmem>> -> memref<1x64xi32, #tpu.memory_space<vmem>>
        %dma_start3A_226 = tpu.memref_squeeze %dma_start3A_225 : memref<1x64xi32, #tpu.memory_space<vmem>> -> memref<64xi32, #tpu.memory_space<vmem>>
        %dma_start3A_227 = arith.constant 0 : i32
        %dma_start3A_228 = arith.constant 0 : i32
        %dma_start3A_229 = tpu.memref_slice %arg2[%dma_start3A_227, %dma_start3A_228] : memref<20480x128xf32, #tpu.memory_space<hbm>> -> memref<20480x128xf32, #tpu.memory_space<hbm>>
        tpu.enqueue_indirect_dma source(%dma_start3A_229 : memref<20480x128xf32, #tpu.memory_space<hbm>>) target(%arg9 : memref<64x128xf32, #tpu.memory_space<vmem>>) offsets(%dma_start3A_226 : memref<64xi32, #tpu.memory_space<vmem>>) semaphore(%arg17 : memref<!tpu.dma_semaphore, #tpu.memory_space<semaphore_mem>>)
      } else {
      }
      %mul3A_120 = arith.constant 8 : i32
      %mul3A_121 = arith.muli %scan3A_87, %mul3A_120 : i32
      %add3A_122 = arith.constant 2 : i32
      %add3A_123 = arith.addi %mul3A_121, %add3A_122 : i32
      %dma_wait3A_124 = arith.constant 0 : i32
      %dma_wait3A_125 = tpu.memref_slice %arg6[%add3A_123, %dma_wait3A_124] : memref<40x64xi32, #tpu.memory_space<vmem>> -> memref<1x64xi32, #tpu.memory_space<vmem>>
      %dma_wait3A_126 = tpu.memref_squeeze %dma_wait3A_125 : memref<1x64xi32, #tpu.memory_space<vmem>> -> memref<64xi32, #tpu.memory_space<vmem>>
      %dma_wait3A_127 = arith.constant 0 : i32
      %dma_wait3A_128 = arith.constant 0 : i32
      %dma_wait3A_129 = tpu.memref_slice %arg2[%dma_wait3A_127, %dma_wait3A_128] : memref<20480x128xf32, #tpu.memory_space<hbm>> -> memref<20480x128xf32, #tpu.memory_space<hbm>>
      tpu.wait_indirect_dma semaphore(%arg18 : memref<!tpu.dma_semaphore, #tpu.memory_space<semaphore_mem>>) src(%dma_wait3A_129 : memref<20480x128xf32, #tpu.memory_space<hbm>>) dst(%arg10 : memref<64x128xf32, #tpu.memory_space<vmem>>)
      "tpu.region"() ({
        %run_scoped3A = tpu.sem_alloc : memref<!tpu.dma_semaphore, #tpu.memory_space<semaphore_mem>>
        %dma_start3A_222 = arith.constant 0 : i32
        %dma_start3A_223 = tpu.memref_slice %arg7[%add3A_123, %dma_start3A_222] : memref<40x64xi32, #tpu.memory_space<vmem>> -> memref<1x64xi32, #tpu.memory_space<vmem>>
        %dma_start3A_224 = tpu.memref_squeeze %dma_start3A_223 : memref<1x64xi32, #tpu.memory_space<vmem>> -> memref<64xi32, #tpu.memory_space<vmem>>
        %dma_start3A_225 = arith.constant 0 : i32
        %dma_start3A_226 = arith.constant 0 : i32
        %dma_start3A_227 = tpu.memref_slice %arg24[%dma_start3A_225, %dma_start3A_226] : memref<2560x128xf32, #tpu.memory_space<vmem_shared>> -> memref<2560x128xf32, #tpu.memory_space<vmem_shared>>
        tpu.enqueue_indirect_dma source(%arg10 : memref<64x128xf32, #tpu.memory_space<vmem>>) target(%dma_start3A_227 : memref<2560x128xf32, #tpu.memory_space<vmem_shared>>) offsets(%dma_start3A_224 : memref<64xi32, #tpu.memory_space<vmem>>) semaphore(%run_scoped3A : memref<!tpu.dma_semaphore, #tpu.memory_space<semaphore_mem>>) {add = true}
        %dma_wait3A_228 = arith.constant 0 : i32
        %dma_wait3A_229 = tpu.memref_slice %arg7[%add3A_123, %dma_wait3A_228] : memref<40x64xi32, #tpu.memory_space<vmem>> -> memref<1x64xi32, #tpu.memory_space<vmem>>
        %dma_wait3A_230 = tpu.memref_squeeze %dma_wait3A_229 : memref<1x64xi32, #tpu.memory_space<vmem>> -> memref<64xi32, #tpu.memory_space<vmem>>
        %dma_wait3A_231 = arith.constant 0 : i32
        %dma_wait3A_232 = arith.constant 0 : i32
        %dma_wait3A_233 = tpu.memref_slice %arg24[%dma_wait3A_231, %dma_wait3A_232] : memref<2560x128xf32, #tpu.memory_space<vmem_shared>> -> memref<2560x128xf32, #tpu.memory_space<vmem_shared>>
        tpu.wait_indirect_dma semaphore(%run_scoped3A : memref<!tpu.dma_semaphore, #tpu.memory_space<semaphore_mem>>) src(%arg10 : memref<64x128xf32, #tpu.memory_space<vmem>>) dst(%dma_wait3A_233 : memref<2560x128xf32, #tpu.memory_space<vmem_shared>>)
        tpu.yield
      }) : () -> ()
      %add3A_130 = arith.constant 8 : i32
      %add3A_131 = arith.addi %add3A_123, %add3A_130 : i32
      %lt3A_132 = arith.constant 40 : i32
      %lt3A_133 = arith.cmpi slt, %add3A_131, %lt3A_132 : i32
      %convert_element_type3A_134 = arith.extui %lt3A_133 : i1 to i32
      %cond3A_135 = arith.constant 0 : i32
      %cond3A_136 = arith.cmpi ne, %convert_element_type3A_134, %cond3A_135 : i32
      scf.if %cond3A_136 {
        %add3A_222 = arith.constant 8 : i32
        %add3A_223 = arith.addi %add3A_123, %add3A_222 : i32
        %dma_start3A_224 = arith.constant 0 : i32
        %dma_start3A_225 = tpu.memref_slice %arg6[%add3A_223, %dma_start3A_224] : memref<40x64xi32, #tpu.memory_space<vmem>> -> memref<1x64xi32, #tpu.memory_space<vmem>>
        %dma_start3A_226 = tpu.memref_squeeze %dma_start3A_225 : memref<1x64xi32, #tpu.memory_space<vmem>> -> memref<64xi32, #tpu.memory_space<vmem>>
        %dma_start3A_227 = arith.constant 0 : i32
        %dma_start3A_228 = arith.constant 0 : i32
        %dma_start3A_229 = tpu.memref_slice %arg2[%dma_start3A_227, %dma_start3A_228] : memref<20480x128xf32, #tpu.memory_space<hbm>> -> memref<20480x128xf32, #tpu.memory_space<hbm>>
        tpu.enqueue_indirect_dma source(%dma_start3A_229 : memref<20480x128xf32, #tpu.memory_space<hbm>>) target(%arg10 : memref<64x128xf32, #tpu.memory_space<vmem>>) offsets(%dma_start3A_226 : memref<64xi32, #tpu.memory_space<vmem>>) semaphore(%arg18 : memref<!tpu.dma_semaphore, #tpu.memory_space<semaphore_mem>>)
      } else {
      }
      %mul3A_137 = arith.constant 8 : i32
      %mul3A_138 = arith.muli %scan3A_87, %mul3A_137 : i32
      %add3A_139 = arith.constant 3 : i32
      %add3A_140 = arith.addi %mul3A_138, %add3A_139 : i32
      %dma_wait3A_141 = arith.constant 0 : i32
      %dma_wait3A_142 = tpu.memref_slice %arg6[%add3A_140, %dma_wait3A_141] : memref<40x64xi32, #tpu.memory_space<vmem>> -> memref<1x64xi32, #tpu.memory_space<vmem>>
      %dma_wait3A_143 = tpu.memref_squeeze %dma_wait3A_142 : memref<1x64xi32, #tpu.memory_space<vmem>> -> memref<64xi32, #tpu.memory_space<vmem>>
      %dma_wait3A_144 = arith.constant 0 : i32
      %dma_wait3A_145 = arith.constant 0 : i32
      %dma_wait3A_146 = tpu.memref_slice %arg2[%dma_wait3A_144, %dma_wait3A_145] : memref<20480x128xf32, #tpu.memory_space<hbm>> -> memref<20480x128xf32, #tpu.memory_space<hbm>>
      tpu.wait_indirect_dma semaphore(%arg19 : memref<!tpu.dma_semaphore, #tpu.memory_space<semaphore_mem>>) src(%dma_wait3A_146 : memref<20480x128xf32, #tpu.memory_space<hbm>>) dst(%arg11 : memref<64x128xf32, #tpu.memory_space<vmem>>)
      "tpu.region"() ({
        %run_scoped3A = tpu.sem_alloc : memref<!tpu.dma_semaphore, #tpu.memory_space<semaphore_mem>>
        %dma_start3A_222 = arith.constant 0 : i32
        %dma_start3A_223 = tpu.memref_slice %arg7[%add3A_140, %dma_start3A_222] : memref<40x64xi32, #tpu.memory_space<vmem>> -> memref<1x64xi32, #tpu.memory_space<vmem>>
        %dma_start3A_224 = tpu.memref_squeeze %dma_start3A_223 : memref<1x64xi32, #tpu.memory_space<vmem>> -> memref<64xi32, #tpu.memory_space<vmem>>
        %dma_start3A_225 = arith.constant 0 : i32
        %dma_start3A_226 = arith.constant 0 : i32
        %dma_start3A_227 = tpu.memref_slice %arg24[%dma_start3A_225, %dma_start3A_226] : memref<2560x128xf32, #tpu.memory_space<vmem_shared>> -> memref<2560x128xf32, #tpu.memory_space<vmem_shared>>
        tpu.enqueue_indirect_dma source(%arg11 : memref<64x128xf32, #tpu.memory_space<vmem>>) target(%dma_start3A_227 : memref<2560x128xf32, #tpu.memory_space<vmem_shared>>) offsets(%dma_start3A_224 : memref<64xi32, #tpu.memory_space<vmem>>) semaphore(%run_scoped3A : memref<!tpu.dma_semaphore, #tpu.memory_space<semaphore_mem>>) {add = true}
        %dma_wait3A_228 = arith.constant 0 : i32
        %dma_wait3A_229 = tpu.memref_slice %arg7[%add3A_140, %dma_wait3A_228] : memref<40x64xi32, #tpu.memory_space<vmem>> -> memref<1x64xi32, #tpu.memory_space<vmem>>
        %dma_wait3A_230 = tpu.memref_squeeze %dma_wait3A_229 : memref<1x64xi32, #tpu.memory_space<vmem>> -> memref<64xi32, #tpu.memory_space<vmem>>
        %dma_wait3A_231 = arith.constant 0 : i32
        %dma_wait3A_232 = arith.constant 0 : i32
        %dma_wait3A_233 = tpu.memref_slice %arg24[%dma_wait3A_231, %dma_wait3A_232] : memref<2560x128xf32, #tpu.memory_space<vmem_shared>> -> memref<2560x128xf32, #tpu.memory_space<vmem_shared>>
        tpu.wait_indirect_dma semaphore(%run_scoped3A : memref<!tpu.dma_semaphore, #tpu.memory_space<semaphore_mem>>) src(%arg11 : memref<64x128xf32, #tpu.memory_space<vmem>>) dst(%dma_wait3A_233 : memref<2560x128xf32, #tpu.memory_space<vmem_shared>>)
        tpu.yield
      }) : () -> ()
      %add3A_147 = arith.constant 8 : i32
      %add3A_148 = arith.addi %add3A_140, %add3A_147 : i32
      %lt3A_149 = arith.constant 40 : i32
      %lt3A_150 = arith.cmpi slt, %add3A_148, %lt3A_149 : i32
      %convert_element_type3A_151 = arith.extui %lt3A_150 : i1 to i32
      %cond3A_152 = arith.constant 0 : i32
      %cond3A_153 = arith.cmpi ne, %convert_element_type3A_151, %cond3A_152 : i32
      scf.if %cond3A_153 {
        %add3A_222 = arith.constant 8 : i32
        %add3A_223 = arith.addi %add3A_140, %add3A_222 : i32
        %dma_start3A_224 = arith.constant 0 : i32
        %dma_start3A_225 = tpu.memref_slice %arg6[%add3A_223, %dma_start3A_224] : memref<40x64xi32, #tpu.memory_space<vmem>> -> memref<1x64xi32, #tpu.memory_space<vmem>>
        %dma_start3A_226 = tpu.memref_squeeze %dma_start3A_225 : memref<1x64xi32, #tpu.memory_space<vmem>> -> memref<64xi32, #tpu.memory_space<vmem>>
        %dma_start3A_227 = arith.constant 0 : i32
        %dma_start3A_228 = arith.constant 0 : i32
        %dma_start3A_229 = tpu.memref_slice %arg2[%dma_start3A_227, %dma_start3A_228] : memref<20480x128xf32, #tpu.memory_space<hbm>> -> memref<20480x128xf32, #tpu.memory_space<hbm>>
        tpu.enqueue_indirect_dma source(%dma_start3A_229 : memref<20480x128xf32, #tpu.memory_space<hbm>>) target(%arg11 : memref<64x128xf32, #tpu.memory_space<vmem>>) offsets(%dma_start3A_226 : memref<64xi32, #tpu.memory_space<vmem>>) semaphore(%arg19 : memref<!tpu.dma_semaphore, #tpu.memory_space<semaphore_mem>>)
      } else {
      }
      %mul3A_154 = arith.constant 8 : i32
      %mul3A_155 = arith.muli %scan3A_87, %mul3A_154 : i32
      %add3A_156 = arith.constant 4 : i32
      %add3A_157 = arith.addi %mul3A_155, %add3A_156 : i32
      %dma_wait3A_158 = arith.constant 0 : i32
      %dma_wait3A_159 = tpu.memref_slice %arg6[%add3A_157, %dma_wait3A_158] : memref<40x64xi32, #tpu.memory_space<vmem>> -> memref<1x64xi32, #tpu.memory_space<vmem>>
      %dma_wait3A_160 = tpu.memref_squeeze %dma_wait3A_159 : memref<1x64xi32, #tpu.memory_space<vmem>> -> memref<64xi32, #tpu.memory_space<vmem>>
      %dma_wait3A_161 = arith.constant 0 : i32
      %dma_wait3A_162 = arith.constant 0 : i32
      %dma_wait3A_163 = tpu.memref_slice %arg2[%dma_wait3A_161, %dma_wait3A_162] : memref<20480x128xf32, #tpu.memory_space<hbm>> -> memref<20480x128xf32, #tpu.memory_space<hbm>>
      tpu.wait_indirect_dma semaphore(%arg20 : memref<!tpu.dma_semaphore, #tpu.memory_space<semaphore_mem>>) src(%dma_wait3A_163 : memref<20480x128xf32, #tpu.memory_space<hbm>>) dst(%arg12 : memref<64x128xf32, #tpu.memory_space<vmem>>)
      "tpu.region"() ({
        %run_scoped3A = tpu.sem_alloc : memref<!tpu.dma_semaphore, #tpu.memory_space<semaphore_mem>>
        %dma_start3A_222 = arith.constant 0 : i32
        %dma_start3A_223 = tpu.memref_slice %arg7[%add3A_157, %dma_start3A_222] : memref<40x64xi32, #tpu.memory_space<vmem>> -> memref<1x64xi32, #tpu.memory_space<vmem>>
        %dma_start3A_224 = tpu.memref_squeeze %dma_start3A_223 : memref<1x64xi32, #tpu.memory_space<vmem>> -> memref<64xi32, #tpu.memory_space<vmem>>
        %dma_start3A_225 = arith.constant 0 : i32
        %dma_start3A_226 = arith.constant 0 : i32
        %dma_start3A_227 = tpu.memref_slice %arg24[%dma_start3A_225, %dma_start3A_226] : memref<2560x128xf32, #tpu.memory_space<vmem_shared>> -> memref<2560x128xf32, #tpu.memory_space<vmem_shared>>
        tpu.enqueue_indirect_dma source(%arg12 : memref<64x128xf32, #tpu.memory_space<vmem>>) target(%dma_start3A_227 : memref<2560x128xf32, #tpu.memory_space<vmem_shared>>) offsets(%dma_start3A_224 : memref<64xi32, #tpu.memory_space<vmem>>) semaphore(%run_scoped3A : memref<!tpu.dma_semaphore, #tpu.memory_space<semaphore_mem>>) {add = true}
        %dma_wait3A_228 = arith.constant 0 : i32
        %dma_wait3A_229 = tpu.memref_slice %arg7[%add3A_157, %dma_wait3A_228] : memref<40x64xi32, #tpu.memory_space<vmem>> -> memref<1x64xi32, #tpu.memory_space<vmem>>
        %dma_wait3A_230 = tpu.memref_squeeze %dma_wait3A_229 : memref<1x64xi32, #tpu.memory_space<vmem>> -> memref<64xi32, #tpu.memory_space<vmem>>
        %dma_wait3A_231 = arith.constant 0 : i32
        %dma_wait3A_232 = arith.constant 0 : i32
        %dma_wait3A_233 = tpu.memref_slice %arg24[%dma_wait3A_231, %dma_wait3A_232] : memref<2560x128xf32, #tpu.memory_space<vmem_shared>> -> memref<2560x128xf32, #tpu.memory_space<vmem_shared>>
        tpu.wait_indirect_dma semaphore(%run_scoped3A : memref<!tpu.dma_semaphore, #tpu.memory_space<semaphore_mem>>) src(%arg12 : memref<64x128xf32, #tpu.memory_space<vmem>>) dst(%dma_wait3A_233 : memref<2560x128xf32, #tpu.memory_space<vmem_shared>>)
        tpu.yield
      }) : () -> ()
      %add3A_164 = arith.constant 8 : i32
      %add3A_165 = arith.addi %add3A_157, %add3A_164 : i32
      %lt3A_166 = arith.constant 40 : i32
      %lt3A_167 = arith.cmpi slt, %add3A_165, %lt3A_166 : i32
      %convert_element_type3A_168 = arith.extui %lt3A_167 : i1 to i32
      %cond3A_169 = arith.constant 0 : i32
      %cond3A_170 = arith.cmpi ne, %convert_element_type3A_168, %cond3A_169 : i32
      scf.if %cond3A_170 {
        %add3A_222 = arith.constant 8 : i32
        %add3A_223 = arith.addi %add3A_157, %add3A_222 : i32
        %dma_start3A_224 = arith.constant 0 : i32
        %dma_start3A_225 = tpu.memref_slice %arg6[%add3A_223, %dma_start3A_224] : memref<40x64xi32, #tpu.memory_space<vmem>> -> memref<1x64xi32, #tpu.memory_space<vmem>>
        %dma_start3A_226 = tpu.memref_squeeze %dma_start3A_225 : memref<1x64xi32, #tpu.memory_space<vmem>> -> memref<64xi32, #tpu.memory_space<vmem>>
        %dma_start3A_227 = arith.constant 0 : i32
        %dma_start3A_228 = arith.constant 0 : i32
        %dma_start3A_229 = tpu.memref_slice %arg2[%dma_start3A_227, %dma_start3A_228] : memref<20480x128xf32, #tpu.memory_space<hbm>> -> memref<20480x128xf32, #tpu.memory_space<hbm>>
        tpu.enqueue_indirect_dma source(%dma_start3A_229 : memref<20480x128xf32, #tpu.memory_space<hbm>>) target(%arg12 : memref<64x128xf32, #tpu.memory_space<vmem>>) offsets(%dma_start3A_226 : memref<64xi32, #tpu.memory_space<vmem>>) semaphore(%arg20 : memref<!tpu.dma_semaphore, #tpu.memory_space<semaphore_mem>>)
      } else {
      }
      %mul3A_171 = arith.constant 8 : i32
      %mul3A_172 = arith.muli %scan3A_87, %mul3A_171 : i32
      %add3A_173 = arith.constant 5 : i32
      %add3A_174 = arith.addi %mul3A_172, %add3A_173 : i32
      %dma_wait3A_175 = arith.constant 0 : i32
      %dma_wait3A_176 = tpu.memref_slice %arg6[%add3A_174, %dma_wait3A_175] : memref<40x64xi32, #tpu.memory_space<vmem>> -> memref<1x64xi32, #tpu.memory_space<vmem>>
      %dma_wait3A_177 = tpu.memref_squeeze %dma_wait3A_176 : memref<1x64xi32, #tpu.memory_space<vmem>> -> memref<64xi32, #tpu.memory_space<vmem>>
      %dma_wait3A_178 = arith.constant 0 : i32
      %dma_wait3A_179 = arith.constant 0 : i32
      %dma_wait3A_180 = tpu.memref_slice %arg2[%dma_wait3A_178, %dma_wait3A_179] : memref<20480x128xf32, #tpu.memory_space<hbm>> -> memref<20480x128xf32, #tpu.memory_space<hbm>>
      tpu.wait_indirect_dma semaphore(%arg21 : memref<!tpu.dma_semaphore, #tpu.memory_space<semaphore_mem>>) src(%dma_wait3A_180 : memref<20480x128xf32, #tpu.memory_space<hbm>>) dst(%arg13 : memref<64x128xf32, #tpu.memory_space<vmem>>)
      "tpu.region"() ({
        %run_scoped3A = tpu.sem_alloc : memref<!tpu.dma_semaphore, #tpu.memory_space<semaphore_mem>>
        %dma_start3A_222 = arith.constant 0 : i32
        %dma_start3A_223 = tpu.memref_slice %arg7[%add3A_174, %dma_start3A_222] : memref<40x64xi32, #tpu.memory_space<vmem>> -> memref<1x64xi32, #tpu.memory_space<vmem>>
        %dma_start3A_224 = tpu.memref_squeeze %dma_start3A_223 : memref<1x64xi32, #tpu.memory_space<vmem>> -> memref<64xi32, #tpu.memory_space<vmem>>
        %dma_start3A_225 = arith.constant 0 : i32
        %dma_start3A_226 = arith.constant 0 : i32
        %dma_start3A_227 = tpu.memref_slice %arg24[%dma_start3A_225, %dma_start3A_226] : memref<2560x128xf32, #tpu.memory_space<vmem_shared>> -> memref<2560x128xf32, #tpu.memory_space<vmem_shared>>
        tpu.enqueue_indirect_dma source(%arg13 : memref<64x128xf32, #tpu.memory_space<vmem>>) target(%dma_start3A_227 : memref<2560x128xf32, #tpu.memory_space<vmem_shared>>) offsets(%dma_start3A_224 : memref<64xi32, #tpu.memory_space<vmem>>) semaphore(%run_scoped3A : memref<!tpu.dma_semaphore, #tpu.memory_space<semaphore_mem>>) {add = true}
        %dma_wait3A_228 = arith.constant 0 : i32
        %dma_wait3A_229 = tpu.memref_slice %arg7[%add3A_174, %dma_wait3A_228] : memref<40x64xi32, #tpu.memory_space<vmem>> -> memref<1x64xi32, #tpu.memory_space<vmem>>
        %dma_wait3A_230 = tpu.memref_squeeze %dma_wait3A_229 : memref<1x64xi32, #tpu.memory_space<vmem>> -> memref<64xi32, #tpu.memory_space<vmem>>
        %dma_wait3A_231 = arith.constant 0 : i32
        %dma_wait3A_232 = arith.constant 0 : i32
        %dma_wait3A_233 = tpu.memref_slice %arg24[%dma_wait3A_231, %dma_wait3A_232] : memref<2560x128xf32, #tpu.memory_space<vmem_shared>> -> memref<2560x128xf32, #tpu.memory_space<vmem_shared>>
        tpu.wait_indirect_dma semaphore(%run_scoped3A : memref<!tpu.dma_semaphore, #tpu.memory_space<semaphore_mem>>) src(%arg13 : memref<64x128xf32, #tpu.memory_space<vmem>>) dst(%dma_wait3A_233 : memref<2560x128xf32, #tpu.memory_space<vmem_shared>>)
        tpu.yield
      }) : () -> ()
      %add3A_181 = arith.constant 8 : i32
      %add3A_182 = arith.addi %add3A_174, %add3A_181 : i32
      %lt3A_183 = arith.constant 40 : i32
      %lt3A_184 = arith.cmpi slt, %add3A_182, %lt3A_183 : i32
      %convert_element_type3A_185 = arith.extui %lt3A_184 : i1 to i32
      %cond3A_186 = arith.constant 0 : i32
      %cond3A_187 = arith.cmpi ne, %convert_element_type3A_185, %cond3A_186 : i32
      scf.if %cond3A_187 {
        %add3A_222 = arith.constant 8 : i32
        %add3A_223 = arith.addi %add3A_174, %add3A_222 : i32
        %dma_start3A_224 = arith.constant 0 : i32
        %dma_start3A_225 = tpu.memref_slice %arg6[%add3A_223, %dma_start3A_224] : memref<40x64xi32, #tpu.memory_space<vmem>> -> memref<1x64xi32, #tpu.memory_space<vmem>>
        %dma_start3A_226 = tpu.memref_squeeze %dma_start3A_225 : memref<1x64xi32, #tpu.memory_space<vmem>> -> memref<64xi32, #tpu.memory_space<vmem>>
        %dma_start3A_227 = arith.constant 0 : i32
        %dma_start3A_228 = arith.constant 0 : i32
        %dma_start3A_229 = tpu.memref_slice %arg2[%dma_start3A_227, %dma_start3A_228] : memref<20480x128xf32, #tpu.memory_space<hbm>> -> memref<20480x128xf32, #tpu.memory_space<hbm>>
        tpu.enqueue_indirect_dma source(%dma_start3A_229 : memref<20480x128xf32, #tpu.memory_space<hbm>>) target(%arg13 : memref<64x128xf32, #tpu.memory_space<vmem>>) offsets(%dma_start3A_226 : memref<64xi32, #tpu.memory_space<vmem>>) semaphore(%arg21 : memref<!tpu.dma_semaphore, #tpu.memory_space<semaphore_mem>>)
      } else {
      }
      %mul3A_188 = arith.constant 8 : i32
      %mul3A_189 = arith.muli %scan3A_87, %mul3A_188 : i32
      %add3A_190 = arith.constant 6 : i32
      %add3A_191 = arith.addi %mul3A_189, %add3A_190 : i32
      %dma_wait3A_192 = arith.constant 0 : i32
      %dma_wait3A_193 = tpu.memref_slice %arg6[%add3A_191, %dma_wait3A_192] : memref<40x64xi32, #tpu.memory_space<vmem>> -> memref<1x64xi32, #tpu.memory_space<vmem>>
      %dma_wait3A_194 = tpu.memref_squeeze %dma_wait3A_193 : memref<1x64xi32, #tpu.memory_space<vmem>> -> memref<64xi32, #tpu.memory_space<vmem>>
      %dma_wait3A_195 = arith.constant 0 : i32
      %dma_wait3A_196 = arith.constant 0 : i32
      %dma_wait3A_197 = tpu.memref_slice %arg2[%dma_wait3A_195, %dma_wait3A_196] : memref<20480x128xf32, #tpu.memory_space<hbm>> -> memref<20480x128xf32, #tpu.memory_space<hbm>>
      tpu.wait_indirect_dma semaphore(%arg22 : memref<!tpu.dma_semaphore, #tpu.memory_space<semaphore_mem>>) src(%dma_wait3A_197 : memref<20480x128xf32, #tpu.memory_space<hbm>>) dst(%arg14 : memref<64x128xf32, #tpu.memory_space<vmem>>)
      "tpu.region"() ({
        %run_scoped3A = tpu.sem_alloc : memref<!tpu.dma_semaphore, #tpu.memory_space<semaphore_mem>>
        %dma_start3A_222 = arith.constant 0 : i32
        %dma_start3A_223 = tpu.memref_slice %arg7[%add3A_191, %dma_start3A_222] : memref<40x64xi32, #tpu.memory_space<vmem>> -> memref<1x64xi32, #tpu.memory_space<vmem>>
        %dma_start3A_224 = tpu.memref_squeeze %dma_start3A_223 : memref<1x64xi32, #tpu.memory_space<vmem>> -> memref<64xi32, #tpu.memory_space<vmem>>
        %dma_start3A_225 = arith.constant 0 : i32
        %dma_start3A_226 = arith.constant 0 : i32
        %dma_start3A_227 = tpu.memref_slice %arg24[%dma_start3A_225, %dma_start3A_226] : memref<2560x128xf32, #tpu.memory_space<vmem_shared>> -> memref<2560x128xf32, #tpu.memory_space<vmem_shared>>
        tpu.enqueue_indirect_dma source(%arg14 : memref<64x128xf32, #tpu.memory_space<vmem>>) target(%dma_start3A_227 : memref<2560x128xf32, #tpu.memory_space<vmem_shared>>) offsets(%dma_start3A_224 : memref<64xi32, #tpu.memory_space<vmem>>) semaphore(%run_scoped3A : memref<!tpu.dma_semaphore, #tpu.memory_space<semaphore_mem>>) {add = true}
        %dma_wait3A_228 = arith.constant 0 : i32
        %dma_wait3A_229 = tpu.memref_slice %arg7[%add3A_191, %dma_wait3A_228] : memref<40x64xi32, #tpu.memory_space<vmem>> -> memref<1x64xi32, #tpu.memory_space<vmem>>
        %dma_wait3A_230 = tpu.memref_squeeze %dma_wait3A_229 : memref<1x64xi32, #tpu.memory_space<vmem>> -> memref<64xi32, #tpu.memory_space<vmem>>
        %dma_wait3A_231 = arith.constant 0 : i32
        %dma_wait3A_232 = arith.constant 0 : i32
        %dma_wait3A_233 = tpu.memref_slice %arg24[%dma_wait3A_231, %dma_wait3A_232] : memref<2560x128xf32, #tpu.memory_space<vmem_shared>> -> memref<2560x128xf32, #tpu.memory_space<vmem_shared>>
        tpu.wait_indirect_dma semaphore(%run_scoped3A : memref<!tpu.dma_semaphore, #tpu.memory_space<semaphore_mem>>) src(%arg14 : memref<64x128xf32, #tpu.memory_space<vmem>>) dst(%dma_wait3A_233 : memref<2560x128xf32, #tpu.memory_space<vmem_shared>>)
        tpu.yield
      }) : () -> ()
      %add3A_198 = arith.constant 8 : i32
      %add3A_199 = arith.addi %add3A_191, %add3A_198 : i32
      %lt3A_200 = arith.constant 40 : i32
      %lt3A_201 = arith.cmpi slt, %add3A_199, %lt3A_200 : i32
      %convert_element_type3A_202 = arith.extui %lt3A_201 : i1 to i32
      %cond3A_203 = arith.constant 0 : i32
      %cond3A_204 = arith.cmpi ne, %convert_element_type3A_202, %cond3A_203 : i32
      scf.if %cond3A_204 {
        %add3A_222 = arith.constant 8 : i32
        %add3A_223 = arith.addi %add3A_191, %add3A_222 : i32
        %dma_start3A_224 = arith.constant 0 : i32
        %dma_start3A_225 = tpu.memref_slice %arg6[%add3A_223, %dma_start3A_224] : memref<40x64xi32, #tpu.memory_space<vmem>> -> memref<1x64xi32, #tpu.memory_space<vmem>>
        %dma_start3A_226 = tpu.memref_squeeze %dma_start3A_225 : memref<1x64xi32, #tpu.memory_space<vmem>> -> memref<64xi32, #tpu.memory_space<vmem>>
        %dma_start3A_227 = arith.constant 0 : i32
        %dma_start3A_228 = arith.constant 0 : i32
        %dma_start3A_229 = tpu.memref_slice %arg2[%dma_start3A_227, %dma_start3A_228] : memref<20480x128xf32, #tpu.memory_space<hbm>> -> memref<20480x128xf32, #tpu.memory_space<hbm>>
        tpu.enqueue_indirect_dma source(%dma_start3A_229 : memref<20480x128xf32, #tpu.memory_space<hbm>>) target(%arg14 : memref<64x128xf32, #tpu.memory_space<vmem>>) offsets(%dma_start3A_226 : memref<64xi32, #tpu.memory_space<vmem>>) semaphore(%arg22 : memref<!tpu.dma_semaphore, #tpu.memory_space<semaphore_mem>>)
      } else {
      }
      %mul3A_205 = arith.constant 8 : i32
      %mul3A_206 = arith.muli %scan3A_87, %mul3A_205 : i32
      %add3A_207 = arith.constant 7 : i32
      %add3A_208 = arith.addi %mul3A_206, %add3A_207 : i32
      %dma_wait3A_209 = arith.constant 0 : i32
      %dma_wait3A_210 = tpu.memref_slice %arg6[%add3A_208, %dma_wait3A_209] : memref<40x64xi32, #tpu.memory_space<vmem>> -> memref<1x64xi32, #tpu.memory_space<vmem>>
      %dma_wait3A_211 = tpu.memref_squeeze %dma_wait3A_210 : memref<1x64xi32, #tpu.memory_space<vmem>> -> memref<64xi32, #tpu.memory_space<vmem>>
      %dma_wait3A_212 = arith.constant 0 : i32
      %dma_wait3A_213 = arith.constant 0 : i32
      %dma_wait3A_214 = tpu.memref_slice %arg2[%dma_wait3A_212, %dma_wait3A_213] : memref<20480x128xf32, #tpu.memory_space<hbm>> -> memref<20480x128xf32, #tpu.memory_space<hbm>>
      tpu.wait_indirect_dma semaphore(%arg23 : memref<!tpu.dma_semaphore, #tpu.memory_space<semaphore_mem>>) src(%dma_wait3A_214 : memref<20480x128xf32, #tpu.memory_space<hbm>>) dst(%arg15 : memref<64x128xf32, #tpu.memory_space<vmem>>)
      "tpu.region"() ({
        %run_scoped3A = tpu.sem_alloc : memref<!tpu.dma_semaphore, #tpu.memory_space<semaphore_mem>>
        %dma_start3A_222 = arith.constant 0 : i32
        %dma_start3A_223 = tpu.memref_slice %arg7[%add3A_208, %dma_start3A_222] : memref<40x64xi32, #tpu.memory_space<vmem>> -> memref<1x64xi32, #tpu.memory_space<vmem>>
        %dma_start3A_224 = tpu.memref_squeeze %dma_start3A_223 : memref<1x64xi32, #tpu.memory_space<vmem>> -> memref<64xi32, #tpu.memory_space<vmem>>
        %dma_start3A_225 = arith.constant 0 : i32
        %dma_start3A_226 = arith.constant 0 : i32
        %dma_start3A_227 = tpu.memref_slice %arg24[%dma_start3A_225, %dma_start3A_226] : memref<2560x128xf32, #tpu.memory_space<vmem_shared>> -> memref<2560x128xf32, #tpu.memory_space<vmem_shared>>
        tpu.enqueue_indirect_dma source(%arg15 : memref<64x128xf32, #tpu.memory_space<vmem>>) target(%dma_start3A_227 : memref<2560x128xf32, #tpu.memory_space<vmem_shared>>) offsets(%dma_start3A_224 : memref<64xi32, #tpu.memory_space<vmem>>) semaphore(%run_scoped3A : memref<!tpu.dma_semaphore, #tpu.memory_space<semaphore_mem>>) {add = true}
        %dma_wait3A_228 = arith.constant 0 : i32
        %dma_wait3A_229 = tpu.memref_slice %arg7[%add3A_208, %dma_wait3A_228] : memref<40x64xi32, #tpu.memory_space<vmem>> -> memref<1x64xi32, #tpu.memory_space<vmem>>
        %dma_wait3A_230 = tpu.memref_squeeze %dma_wait3A_229 : memref<1x64xi32, #tpu.memory_space<vmem>> -> memref<64xi32, #tpu.memory_space<vmem>>
        %dma_wait3A_231 = arith.constant 0 : i32
        %dma_wait3A_232 = arith.constant 0 : i32
        %dma_wait3A_233 = tpu.memref_slice %arg24[%dma_wait3A_231, %dma_wait3A_232] : memref<2560x128xf32, #tpu.memory_space<vmem_shared>> -> memref<2560x128xf32, #tpu.memory_space<vmem_shared>>
        tpu.wait_indirect_dma semaphore(%run_scoped3A : memref<!tpu.dma_semaphore, #tpu.memory_space<semaphore_mem>>) src(%arg15 : memref<64x128xf32, #tpu.memory_space<vmem>>) dst(%dma_wait3A_233 : memref<2560x128xf32, #tpu.memory_space<vmem_shared>>)
        tpu.yield
      }) : () -> ()
      %add3A_215 = arith.constant 8 : i32
      %add3A_216 = arith.addi %add3A_208, %add3A_215 : i32
      %lt3A_217 = arith.constant 40 : i32
      %lt3A_218 = arith.cmpi slt, %add3A_216, %lt3A_217 : i32
      %convert_element_type3A_219 = arith.extui %lt3A_218 : i1 to i32
      %cond3A_220 = arith.constant 0 : i32
      %cond3A_221 = arith.cmpi ne, %convert_element_type3A_219, %cond3A_220 : i32
      scf.if %cond3A_221 {
        %add3A_222 = arith.constant 8 : i32
        %add3A_223 = arith.addi %add3A_208, %add3A_222 : i32
        %dma_start3A_224 = arith.constant 0 : i32
        %dma_start3A_225 = tpu.memref_slice %arg6[%add3A_223, %dma_start3A_224] : memref<40x64xi32, #tpu.memory_space<vmem>> -> memref<1x64xi32, #tpu.memory_space<vmem>>
        %dma_start3A_226 = tpu.memref_squeeze %dma_start3A_225 : memref<1x64xi32, #tpu.memory_space<vmem>> -> memref<64xi32, #tpu.memory_space<vmem>>
        %dma_start3A_227 = arith.constant 0 : i32
        %dma_start3A_228 = arith.constant 0 : i32
        %dma_start3A_229 = tpu.memref_slice %arg2[%dma_start3A_227, %dma_start3A_228] : memref<20480x128xf32, #tpu.memory_space<hbm>> -> memref<20480x128xf32, #tpu.memory_space<hbm>>
        tpu.enqueue_indirect_dma source(%dma_start3A_229 : memref<20480x128xf32, #tpu.memory_space<hbm>>) target(%arg15 : memref<64x128xf32, #tpu.memory_space<vmem>>) offsets(%dma_start3A_226 : memref<64xi32, #tpu.memory_space<vmem>>) semaphore(%arg23 : memref<!tpu.dma_semaphore, #tpu.memory_space<semaphore_mem>>)
      } else {
      }
    }
    %scan3A_78 = arith.constant 5 : i32
    %barrier3A_79 = arith.constant 0 : index
    tpu.barrier barrier_id(%barrier3A_79)
    %mul3A_80 = arith.constant 160 : i32
    %mul3A_81 = arith.muli %arg1, %mul3A_80 : i32
    %mul3A_82 = arith.constant 2560 : i32
    %mul3A_83 = arith.muli %arg0, %mul3A_82 : i32
    %mul3A_84 = arith.constant 160 : i32
    %mul3A_85 = arith.muli %arg1, %mul3A_84 : i32
    %add3A_86 = arith.addi %mul3A_83, %mul3A_85 : i32
    "tpu.region"() ({
      %run_scoped3A = tpu.sem_alloc : memref<!tpu.dma_semaphore, #tpu.memory_space<semaphore_mem>>
      %dma_start3A_87 = arith.constant 0 : i32
      %dma_start3A_88 = tpu.memref_slice %arg5[%add3A_86, %dma_start3A_87] : memref<5120x128xf32, #tpu.memory_space<hbm>> -> memref<160x128xf32, #tpu.memory_space<hbm>>
      %dma_start3A_89 = arith.constant 0 : i32
      %dma_start3A_90 = tpu.memref_slice %arg24[%mul3A_81, %dma_start3A_89] : memref<2560x128xf32, #tpu.memory_space<vmem_shared>> -> memref<160x128xf32, #tpu.memory_space<vmem_shared>>
      tpu.enqueue_dma source(%dma_start3A_90 : memref<160x128xf32, #tpu.memory_space<vmem_shared>>) target(%dma_start3A_88 : memref<160x128xf32, #tpu.memory_space<hbm>>) target_semaphore(%run_scoped3A : memref<!tpu.dma_semaphore, #tpu.memory_space<semaphore_mem>>)
      %dma_wait3A = arith.constant 0 : i32
      %dma_wait3A_91 = tpu.memref_slice %arg5[%add3A_86, %dma_wait3A] : memref<5120x128xf32, #tpu.memory_space<hbm>> -> memref<160x128xf32, #tpu.memory_space<hbm>>
      %dma_wait3A_92 = arith.constant 0 : i32
      %dma_wait3A_93 = tpu.memref_slice %arg24[%mul3A_81, %dma_wait3A_92] : memref<2560x128xf32, #tpu.memory_space<vmem_shared>> -> memref<160x128xf32, #tpu.memory_space<vmem_shared>>
      tpu.wait_dma2 semaphore(%run_scoped3A : memref<!tpu.dma_semaphore, #tpu.memory_space<semaphore_mem>>) src(%dma_wait3A_93 : memref<160x128xf32, #tpu.memory_space<vmem_shared>>) dst(%dma_wait3A_91 : memref<160x128xf32, #tpu.memory_space<hbm>>)
      tpu.yield
    }) : () -> ()
    return
  }
}

#map = affine_map<(d0, d1) -> (0, 0)>
#map1 = affine_map<(d0, d1) -> (0, 0, 0)>
module attributes {stable_mosaic.version = 14 : i64} {
  func.func @seg(%arg0: i32, %arg1: i32, %arg2: memref<5120x128xf32, #tpu.memory_space<hbm>>, %arg3: memref<16x40x64xi32, #tpu.memory_space<hbm>>, %arg4: memref<16x40x64xi32, #tpu.memory_space<hbm>>, %arg5: memref<20480x128xf32, #tpu.memory_space<hbm>>, %arg6: memref<40x64xi32, #tpu.memory_space<vmem>>, %arg7: memref<40x64xi32, #tpu.memory_space<vmem>>, %arg8: memref<64x128xf32, #tpu.memory_space<vmem>>, %arg9: memref<64x128xf32, #tpu.memory_space<vmem>>, %arg10: memref<64x128xf32, #tpu.memory_space<vmem>>, %arg11: memref<64x128xf32, #tpu.memory_space<vmem>>, %arg12: memref<!tpu.dma_semaphore, #tpu.memory_space<semaphore_mem>>, %arg13: memref<!tpu.dma_semaphore, #tpu.memory_space<semaphore_mem>>, %arg14: memref<!tpu.dma_semaphore, #tpu.memory_space<semaphore_mem>>, %arg15: memref<!tpu.dma_semaphore, #tpu.memory_space<semaphore_mem>>, %arg16: memref<10240x128xf32, #tpu.memory_space<vmem_shared>>) attributes {dimension_semantics = [#tpu.dimension_semantics<core_parallel>, #tpu.dimension_semantics<subcore_parallel>], iteration_bounds = array<i64: 2, 16>, scalar_prefetch = 0 : i64, scratch_operands = 11 : i64, tpu.core_type = #tpu.core_type<sc_vector_subcore>, window_params = [{transform_indices = #map}, {transform_indices = #map1}, {transform_indices = #map1}, {transform_indices = #map}]} {
    "tpu.region"() ({
      %run_scoped3A = tpu.sem_alloc : memref<!tpu.dma_semaphore, #tpu.memory_space<semaphore_mem>>
      %dma_start3A_87 = arith.constant 0 : i32
      %dma_start3A_88 = arith.constant 0 : i32
      %dma_start3A_89 = tpu.memref_slice %arg3[%arg1, %dma_start3A_87, %dma_start3A_88] : memref<16x40x64xi32, #tpu.memory_space<hbm>> -> memref<1x40x64xi32, #tpu.memory_space<hbm>>
      %dma_start3A_90 = tpu.memref_squeeze %dma_start3A_89 : memref<1x40x64xi32, #tpu.memory_space<hbm>> -> memref<40x64xi32, #tpu.memory_space<hbm>>
      %dma_start3A_91 = arith.constant 0 : i32
      %dma_start3A_92 = arith.constant 0 : i32
      %dma_start3A_93 = tpu.memref_slice %arg3[%arg1, %dma_start3A_91, %dma_start3A_92] : memref<16x40x64xi32, #tpu.memory_space<hbm>> -> memref<1x40x64xi32, #tpu.memory_space<hbm>>
      %dma_start3A_94 = tpu.memref_squeeze %dma_start3A_93 : memref<1x40x64xi32, #tpu.memory_space<hbm>> -> memref<40x64xi32, #tpu.memory_space<hbm>>
      tpu.enqueue_dma source(%dma_start3A_94 : memref<40x64xi32, #tpu.memory_space<hbm>>) target(%arg6 : memref<40x64xi32, #tpu.memory_space<vmem>>) target_semaphore(%run_scoped3A : memref<!tpu.dma_semaphore, #tpu.memory_space<semaphore_mem>>)
      %dma_wait3A = arith.constant 0 : i32
      %dma_wait3A_95 = arith.constant 0 : i32
      %dma_wait3A_96 = tpu.memref_slice %arg3[%arg1, %dma_wait3A, %dma_wait3A_95] : memref<16x40x64xi32, #tpu.memory_space<hbm>> -> memref<1x40x64xi32, #tpu.memory_space<hbm>>
      %dma_wait3A_97 = tpu.memref_squeeze %dma_wait3A_96 : memref<1x40x64xi32, #tpu.memory_space<hbm>> -> memref<40x64xi32, #tpu.memory_space<hbm>>
      %dma_wait3A_98 = arith.constant 0 : i32
      %dma_wait3A_99 = arith.constant 0 : i32
      %dma_wait3A_100 = tpu.memref_slice %arg3[%arg1, %dma_wait3A_98, %dma_wait3A_99] : memref<16x40x64xi32, #tpu.memory_space<hbm>> -> memref<1x40x64xi32, #tpu.memory_space<hbm>>
      %dma_wait3A_101 = tpu.memref_squeeze %dma_wait3A_100 : memref<1x40x64xi32, #tpu.memory_space<hbm>> -> memref<40x64xi32, #tpu.memory_space<hbm>>
      tpu.wait_dma2 semaphore(%run_scoped3A : memref<!tpu.dma_semaphore, #tpu.memory_space<semaphore_mem>>) src(%dma_wait3A_101 : memref<40x64xi32, #tpu.memory_space<hbm>>) dst(%arg6 : memref<40x64xi32, #tpu.memory_space<vmem>>)
      tpu.yield
    }) : () -> ()
    "tpu.region"() ({
      %run_scoped3A = tpu.sem_alloc : memref<!tpu.dma_semaphore, #tpu.memory_space<semaphore_mem>>
      %dma_start3A_87 = arith.constant 0 : i32
      %dma_start3A_88 = arith.constant 0 : i32
      %dma_start3A_89 = tpu.memref_slice %arg4[%arg1, %dma_start3A_87, %dma_start3A_88] : memref<16x40x64xi32, #tpu.memory_space<hbm>> -> memref<1x40x64xi32, #tpu.memory_space<hbm>>
      %dma_start3A_90 = tpu.memref_squeeze %dma_start3A_89 : memref<1x40x64xi32, #tpu.memory_space<hbm>> -> memref<40x64xi32, #tpu.memory_space<hbm>>
      %dma_start3A_91 = arith.constant 0 : i32
      %dma_start3A_92 = arith.constant 0 : i32
      %dma_start3A_93 = tpu.memref_slice %arg4[%arg1, %dma_start3A_91, %dma_start3A_92] : memref<16x40x64xi32, #tpu.memory_space<hbm>> -> memref<1x40x64xi32, #tpu.memory_space<hbm>>
      %dma_start3A_94 = tpu.memref_squeeze %dma_start3A_93 : memref<1x40x64xi32, #tpu.memory_space<hbm>> -> memref<40x64xi32, #tpu.memory_space<hbm>>
      tpu.enqueue_dma source(%dma_start3A_94 : memref<40x64xi32, #tpu.memory_space<hbm>>) target(%arg7 : memref<40x64xi32, #tpu.memory_space<vmem>>) target_semaphore(%run_scoped3A : memref<!tpu.dma_semaphore, #tpu.memory_space<semaphore_mem>>)
      %dma_wait3A = arith.constant 0 : i32
      %dma_wait3A_95 = arith.constant 0 : i32
      %dma_wait3A_96 = tpu.memref_slice %arg4[%arg1, %dma_wait3A, %dma_wait3A_95] : memref<16x40x64xi32, #tpu.memory_space<hbm>> -> memref<1x40x64xi32, #tpu.memory_space<hbm>>
      %dma_wait3A_97 = tpu.memref_squeeze %dma_wait3A_96 : memref<1x40x64xi32, #tpu.memory_space<hbm>> -> memref<40x64xi32, #tpu.memory_space<hbm>>
      %dma_wait3A_98 = arith.constant 0 : i32
      %dma_wait3A_99 = arith.constant 0 : i32
      %dma_wait3A_100 = tpu.memref_slice %arg4[%arg1, %dma_wait3A_98, %dma_wait3A_99] : memref<16x40x64xi32, #tpu.memory_space<hbm>> -> memref<1x40x64xi32, #tpu.memory_space<hbm>>
      %dma_wait3A_101 = tpu.memref_squeeze %dma_wait3A_100 : memref<1x40x64xi32, #tpu.memory_space<hbm>> -> memref<40x64xi32, #tpu.memory_space<hbm>>
      tpu.wait_dma2 semaphore(%run_scoped3A : memref<!tpu.dma_semaphore, #tpu.memory_space<semaphore_mem>>) src(%dma_wait3A_101 : memref<40x64xi32, #tpu.memory_space<hbm>>) dst(%arg7 : memref<40x64xi32, #tpu.memory_space<vmem>>)
      tpu.yield
    }) : () -> ()
    %broadcast_in_dim3A = arith.constant 0.000000e+00 : f32
    %broadcast_in_dim3A_0 = vector.broadcast %broadcast_in_dim3A : f32 to vector<16xf32>
    %scan3A = arith.constant 0 : i32
    %scan3A_1 = arith.constant 0 : i32
    %scan3A_2 = arith.constant 64 : i32
    %scan3A_3 = arith.addi %scan3A_1, %scan3A_2 : i32
    %scan3A_4 = arith.constant 1 : i32
    scf.for %scan3A_87 = %scan3A_1 to %scan3A_3 step %scan3A_4  : i32 {
      %swap3A = arith.index_cast %scan3A_87 : i32 to index
      %swap3A_88 = arith.constant 0 : index
      %swap3A_89 = tpu.vector_load %arg8[%swap3A, %swap3A_88] {strides = array<i32>} : memref<64x128xf32, #tpu.memory_space<vmem>>, vector<1x16xf32>,
      %swap3A_90 = vector.shape_cast %swap3A_89 : vector<1x16xf32> to vector<16xf32>
      %swap3A_91 = vector.shape_cast %broadcast_in_dim3A_0 : vector<16xf32> to vector<1x16xf32>
      tpu.vector_store %arg8[%swap3A, %swap3A_88], %swap3A_91 {strides = array<i32>} : memref<64x128xf32, #tpu.memory_space<vmem>>, vector<1x16xf32>,
      %swap3A_92 = arith.index_cast %scan3A_87 : i32 to index
      %swap3A_93 = arith.constant 16 : index
      %swap3A_94 = tpu.vector_load %arg8[%swap3A_92, %swap3A_93] {strides = array<i32>} : memref<64x128xf32, #tpu.memory_space<vmem>>, vector<1x16xf32>,
      %swap3A_95 = vector.shape_cast %swap3A_94 : vector<1x16xf32> to vector<16xf32>
      %swap3A_96 = vector.shape_cast %broadcast_in_dim3A_0 : vector<16xf32> to vector<1x16xf32>
      tpu.vector_store %arg8[%swap3A_92, %swap3A_93], %swap3A_96 {strides = array<i32>} : memref<64x128xf32, #tpu.memory_space<vmem>>, vector<1x16xf32>,
      %swap3A_97 = arith.index_cast %scan3A_87 : i32 to index
      %swap3A_98 = arith.constant 32 : index
      %swap3A_99 = tpu.vector_load %arg8[%swap3A_97, %swap3A_98] {strides = array<i32>} : memref<64x128xf32, #tpu.memory_space<vmem>>, vector<1x16xf32>,
      %swap3A_100 = vector.shape_cast %swap3A_99 : vector<1x16xf32> to vector<16xf32>
      %swap3A_101 = vector.shape_cast %broadcast_in_dim3A_0 : vector<16xf32> to vector<1x16xf32>
      tpu.vector_store %arg8[%swap3A_97, %swap3A_98], %swap3A_101 {strides = array<i32>} : memref<64x128xf32, #tpu.memory_space<vmem>>, vector<1x16xf32>,
      %swap3A_102 = arith.index_cast %scan3A_87 : i32 to index
      %swap3A_103 = arith.constant 48 : index
      %swap3A_104 = tpu.vector_load %arg8[%swap3A_102, %swap3A_103] {strides = array<i32>} : memref<64x128xf32, #tpu.memory_space<vmem>>, vector<1x16xf32>,
      %swap3A_105 = vector.shape_cast %swap3A_104 : vector<1x16xf32> to vector<16xf32>
      %swap3A_106 = vector.shape_cast %broadcast_in_dim3A_0 : vector<16xf32> to vector<1x16xf32>
      tpu.vector_store %arg8[%swap3A_102, %swap3A_103], %swap3A_106 {strides = array<i32>} : memref<64x128xf32, #tpu.memory_space<vmem>>, vector<1x16xf32>,
      %swap3A_107 = arith.index_cast %scan3A_87 : i32 to index
      %swap3A_108 = arith.constant 64 : index
      %swap3A_109 = tpu.vector_load %arg8[%swap3A_107, %swap3A_108] {strides = array<i32>} : memref<64x128xf32, #tpu.memory_space<vmem>>, vector<1x16xf32>,
      %swap3A_110 = vector.shape_cast %swap3A_109 : vector<1x16xf32> to vector<16xf32>
      %swap3A_111 = vector.shape_cast %broadcast_in_dim3A_0 : vector<16xf32> to vector<1x16xf32>
      tpu.vector_store %arg8[%swap3A_107, %swap3A_108], %swap3A_111 {strides = array<i32>} : memref<64x128xf32, #tpu.memory_space<vmem>>, vector<1x16xf32>,
      %swap3A_112 = arith.index_cast %scan3A_87 : i32 to index
      %swap3A_113 = arith.constant 80 : index
      %swap3A_114 = tpu.vector_load %arg8[%swap3A_112, %swap3A_113] {strides = array<i32>} : memref<64x128xf32, #tpu.memory_space<vmem>>, vector<1x16xf32>,
      %swap3A_115 = vector.shape_cast %swap3A_114 : vector<1x16xf32> to vector<16xf32>
      %swap3A_116 = vector.shape_cast %broadcast_in_dim3A_0 : vector<16xf32> to vector<1x16xf32>
      tpu.vector_store %arg8[%swap3A_112, %swap3A_113], %swap3A_116 {strides = array<i32>} : memref<64x128xf32, #tpu.memory_space<vmem>>, vector<1x16xf32>,
      %swap3A_117 = arith.index_cast %scan3A_87 : i32 to index
      %swap3A_118 = arith.constant 96 : index
      %swap3A_119 = tpu.vector_load %arg8[%swap3A_117, %swap3A_118] {strides = array<i32>} : memref<64x128xf32, #tpu.memory_space<vmem>>, vector<1x16xf32>,
      %swap3A_120 = vector.shape_cast %swap3A_119 : vector<1x16xf32> to vector<16xf32>
      %swap3A_121 = vector.shape_cast %broadcast_in_dim3A_0 : vector<16xf32> to vector<1x16xf32>
      tpu.vector_store %arg8[%swap3A_117, %swap3A_118], %swap3A_121 {strides = array<i32>} : memref<64x128xf32, #tpu.memory_space<vmem>>, vector<1x16xf32>,
      %swap3A_122 = arith.index_cast %scan3A_87 : i32 to index
      %swap3A_123 = arith.constant 112 : index
      %swap3A_124 = tpu.vector_load %arg8[%swap3A_122, %swap3A_123] {strides = array<i32>} : memref<64x128xf32, #tpu.memory_space<vmem>>, vector<1x16xf32>,
      %swap3A_125 = vector.shape_cast %swap3A_124 : vector<1x16xf32> to vector<16xf32>
      %swap3A_126 = vector.shape_cast %broadcast_in_dim3A_0 : vector<16xf32> to vector<1x16xf32>
      tpu.vector_store %arg8[%swap3A_122, %swap3A_123], %swap3A_126 {strides = array<i32>} : memref<64x128xf32, #tpu.memory_space<vmem>>, vector<1x16xf32>,
    }
    %scan3A_5 = arith.constant 64 : i32
    %mul3A = arith.constant 640 : i32
    %mul3A_6 = arith.muli %arg1, %mul3A : i32
    %add3A = arith.constant 0 : i32
    %add3A_7 = arith.addi %mul3A_6, %add3A : i32
    "tpu.region"() ({
      %run_scoped3A = tpu.sem_alloc : memref<!tpu.dma_semaphore, #tpu.memory_space<semaphore_mem>>
      %dma_start3A_87 = arith.constant 0 : i32
      %dma_start3A_88 = arith.constant 0 : i32
      %dma_start3A_89 = tpu.memref_slice %arg8[%dma_start3A_87, %dma_start3A_88] : memref<64x128xf32, #tpu.memory_space<vmem>> -> memref<64x128xf32, #tpu.memory_space<vmem>>
      %dma_start3A_90 = arith.constant 0 : i32
      %dma_start3A_91 = tpu.memref_slice %arg16[%add3A_7, %dma_start3A_90] : memref<10240x128xf32, #tpu.memory_space<vmem_shared>> -> memref<64x128xf32, #tpu.memory_space<vmem_shared>>
      %dma_start3A_92 = arith.constant 0 : i32
      %dma_start3A_93 = tpu.memref_slice %arg16[%add3A_7, %dma_start3A_92] : memref<10240x128xf32, #tpu.memory_space<vmem_shared>> -> memref<64x128xf32, #tpu.memory_space<vmem_shared>>
      %dma_start3A_94 = arith.constant 0 : i32
      %dma_start3A_95 = arith.constant 0 : i32
      %dma_start3A_96 = tpu.memref_slice %arg8[%dma_start3A_94, %dma_start3A_95] : memref<64x128xf32, #tpu.memory_space<vmem>> -> memref<64x128xf32, #tpu.memory_space<vmem>>
      tpu.enqueue_dma source(%dma_start3A_96 : memref<64x128xf32, #tpu.memory_space<vmem>>) target(%dma_start3A_93 : memref<64x128xf32, #tpu.memory_space<vmem_shared>>) target_semaphore(%run_scoped3A : memref<!tpu.dma_semaphore, #tpu.memory_space<semaphore_mem>>)
      %dma_wait3A = arith.constant 0 : i32
      %dma_wait3A_97 = arith.constant 0 : i32
      %dma_wait3A_98 = tpu.memref_slice %arg8[%dma_wait3A, %dma_wait3A_97] : memref<64x128xf32, #tpu.memory_space<vmem>> -> memref<64x128xf32, #tpu.memory_space<vmem>>
      %dma_wait3A_99 = arith.constant 0 : i32
      %dma_wait3A_100 = tpu.memref_slice %arg16[%add3A_7, %dma_wait3A_99] : memref<10240x128xf32, #tpu.memory_space<vmem_shared>> -> memref<64x128xf32, #tpu.memory_space<vmem_shared>>
      %dma_wait3A_101 = arith.constant 0 : i32
      %dma_wait3A_102 = tpu.memref_slice %arg16[%add3A_7, %dma_wait3A_101] : memref<10240x128xf32, #tpu.memory_space<vmem_shared>> -> memref<64x128xf32, #tpu.memory_space<vmem_shared>>
      %dma_wait3A_103 = arith.constant 0 : i32
      %dma_wait3A_104 = arith.constant 0 : i32
      %dma_wait3A_105 = tpu.memref_slice %arg8[%dma_wait3A_103, %dma_wait3A_104] : memref<64x128xf32, #tpu.memory_space<vmem>> -> memref<64x128xf32, #tpu.memory_space<vmem>>
      tpu.wait_dma2 semaphore(%run_scoped3A : memref<!tpu.dma_semaphore, #tpu.memory_space<semaphore_mem>>) src(%dma_wait3A_105 : memref<64x128xf32, #tpu.memory_space<vmem>>) dst(%dma_wait3A_102 : memref<64x128xf32, #tpu.memory_space<vmem_shared>>)
      tpu.yield
    }) : () -> ()
    %mul3A_8 = arith.constant 640 : i32
    %mul3A_9 = arith.muli %arg1, %mul3A_8 : i32
    %add3A_10 = arith.constant 64 : i32
    %add3A_11 = arith.addi %mul3A_9, %add3A_10 : i32
    "tpu.region"() ({
      %run_scoped3A = tpu.sem_alloc : memref<!tpu.dma_semaphore, #tpu.memory_space<semaphore_mem>>
      %dma_start3A_87 = arith.constant 0 : i32
      %dma_start3A_88 = arith.constant 0 : i32
      %dma_start3A_89 = tpu.memref_slice %arg8[%dma_start3A_87, %dma_start3A_88] : memref<64x128xf32, #tpu.memory_space<vmem>> -> memref<64x128xf32, #tpu.memory_space<vmem>>
      %dma_start3A_90 = arith.constant 0 : i32
      %dma_start3A_91 = tpu.memref_slice %arg16[%add3A_11, %dma_start3A_90] : memref<10240x128xf32, #tpu.memory_space<vmem_shared>> -> memref<64x128xf32, #tpu.memory_space<vmem_shared>>
      %dma_start3A_92 = arith.constant 0 : i32
      %dma_start3A_93 = tpu.memref_slice %arg16[%add3A_11, %dma_start3A_92] : memref<10240x128xf32, #tpu.memory_space<vmem_shared>> -> memref<64x128xf32, #tpu.memory_space<vmem_shared>>
      %dma_start3A_94 = arith.constant 0 : i32
      %dma_start3A_95 = arith.constant 0 : i32
      %dma_start3A_96 = tpu.memref_slice %arg8[%dma_start3A_94, %dma_start3A_95] : memref<64x128xf32, #tpu.memory_space<vmem>> -> memref<64x128xf32, #tpu.memory_space<vmem>>
      tpu.enqueue_dma source(%dma_start3A_96 : memref<64x128xf32, #tpu.memory_space<vmem>>) target(%dma_start3A_93 : memref<64x128xf32, #tpu.memory_space<vmem_shared>>) target_semaphore(%run_scoped3A : memref<!tpu.dma_semaphore, #tpu.memory_space<semaphore_mem>>)
      %dma_wait3A = arith.constant 0 : i32
      %dma_wait3A_97 = arith.constant 0 : i32
      %dma_wait3A_98 = tpu.memref_slice %arg8[%dma_wait3A, %dma_wait3A_97] : memref<64x128xf32, #tpu.memory_space<vmem>> -> memref<64x128xf32, #tpu.memory_space<vmem>>
      %dma_wait3A_99 = arith.constant 0 : i32
      %dma_wait3A_100 = tpu.memref_slice %arg16[%add3A_11, %dma_wait3A_99] : memref<10240x128xf32, #tpu.memory_space<vmem_shared>> -> memref<64x128xf32, #tpu.memory_space<vmem_shared>>
      %dma_wait3A_101 = arith.constant 0 : i32
      %dma_wait3A_102 = tpu.memref_slice %arg16[%add3A_11, %dma_wait3A_101] : memref<10240x128xf32, #tpu.memory_space<vmem_shared>> -> memref<64x128xf32, #tpu.memory_space<vmem_shared>>
      %dma_wait3A_103 = arith.constant 0 : i32
      %dma_wait3A_104 = arith.constant 0 : i32
      %dma_wait3A_105 = tpu.memref_slice %arg8[%dma_wait3A_103, %dma_wait3A_104] : memref<64x128xf32, #tpu.memory_space<vmem>> -> memref<64x128xf32, #tpu.memory_space<vmem>>
      tpu.wait_dma2 semaphore(%run_scoped3A : memref<!tpu.dma_semaphore, #tpu.memory_space<semaphore_mem>>) src(%dma_wait3A_105 : memref<64x128xf32, #tpu.memory_space<vmem>>) dst(%dma_wait3A_102 : memref<64x128xf32, #tpu.memory_space<vmem_shared>>)
      tpu.yield
    }) : () -> ()
    %mul3A_12 = arith.constant 640 : i32
    %mul3A_13 = arith.muli %arg1, %mul3A_12 : i32
    %add3A_14 = arith.constant 128 : i32
    %add3A_15 = arith.addi %mul3A_13, %add3A_14 : i32
    "tpu.region"() ({
      %run_scoped3A = tpu.sem_alloc : memref<!tpu.dma_semaphore, #tpu.memory_space<semaphore_mem>>
      %dma_start3A_87 = arith.constant 0 : i32
      %dma_start3A_88 = arith.constant 0 : i32
      %dma_start3A_89 = tpu.memref_slice %arg8[%dma_start3A_87, %dma_start3A_88] : memref<64x128xf32, #tpu.memory_space<vmem>> -> memref<64x128xf32, #tpu.memory_space<vmem>>
      %dma_start3A_90 = arith.constant 0 : i32
      %dma_start3A_91 = tpu.memref_slice %arg16[%add3A_15, %dma_start3A_90] : memref<10240x128xf32, #tpu.memory_space<vmem_shared>> -> memref<64x128xf32, #tpu.memory_space<vmem_shared>>
      %dma_start3A_92 = arith.constant 0 : i32
      %dma_start3A_93 = tpu.memref_slice %arg16[%add3A_15, %dma_start3A_92] : memref<10240x128xf32, #tpu.memory_space<vmem_shared>> -> memref<64x128xf32, #tpu.memory_space<vmem_shared>>
      %dma_start3A_94 = arith.constant 0 : i32
      %dma_start3A_95 = arith.constant 0 : i32
      %dma_start3A_96 = tpu.memref_slice %arg8[%dma_start3A_94, %dma_start3A_95] : memref<64x128xf32, #tpu.memory_space<vmem>> -> memref<64x128xf32, #tpu.memory_space<vmem>>
      tpu.enqueue_dma source(%dma_start3A_96 : memref<64x128xf32, #tpu.memory_space<vmem>>) target(%dma_start3A_93 : memref<64x128xf32, #tpu.memory_space<vmem_shared>>) target_semaphore(%run_scoped3A : memref<!tpu.dma_semaphore, #tpu.memory_space<semaphore_mem>>)
      %dma_wait3A = arith.constant 0 : i32
      %dma_wait3A_97 = arith.constant 0 : i32
      %dma_wait3A_98 = tpu.memref_slice %arg8[%dma_wait3A, %dma_wait3A_97] : memref<64x128xf32, #tpu.memory_space<vmem>> -> memref<64x128xf32, #tpu.memory_space<vmem>>
      %dma_wait3A_99 = arith.constant 0 : i32
      %dma_wait3A_100 = tpu.memref_slice %arg16[%add3A_15, %dma_wait3A_99] : memref<10240x128xf32, #tpu.memory_space<vmem_shared>> -> memref<64x128xf32, #tpu.memory_space<vmem_shared>>
      %dma_wait3A_101 = arith.constant 0 : i32
      %dma_wait3A_102 = tpu.memref_slice %arg16[%add3A_15, %dma_wait3A_101] : memref<10240x128xf32, #tpu.memory_space<vmem_shared>> -> memref<64x128xf32, #tpu.memory_space<vmem_shared>>
      %dma_wait3A_103 = arith.constant 0 : i32
      %dma_wait3A_104 = arith.constant 0 : i32
      %dma_wait3A_105 = tpu.memref_slice %arg8[%dma_wait3A_103, %dma_wait3A_104] : memref<64x128xf32, #tpu.memory_space<vmem>> -> memref<64x128xf32, #tpu.memory_space<vmem>>
      tpu.wait_dma2 semaphore(%run_scoped3A : memref<!tpu.dma_semaphore, #tpu.memory_space<semaphore_mem>>) src(%dma_wait3A_105 : memref<64x128xf32, #tpu.memory_space<vmem>>) dst(%dma_wait3A_102 : memref<64x128xf32, #tpu.memory_space<vmem_shared>>)
      tpu.yield
    }) : () -> ()
    %mul3A_16 = arith.constant 640 : i32
    %mul3A_17 = arith.muli %arg1, %mul3A_16 : i32
    %add3A_18 = arith.constant 192 : i32
    %add3A_19 = arith.addi %mul3A_17, %add3A_18 : i32
    "tpu.region"() ({
      %run_scoped3A = tpu.sem_alloc : memref<!tpu.dma_semaphore, #tpu.memory_space<semaphore_mem>>
      %dma_start3A_87 = arith.constant 0 : i32
      %dma_start3A_88 = arith.constant 0 : i32
      %dma_start3A_89 = tpu.memref_slice %arg8[%dma_start3A_87, %dma_start3A_88] : memref<64x128xf32, #tpu.memory_space<vmem>> -> memref<64x128xf32, #tpu.memory_space<vmem>>
      %dma_start3A_90 = arith.constant 0 : i32
      %dma_start3A_91 = tpu.memref_slice %arg16[%add3A_19, %dma_start3A_90] : memref<10240x128xf32, #tpu.memory_space<vmem_shared>> -> memref<64x128xf32, #tpu.memory_space<vmem_shared>>
      %dma_start3A_92 = arith.constant 0 : i32
      %dma_start3A_93 = tpu.memref_slice %arg16[%add3A_19, %dma_start3A_92] : memref<10240x128xf32, #tpu.memory_space<vmem_shared>> -> memref<64x128xf32, #tpu.memory_space<vmem_shared>>
      %dma_start3A_94 = arith.constant 0 : i32
      %dma_start3A_95 = arith.constant 0 : i32
      %dma_start3A_96 = tpu.memref_slice %arg8[%dma_start3A_94, %dma_start3A_95] : memref<64x128xf32, #tpu.memory_space<vmem>> -> memref<64x128xf32, #tpu.memory_space<vmem>>
      tpu.enqueue_dma source(%dma_start3A_96 : memref<64x128xf32, #tpu.memory_space<vmem>>) target(%dma_start3A_93 : memref<64x128xf32, #tpu.memory_space<vmem_shared>>) target_semaphore(%run_scoped3A : memref<!tpu.dma_semaphore, #tpu.memory_space<semaphore_mem>>)
      %dma_wait3A = arith.constant 0 : i32
      %dma_wait3A_97 = arith.constant 0 : i32
      %dma_wait3A_98 = tpu.memref_slice %arg8[%dma_wait3A, %dma_wait3A_97] : memref<64x128xf32, #tpu.memory_space<vmem>> -> memref<64x128xf32, #tpu.memory_space<vmem>>
      %dma_wait3A_99 = arith.constant 0 : i32
      %dma_wait3A_100 = tpu.memref_slice %arg16[%add3A_19, %dma_wait3A_99] : memref<10240x128xf32, #tpu.memory_space<vmem_shared>> -> memref<64x128xf32, #tpu.memory_space<vmem_shared>>
      %dma_wait3A_101 = arith.constant 0 : i32
      %dma_wait3A_102 = tpu.memref_slice %arg16[%add3A_19, %dma_wait3A_101] : memref<10240x128xf32, #tpu.memory_space<vmem_shared>> -> memref<64x128xf32, #tpu.memory_space<vmem_shared>>
      %dma_wait3A_103 = arith.constant 0 : i32
      %dma_wait3A_104 = arith.constant 0 : i32
      %dma_wait3A_105 = tpu.memref_slice %arg8[%dma_wait3A_103, %dma_wait3A_104] : memref<64x128xf32, #tpu.memory_space<vmem>> -> memref<64x128xf32, #tpu.memory_space<vmem>>
      tpu.wait_dma2 semaphore(%run_scoped3A : memref<!tpu.dma_semaphore, #tpu.memory_space<semaphore_mem>>) src(%dma_wait3A_105 : memref<64x128xf32, #tpu.memory_space<vmem>>) dst(%dma_wait3A_102 : memref<64x128xf32, #tpu.memory_space<vmem_shared>>)
      tpu.yield
    }) : () -> ()
    %mul3A_20 = arith.constant 640 : i32
    %mul3A_21 = arith.muli %arg1, %mul3A_20 : i32
    %add3A_22 = arith.constant 256 : i32
    %add3A_23 = arith.addi %mul3A_21, %add3A_22 : i32
    "tpu.region"() ({
      %run_scoped3A = tpu.sem_alloc : memref<!tpu.dma_semaphore, #tpu.memory_space<semaphore_mem>>
      %dma_start3A_87 = arith.constant 0 : i32
      %dma_start3A_88 = arith.constant 0 : i32
      %dma_start3A_89 = tpu.memref_slice %arg8[%dma_start3A_87, %dma_start3A_88] : memref<64x128xf32, #tpu.memory_space<vmem>> -> memref<64x128xf32, #tpu.memory_space<vmem>>
      %dma_start3A_90 = arith.constant 0 : i32
      %dma_start3A_91 = tpu.memref_slice %arg16[%add3A_23, %dma_start3A_90] : memref<10240x128xf32, #tpu.memory_space<vmem_shared>> -> memref<64x128xf32, #tpu.memory_space<vmem_shared>>
      %dma_start3A_92 = arith.constant 0 : i32
      %dma_start3A_93 = tpu.memref_slice %arg16[%add3A_23, %dma_start3A_92] : memref<10240x128xf32, #tpu.memory_space<vmem_shared>> -> memref<64x128xf32, #tpu.memory_space<vmem_shared>>
      %dma_start3A_94 = arith.constant 0 : i32
      %dma_start3A_95 = arith.constant 0 : i32
      %dma_start3A_96 = tpu.memref_slice %arg8[%dma_start3A_94, %dma_start3A_95] : memref<64x128xf32, #tpu.memory_space<vmem>> -> memref<64x128xf32, #tpu.memory_space<vmem>>
      tpu.enqueue_dma source(%dma_start3A_96 : memref<64x128xf32, #tpu.memory_space<vmem>>) target(%dma_start3A_93 : memref<64x128xf32, #tpu.memory_space<vmem_shared>>) target_semaphore(%run_scoped3A : memref<!tpu.dma_semaphore, #tpu.memory_space<semaphore_mem>>)
      %dma_wait3A = arith.constant 0 : i32
      %dma_wait3A_97 = arith.constant 0 : i32
      %dma_wait3A_98 = tpu.memref_slice %arg8[%dma_wait3A, %dma_wait3A_97] : memref<64x128xf32, #tpu.memory_space<vmem>> -> memref<64x128xf32, #tpu.memory_space<vmem>>
      %dma_wait3A_99 = arith.constant 0 : i32
      %dma_wait3A_100 = tpu.memref_slice %arg16[%add3A_23, %dma_wait3A_99] : memref<10240x128xf32, #tpu.memory_space<vmem_shared>> -> memref<64x128xf32, #tpu.memory_space<vmem_shared>>
      %dma_wait3A_101 = arith.constant 0 : i32
      %dma_wait3A_102 = tpu.memref_slice %arg16[%add3A_23, %dma_wait3A_101] : memref<10240x128xf32, #tpu.memory_space<vmem_shared>> -> memref<64x128xf32, #tpu.memory_space<vmem_shared>>
      %dma_wait3A_103 = arith.constant 0 : i32
      %dma_wait3A_104 = arith.constant 0 : i32
      %dma_wait3A_105 = tpu.memref_slice %arg8[%dma_wait3A_103, %dma_wait3A_104] : memref<64x128xf32, #tpu.memory_space<vmem>> -> memref<64x128xf32, #tpu.memory_space<vmem>>
      tpu.wait_dma2 semaphore(%run_scoped3A : memref<!tpu.dma_semaphore, #tpu.memory_space<semaphore_mem>>) src(%dma_wait3A_105 : memref<64x128xf32, #tpu.memory_space<vmem>>) dst(%dma_wait3A_102 : memref<64x128xf32, #tpu.memory_space<vmem_shared>>)
      tpu.yield
    }) : () -> ()
    %mul3A_24 = arith.constant 640 : i32
    %mul3A_25 = arith.muli %arg1, %mul3A_24 : i32
    %add3A_26 = arith.constant 320 : i32
    %add3A_27 = arith.addi %mul3A_25, %add3A_26 : i32
    "tpu.region"() ({
      %run_scoped3A = tpu.sem_alloc : memref<!tpu.dma_semaphore, #tpu.memory_space<semaphore_mem>>
      %dma_start3A_87 = arith.constant 0 : i32
      %dma_start3A_88 = arith.constant 0 : i32
      %dma_start3A_89 = tpu.memref_slice %arg8[%dma_start3A_87, %dma_start3A_88] : memref<64x128xf32, #tpu.memory_space<vmem>> -> memref<64x128xf32, #tpu.memory_space<vmem>>
      %dma_start3A_90 = arith.constant 0 : i32
      %dma_start3A_91 = tpu.memref_slice %arg16[%add3A_27, %dma_start3A_90] : memref<10240x128xf32, #tpu.memory_space<vmem_shared>> -> memref<64x128xf32, #tpu.memory_space<vmem_shared>>
      %dma_start3A_92 = arith.constant 0 : i32
      %dma_start3A_93 = tpu.memref_slice %arg16[%add3A_27, %dma_start3A_92] : memref<10240x128xf32, #tpu.memory_space<vmem_shared>> -> memref<64x128xf32, #tpu.memory_space<vmem_shared>>
      %dma_start3A_94 = arith.constant 0 : i32
      %dma_start3A_95 = arith.constant 0 : i32
      %dma_start3A_96 = tpu.memref_slice %arg8[%dma_start3A_94, %dma_start3A_95] : memref<64x128xf32, #tpu.memory_space<vmem>> -> memref<64x128xf32, #tpu.memory_space<vmem>>
      tpu.enqueue_dma source(%dma_start3A_96 : memref<64x128xf32, #tpu.memory_space<vmem>>) target(%dma_start3A_93 : memref<64x128xf32, #tpu.memory_space<vmem_shared>>) target_semaphore(%run_scoped3A : memref<!tpu.dma_semaphore, #tpu.memory_space<semaphore_mem>>)
      %dma_wait3A = arith.constant 0 : i32
      %dma_wait3A_97 = arith.constant 0 : i32
      %dma_wait3A_98 = tpu.memref_slice %arg8[%dma_wait3A, %dma_wait3A_97] : memref<64x128xf32, #tpu.memory_space<vmem>> -> memref<64x128xf32, #tpu.memory_space<vmem>>
      %dma_wait3A_99 = arith.constant 0 : i32
      %dma_wait3A_100 = tpu.memref_slice %arg16[%add3A_27, %dma_wait3A_99] : memref<10240x128xf32, #tpu.memory_space<vmem_shared>> -> memref<64x128xf32, #tpu.memory_space<vmem_shared>>
      %dma_wait3A_101 = arith.constant 0 : i32
      %dma_wait3A_102 = tpu.memref_slice %arg16[%add3A_27, %dma_wait3A_101] : memref<10240x128xf32, #tpu.memory_space<vmem_shared>> -> memref<64x128xf32, #tpu.memory_space<vmem_shared>>
      %dma_wait3A_103 = arith.constant 0 : i32
      %dma_wait3A_104 = arith.constant 0 : i32
      %dma_wait3A_105 = tpu.memref_slice %arg8[%dma_wait3A_103, %dma_wait3A_104] : memref<64x128xf32, #tpu.memory_space<vmem>> -> memref<64x128xf32, #tpu.memory_space<vmem>>
      tpu.wait_dma2 semaphore(%run_scoped3A : memref<!tpu.dma_semaphore, #tpu.memory_space<semaphore_mem>>) src(%dma_wait3A_105 : memref<64x128xf32, #tpu.memory_space<vmem>>) dst(%dma_wait3A_102 : memref<64x128xf32, #tpu.memory_space<vmem_shared>>)
      tpu.yield
    }) : () -> ()
    %mul3A_28 = arith.constant 640 : i32
    %mul3A_29 = arith.muli %arg1, %mul3A_28 : i32
    %add3A_30 = arith.constant 384 : i32
    %add3A_31 = arith.addi %mul3A_29, %add3A_30 : i32
    "tpu.region"() ({
      %run_scoped3A = tpu.sem_alloc : memref<!tpu.dma_semaphore, #tpu.memory_space<semaphore_mem>>
      %dma_start3A_87 = arith.constant 0 : i32
      %dma_start3A_88 = arith.constant 0 : i32
      %dma_start3A_89 = tpu.memref_slice %arg8[%dma_start3A_87, %dma_start3A_88] : memref<64x128xf32, #tpu.memory_space<vmem>> -> memref<64x128xf32, #tpu.memory_space<vmem>>
      %dma_start3A_90 = arith.constant 0 : i32
      %dma_start3A_91 = tpu.memref_slice %arg16[%add3A_31, %dma_start3A_90] : memref<10240x128xf32, #tpu.memory_space<vmem_shared>> -> memref<64x128xf32, #tpu.memory_space<vmem_shared>>
      %dma_start3A_92 = arith.constant 0 : i32
      %dma_start3A_93 = tpu.memref_slice %arg16[%add3A_31, %dma_start3A_92] : memref<10240x128xf32, #tpu.memory_space<vmem_shared>> -> memref<64x128xf32, #tpu.memory_space<vmem_shared>>
      %dma_start3A_94 = arith.constant 0 : i32
      %dma_start3A_95 = arith.constant 0 : i32
      %dma_start3A_96 = tpu.memref_slice %arg8[%dma_start3A_94, %dma_start3A_95] : memref<64x128xf32, #tpu.memory_space<vmem>> -> memref<64x128xf32, #tpu.memory_space<vmem>>
      tpu.enqueue_dma source(%dma_start3A_96 : memref<64x128xf32, #tpu.memory_space<vmem>>) target(%dma_start3A_93 : memref<64x128xf32, #tpu.memory_space<vmem_shared>>) target_semaphore(%run_scoped3A : memref<!tpu.dma_semaphore, #tpu.memory_space<semaphore_mem>>)
      %dma_wait3A = arith.constant 0 : i32
      %dma_wait3A_97 = arith.constant 0 : i32
      %dma_wait3A_98 = tpu.memref_slice %arg8[%dma_wait3A, %dma_wait3A_97] : memref<64x128xf32, #tpu.memory_space<vmem>> -> memref<64x128xf32, #tpu.memory_space<vmem>>
      %dma_wait3A_99 = arith.constant 0 : i32
      %dma_wait3A_100 = tpu.memref_slice %arg16[%add3A_31, %dma_wait3A_99] : memref<10240x128xf32, #tpu.memory_space<vmem_shared>> -> memref<64x128xf32, #tpu.memory_space<vmem_shared>>
      %dma_wait3A_101 = arith.constant 0 : i32
      %dma_wait3A_102 = tpu.memref_slice %arg16[%add3A_31, %dma_wait3A_101] : memref<10240x128xf32, #tpu.memory_space<vmem_shared>> -> memref<64x128xf32, #tpu.memory_space<vmem_shared>>
      %dma_wait3A_103 = arith.constant 0 : i32
      %dma_wait3A_104 = arith.constant 0 : i32
      %dma_wait3A_105 = tpu.memref_slice %arg8[%dma_wait3A_103, %dma_wait3A_104] : memref<64x128xf32, #tpu.memory_space<vmem>> -> memref<64x128xf32, #tpu.memory_space<vmem>>
      tpu.wait_dma2 semaphore(%run_scoped3A : memref<!tpu.dma_semaphore, #tpu.memory_space<semaphore_mem>>) src(%dma_wait3A_105 : memref<64x128xf32, #tpu.memory_space<vmem>>) dst(%dma_wait3A_102 : memref<64x128xf32, #tpu.memory_space<vmem_shared>>)
      tpu.yield
    }) : () -> ()
    %mul3A_32 = arith.constant 640 : i32
    %mul3A_33 = arith.muli %arg1, %mul3A_32 : i32
    %add3A_34 = arith.constant 448 : i32
    %add3A_35 = arith.addi %mul3A_33, %add3A_34 : i32
    "tpu.region"() ({
      %run_scoped3A = tpu.sem_alloc : memref<!tpu.dma_semaphore, #tpu.memory_space<semaphore_mem>>
      %dma_start3A_87 = arith.constant 0 : i32
      %dma_start3A_88 = arith.constant 0 : i32
      %dma_start3A_89 = tpu.memref_slice %arg8[%dma_start3A_87, %dma_start3A_88] : memref<64x128xf32, #tpu.memory_space<vmem>> -> memref<64x128xf32, #tpu.memory_space<vmem>>
      %dma_start3A_90 = arith.constant 0 : i32
      %dma_start3A_91 = tpu.memref_slice %arg16[%add3A_35, %dma_start3A_90] : memref<10240x128xf32, #tpu.memory_space<vmem_shared>> -> memref<64x128xf32, #tpu.memory_space<vmem_shared>>
      %dma_start3A_92 = arith.constant 0 : i32
      %dma_start3A_93 = tpu.memref_slice %arg16[%add3A_35, %dma_start3A_92] : memref<10240x128xf32, #tpu.memory_space<vmem_shared>> -> memref<64x128xf32, #tpu.memory_space<vmem_shared>>
      %dma_start3A_94 = arith.constant 0 : i32
      %dma_start3A_95 = arith.constant 0 : i32
      %dma_start3A_96 = tpu.memref_slice %arg8[%dma_start3A_94, %dma_start3A_95] : memref<64x128xf32, #tpu.memory_space<vmem>> -> memref<64x128xf32, #tpu.memory_space<vmem>>
      tpu.enqueue_dma source(%dma_start3A_96 : memref<64x128xf32, #tpu.memory_space<vmem>>) target(%dma_start3A_93 : memref<64x128xf32, #tpu.memory_space<vmem_shared>>) target_semaphore(%run_scoped3A : memref<!tpu.dma_semaphore, #tpu.memory_space<semaphore_mem>>)
      %dma_wait3A = arith.constant 0 : i32
      %dma_wait3A_97 = arith.constant 0 : i32
      %dma_wait3A_98 = tpu.memref_slice %arg8[%dma_wait3A, %dma_wait3A_97] : memref<64x128xf32, #tpu.memory_space<vmem>> -> memref<64x128xf32, #tpu.memory_space<vmem>>
      %dma_wait3A_99 = arith.constant 0 : i32
      %dma_wait3A_100 = tpu.memref_slice %arg16[%add3A_35, %dma_wait3A_99] : memref<10240x128xf32, #tpu.memory_space<vmem_shared>> -> memref<64x128xf32, #tpu.memory_space<vmem_shared>>
      %dma_wait3A_101 = arith.constant 0 : i32
      %dma_wait3A_102 = tpu.memref_slice %arg16[%add3A_35, %dma_wait3A_101] : memref<10240x128xf32, #tpu.memory_space<vmem_shared>> -> memref<64x128xf32, #tpu.memory_space<vmem_shared>>
      %dma_wait3A_103 = arith.constant 0 : i32
      %dma_wait3A_104 = arith.constant 0 : i32
      %dma_wait3A_105 = tpu.memref_slice %arg8[%dma_wait3A_103, %dma_wait3A_104] : memref<64x128xf32, #tpu.memory_space<vmem>> -> memref<64x128xf32, #tpu.memory_space<vmem>>
      tpu.wait_dma2 semaphore(%run_scoped3A : memref<!tpu.dma_semaphore, #tpu.memory_space<semaphore_mem>>) src(%dma_wait3A_105 : memref<64x128xf32, #tpu.memory_space<vmem>>) dst(%dma_wait3A_102 : memref<64x128xf32, #tpu.memory_space<vmem_shared>>)
      tpu.yield
    }) : () -> ()
    %mul3A_36 = arith.constant 640 : i32
    %mul3A_37 = arith.muli %arg1, %mul3A_36 : i32
    %add3A_38 = arith.constant 512 : i32
    %add3A_39 = arith.addi %mul3A_37, %add3A_38 : i32
    "tpu.region"() ({
      %run_scoped3A = tpu.sem_alloc : memref<!tpu.dma_semaphore, #tpu.memory_space<semaphore_mem>>
      %dma_start3A_87 = arith.constant 0 : i32
      %dma_start3A_88 = arith.constant 0 : i32
      %dma_start3A_89 = tpu.memref_slice %arg8[%dma_start3A_87, %dma_start3A_88] : memref<64x128xf32, #tpu.memory_space<vmem>> -> memref<64x128xf32, #tpu.memory_space<vmem>>
      %dma_start3A_90 = arith.constant 0 : i32
      %dma_start3A_91 = tpu.memref_slice %arg16[%add3A_39, %dma_start3A_90] : memref<10240x128xf32, #tpu.memory_space<vmem_shared>> -> memref<64x128xf32, #tpu.memory_space<vmem_shared>>
      %dma_start3A_92 = arith.constant 0 : i32
      %dma_start3A_93 = tpu.memref_slice %arg16[%add3A_39, %dma_start3A_92] : memref<10240x128xf32, #tpu.memory_space<vmem_shared>> -> memref<64x128xf32, #tpu.memory_space<vmem_shared>>
      %dma_start3A_94 = arith.constant 0 : i32
      %dma_start3A_95 = arith.constant 0 : i32
      %dma_start3A_96 = tpu.memref_slice %arg8[%dma_start3A_94, %dma_start3A_95] : memref<64x128xf32, #tpu.memory_space<vmem>> -> memref<64x128xf32, #tpu.memory_space<vmem>>
      tpu.enqueue_dma source(%dma_start3A_96 : memref<64x128xf32, #tpu.memory_space<vmem>>) target(%dma_start3A_93 : memref<64x128xf32, #tpu.memory_space<vmem_shared>>) target_semaphore(%run_scoped3A : memref<!tpu.dma_semaphore, #tpu.memory_space<semaphore_mem>>)
      %dma_wait3A = arith.constant 0 : i32
      %dma_wait3A_97 = arith.constant 0 : i32
      %dma_wait3A_98 = tpu.memref_slice %arg8[%dma_wait3A, %dma_wait3A_97] : memref<64x128xf32, #tpu.memory_space<vmem>> -> memref<64x128xf32, #tpu.memory_space<vmem>>
      %dma_wait3A_99 = arith.constant 0 : i32
      %dma_wait3A_100 = tpu.memref_slice %arg16[%add3A_39, %dma_wait3A_99] : memref<10240x128xf32, #tpu.memory_space<vmem_shared>> -> memref<64x128xf32, #tpu.memory_space<vmem_shared>>
      %dma_wait3A_101 = arith.constant 0 : i32
      %dma_wait3A_102 = tpu.memref_slice %arg16[%add3A_39, %dma_wait3A_101] : memref<10240x128xf32, #tpu.memory_space<vmem_shared>> -> memref<64x128xf32, #tpu.memory_space<vmem_shared>>
      %dma_wait3A_103 = arith.constant 0 : i32
      %dma_wait3A_104 = arith.constant 0 : i32
      %dma_wait3A_105 = tpu.memref_slice %arg8[%dma_wait3A_103, %dma_wait3A_104] : memref<64x128xf32, #tpu.memory_space<vmem>> -> memref<64x128xf32, #tpu.memory_space<vmem>>
      tpu.wait_dma2 semaphore(%run_scoped3A : memref<!tpu.dma_semaphore, #tpu.memory_space<semaphore_mem>>) src(%dma_wait3A_105 : memref<64x128xf32, #tpu.memory_space<vmem>>) dst(%dma_wait3A_102 : memref<64x128xf32, #tpu.memory_space<vmem_shared>>)
      tpu.yield
    }) : () -> ()
    %mul3A_40 = arith.constant 640 : i32
    %mul3A_41 = arith.muli %arg1, %mul3A_40 : i32
    %add3A_42 = arith.constant 576 : i32
    %add3A_43 = arith.addi %mul3A_41, %add3A_42 : i32
    "tpu.region"() ({
      %run_scoped3A = tpu.sem_alloc : memref<!tpu.dma_semaphore, #tpu.memory_space<semaphore_mem>>
      %dma_start3A_87 = arith.constant 0 : i32
      %dma_start3A_88 = arith.constant 0 : i32
      %dma_start3A_89 = tpu.memref_slice %arg8[%dma_start3A_87, %dma_start3A_88] : memref<64x128xf32, #tpu.memory_space<vmem>> -> memref<64x128xf32, #tpu.memory_space<vmem>>
      %dma_start3A_90 = arith.constant 0 : i32
      %dma_start3A_91 = tpu.memref_slice %arg16[%add3A_43, %dma_start3A_90] : memref<10240x128xf32, #tpu.memory_space<vmem_shared>> -> memref<64x128xf32, #tpu.memory_space<vmem_shared>>
      %dma_start3A_92 = arith.constant 0 : i32
      %dma_start3A_93 = tpu.memref_slice %arg16[%add3A_43, %dma_start3A_92] : memref<10240x128xf32, #tpu.memory_space<vmem_shared>> -> memref<64x128xf32, #tpu.memory_space<vmem_shared>>
      %dma_start3A_94 = arith.constant 0 : i32
      %dma_start3A_95 = arith.constant 0 : i32
      %dma_start3A_96 = tpu.memref_slice %arg8[%dma_start3A_94, %dma_start3A_95] : memref<64x128xf32, #tpu.memory_space<vmem>> -> memref<64x128xf32, #tpu.memory_space<vmem>>
      tpu.enqueue_dma source(%dma_start3A_96 : memref<64x128xf32, #tpu.memory_space<vmem>>) target(%dma_start3A_93 : memref<64x128xf32, #tpu.memory_space<vmem_shared>>) target_semaphore(%run_scoped3A : memref<!tpu.dma_semaphore, #tpu.memory_space<semaphore_mem>>)
      %dma_wait3A = arith.constant 0 : i32
      %dma_wait3A_97 = arith.constant 0 : i32
      %dma_wait3A_98 = tpu.memref_slice %arg8[%dma_wait3A, %dma_wait3A_97] : memref<64x128xf32, #tpu.memory_space<vmem>> -> memref<64x128xf32, #tpu.memory_space<vmem>>
      %dma_wait3A_99 = arith.constant 0 : i32
      %dma_wait3A_100 = tpu.memref_slice %arg16[%add3A_43, %dma_wait3A_99] : memref<10240x128xf32, #tpu.memory_space<vmem_shared>> -> memref<64x128xf32, #tpu.memory_space<vmem_shared>>
      %dma_wait3A_101 = arith.constant 0 : i32
      %dma_wait3A_102 = tpu.memref_slice %arg16[%add3A_43, %dma_wait3A_101] : memref<10240x128xf32, #tpu.memory_space<vmem_shared>> -> memref<64x128xf32, #tpu.memory_space<vmem_shared>>
      %dma_wait3A_103 = arith.constant 0 : i32
      %dma_wait3A_104 = arith.constant 0 : i32
      %dma_wait3A_105 = tpu.memref_slice %arg8[%dma_wait3A_103, %dma_wait3A_104] : memref<64x128xf32, #tpu.memory_space<vmem>> -> memref<64x128xf32, #tpu.memory_space<vmem>>
      tpu.wait_dma2 semaphore(%run_scoped3A : memref<!tpu.dma_semaphore, #tpu.memory_space<semaphore_mem>>) src(%dma_wait3A_105 : memref<64x128xf32, #tpu.memory_space<vmem>>) dst(%dma_wait3A_102 : memref<64x128xf32, #tpu.memory_space<vmem_shared>>)
      tpu.yield
    }) : () -> ()
    %eq3A = arith.constant 1 : i32
    %eq3A_44 = arith.cmpi eq, %arg0, %eq3A : i32
    %convert_element_type3A = arith.extui %eq3A_44 : i1 to i32
    %cond3A = arith.constant 0 : i32
    %cond3A_45 = arith.cmpi ne, %convert_element_type3A, %cond3A : i32
    scf.if %cond3A_45 {
      %scan3A_87 = arith.constant 0 : i32
      %scan3A_88 = arith.constant 0 : i32
      %scan3A_89 = arith.constant 40 : i32
      %scan3A_90 = arith.addi %scan3A_88, %scan3A_89 : i32
      %scan3A_91 = arith.constant 1 : i32
      scf.for %scan3A_93 = %scan3A_88 to %scan3A_90 step %scan3A_91  : i32 {
        %get3A = arith.index_cast %scan3A_93 : i32 to index
        %get3A_94 = arith.constant 0 : index
        %get3A_95 = tpu.vector_load %arg6[%get3A, %get3A_94] {strides = array<i32>} : memref<40x64xi32, #tpu.memory_space<vmem>>, vector<1x16xi32>,
        %get3A_96 = vector.shape_cast %get3A_95 : vector<1x16xi32> to vector<16xi32>
        %add3A_97 = arith.constant 2560 : i32
        %add3A_98 = vector.broadcast %add3A_97 : i32 to vector<16xi32>
        %add3A_99 = arith.addi %get3A_96, %add3A_98 : vector<16xi32>
        %swap3A = arith.index_cast %scan3A_93 : i32 to index
        %swap3A_100 = arith.constant 0 : index
        %swap3A_101 = tpu.vector_load %arg6[%swap3A, %swap3A_100] {strides = array<i32>} : memref<40x64xi32, #tpu.memory_space<vmem>>, vector<1x16xi32>,
        %swap3A_102 = vector.shape_cast %swap3A_101 : vector<1x16xi32> to vector<16xi32>
        %swap3A_103 = vector.shape_cast %add3A_99 : vector<16xi32> to vector<1x16xi32>
        tpu.vector_store %arg6[%swap3A, %swap3A_100], %swap3A_103 {strides = array<i32>} : memref<40x64xi32, #tpu.memory_space<vmem>>, vector<1x16xi32>,
        %get3A_104 = arith.index_cast %scan3A_93 : i32 to index
        %get3A_105 = arith.constant 16 : index
        %get3A_106 = tpu.vector_load %arg6[%get3A_104, %get3A_105] {strides = array<i32>} : memref<40x64xi32, #tpu.memory_space<vmem>>, vector<1x16xi32>,
        %get3A_107 = vector.shape_cast %get3A_106 : vector<1x16xi32> to vector<16xi32>
        %add3A_108 = arith.constant 2560 : i32
        %add3A_109 = vector.broadcast %add3A_108 : i32 to vector<16xi32>
        %add3A_110 = arith.addi %get3A_107, %add3A_109 : vector<16xi32>
        %swap3A_111 = arith.index_cast %scan3A_93 : i32 to index
        %swap3A_112 = arith.constant 16 : index
        %swap3A_113 = tpu.vector_load %arg6[%swap3A_111, %swap3A_112] {strides = array<i32>} : memref<40x64xi32, #tpu.memory_space<vmem>>, vector<1x16xi32>,
        %swap3A_114 = vector.shape_cast %swap3A_113 : vector<1x16xi32> to vector<16xi32>
        %swap3A_115 = vector.shape_cast %add3A_110 : vector<16xi32> to vector<1x16xi32>
        tpu.vector_store %arg6[%swap3A_111, %swap3A_112], %swap3A_115 {strides = array<i32>} : memref<40x64xi32, #tpu.memory_space<vmem>>, vector<1x16xi32>,
        %get3A_116 = arith.index_cast %scan3A_93 : i32 to index
        %get3A_117 = arith.constant 32 : index
        %get3A_118 = tpu.vector_load %arg6[%get3A_116, %get3A_117] {strides = array<i32>} : memref<40x64xi32, #tpu.memory_space<vmem>>, vector<1x16xi32>,
        %get3A_119 = vector.shape_cast %get3A_118 : vector<1x16xi32> to vector<16xi32>
        %add3A_120 = arith.constant 2560 : i32
        %add3A_121 = vector.broadcast %add3A_120 : i32 to vector<16xi32>
        %add3A_122 = arith.addi %get3A_119, %add3A_121 : vector<16xi32>
        %swap3A_123 = arith.index_cast %scan3A_93 : i32 to index
        %swap3A_124 = arith.constant 32 : index
        %swap3A_125 = tpu.vector_load %arg6[%swap3A_123, %swap3A_124] {strides = array<i32>} : memref<40x64xi32, #tpu.memory_space<vmem>>, vector<1x16xi32>,
        %swap3A_126 = vector.shape_cast %swap3A_125 : vector<1x16xi32> to vector<16xi32>
        %swap3A_127 = vector.shape_cast %add3A_122 : vector<16xi32> to vector<1x16xi32>
        tpu.vector_store %arg6[%swap3A_123, %swap3A_124], %swap3A_127 {strides = array<i32>} : memref<40x64xi32, #tpu.memory_space<vmem>>, vector<1x16xi32>,
        %get3A_128 = arith.index_cast %scan3A_93 : i32 to index
        %get3A_129 = arith.constant 48 : index
        %get3A_130 = tpu.vector_load %arg6[%get3A_128, %get3A_129] {strides = array<i32>} : memref<40x64xi32, #tpu.memory_space<vmem>>, vector<1x16xi32>,
        %get3A_131 = vector.shape_cast %get3A_130 : vector<1x16xi32> to vector<16xi32>
        %add3A_132 = arith.constant 2560 : i32
        %add3A_133 = vector.broadcast %add3A_132 : i32 to vector<16xi32>
        %add3A_134 = arith.addi %get3A_131, %add3A_133 : vector<16xi32>
        %swap3A_135 = arith.index_cast %scan3A_93 : i32 to index
        %swap3A_136 = arith.constant 48 : index
        %swap3A_137 = tpu.vector_load %arg6[%swap3A_135, %swap3A_136] {strides = array<i32>} : memref<40x64xi32, #tpu.memory_space<vmem>>, vector<1x16xi32>,
        %swap3A_138 = vector.shape_cast %swap3A_137 : vector<1x16xi32> to vector<16xi32>
        %swap3A_139 = vector.shape_cast %add3A_134 : vector<16xi32> to vector<1x16xi32>
        tpu.vector_store %arg6[%swap3A_135, %swap3A_136], %swap3A_139 {strides = array<i32>} : memref<40x64xi32, #tpu.memory_space<vmem>>, vector<1x16xi32>,
      }
      %scan3A_92 = arith.constant 40 : i32
    } else {
    }
    %barrier3A = arith.constant 0 : index
    tpu.barrier barrier_id(%barrier3A)
    %dma_start3A = arith.constant 0 : i32
    %dma_start3A_46 = arith.constant 0 : i32
    %dma_start3A_47 = tpu.memref_slice %arg6[%dma_start3A, %dma_start3A_46] : memref<40x64xi32, #tpu.memory_space<vmem>> -> memref<1x64xi32, #tpu.memory_space<vmem>>
    %dma_start3A_48 = tpu.memref_squeeze %dma_start3A_47 : memref<1x64xi32, #tpu.memory_space<vmem>> -> memref<64xi32, #tpu.memory_space<vmem>>
    %dma_start3A_49 = arith.constant 0 : i32
    %dma_start3A_50 = arith.constant 0 : i32
    %dma_start3A_51 = tpu.memref_slice %arg2[%dma_start3A_49, %dma_start3A_50] : memref<5120x128xf32, #tpu.memory_space<hbm>> -> memref<5120x128xf32, #tpu.memory_space<hbm>>
    tpu.enqueue_indirect_dma source(%dma_start3A_51 : memref<5120x128xf32, #tpu.memory_space<hbm>>) target(%arg8 : memref<64x128xf32, #tpu.memory_space<vmem>>) offsets(%dma_start3A_48 : memref<64xi32, #tpu.memory_space<vmem>>) semaphore(%arg12 : memref<!tpu.dma_semaphore, #tpu.memory_space<semaphore_mem>>)
    %dma_start3A_52 = arith.constant 1 : i32
    %dma_start3A_53 = arith.constant 0 : i32
    %dma_start3A_54 = tpu.memref_slice %arg6[%dma_start3A_52, %dma_start3A_53] : memref<40x64xi32, #tpu.memory_space<vmem>> -> memref<1x64xi32, #tpu.memory_space<vmem>>
    %dma_start3A_55 = tpu.memref_squeeze %dma_start3A_54 : memref<1x64xi32, #tpu.memory_space<vmem>> -> memref<64xi32, #tpu.memory_space<vmem>>
    %dma_start3A_56 = arith.constant 0 : i32
    %dma_start3A_57 = arith.constant 0 : i32
    %dma_start3A_58 = tpu.memref_slice %arg2[%dma_start3A_56, %dma_start3A_57] : memref<5120x128xf32, #tpu.memory_space<hbm>> -> memref<5120x128xf32, #tpu.memory_space<hbm>>
    tpu.enqueue_indirect_dma source(%dma_start3A_58 : memref<5120x128xf32, #tpu.memory_space<hbm>>) target(%arg9 : memref<64x128xf32, #tpu.memory_space<vmem>>) offsets(%dma_start3A_55 : memref<64xi32, #tpu.memory_space<vmem>>) semaphore(%arg13 : memref<!tpu.dma_semaphore, #tpu.memory_space<semaphore_mem>>)
    %dma_start3A_59 = arith.constant 2 : i32
    %dma_start3A_60 = arith.constant 0 : i32
    %dma_start3A_61 = tpu.memref_slice %arg6[%dma_start3A_59, %dma_start3A_60] : memref<40x64xi32, #tpu.memory_space<vmem>> -> memref<1x64xi32, #tpu.memory_space<vmem>>
    %dma_start3A_62 = tpu.memref_squeeze %dma_start3A_61 : memref<1x64xi32, #tpu.memory_space<vmem>> -> memref<64xi32, #tpu.memory_space<vmem>>
    %dma_start3A_63 = arith.constant 0 : i32
    %dma_start3A_64 = arith.constant 0 : i32
    %dma_start3A_65 = tpu.memref_slice %arg2[%dma_start3A_63, %dma_start3A_64] : memref<5120x128xf32, #tpu.memory_space<hbm>> -> memref<5120x128xf32, #tpu.memory_space<hbm>>
    tpu.enqueue_indirect_dma source(%dma_start3A_65 : memref<5120x128xf32, #tpu.memory_space<hbm>>) target(%arg10 : memref<64x128xf32, #tpu.memory_space<vmem>>) offsets(%dma_start3A_62 : memref<64xi32, #tpu.memory_space<vmem>>) semaphore(%arg14 : memref<!tpu.dma_semaphore, #tpu.memory_space<semaphore_mem>>)
    %dma_start3A_66 = arith.constant 3 : i32
    %dma_start3A_67 = arith.constant 0 : i32
    %dma_start3A_68 = tpu.memref_slice %arg6[%dma_start3A_66, %dma_start3A_67] : memref<40x64xi32, #tpu.memory_space<vmem>> -> memref<1x64xi32, #tpu.memory_space<vmem>>
    %dma_start3A_69 = tpu.memref_squeeze %dma_start3A_68 : memref<1x64xi32, #tpu.memory_space<vmem>> -> memref<64xi32, #tpu.memory_space<vmem>>
    %dma_start3A_70 = arith.constant 0 : i32
    %dma_start3A_71 = arith.constant 0 : i32
    %dma_start3A_72 = tpu.memref_slice %arg2[%dma_start3A_70, %dma_start3A_71] : memref<5120x128xf32, #tpu.memory_space<hbm>> -> memref<5120x128xf32, #tpu.memory_space<hbm>>
    tpu.enqueue_indirect_dma source(%dma_start3A_72 : memref<5120x128xf32, #tpu.memory_space<hbm>>) target(%arg11 : memref<64x128xf32, #tpu.memory_space<vmem>>) offsets(%dma_start3A_69 : memref<64xi32, #tpu.memory_space<vmem>>) semaphore(%arg15 : memref<!tpu.dma_semaphore, #tpu.memory_space<semaphore_mem>>)
    %scan3A_73 = arith.constant 0 : i32
    %scan3A_74 = arith.constant 0 : i32
    %scan3A_75 = arith.constant 10 : i32
    %scan3A_76 = arith.addi %scan3A_74, %scan3A_75 : i32
    %scan3A_77 = arith.constant 1 : i32
    scf.for %scan3A_87 = %scan3A_74 to %scan3A_76 step %scan3A_77  : i32 {
      %mul3A_88 = arith.constant 4 : i32
      %mul3A_89 = arith.muli %scan3A_87, %mul3A_88 : i32
      %add3A_90 = arith.constant 0 : i32
      %add3A_91 = arith.addi %mul3A_89, %add3A_90 : i32
      %dma_wait3A = arith.constant 0 : i32
      %dma_wait3A_92 = tpu.memref_slice %arg6[%add3A_91, %dma_wait3A] : memref<40x64xi32, #tpu.memory_space<vmem>> -> memref<1x64xi32, #tpu.memory_space<vmem>>
      %dma_wait3A_93 = tpu.memref_squeeze %dma_wait3A_92 : memref<1x64xi32, #tpu.memory_space<vmem>> -> memref<64xi32, #tpu.memory_space<vmem>>
      %dma_wait3A_94 = arith.constant 0 : i32
      %dma_wait3A_95 = arith.constant 0 : i32
      %dma_wait3A_96 = tpu.memref_slice %arg2[%dma_wait3A_94, %dma_wait3A_95] : memref<5120x128xf32, #tpu.memory_space<hbm>> -> memref<5120x128xf32, #tpu.memory_space<hbm>>
      tpu.wait_indirect_dma semaphore(%arg12 : memref<!tpu.dma_semaphore, #tpu.memory_space<semaphore_mem>>) src(%dma_wait3A_96 : memref<5120x128xf32, #tpu.memory_space<hbm>>) dst(%arg8 : memref<64x128xf32, #tpu.memory_space<vmem>>)
      "tpu.region"() ({
        %run_scoped3A = tpu.sem_alloc : memref<!tpu.dma_semaphore, #tpu.memory_space<semaphore_mem>>
        %dma_start3A_154 = arith.constant 0 : i32
        %dma_start3A_155 = tpu.memref_slice %arg7[%add3A_91, %dma_start3A_154] : memref<40x64xi32, #tpu.memory_space<vmem>> -> memref<1x64xi32, #tpu.memory_space<vmem>>
        %dma_start3A_156 = tpu.memref_squeeze %dma_start3A_155 : memref<1x64xi32, #tpu.memory_space<vmem>> -> memref<64xi32, #tpu.memory_space<vmem>>
        %dma_start3A_157 = arith.constant 0 : i32
        %dma_start3A_158 = arith.constant 0 : i32
        %dma_start3A_159 = tpu.memref_slice %arg16[%dma_start3A_157, %dma_start3A_158] : memref<10240x128xf32, #tpu.memory_space<vmem_shared>> -> memref<10240x128xf32, #tpu.memory_space<vmem_shared>>
        tpu.enqueue_indirect_dma source(%arg8 : memref<64x128xf32, #tpu.memory_space<vmem>>) target(%dma_start3A_159 : memref<10240x128xf32, #tpu.memory_space<vmem_shared>>) offsets(%dma_start3A_156 : memref<64xi32, #tpu.memory_space<vmem>>) semaphore(%run_scoped3A : memref<!tpu.dma_semaphore, #tpu.memory_space<semaphore_mem>>) {add = true}
        %dma_wait3A_160 = arith.constant 0 : i32
        %dma_wait3A_161 = tpu.memref_slice %arg7[%add3A_91, %dma_wait3A_160] : memref<40x64xi32, #tpu.memory_space<vmem>> -> memref<1x64xi32, #tpu.memory_space<vmem>>
        %dma_wait3A_162 = tpu.memref_squeeze %dma_wait3A_161 : memref<1x64xi32, #tpu.memory_space<vmem>> -> memref<64xi32, #tpu.memory_space<vmem>>
        %dma_wait3A_163 = arith.constant 0 : i32
        %dma_wait3A_164 = arith.constant 0 : i32
        %dma_wait3A_165 = tpu.memref_slice %arg16[%dma_wait3A_163, %dma_wait3A_164] : memref<10240x128xf32, #tpu.memory_space<vmem_shared>> -> memref<10240x128xf32, #tpu.memory_space<vmem_shared>>
        tpu.wait_indirect_dma semaphore(%run_scoped3A : memref<!tpu.dma_semaphore, #tpu.memory_space<semaphore_mem>>) src(%arg8 : memref<64x128xf32, #tpu.memory_space<vmem>>) dst(%dma_wait3A_165 : memref<10240x128xf32, #tpu.memory_space<vmem_shared>>)
        tpu.yield
      }) : () -> ()
      %add3A_97 = arith.constant 4 : i32
      %add3A_98 = arith.addi %add3A_91, %add3A_97 : i32
      %lt3A = arith.constant 40 : i32
      %lt3A_99 = arith.cmpi slt, %add3A_98, %lt3A : i32
      %convert_element_type3A_100 = arith.extui %lt3A_99 : i1 to i32
      %cond3A_101 = arith.constant 0 : i32
      %cond3A_102 = arith.cmpi ne, %convert_element_type3A_100, %cond3A_101 : i32
      scf.if %cond3A_102 {
        %add3A_154 = arith.constant 4 : i32
        %add3A_155 = arith.addi %add3A_91, %add3A_154 : i32
        %dma_start3A_156 = arith.constant 0 : i32
        %dma_start3A_157 = tpu.memref_slice %arg6[%add3A_155, %dma_start3A_156] : memref<40x64xi32, #tpu.memory_space<vmem>> -> memref<1x64xi32, #tpu.memory_space<vmem>>
        %dma_start3A_158 = tpu.memref_squeeze %dma_start3A_157 : memref<1x64xi32, #tpu.memory_space<vmem>> -> memref<64xi32, #tpu.memory_space<vmem>>
        %dma_start3A_159 = arith.constant 0 : i32
        %dma_start3A_160 = arith.constant 0 : i32
        %dma_start3A_161 = tpu.memref_slice %arg2[%dma_start3A_159, %dma_start3A_160] : memref<5120x128xf32, #tpu.memory_space<hbm>> -> memref<5120x128xf32, #tpu.memory_space<hbm>>
        tpu.enqueue_indirect_dma source(%dma_start3A_161 : memref<5120x128xf32, #tpu.memory_space<hbm>>) target(%arg8 : memref<64x128xf32, #tpu.memory_space<vmem>>) offsets(%dma_start3A_158 : memref<64xi32, #tpu.memory_space<vmem>>) semaphore(%arg12 : memref<!tpu.dma_semaphore, #tpu.memory_space<semaphore_mem>>)
      } else {
      }
      %mul3A_103 = arith.constant 4 : i32
      %mul3A_104 = arith.muli %scan3A_87, %mul3A_103 : i32
      %add3A_105 = arith.constant 1 : i32
      %add3A_106 = arith.addi %mul3A_104, %add3A_105 : i32
      %dma_wait3A_107 = arith.constant 0 : i32
      %dma_wait3A_108 = tpu.memref_slice %arg6[%add3A_106, %dma_wait3A_107] : memref<40x64xi32, #tpu.memory_space<vmem>> -> memref<1x64xi32, #tpu.memory_space<vmem>>
      %dma_wait3A_109 = tpu.memref_squeeze %dma_wait3A_108 : memref<1x64xi32, #tpu.memory_space<vmem>> -> memref<64xi32, #tpu.memory_space<vmem>>
      %dma_wait3A_110 = arith.constant 0 : i32
      %dma_wait3A_111 = arith.constant 0 : i32
      %dma_wait3A_112 = tpu.memref_slice %arg2[%dma_wait3A_110, %dma_wait3A_111] : memref<5120x128xf32, #tpu.memory_space<hbm>> -> memref<5120x128xf32, #tpu.memory_space<hbm>>
      tpu.wait_indirect_dma semaphore(%arg13 : memref<!tpu.dma_semaphore, #tpu.memory_space<semaphore_mem>>) src(%dma_wait3A_112 : memref<5120x128xf32, #tpu.memory_space<hbm>>) dst(%arg9 : memref<64x128xf32, #tpu.memory_space<vmem>>)
      "tpu.region"() ({
        %run_scoped3A = tpu.sem_alloc : memref<!tpu.dma_semaphore, #tpu.memory_space<semaphore_mem>>
        %dma_start3A_154 = arith.constant 0 : i32
        %dma_start3A_155 = tpu.memref_slice %arg7[%add3A_106, %dma_start3A_154] : memref<40x64xi32, #tpu.memory_space<vmem>> -> memref<1x64xi32, #tpu.memory_space<vmem>>
        %dma_start3A_156 = tpu.memref_squeeze %dma_start3A_155 : memref<1x64xi32, #tpu.memory_space<vmem>> -> memref<64xi32, #tpu.memory_space<vmem>>
        %dma_start3A_157 = arith.constant 0 : i32
        %dma_start3A_158 = arith.constant 0 : i32
        %dma_start3A_159 = tpu.memref_slice %arg16[%dma_start3A_157, %dma_start3A_158] : memref<10240x128xf32, #tpu.memory_space<vmem_shared>> -> memref<10240x128xf32, #tpu.memory_space<vmem_shared>>
        tpu.enqueue_indirect_dma source(%arg9 : memref<64x128xf32, #tpu.memory_space<vmem>>) target(%dma_start3A_159 : memref<10240x128xf32, #tpu.memory_space<vmem_shared>>) offsets(%dma_start3A_156 : memref<64xi32, #tpu.memory_space<vmem>>) semaphore(%run_scoped3A : memref<!tpu.dma_semaphore, #tpu.memory_space<semaphore_mem>>) {add = true}
        %dma_wait3A_160 = arith.constant 0 : i32
        %dma_wait3A_161 = tpu.memref_slice %arg7[%add3A_106, %dma_wait3A_160] : memref<40x64xi32, #tpu.memory_space<vmem>> -> memref<1x64xi32, #tpu.memory_space<vmem>>
        %dma_wait3A_162 = tpu.memref_squeeze %dma_wait3A_161 : memref<1x64xi32, #tpu.memory_space<vmem>> -> memref<64xi32, #tpu.memory_space<vmem>>
        %dma_wait3A_163 = arith.constant 0 : i32
        %dma_wait3A_164 = arith.constant 0 : i32
        %dma_wait3A_165 = tpu.memref_slice %arg16[%dma_wait3A_163, %dma_wait3A_164] : memref<10240x128xf32, #tpu.memory_space<vmem_shared>> -> memref<10240x128xf32, #tpu.memory_space<vmem_shared>>
        tpu.wait_indirect_dma semaphore(%run_scoped3A : memref<!tpu.dma_semaphore, #tpu.memory_space<semaphore_mem>>) src(%arg9 : memref<64x128xf32, #tpu.memory_space<vmem>>) dst(%dma_wait3A_165 : memref<10240x128xf32, #tpu.memory_space<vmem_shared>>)
        tpu.yield
      }) : () -> ()
      %add3A_113 = arith.constant 4 : i32
      %add3A_114 = arith.addi %add3A_106, %add3A_113 : i32
      %lt3A_115 = arith.constant 40 : i32
      %lt3A_116 = arith.cmpi slt, %add3A_114, %lt3A_115 : i32
      %convert_element_type3A_117 = arith.extui %lt3A_116 : i1 to i32
      %cond3A_118 = arith.constant 0 : i32
      %cond3A_119 = arith.cmpi ne, %convert_element_type3A_117, %cond3A_118 : i32
      scf.if %cond3A_119 {
        %add3A_154 = arith.constant 4 : i32
        %add3A_155 = arith.addi %add3A_106, %add3A_154 : i32
        %dma_start3A_156 = arith.constant 0 : i32
        %dma_start3A_157 = tpu.memref_slice %arg6[%add3A_155, %dma_start3A_156] : memref<40x64xi32, #tpu.memory_space<vmem>> -> memref<1x64xi32, #tpu.memory_space<vmem>>
        %dma_start3A_158 = tpu.memref_squeeze %dma_start3A_157 : memref<1x64xi32, #tpu.memory_space<vmem>> -> memref<64xi32, #tpu.memory_space<vmem>>
        %dma_start3A_159 = arith.constant 0 : i32
        %dma_start3A_160 = arith.constant 0 : i32
        %dma_start3A_161 = tpu.memref_slice %arg2[%dma_start3A_159, %dma_start3A_160] : memref<5120x128xf32, #tpu.memory_space<hbm>> -> memref<5120x128xf32, #tpu.memory_space<hbm>>
        tpu.enqueue_indirect_dma source(%dma_start3A_161 : memref<5120x128xf32, #tpu.memory_space<hbm>>) target(%arg9 : memref<64x128xf32, #tpu.memory_space<vmem>>) offsets(%dma_start3A_158 : memref<64xi32, #tpu.memory_space<vmem>>) semaphore(%arg13 : memref<!tpu.dma_semaphore, #tpu.memory_space<semaphore_mem>>)
      } else {
      }
      %mul3A_120 = arith.constant 4 : i32
      %mul3A_121 = arith.muli %scan3A_87, %mul3A_120 : i32
      %add3A_122 = arith.constant 2 : i32
      %add3A_123 = arith.addi %mul3A_121, %add3A_122 : i32
      %dma_wait3A_124 = arith.constant 0 : i32
      %dma_wait3A_125 = tpu.memref_slice %arg6[%add3A_123, %dma_wait3A_124] : memref<40x64xi32, #tpu.memory_space<vmem>> -> memref<1x64xi32, #tpu.memory_space<vmem>>
      %dma_wait3A_126 = tpu.memref_squeeze %dma_wait3A_125 : memref<1x64xi32, #tpu.memory_space<vmem>> -> memref<64xi32, #tpu.memory_space<vmem>>
      %dma_wait3A_127 = arith.constant 0 : i32
      %dma_wait3A_128 = arith.constant 0 : i32
      %dma_wait3A_129 = tpu.memref_slice %arg2[%dma_wait3A_127, %dma_wait3A_128] : memref<5120x128xf32, #tpu.memory_space<hbm>> -> memref<5120x128xf32, #tpu.memory_space<hbm>>
      tpu.wait_indirect_dma semaphore(%arg14 : memref<!tpu.dma_semaphore, #tpu.memory_space<semaphore_mem>>) src(%dma_wait3A_129 : memref<5120x128xf32, #tpu.memory_space<hbm>>) dst(%arg10 : memref<64x128xf32, #tpu.memory_space<vmem>>)
      "tpu.region"() ({
        %run_scoped3A = tpu.sem_alloc : memref<!tpu.dma_semaphore, #tpu.memory_space<semaphore_mem>>
        %dma_start3A_154 = arith.constant 0 : i32
        %dma_start3A_155 = tpu.memref_slice %arg7[%add3A_123, %dma_start3A_154] : memref<40x64xi32, #tpu.memory_space<vmem>> -> memref<1x64xi32, #tpu.memory_space<vmem>>
        %dma_start3A_156 = tpu.memref_squeeze %dma_start3A_155 : memref<1x64xi32, #tpu.memory_space<vmem>> -> memref<64xi32, #tpu.memory_space<vmem>>
        %dma_start3A_157 = arith.constant 0 : i32
        %dma_start3A_158 = arith.constant 0 : i32
        %dma_start3A_159 = tpu.memref_slice %arg16[%dma_start3A_157, %dma_start3A_158] : memref<10240x128xf32, #tpu.memory_space<vmem_shared>> -> memref<10240x128xf32, #tpu.memory_space<vmem_shared>>
        tpu.enqueue_indirect_dma source(%arg10 : memref<64x128xf32, #tpu.memory_space<vmem>>) target(%dma_start3A_159 : memref<10240x128xf32, #tpu.memory_space<vmem_shared>>) offsets(%dma_start3A_156 : memref<64xi32, #tpu.memory_space<vmem>>) semaphore(%run_scoped3A : memref<!tpu.dma_semaphore, #tpu.memory_space<semaphore_mem>>) {add = true}
        %dma_wait3A_160 = arith.constant 0 : i32
        %dma_wait3A_161 = tpu.memref_slice %arg7[%add3A_123, %dma_wait3A_160] : memref<40x64xi32, #tpu.memory_space<vmem>> -> memref<1x64xi32, #tpu.memory_space<vmem>>
        %dma_wait3A_162 = tpu.memref_squeeze %dma_wait3A_161 : memref<1x64xi32, #tpu.memory_space<vmem>> -> memref<64xi32, #tpu.memory_space<vmem>>
        %dma_wait3A_163 = arith.constant 0 : i32
        %dma_wait3A_164 = arith.constant 0 : i32
        %dma_wait3A_165 = tpu.memref_slice %arg16[%dma_wait3A_163, %dma_wait3A_164] : memref<10240x128xf32, #tpu.memory_space<vmem_shared>> -> memref<10240x128xf32, #tpu.memory_space<vmem_shared>>
        tpu.wait_indirect_dma semaphore(%run_scoped3A : memref<!tpu.dma_semaphore, #tpu.memory_space<semaphore_mem>>) src(%arg10 : memref<64x128xf32, #tpu.memory_space<vmem>>) dst(%dma_wait3A_165 : memref<10240x128xf32, #tpu.memory_space<vmem_shared>>)
        tpu.yield
      }) : () -> ()
      %add3A_130 = arith.constant 4 : i32
      %add3A_131 = arith.addi %add3A_123, %add3A_130 : i32
      %lt3A_132 = arith.constant 40 : i32
      %lt3A_133 = arith.cmpi slt, %add3A_131, %lt3A_132 : i32
      %convert_element_type3A_134 = arith.extui %lt3A_133 : i1 to i32
      %cond3A_135 = arith.constant 0 : i32
      %cond3A_136 = arith.cmpi ne, %convert_element_type3A_134, %cond3A_135 : i32
      scf.if %cond3A_136 {
        %add3A_154 = arith.constant 4 : i32
        %add3A_155 = arith.addi %add3A_123, %add3A_154 : i32
        %dma_start3A_156 = arith.constant 0 : i32
        %dma_start3A_157 = tpu.memref_slice %arg6[%add3A_155, %dma_start3A_156] : memref<40x64xi32, #tpu.memory_space<vmem>> -> memref<1x64xi32, #tpu.memory_space<vmem>>
        %dma_start3A_158 = tpu.memref_squeeze %dma_start3A_157 : memref<1x64xi32, #tpu.memory_space<vmem>> -> memref<64xi32, #tpu.memory_space<vmem>>
        %dma_start3A_159 = arith.constant 0 : i32
        %dma_start3A_160 = arith.constant 0 : i32
        %dma_start3A_161 = tpu.memref_slice %arg2[%dma_start3A_159, %dma_start3A_160] : memref<5120x128xf32, #tpu.memory_space<hbm>> -> memref<5120x128xf32, #tpu.memory_space<hbm>>
        tpu.enqueue_indirect_dma source(%dma_start3A_161 : memref<5120x128xf32, #tpu.memory_space<hbm>>) target(%arg10 : memref<64x128xf32, #tpu.memory_space<vmem>>) offsets(%dma_start3A_158 : memref<64xi32, #tpu.memory_space<vmem>>) semaphore(%arg14 : memref<!tpu.dma_semaphore, #tpu.memory_space<semaphore_mem>>)
      } else {
      }
      %mul3A_137 = arith.constant 4 : i32
      %mul3A_138 = arith.muli %scan3A_87, %mul3A_137 : i32
      %add3A_139 = arith.constant 3 : i32
      %add3A_140 = arith.addi %mul3A_138, %add3A_139 : i32
      %dma_wait3A_141 = arith.constant 0 : i32
      %dma_wait3A_142 = tpu.memref_slice %arg6[%add3A_140, %dma_wait3A_141] : memref<40x64xi32, #tpu.memory_space<vmem>> -> memref<1x64xi32, #tpu.memory_space<vmem>>
      %dma_wait3A_143 = tpu.memref_squeeze %dma_wait3A_142 : memref<1x64xi32, #tpu.memory_space<vmem>> -> memref<64xi32, #tpu.memory_space<vmem>>
      %dma_wait3A_144 = arith.constant 0 : i32
      %dma_wait3A_145 = arith.constant 0 : i32
      %dma_wait3A_146 = tpu.memref_slice %arg2[%dma_wait3A_144, %dma_wait3A_145] : memref<5120x128xf32, #tpu.memory_space<hbm>> -> memref<5120x128xf32, #tpu.memory_space<hbm>>
      tpu.wait_indirect_dma semaphore(%arg15 : memref<!tpu.dma_semaphore, #tpu.memory_space<semaphore_mem>>) src(%dma_wait3A_146 : memref<5120x128xf32, #tpu.memory_space<hbm>>) dst(%arg11 : memref<64x128xf32, #tpu.memory_space<vmem>>)
      "tpu.region"() ({
        %run_scoped3A = tpu.sem_alloc : memref<!tpu.dma_semaphore, #tpu.memory_space<semaphore_mem>>
        %dma_start3A_154 = arith.constant 0 : i32
        %dma_start3A_155 = tpu.memref_slice %arg7[%add3A_140, %dma_start3A_154] : memref<40x64xi32, #tpu.memory_space<vmem>> -> memref<1x64xi32, #tpu.memory_space<vmem>>
        %dma_start3A_156 = tpu.memref_squeeze %dma_start3A_155 : memref<1x64xi32, #tpu.memory_space<vmem>> -> memref<64xi32, #tpu.memory_space<vmem>>
        %dma_start3A_157 = arith.constant 0 : i32
        %dma_start3A_158 = arith.constant 0 : i32
        %dma_start3A_159 = tpu.memref_slice %arg16[%dma_start3A_157, %dma_start3A_158] : memref<10240x128xf32, #tpu.memory_space<vmem_shared>> -> memref<10240x128xf32, #tpu.memory_space<vmem_shared>>
        tpu.enqueue_indirect_dma source(%arg11 : memref<64x128xf32, #tpu.memory_space<vmem>>) target(%dma_start3A_159 : memref<10240x128xf32, #tpu.memory_space<vmem_shared>>) offsets(%dma_start3A_156 : memref<64xi32, #tpu.memory_space<vmem>>) semaphore(%run_scoped3A : memref<!tpu.dma_semaphore, #tpu.memory_space<semaphore_mem>>) {add = true}
        %dma_wait3A_160 = arith.constant 0 : i32
        %dma_wait3A_161 = tpu.memref_slice %arg7[%add3A_140, %dma_wait3A_160] : memref<40x64xi32, #tpu.memory_space<vmem>> -> memref<1x64xi32, #tpu.memory_space<vmem>>
        %dma_wait3A_162 = tpu.memref_squeeze %dma_wait3A_161 : memref<1x64xi32, #tpu.memory_space<vmem>> -> memref<64xi32, #tpu.memory_space<vmem>>
        %dma_wait3A_163 = arith.constant 0 : i32
        %dma_wait3A_164 = arith.constant 0 : i32
        %dma_wait3A_165 = tpu.memref_slice %arg16[%dma_wait3A_163, %dma_wait3A_164] : memref<10240x128xf32, #tpu.memory_space<vmem_shared>> -> memref<10240x128xf32, #tpu.memory_space<vmem_shared>>
        tpu.wait_indirect_dma semaphore(%run_scoped3A : memref<!tpu.dma_semaphore, #tpu.memory_space<semaphore_mem>>) src(%arg11 : memref<64x128xf32, #tpu.memory_space<vmem>>) dst(%dma_wait3A_165 : memref<10240x128xf32, #tpu.memory_space<vmem_shared>>)
        tpu.yield
      }) : () -> ()
      %add3A_147 = arith.constant 4 : i32
      %add3A_148 = arith.addi %add3A_140, %add3A_147 : i32
      %lt3A_149 = arith.constant 40 : i32
      %lt3A_150 = arith.cmpi slt, %add3A_148, %lt3A_149 : i32
      %convert_element_type3A_151 = arith.extui %lt3A_150 : i1 to i32
      %cond3A_152 = arith.constant 0 : i32
      %cond3A_153 = arith.cmpi ne, %convert_element_type3A_151, %cond3A_152 : i32
      scf.if %cond3A_153 {
        %add3A_154 = arith.constant 4 : i32
        %add3A_155 = arith.addi %add3A_140, %add3A_154 : i32
        %dma_start3A_156 = arith.constant 0 : i32
        %dma_start3A_157 = tpu.memref_slice %arg6[%add3A_155, %dma_start3A_156] : memref<40x64xi32, #tpu.memory_space<vmem>> -> memref<1x64xi32, #tpu.memory_space<vmem>>
        %dma_start3A_158 = tpu.memref_squeeze %dma_start3A_157 : memref<1x64xi32, #tpu.memory_space<vmem>> -> memref<64xi32, #tpu.memory_space<vmem>>
        %dma_start3A_159 = arith.constant 0 : i32
        %dma_start3A_160 = arith.constant 0 : i32
        %dma_start3A_161 = tpu.memref_slice %arg2[%dma_start3A_159, %dma_start3A_160] : memref<5120x128xf32, #tpu.memory_space<hbm>> -> memref<5120x128xf32, #tpu.memory_space<hbm>>
        tpu.enqueue_indirect_dma source(%dma_start3A_161 : memref<5120x128xf32, #tpu.memory_space<hbm>>) target(%arg11 : memref<64x128xf32, #tpu.memory_space<vmem>>) offsets(%dma_start3A_158 : memref<64xi32, #tpu.memory_space<vmem>>) semaphore(%arg15 : memref<!tpu.dma_semaphore, #tpu.memory_space<semaphore_mem>>)
      } else {
      }
    }
    %scan3A_78 = arith.constant 10 : i32
    %barrier3A_79 = arith.constant 0 : index
    tpu.barrier barrier_id(%barrier3A_79)
    %mul3A_80 = arith.constant 640 : i32
    %mul3A_81 = arith.muli %arg1, %mul3A_80 : i32
    %mul3A_82 = arith.constant 10240 : i32
    %mul3A_83 = arith.muli %arg0, %mul3A_82 : i32
    %mul3A_84 = arith.constant 640 : i32
    %mul3A_85 = arith.muli %arg1, %mul3A_84 : i32
    %add3A_86 = arith.addi %mul3A_83, %mul3A_85 : i32
    "tpu.region"() ({
      %run_scoped3A = tpu.sem_alloc : memref<!tpu.dma_semaphore, #tpu.memory_space<semaphore_mem>>
      %dma_start3A_87 = arith.constant 0 : i32
      %dma_start3A_88 = tpu.memref_slice %arg5[%add3A_86, %dma_start3A_87] : memref<20480x128xf32, #tpu.memory_space<hbm>> -> memref<640x128xf32, #tpu.memory_space<hbm>>
      %dma_start3A_89 = arith.constant 0 : i32
      %dma_start3A_90 = tpu.memref_slice %arg16[%mul3A_81, %dma_start3A_89] : memref<10240x128xf32, #tpu.memory_space<vmem_shared>> -> memref<640x128xf32, #tpu.memory_space<vmem_shared>>
      tpu.enqueue_dma source(%dma_start3A_90 : memref<640x128xf32, #tpu.memory_space<vmem_shared>>) target(%dma_start3A_88 : memref<640x128xf32, #tpu.memory_space<hbm>>) target_semaphore(%run_scoped3A : memref<!tpu.dma_semaphore, #tpu.memory_space<semaphore_mem>>)
      %dma_wait3A = arith.constant 0 : i32
      %dma_wait3A_91 = tpu.memref_slice %arg5[%add3A_86, %dma_wait3A] : memref<20480x128xf32, #tpu.memory_space<hbm>> -> memref<640x128xf32, #tpu.memory_space<hbm>>
      %dma_wait3A_92 = arith.constant 0 : i32
      %dma_wait3A_93 = tpu.memref_slice %arg16[%mul3A_81, %dma_wait3A_92] : memref<10240x128xf32, #tpu.memory_space<vmem_shared>> -> memref<640x128xf32, #tpu.memory_space<vmem_shared>>
      tpu.wait_dma2 semaphore(%run_scoped3A : memref<!tpu.dma_semaphore, #tpu.memory_space<semaphore_mem>>) src(%dma_wait3A_93 : memref<640x128xf32, #tpu.memory_space<vmem_shared>>) dst(%dma_wait3A_91 : memref<640x128xf32, #tpu.memory_space<hbm>>)
      tpu.yield
    }) : () -> ()
    return
  }
}

module attributes {stable_mosaic.version = 14 : i64} {
  func.func @_msg0_body(%arg0: i32, %arg1: memref<100x2048xf32, #tpu.memory_space<vmem>>, %arg2: memref<4x2048xf32, #tpu.memory_space<vmem>>, %arg3: memref<4x8xf32, #tpu.memory_space<vmem>>, %arg4: memref<1x8xf32, #tpu.memory_space<vmem>>, %arg5: memref<100x256xf32, #tpu.memory_space<vmem>>, %arg6: memref<8x256xf32, #tpu.memory_space<vmem>>, %arg7: memref<1x256xf32, #tpu.memory_space<vmem>>, %arg8: memref<2x2048x128xf32, #tpu.memory_space<vmem>>) attributes {dimension_semantics = [#tpu.dimension_semantics<arbitrary>], iteration_bounds = array<i64: 5>, scalar_prefetch = 0 : i64, scratch_operands = 0 : i64, tpu.core_type = #tpu.core_type<tc>, window_params = [{transform_indices = @transform_0, window_bounds = array<i64: 100, 2048>}, {transform_indices = @transform_1, window_bounds = array<i64: 4, 2048>}, {pipeline_mode = #tpu.pipeline_mode<synchronous>, transform_indices = @transform_2, window_bounds = array<i64: 4, 8>}, {pipeline_mode = #tpu.pipeline_mode<synchronous>, transform_indices = @transform_3, window_bounds = array<i64: 1, 8>}, {pipeline_mode = #tpu.pipeline_mode<synchronous>, transform_indices = @transform_4, window_bounds = array<i64: 100, 256>}, {pipeline_mode = #tpu.pipeline_mode<synchronous>, transform_indices = @transform_5, window_bounds = array<i64: 8, 256>}, {pipeline_mode = #tpu.pipeline_mode<synchronous>, transform_indices = @transform_6, window_bounds = array<i64: 1, 256>}, {transform_indices = @transform_7, window_bounds = array<i64: 2, 2048, 128>}]} {
    %get3A = arith.constant 0 : index
    %get3A_0 = arith.constant 0 : index
    %get3A_1 = vector.load %arg2[%get3A, %get3A_0] : memref<4x2048xf32, #tpu.memory_space<vmem>>, vector<4x2048xf32>
    %get3A_2 = arith.constant 0 : index
    %get3A_3 = arith.constant 0 : index
    %get3A_4 = vector.load %arg3[%get3A_2, %get3A_3] : memref<4x8xf32, #tpu.memory_space<vmem>>, vector<4x8xf32>
    %dot_general3A = arith.constant dense<0.000000e+00> : vector<2048x8xf32>
    %dot_general3A_5 = tpu.matmul %get3A_1, %get3A_4, %dot_general3A {dimension_numbers = #tpu.dot_dimension_numbers<[0], [0], [1], [1], [0, 1, 1, 1], [], []>, transpose_lhs_hint = false} : vector<4x2048xf32>, vector<4x8xf32>, vector<2048x8xf32> -> vector<2048x8xf32>
    %get3A_6 = arith.constant 0 : index
    %get3A_7 = arith.constant 0 : index
    %get3A_8 = vector.load %arg4[%get3A_6, %get3A_7] : memref<1x8xf32, #tpu.memory_space<vmem>>, vector<1x8xf32>
    %get3A_9 = vector.shape_cast %get3A_8 : vector<1x8xf32> to vector<8xf32>
    %broadcast_in_dim3A = vector.shape_cast %get3A_9 : vector<8xf32> to vector<1x8xf32>
    %add3A = vector.broadcast %broadcast_in_dim3A : vector<1x8xf32> to vector<2048x8xf32>
    %add3A_10 = arith.addf %dot_general3A_5, %add3A : vector<2048x8xf32>
    %get3A_11 = arith.constant 0 : index
    %get3A_12 = arith.constant 0 : index
    %get3A_13 = vector.load %arg1[%get3A_11, %get3A_12] : memref<100x2048xf32, #tpu.memory_space<vmem>>, vector<100x2048xf32>
    %get3A_14 = arith.constant 0 : index
    %get3A_15 = arith.constant 0 : index
    %get3A_16 = vector.load %arg5[%get3A_14, %get3A_15] : memref<100x256xf32, #tpu.memory_space<vmem>>, vector<100x256xf32>
    %dot_general3A_17 = arith.constant dense<0.000000e+00> : vector<2048x256xf32>
    %dot_general3A_18 = tpu.matmul %get3A_13, %get3A_16, %dot_general3A_17 {dimension_numbers = #tpu.dot_dimension_numbers<[0], [0], [1], [1], [0, 1, 1, 1], [], []>, transpose_lhs_hint = false} : vector<100x2048xf32>, vector<100x256xf32>, vector<2048x256xf32> -> vector<2048x256xf32>
    %get3A_19 = arith.constant 0 : index
    %get3A_20 = arith.constant 0 : index
    %get3A_21 = vector.load %arg6[%get3A_19, %get3A_20] : memref<8x256xf32, #tpu.memory_space<vmem>>, vector<8x256xf32>
    %dot_general3A_22 = arith.constant dense<0.000000e+00> : vector<2048x256xf32>
    %dot_general3A_23 = tpu.matmul %add3A_10, %get3A_21, %dot_general3A_22 {dimension_numbers = #tpu.dot_dimension_numbers<[1], [0], [0], [1], [0, 0, 1, 1], [], []>, transpose_lhs_hint = false} : vector<2048x8xf32>, vector<8x256xf32>, vector<2048x256xf32> -> vector<2048x256xf32>
    %add3A_24 = arith.addf %dot_general3A_18, %dot_general3A_23 : vector<2048x256xf32>
    %get3A_25 = arith.constant 0 : index
    %get3A_26 = arith.constant 0 : index
    %get3A_27 = vector.load %arg7[%get3A_25, %get3A_26] : memref<1x256xf32, #tpu.memory_space<vmem>>, vector<1x256xf32>
    %get3A_28 = vector.shape_cast %get3A_27 : vector<1x256xf32> to vector<256xf32>
    %broadcast_in_dim3A_29 = vector.shape_cast %get3A_28 : vector<256xf32> to vector<1x256xf32>
    %add3A_30 = vector.broadcast %broadcast_in_dim3A_29 : vector<1x256xf32> to vector<2048x256xf32>
    %add3A_31 = arith.addf %add3A_24, %add3A_30 : vector<2048x256xf32>
    %max3A = arith.constant 0.000000e+00 : f32
    %max3A_32 = vector.broadcast %max3A : f32 to vector<2048x256xf32>
    %max3A_33 = arith.maximumf %add3A_31, %max3A_32 : vector<2048x256xf32>
    %slice3A = vector.extract_strided_slice %max3A_33 {offsets = [0, 0], sizes = [2048, 128], strides = [1, 1]} : vector<2048x256xf32> to vector<2048x128xf32>
    %swap3A = arith.constant 0 : index
    %swap3A_34 = arith.constant 0 : index
    %swap3A_35 = arith.constant 0 : index
    %swap3A_36 = vector.load %arg8[%swap3A, %swap3A_34, %swap3A_35] : memref<2x2048x128xf32, #tpu.memory_space<vmem>>, vector<1x2048x128xf32>
    %swap3A_37 = vector.shape_cast %swap3A_36 : vector<1x2048x128xf32> to vector<2048x128xf32>
    %swap3A_38 = vector.shape_cast %slice3A : vector<2048x128xf32> to vector<1x2048x128xf32>
    tpu.vector_store %arg8[%swap3A, %swap3A_34, %swap3A_35], %swap3A_38 {strides = array<i32>} : memref<2x2048x128xf32, #tpu.memory_space<vmem>>, vector<1x2048x128xf32>,
    %slice3A_39 = vector.extract_strided_slice %max3A_33 {offsets = [0, 128], sizes = [2048, 128], strides = [1, 1]} : vector<2048x256xf32> to vector<2048x128xf32>
    %swap3A_40 = arith.constant 1 : index
    %swap3A_41 = arith.constant 0 : index
    %swap3A_42 = arith.constant 0 : index
    %swap3A_43 = vector.load %arg8[%swap3A_40, %swap3A_41, %swap3A_42] : memref<2x2048x128xf32, #tpu.memory_space<vmem>>, vector<1x2048x128xf32>
    %swap3A_44 = vector.shape_cast %swap3A_43 : vector<1x2048x128xf32> to vector<2048x128xf32>
    %swap3A_45 = vector.shape_cast %slice3A_39 : vector<2048x128xf32> to vector<1x2048x128xf32>
    tpu.vector_store %arg8[%swap3A_40, %swap3A_41, %swap3A_42], %swap3A_45 {strides = array<i32>} : memref<2x2048x128xf32, #tpu.memory_space<vmem>>, vector<1x2048x128xf32>,
    return
  }
  func.func @transform_0(%arg0: i32) -> (i32, i32) {
    %c0_i32 = arith.constant 0 : i32
    %c0_i32_0 = arith.constant 0 : i32
    return %c0_i32, %arg0 : i32, i32
  }
  func.func @transform_1(%arg0: i32) -> (i32, i32) {
    %c0_i32 = arith.constant 0 : i32
    %c0_i32_0 = arith.constant 0 : i32
    return %c0_i32, %arg0 : i32, i32
  }
  func.func @transform_2(%arg0: i32) -> (i32, i32) {
    %c0_i32 = arith.constant 0 : i32
    %c0_i32_0 = arith.constant 0 : i32
    %c0_i32_1 = arith.constant 0 : i32
    return %c0_i32, %c0_i32_0 : i32, i32
  }
  func.func @transform_3(%arg0: i32) -> (i32, i32) {
    %c0_i32 = arith.constant 0 : i32
    %c0_i32_0 = arith.constant 0 : i32
    %c0_i32_1 = arith.constant 0 : i32
    return %c0_i32, %c0_i32_0 : i32, i32
  }
  func.func @transform_4(%arg0: i32) -> (i32, i32) {
    %c0_i32 = arith.constant 0 : i32
    %c0_i32_0 = arith.constant 0 : i32
    %c0_i32_1 = arith.constant 0 : i32
    return %c0_i32, %c0_i32_0 : i32, i32
  }
  func.func @transform_5(%arg0: i32) -> (i32, i32) {
    %c0_i32 = arith.constant 0 : i32
    %c0_i32_0 = arith.constant 0 : i32
    %c0_i32_1 = arith.constant 0 : i32
    return %c0_i32, %c0_i32_0 : i32, i32
  }
  func.func @transform_6(%arg0: i32) -> (i32, i32) {
    %c0_i32 = arith.constant 0 : i32
    %c0_i32_0 = arith.constant 0 : i32
    %c0_i32_1 = arith.constant 0 : i32
    return %c0_i32, %c0_i32_0 : i32, i32
  }
  func.func @transform_7(%arg0: i32) -> (i32, i32, i32) {
    %c0_i32 = arith.constant 0 : i32
    %c0_i32_0 = arith.constant 0 : i32
    %c0_i32_1 = arith.constant 0 : i32
    return %c0_i32, %arg0, %c0_i32_0 : i32, i32, i32
  }
}

module attributes {stable_mosaic.version = 14 : i64} {
  func.func @_upd_msg_body(%arg0: i32, %arg1: memref<2x2560x128xf32, #tpu.memory_space<vmem>>, %arg2: memref<4x2560xf32, #tpu.memory_space<vmem>>, %arg3: memref<4x8xf32, #tpu.memory_space<vmem>>, %arg4: memref<1x8xf32, #tpu.memory_space<vmem>>, %arg5: memref<128x256xf32, #tpu.memory_space<vmem>>, %arg6: memref<128x256xf32, #tpu.memory_space<vmem>>, %arg7: memref<8x256xf32, #tpu.memory_space<vmem>>, %arg8: memref<1x256xf32, #tpu.memory_space<vmem>>, %arg9: memref<256x256xf32, #tpu.memory_space<vmem>>, %arg10: memref<1x256xf32, #tpu.memory_space<vmem>>, %arg11: memref<2x2560x128xf32, #tpu.memory_space<vmem>>) attributes {dimension_semantics = [#tpu.dimension_semantics<arbitrary>], iteration_bounds = array<i64: 1>, scalar_prefetch = 0 : i64, scratch_operands = 0 : i64, tpu.core_type = #tpu.core_type<tc>, window_params = [{transform_indices = @transform_0, window_bounds = array<i64: 2, 2560, 128>}, {transform_indices = @transform_1, window_bounds = array<i64: 4, 2560>}, {pipeline_mode = #tpu.pipeline_mode<synchronous>, transform_indices = @transform_2, window_bounds = array<i64: 4, 8>}, {pipeline_mode = #tpu.pipeline_mode<synchronous>, transform_indices = @transform_3, window_bounds = array<i64: 1, 8>}, {pipeline_mode = #tpu.pipeline_mode<synchronous>, transform_indices = @transform_4, window_bounds = array<i64: 128, 256>}, {pipeline_mode = #tpu.pipeline_mode<synchronous>, transform_indices = @transform_5, window_bounds = array<i64: 128, 256>}, {pipeline_mode = #tpu.pipeline_mode<synchronous>, transform_indices = @transform_6, window_bounds = array<i64: 8, 256>}, {pipeline_mode = #tpu.pipeline_mode<synchronous>, transform_indices = @transform_7, window_bounds = array<i64: 1, 256>}, {pipeline_mode = #tpu.pipeline_mode<synchronous>, transform_indices = @transform_8, window_bounds = array<i64: 256, 256>}, {pipeline_mode = #tpu.pipeline_mode<synchronous>, transform_indices = @transform_9, window_bounds = array<i64: 1, 256>}, {transform_indices = @transform_10, window_bounds = array<i64: 2, 2560, 128>}]} {
    %get3A = arith.constant 0 : index
    %get3A_0 = arith.constant 0 : index
    %get3A_1 = vector.load %arg2[%get3A, %get3A_0] : memref<4x2560xf32, #tpu.memory_space<vmem>>, vector<4x2560xf32>
    %get3A_2 = arith.constant 0 : index
    %get3A_3 = arith.constant 0 : index
    %get3A_4 = vector.load %arg3[%get3A_2, %get3A_3] : memref<4x8xf32, #tpu.memory_space<vmem>>, vector<4x8xf32>
    %dot_general3A = arith.constant dense<0.000000e+00> : vector<2560x8xf32>
    %dot_general3A_5 = tpu.matmul %get3A_1, %get3A_4, %dot_general3A {dimension_numbers = #tpu.dot_dimension_numbers<[0], [0], [1], [1], [0, 1, 1, 1], [], []>, transpose_lhs_hint = false} : vector<4x2560xf32>, vector<4x8xf32>, vector<2560x8xf32> -> vector<2560x8xf32>
    %get3A_6 = arith.constant 0 : index
    %get3A_7 = arith.constant 0 : index
    %get3A_8 = vector.load %arg4[%get3A_6, %get3A_7] : memref<1x8xf32, #tpu.memory_space<vmem>>, vector<1x8xf32>
    %get3A_9 = vector.shape_cast %get3A_8 : vector<1x8xf32> to vector<8xf32>
    %broadcast_in_dim3A = vector.shape_cast %get3A_9 : vector<8xf32> to vector<1x8xf32>
    %add3A = vector.broadcast %broadcast_in_dim3A : vector<1x8xf32> to vector<2560x8xf32>
    %add3A_10 = arith.addf %dot_general3A_5, %add3A : vector<2560x8xf32>
    %get3A_11 = arith.constant 0 : index
    %get3A_12 = arith.constant 0 : index
    %get3A_13 = arith.constant 0 : index
    %get3A_14 = vector.load %arg1[%get3A_11, %get3A_12, %get3A_13] : memref<2x2560x128xf32, #tpu.memory_space<vmem>>, vector<1x2560x128xf32>
    %get3A_15 = vector.shape_cast %get3A_14 : vector<1x2560x128xf32> to vector<2560x128xf32>
    %get3A_16 = arith.constant 0 : index
    %get3A_17 = arith.constant 0 : index
    %get3A_18 = vector.load %arg5[%get3A_16, %get3A_17] : memref<128x256xf32, #tpu.memory_space<vmem>>, vector<128x256xf32>
    %dot_general3A_19 = arith.constant dense<0.000000e+00> : vector<2560x256xf32>
    %dot_general3A_20 = tpu.matmul %get3A_15, %get3A_18, %dot_general3A_19 {dimension_numbers = #tpu.dot_dimension_numbers<[1], [0], [0], [1], [0, 0, 1, 1], [], []>, transpose_lhs_hint = false} : vector<2560x128xf32>, vector<128x256xf32>, vector<2560x256xf32> -> vector<2560x256xf32>
    %get3A_21 = arith.constant 1 : index
    %get3A_22 = arith.constant 0 : index
    %get3A_23 = arith.constant 0 : index
    %get3A_24 = vector.load %arg1[%get3A_21, %get3A_22, %get3A_23] : memref<2x2560x128xf32, #tpu.memory_space<vmem>>, vector<1x2560x128xf32>
    %get3A_25 = vector.shape_cast %get3A_24 : vector<1x2560x128xf32> to vector<2560x128xf32>
    %get3A_26 = arith.constant 0 : index
    %get3A_27 = arith.constant 0 : index
    %get3A_28 = vector.load %arg6[%get3A_26, %get3A_27] : memref<128x256xf32, #tpu.memory_space<vmem>>, vector<128x256xf32>
    %dot_general3A_29 = arith.constant dense<0.000000e+00> : vector<2560x256xf32>
    %dot_general3A_30 = tpu.matmul %get3A_25, %get3A_28, %dot_general3A_29 {dimension_numbers = #tpu.dot_dimension_numbers<[1], [0], [0], [1], [0, 0, 1, 1], [], []>, transpose_lhs_hint = false} : vector<2560x128xf32>, vector<128x256xf32>, vector<2560x256xf32> -> vector<2560x256xf32>
    %add3A_31 = arith.addf %dot_general3A_20, %dot_general3A_30 : vector<2560x256xf32>
    %get3A_32 = arith.constant 0 : index
    %get3A_33 = arith.constant 0 : index
    %get3A_34 = vector.load %arg7[%get3A_32, %get3A_33] : memref<8x256xf32, #tpu.memory_space<vmem>>, vector<8x256xf32>
    %dot_general3A_35 = arith.constant dense<0.000000e+00> : vector<2560x256xf32>
    %dot_general3A_36 = tpu.matmul %add3A_10, %get3A_34, %dot_general3A_35 {dimension_numbers = #tpu.dot_dimension_numbers<[1], [0], [0], [1], [0, 0, 1, 1], [], []>, transpose_lhs_hint = false} : vector<2560x8xf32>, vector<8x256xf32>, vector<2560x256xf32> -> vector<2560x256xf32>
    %add3A_37 = arith.addf %add3A_31, %dot_general3A_36 : vector<2560x256xf32>
    %get3A_38 = arith.constant 0 : index
    %get3A_39 = arith.constant 0 : index
    %get3A_40 = vector.load %arg8[%get3A_38, %get3A_39] : memref<1x256xf32, #tpu.memory_space<vmem>>, vector<1x256xf32>
    %get3A_41 = vector.shape_cast %get3A_40 : vector<1x256xf32> to vector<256xf32>
    %broadcast_in_dim3A_42 = vector.shape_cast %get3A_41 : vector<256xf32> to vector<1x256xf32>
    %add3A_43 = vector.broadcast %broadcast_in_dim3A_42 : vector<1x256xf32> to vector<2560x256xf32>
    %add3A_44 = arith.addf %add3A_37, %add3A_43 : vector<2560x256xf32>
    %max3A = arith.constant 0.000000e+00 : f32
    %max3A_45 = vector.broadcast %max3A : f32 to vector<2560x256xf32>
    %max3A_46 = arith.maximumf %add3A_44, %max3A_45 : vector<2560x256xf32>
    %get3A_47 = arith.constant 0 : index
    %get3A_48 = arith.constant 0 : index
    %get3A_49 = vector.load %arg9[%get3A_47, %get3A_48] : memref<256x256xf32, #tpu.memory_space<vmem>>, vector<256x256xf32>
    %dot_general3A_50 = arith.constant dense<0.000000e+00> : vector<2560x256xf32>
    %dot_general3A_51 = tpu.matmul %max3A_46, %get3A_49, %dot_general3A_50 {dimension_numbers = #tpu.dot_dimension_numbers<[1], [0], [0], [1], [0, 0, 1, 1], [], []>, transpose_lhs_hint = false} : vector<2560x256xf32>, vector<256x256xf32>, vector<2560x256xf32> -> vector<2560x256xf32>
    %get3A_52 = arith.constant 0 : index
    %get3A_53 = arith.constant 0 : index
    %get3A_54 = vector.load %arg10[%get3A_52, %get3A_53] : memref<1x256xf32, #tpu.memory_space<vmem>>, vector<1x256xf32>
    %get3A_55 = vector.shape_cast %get3A_54 : vector<1x256xf32> to vector<256xf32>
    %broadcast_in_dim3A_56 = vector.shape_cast %get3A_55 : vector<256xf32> to vector<1x256xf32>
    %add3A_57 = vector.broadcast %broadcast_in_dim3A_56 : vector<1x256xf32> to vector<2560x256xf32>
    %add3A_58 = arith.addf %dot_general3A_51, %add3A_57 : vector<2560x256xf32>
    %max3A_59 = arith.constant 0.000000e+00 : f32
    %max3A_60 = vector.broadcast %max3A_59 : f32 to vector<2560x256xf32>
    %max3A_61 = arith.maximumf %add3A_58, %max3A_60 : vector<2560x256xf32>
    %slice3A = vector.extract_strided_slice %max3A_61 {offsets = [0, 0], sizes = [2560, 128], strides = [1, 1]} : vector<2560x256xf32> to vector<2560x128xf32>
    %swap3A = arith.constant 0 : index
    %swap3A_62 = arith.constant 0 : index
    %swap3A_63 = arith.constant 0 : index
    %swap3A_64 = vector.load %arg11[%swap3A, %swap3A_62, %swap3A_63] : memref<2x2560x128xf32, #tpu.memory_space<vmem>>, vector<1x2560x128xf32>
    %swap3A_65 = vector.shape_cast %swap3A_64 : vector<1x2560x128xf32> to vector<2560x128xf32>
    %swap3A_66 = vector.shape_cast %slice3A : vector<2560x128xf32> to vector<1x2560x128xf32>
    tpu.vector_store %arg11[%swap3A, %swap3A_62, %swap3A_63], %swap3A_66 {strides = array<i32>} : memref<2x2560x128xf32, #tpu.memory_space<vmem>>, vector<1x2560x128xf32>,
    %slice3A_67 = vector.extract_strided_slice %max3A_61 {offsets = [0, 128], sizes = [2560, 128], strides = [1, 1]} : vector<2560x256xf32> to vector<2560x128xf32>
    %swap3A_68 = arith.constant 1 : index
    %swap3A_69 = arith.constant 0 : index
    %swap3A_70 = arith.constant 0 : index
    %swap3A_71 = vector.load %arg11[%swap3A_68, %swap3A_69, %swap3A_70] : memref<2x2560x128xf32, #tpu.memory_space<vmem>>, vector<1x2560x128xf32>
    %swap3A_72 = vector.shape_cast %swap3A_71 : vector<1x2560x128xf32> to vector<2560x128xf32>
    %swap3A_73 = vector.shape_cast %slice3A_67 : vector<2560x128xf32> to vector<1x2560x128xf32>
    tpu.vector_store %arg11[%swap3A_68, %swap3A_69, %swap3A_70], %swap3A_73 {strides = array<i32>} : memref<2x2560x128xf32, #tpu.memory_space<vmem>>, vector<1x2560x128xf32>,
    return
  }
  func.func @transform_0(%arg0: i32) -> (i32, i32, i32) {
    %c0_i32 = arith.constant 0 : i32
    %c0_i32_0 = arith.constant 0 : i32
    %c0_i32_1 = arith.constant 0 : i32
    return %c0_i32, %arg0, %c0_i32_0 : i32, i32, i32
  }
  func.func @transform_1(%arg0: i32) -> (i32, i32) {
    %c0_i32 = arith.constant 0 : i32
    %c0_i32_0 = arith.constant 0 : i32
    return %c0_i32, %arg0 : i32, i32
  }
  func.func @transform_2(%arg0: i32) -> (i32, i32) {
    %c0_i32 = arith.constant 0 : i32
    %c0_i32_0 = arith.constant 0 : i32
    %c0_i32_1 = arith.constant 0 : i32
    return %c0_i32, %c0_i32_0 : i32, i32
  }
  func.func @transform_3(%arg0: i32) -> (i32, i32) {
    %c0_i32 = arith.constant 0 : i32
    %c0_i32_0 = arith.constant 0 : i32
    %c0_i32_1 = arith.constant 0 : i32
    return %c0_i32, %c0_i32_0 : i32, i32
  }
  func.func @transform_4(%arg0: i32) -> (i32, i32) {
    %c0_i32 = arith.constant 0 : i32
    %c0_i32_0 = arith.constant 0 : i32
    %c0_i32_1 = arith.constant 0 : i32
    return %c0_i32, %c0_i32_0 : i32, i32
  }
  func.func @transform_5(%arg0: i32) -> (i32, i32) {
    %c0_i32 = arith.constant 0 : i32
    %c0_i32_0 = arith.constant 0 : i32
    %c0_i32_1 = arith.constant 0 : i32
    return %c0_i32, %c0_i32_0 : i32, i32
  }
  func.func @transform_6(%arg0: i32) -> (i32, i32) {
    %c0_i32 = arith.constant 0 : i32
    %c0_i32_0 = arith.constant 0 : i32
    %c0_i32_1 = arith.constant 0 : i32
    return %c0_i32, %c0_i32_0 : i32, i32
  }
  func.func @transform_7(%arg0: i32) -> (i32, i32) {
    %c0_i32 = arith.constant 0 : i32
    %c0_i32_0 = arith.constant 0 : i32
    %c0_i32_1 = arith.constant 0 : i32
    return %c0_i32, %c0_i32_0 : i32, i32
  }
  func.func @transform_8(%arg0: i32) -> (i32, i32) {
    %c0_i32 = arith.constant 0 : i32
    %c0_i32_0 = arith.constant 0 : i32
    %c0_i32_1 = arith.constant 0 : i32
    return %c0_i32, %c0_i32_0 : i32, i32
  }
  func.func @transform_9(%arg0: i32) -> (i32, i32) {
    %c0_i32 = arith.constant 0 : i32
    %c0_i32_0 = arith.constant 0 : i32
    %c0_i32_1 = arith.constant 0 : i32
    return %c0_i32, %c0_i32_0 : i32, i32
  }
  func.func @transform_10(%arg0: i32) -> (i32, i32, i32) {
    %c0_i32 = arith.constant 0 : i32
    %c0_i32_0 = arith.constant 0 : i32
    %c0_i32_1 = arith.constant 0 : i32
    return %c0_i32, %arg0, %c0_i32_0 : i32, i32, i32
  }
}

module attributes {stable_mosaic.version = 14 : i64} {
  func.func @_latent_body(%arg0: memref<2x640x128xf32, #tpu.memory_space<vmem>>, %arg1: memref<4x640xf32, #tpu.memory_space<vmem>>, %arg2: memref<4x8xf32, #tpu.memory_space<vmem>>, %arg3: memref<1x8xf32, #tpu.memory_space<vmem>>, %arg4: memref<128x256xf32, #tpu.memory_space<vmem>>, %arg5: memref<128x256xf32, #tpu.memory_space<vmem>>, %arg6: memref<8x256xf32, #tpu.memory_space<vmem>>, %arg7: memref<1x256xf32, #tpu.memory_space<vmem>>, %arg8: memref<256x256xf32, #tpu.memory_space<vmem>>, %arg9: memref<640x128xf32, #tpu.memory_space<vmem>>, %arg10: memref<128x256xf32, #tpu.memory_space<vmem>>, %arg11: memref<1x256xf32, #tpu.memory_space<vmem>>, %arg12: memref<2x640x128xf32, #tpu.memory_space<vmem>>) attributes {dimension_semantics = [], scalar_prefetch = 0 : i64, scratch_operands = 0 : i64, tpu.core_type = #tpu.core_type<tc>} {
    %get3A = arith.constant 0 : index
    %get3A_0 = arith.constant 0 : index
    %get3A_1 = vector.load %arg1[%get3A, %get3A_0] : memref<4x640xf32, #tpu.memory_space<vmem>>, vector<4x640xf32>
    %get3A_2 = arith.constant 0 : index
    %get3A_3 = arith.constant 0 : index
    %get3A_4 = vector.load %arg2[%get3A_2, %get3A_3] : memref<4x8xf32, #tpu.memory_space<vmem>>, vector<4x8xf32>
    %dot_general3A = arith.constant dense<0.000000e+00> : vector<640x8xf32>
    %dot_general3A_5 = tpu.matmul %get3A_1, %get3A_4, %dot_general3A {dimension_numbers = #tpu.dot_dimension_numbers<[0], [0], [1], [1], [0, 1, 1, 1], [], []>, transpose_lhs_hint = false} : vector<4x640xf32>, vector<4x8xf32>, vector<640x8xf32> -> vector<640x8xf32>
    %get3A_6 = arith.constant 0 : index
    %get3A_7 = arith.constant 0 : index
    %get3A_8 = vector.load %arg3[%get3A_6, %get3A_7] : memref<1x8xf32, #tpu.memory_space<vmem>>, vector<1x8xf32>
    %get3A_9 = vector.shape_cast %get3A_8 : vector<1x8xf32> to vector<8xf32>
    %broadcast_in_dim3A = vector.shape_cast %get3A_9 : vector<8xf32> to vector<1x8xf32>
    %add3A = vector.broadcast %broadcast_in_dim3A : vector<1x8xf32> to vector<640x8xf32>
    %add3A_10 = arith.addf %dot_general3A_5, %add3A : vector<640x8xf32>
    %get3A_11 = arith.constant 0 : index
    %get3A_12 = arith.constant 0 : index
    %get3A_13 = arith.constant 0 : index
    %get3A_14 = vector.load %arg0[%get3A_11, %get3A_12, %get3A_13] : memref<2x640x128xf32, #tpu.memory_space<vmem>>, vector<1x640x128xf32>
    %get3A_15 = vector.shape_cast %get3A_14 : vector<1x640x128xf32> to vector<640x128xf32>
    %get3A_16 = arith.constant 0 : index
    %get3A_17 = arith.constant 0 : index
    %get3A_18 = vector.load %arg4[%get3A_16, %get3A_17] : memref<128x256xf32, #tpu.memory_space<vmem>>, vector<128x256xf32>
    %dot_general3A_19 = arith.constant dense<0.000000e+00> : vector<640x256xf32>
    %dot_general3A_20 = tpu.matmul %get3A_15, %get3A_18, %dot_general3A_19 {dimension_numbers = #tpu.dot_dimension_numbers<[1], [0], [0], [1], [0, 0, 1, 1], [], []>, transpose_lhs_hint = false} : vector<640x128xf32>, vector<128x256xf32>, vector<640x256xf32> -> vector<640x256xf32>
    %get3A_21 = arith.constant 1 : index
    %get3A_22 = arith.constant 0 : index
    %get3A_23 = arith.constant 0 : index
    %get3A_24 = vector.load %arg0[%get3A_21, %get3A_22, %get3A_23] : memref<2x640x128xf32, #tpu.memory_space<vmem>>, vector<1x640x128xf32>
    %get3A_25 = vector.shape_cast %get3A_24 : vector<1x640x128xf32> to vector<640x128xf32>
    %get3A_26 = arith.constant 0 : index
    %get3A_27 = arith.constant 0 : index
    %get3A_28 = vector.load %arg5[%get3A_26, %get3A_27] : memref<128x256xf32, #tpu.memory_space<vmem>>, vector<128x256xf32>
    %dot_general3A_29 = arith.constant dense<0.000000e+00> : vector<640x256xf32>
    %dot_general3A_30 = tpu.matmul %get3A_25, %get3A_28, %dot_general3A_29 {dimension_numbers = #tpu.dot_dimension_numbers<[1], [0], [0], [1], [0, 0, 1, 1], [], []>, transpose_lhs_hint = false} : vector<640x128xf32>, vector<128x256xf32>, vector<640x256xf32> -> vector<640x256xf32>
    %add3A_31 = arith.addf %dot_general3A_20, %dot_general3A_30 : vector<640x256xf32>
    %get3A_32 = arith.constant 0 : index
    %get3A_33 = arith.constant 0 : index
    %get3A_34 = vector.load %arg6[%get3A_32, %get3A_33] : memref<8x256xf32, #tpu.memory_space<vmem>>, vector<8x256xf32>
    %dot_general3A_35 = arith.constant dense<0.000000e+00> : vector<640x256xf32>
    %dot_general3A_36 = tpu.matmul %add3A_10, %get3A_34, %dot_general3A_35 {dimension_numbers = #tpu.dot_dimension_numbers<[1], [0], [0], [1], [0, 0, 1, 1], [], []>, transpose_lhs_hint = false} : vector<640x8xf32>, vector<8x256xf32>, vector<640x256xf32> -> vector<640x256xf32>
    %add3A_37 = arith.addf %add3A_31, %dot_general3A_36 : vector<640x256xf32>
    %get3A_38 = arith.constant 0 : index
    %get3A_39 = arith.constant 0 : index
    %get3A_40 = vector.load %arg7[%get3A_38, %get3A_39] : memref<1x256xf32, #tpu.memory_space<vmem>>, vector<1x256xf32>
    %get3A_41 = vector.shape_cast %get3A_40 : vector<1x256xf32> to vector<256xf32>
    %broadcast_in_dim3A_42 = vector.shape_cast %get3A_41 : vector<256xf32> to vector<1x256xf32>
    %add3A_43 = vector.broadcast %broadcast_in_dim3A_42 : vector<1x256xf32> to vector<640x256xf32>
    %add3A_44 = arith.addf %add3A_37, %add3A_43 : vector<640x256xf32>
    %max3A = arith.constant 0.000000e+00 : f32
    %max3A_45 = vector.broadcast %max3A : f32 to vector<640x256xf32>
    %max3A_46 = arith.maximumf %add3A_44, %max3A_45 : vector<640x256xf32>
    %get3A_47 = arith.constant 0 : index
    %get3A_48 = arith.constant 0 : index
    %get3A_49 = vector.load %arg8[%get3A_47, %get3A_48] : memref<256x256xf32, #tpu.memory_space<vmem>>, vector<256x256xf32>
    %dot_general3A_50 = arith.constant dense<0.000000e+00> : vector<640x256xf32>
    %dot_general3A_51 = tpu.matmul %max3A_46, %get3A_49, %dot_general3A_50 {dimension_numbers = #tpu.dot_dimension_numbers<[1], [0], [0], [1], [0, 0, 1, 1], [], []>, transpose_lhs_hint = false} : vector<640x256xf32>, vector<256x256xf32>, vector<640x256xf32> -> vector<640x256xf32>
    %slice3A = vector.extract_strided_slice %dot_general3A_51 {offsets = [0, 0], sizes = [640, 128], strides = [1, 1]} : vector<640x256xf32> to vector<640x128xf32>
    %slice3A_52 = vector.extract_strided_slice %dot_general3A_51 {offsets = [0, 128], sizes = [640, 128], strides = [1, 1]} : vector<640x256xf32> to vector<640x128xf32>
    %get3A_53 = arith.constant 0 : index
    %get3A_54 = arith.constant 0 : index
    %get3A_55 = vector.load %arg9[%get3A_53, %get3A_54] : memref<640x128xf32, #tpu.memory_space<vmem>>, vector<640x128xf32>
    %mul3A = arith.constant 5.000000e-01 : f32
    %mul3A_56 = vector.broadcast %mul3A : f32 to vector<640x128xf32>
    %mul3A_57 = arith.mulf %slice3A_52, %mul3A_56 : vector<640x128xf32>
    %exp3A = math.exp %mul3A_57 : vector<640x128xf32>
    %mul3A_58 = arith.mulf %get3A_55, %exp3A : vector<640x128xf32>
    %add3A_59 = arith.addf %slice3A, %mul3A_58 : vector<640x128xf32>
    %get3A_60 = arith.constant 0 : index
    %get3A_61 = arith.constant 0 : index
    %get3A_62 = vector.load %arg10[%get3A_60, %get3A_61] : memref<128x256xf32, #tpu.memory_space<vmem>>, vector<128x256xf32>
    %dot_general3A_63 = arith.constant dense<0.000000e+00> : vector<640x256xf32>
    %dot_general3A_64 = tpu.matmul %add3A_59, %get3A_62, %dot_general3A_63 {dimension_numbers = #tpu.dot_dimension_numbers<[1], [0], [0], [1], [0, 0, 1, 1], [], []>, transpose_lhs_hint = false} : vector<640x128xf32>, vector<128x256xf32>, vector<640x256xf32> -> vector<640x256xf32>
    %get3A_65 = arith.constant 0 : index
    %get3A_66 = arith.constant 0 : index
    %get3A_67 = vector.load %arg11[%get3A_65, %get3A_66] : memref<1x256xf32, #tpu.memory_space<vmem>>, vector<1x256xf32>
    %get3A_68 = vector.shape_cast %get3A_67 : vector<1x256xf32> to vector<256xf32>
    %broadcast_in_dim3A_69 = vector.shape_cast %get3A_68 : vector<256xf32> to vector<1x256xf32>
    %add3A_70 = vector.broadcast %broadcast_in_dim3A_69 : vector<1x256xf32> to vector<640x256xf32>
    %add3A_71 = arith.addf %dot_general3A_64, %add3A_70 : vector<640x256xf32>
    %max3A_72 = arith.constant 0.000000e+00 : f32
    %max3A_73 = vector.broadcast %max3A_72 : f32 to vector<640x256xf32>
    %max3A_74 = arith.maximumf %add3A_71, %max3A_73 : vector<640x256xf32>
    %slice3A_75 = vector.extract_strided_slice %max3A_74 {offsets = [0, 0], sizes = [640, 128], strides = [1, 1]} : vector<640x256xf32> to vector<640x128xf32>
    %swap3A = arith.constant 0 : index
    %swap3A_76 = arith.constant 0 : index
    %swap3A_77 = arith.constant 0 : index
    %swap3A_78 = vector.load %arg12[%swap3A, %swap3A_76, %swap3A_77] : memref<2x640x128xf32, #tpu.memory_space<vmem>>, vector<1x640x128xf32>
    %swap3A_79 = vector.shape_cast %swap3A_78 : vector<1x640x128xf32> to vector<640x128xf32>
    %swap3A_80 = vector.shape_cast %slice3A_75 : vector<640x128xf32> to vector<1x640x128xf32>
    tpu.vector_store %arg12[%swap3A, %swap3A_76, %swap3A_77], %swap3A_80 {strides = array<i32>} : memref<2x640x128xf32, #tpu.memory_space<vmem>>, vector<1x640x128xf32>,
    %slice3A_81 = vector.extract_strided_slice %max3A_74 {offsets = [0, 128], sizes = [640, 128], strides = [1, 1]} : vector<640x256xf32> to vector<640x128xf32>
    %swap3A_82 = arith.constant 1 : index
    %swap3A_83 = arith.constant 0 : index
    %swap3A_84 = arith.constant 0 : index
    %swap3A_85 = vector.load %arg12[%swap3A_82, %swap3A_83, %swap3A_84] : memref<2x640x128xf32, #tpu.memory_space<vmem>>, vector<1x640x128xf32>
    %swap3A_86 = vector.shape_cast %swap3A_85 : vector<1x640x128xf32> to vector<640x128xf32>
    %swap3A_87 = vector.shape_cast %slice3A_81 : vector<640x128xf32> to vector<1x640x128xf32>
    tpu.vector_store %arg12[%swap3A_82, %swap3A_83, %swap3A_84], %swap3A_87 {strides = array<i32>} : memref<2x640x128xf32, #tpu.memory_space<vmem>>, vector<1x640x128xf32>,
    return
  }
}

module attributes {stable_mosaic.version = 14 : i64} {
  func.func @_final_body(%arg0: i32, %arg1: memref<2x2048x128xf32, #tpu.memory_space<vmem>>, %arg2: memref<4x2048xf32, #tpu.memory_space<vmem>>, %arg3: memref<4x8xf32, #tpu.memory_space<vmem>>, %arg4: memref<1x8xf32, #tpu.memory_space<vmem>>, %arg5: memref<128x256xf32, #tpu.memory_space<vmem>>, %arg6: memref<128x256xf32, #tpu.memory_space<vmem>>, %arg7: memref<8x256xf32, #tpu.memory_space<vmem>>, %arg8: memref<1x256xf32, #tpu.memory_space<vmem>>, %arg9: memref<256x100xf32, #tpu.memory_space<vmem>>, %arg10: memref<1x100xf32, #tpu.memory_space<vmem>>, %arg11: memref<1x1x1x2048x100xf32, #tpu.memory_space<vmem>>) attributes {dimension_semantics = [#tpu.dimension_semantics<arbitrary>], iteration_bounds = array<i64: 5>, scalar_prefetch = 0 : i64, scratch_operands = 0 : i64, tpu.core_type = #tpu.core_type<tc>, window_params = [{transform_indices = @transform_0, window_bounds = array<i64: 2, 2048, 128>}, {transform_indices = @transform_1, window_bounds = array<i64: 4, 2048>}, {pipeline_mode = #tpu.pipeline_mode<synchronous>, transform_indices = @transform_2, window_bounds = array<i64: 4, 8>}, {pipeline_mode = #tpu.pipeline_mode<synchronous>, transform_indices = @transform_3, window_bounds = array<i64: 1, 8>}, {pipeline_mode = #tpu.pipeline_mode<synchronous>, transform_indices = @transform_4, window_bounds = array<i64: 128, 256>}, {pipeline_mode = #tpu.pipeline_mode<synchronous>, transform_indices = @transform_5, window_bounds = array<i64: 128, 256>}, {pipeline_mode = #tpu.pipeline_mode<synchronous>, transform_indices = @transform_6, window_bounds = array<i64: 8, 256>}, {pipeline_mode = #tpu.pipeline_mode<synchronous>, transform_indices = @transform_7, window_bounds = array<i64: 1, 256>}, {pipeline_mode = #tpu.pipeline_mode<synchronous>, transform_indices = @transform_8, window_bounds = array<i64: 256, 100>}, {pipeline_mode = #tpu.pipeline_mode<synchronous>, transform_indices = @transform_9, window_bounds = array<i64: 1, 100>}, {transform_indices = @transform_10, window_bounds = array<i64: 1, 1, 1, 2048, 100>}]} {
    %get3A = arith.constant 0 : index
    %get3A_0 = arith.constant 0 : index
    %get3A_1 = vector.load %arg2[%get3A, %get3A_0] : memref<4x2048xf32, #tpu.memory_space<vmem>>, vector<4x2048xf32>
    %get3A_2 = arith.constant 0 : index
    %get3A_3 = arith.constant 0 : index
    %get3A_4 = vector.load %arg3[%get3A_2, %get3A_3] : memref<4x8xf32, #tpu.memory_space<vmem>>, vector<4x8xf32>
    %dot_general3A = arith.constant dense<0.000000e+00> : vector<2048x8xf32>
    %dot_general3A_5 = tpu.matmul %get3A_1, %get3A_4, %dot_general3A {dimension_numbers = #tpu.dot_dimension_numbers<[0], [0], [1], [1], [0, 1, 1, 1], [], []>, transpose_lhs_hint = false} : vector<4x2048xf32>, vector<4x8xf32>, vector<2048x8xf32> -> vector<2048x8xf32>
    %get3A_6 = arith.constant 0 : index
    %get3A_7 = arith.constant 0 : index
    %get3A_8 = vector.load %arg4[%get3A_6, %get3A_7] : memref<1x8xf32, #tpu.memory_space<vmem>>, vector<1x8xf32>
    %get3A_9 = vector.shape_cast %get3A_8 : vector<1x8xf32> to vector<8xf32>
    %broadcast_in_dim3A = vector.shape_cast %get3A_9 : vector<8xf32> to vector<1x8xf32>
    %add3A = vector.broadcast %broadcast_in_dim3A : vector<1x8xf32> to vector<2048x8xf32>
    %add3A_10 = arith.addf %dot_general3A_5, %add3A : vector<2048x8xf32>
    %get3A_11 = arith.constant 0 : index
    %get3A_12 = arith.constant 0 : index
    %get3A_13 = arith.constant 0 : index
    %get3A_14 = vector.load %arg1[%get3A_11, %get3A_12, %get3A_13] : memref<2x2048x128xf32, #tpu.memory_space<vmem>>, vector<1x2048x128xf32>
    %get3A_15 = vector.shape_cast %get3A_14 : vector<1x2048x128xf32> to vector<2048x128xf32>
    %get3A_16 = arith.constant 0 : index
    %get3A_17 = arith.constant 0 : index
    %get3A_18 = vector.load %arg5[%get3A_16, %get3A_17] : memref<128x256xf32, #tpu.memory_space<vmem>>, vector<128x256xf32>
    %dot_general3A_19 = arith.constant dense<0.000000e+00> : vector<2048x256xf32>
    %dot_general3A_20 = tpu.matmul %get3A_15, %get3A_18, %dot_general3A_19 {dimension_numbers = #tpu.dot_dimension_numbers<[1], [0], [0], [1], [0, 0, 1, 1], [], []>, transpose_lhs_hint = false} : vector<2048x128xf32>, vector<128x256xf32>, vector<2048x256xf32> -> vector<2048x256xf32>
    %get3A_21 = arith.constant 1 : index
    %get3A_22 = arith.constant 0 : index
    %get3A_23 = arith.constant 0 : index
    %get3A_24 = vector.load %arg1[%get3A_21, %get3A_22, %get3A_23] : memref<2x2048x128xf32, #tpu.memory_space<vmem>>, vector<1x2048x128xf32>
    %get3A_25 = vector.shape_cast %get3A_24 : vector<1x2048x128xf32> to vector<2048x128xf32>
    %get3A_26 = arith.constant 0 : index
    %get3A_27 = arith.constant 0 : index
    %get3A_28 = vector.load %arg6[%get3A_26, %get3A_27] : memref<128x256xf32, #tpu.memory_space<vmem>>, vector<128x256xf32>
    %dot_general3A_29 = arith.constant dense<0.000000e+00> : vector<2048x256xf32>
    %dot_general3A_30 = tpu.matmul %get3A_25, %get3A_28, %dot_general3A_29 {dimension_numbers = #tpu.dot_dimension_numbers<[1], [0], [0], [1], [0, 0, 1, 1], [], []>, transpose_lhs_hint = false} : vector<2048x128xf32>, vector<128x256xf32>, vector<2048x256xf32> -> vector<2048x256xf32>
    %add3A_31 = arith.addf %dot_general3A_20, %dot_general3A_30 : vector<2048x256xf32>
    %get3A_32 = arith.constant 0 : index
    %get3A_33 = arith.constant 0 : index
    %get3A_34 = vector.load %arg7[%get3A_32, %get3A_33] : memref<8x256xf32, #tpu.memory_space<vmem>>, vector<8x256xf32>
    %dot_general3A_35 = arith.constant dense<0.000000e+00> : vector<2048x256xf32>
    %dot_general3A_36 = tpu.matmul %add3A_10, %get3A_34, %dot_general3A_35 {dimension_numbers = #tpu.dot_dimension_numbers<[1], [0], [0], [1], [0, 0, 1, 1], [], []>, transpose_lhs_hint = false} : vector<2048x8xf32>, vector<8x256xf32>, vector<2048x256xf32> -> vector<2048x256xf32>
    %add3A_37 = arith.addf %add3A_31, %dot_general3A_36 : vector<2048x256xf32>
    %get3A_38 = arith.constant 0 : index
    %get3A_39 = arith.constant 0 : index
    %get3A_40 = vector.load %arg8[%get3A_38, %get3A_39] : memref<1x256xf32, #tpu.memory_space<vmem>>, vector<1x256xf32>
    %get3A_41 = vector.shape_cast %get3A_40 : vector<1x256xf32> to vector<256xf32>
    %broadcast_in_dim3A_42 = vector.shape_cast %get3A_41 : vector<256xf32> to vector<1x256xf32>
    %add3A_43 = vector.broadcast %broadcast_in_dim3A_42 : vector<1x256xf32> to vector<2048x256xf32>
    %add3A_44 = arith.addf %add3A_37, %add3A_43 : vector<2048x256xf32>
    %max3A = arith.constant 0.000000e+00 : f32
    %max3A_45 = vector.broadcast %max3A : f32 to vector<2048x256xf32>
    %max3A_46 = arith.maximumf %add3A_44, %max3A_45 : vector<2048x256xf32>
    %get3A_47 = arith.constant 0 : index
    %get3A_48 = arith.constant 0 : index
    %get3A_49 = vector.load %arg9[%get3A_47, %get3A_48] : memref<256x100xf32, #tpu.memory_space<vmem>>, vector<256x100xf32>
    %dot_general3A_50 = arith.constant dense<0.000000e+00> : vector<2048x100xf32>
    %dot_general3A_51 = tpu.matmul %max3A_46, %get3A_49, %dot_general3A_50 {dimension_numbers = #tpu.dot_dimension_numbers<[1], [0], [0], [1], [0, 0, 1, 1], [], []>, transpose_lhs_hint = false} : vector<2048x256xf32>, vector<256x100xf32>, vector<2048x100xf32> -> vector<2048x100xf32>
    %get3A_52 = arith.constant 0 : index
    %get3A_53 = arith.constant 0 : index
    %get3A_54 = vector.load %arg10[%get3A_52, %get3A_53] : memref<1x100xf32, #tpu.memory_space<vmem>>, vector<1x100xf32>
    %get3A_55 = vector.shape_cast %get3A_54 : vector<1x100xf32> to vector<100xf32>
    %broadcast_in_dim3A_56 = vector.shape_cast %get3A_55 : vector<100xf32> to vector<1x100xf32>
    %add3A_57 = vector.broadcast %broadcast_in_dim3A_56 : vector<1x100xf32> to vector<2048x100xf32>
    %add3A_58 = arith.addf %dot_general3A_51, %add3A_57 : vector<2048x100xf32>
    %swap3A = arith.constant 0 : index
    %swap3A_59 = arith.constant 0 : index
    %swap3A_60 = arith.constant 0 : index
    %swap3A_61 = arith.constant 0 : index
    %swap3A_62 = arith.constant 0 : index
    %swap3A_63 = vector.load %arg11[%swap3A, %swap3A_59, %swap3A_60, %swap3A_61, %swap3A_62] : memref<1x1x1x2048x100xf32, #tpu.memory_space<vmem>>, vector<1x1x1x2048x100xf32>
    %swap3A_64 = vector.shape_cast %swap3A_63 : vector<1x1x1x2048x100xf32> to vector<2048x100xf32>
    %swap3A_65 = vector.shape_cast %add3A_58 : vector<2048x100xf32> to vector<1x1x1x2048x100xf32>
    tpu.vector_store %arg11[%swap3A, %swap3A_59, %swap3A_60, %swap3A_61, %swap3A_62], %swap3A_65 {strides = array<i32>} : memref<1x1x1x2048x100xf32, #tpu.memory_space<vmem>>, vector<1x1x1x2048x100xf32>,
    return
  }
  func.func @transform_0(%arg0: i32) -> (i32, i32, i32) {
    %c0_i32 = arith.constant 0 : i32
    %c0_i32_0 = arith.constant 0 : i32
    %c0_i32_1 = arith.constant 0 : i32
    return %c0_i32, %arg0, %c0_i32_0 : i32, i32, i32
  }
  func.func @transform_1(%arg0: i32) -> (i32, i32) {
    %c0_i32 = arith.constant 0 : i32
    %c0_i32_0 = arith.constant 0 : i32
    return %c0_i32, %arg0 : i32, i32
  }
  func.func @transform_2(%arg0: i32) -> (i32, i32) {
    %c0_i32 = arith.constant 0 : i32
    %c0_i32_0 = arith.constant 0 : i32
    %c0_i32_1 = arith.constant 0 : i32
    return %c0_i32, %c0_i32_0 : i32, i32
  }
  func.func @transform_3(%arg0: i32) -> (i32, i32) {
    %c0_i32 = arith.constant 0 : i32
    %c0_i32_0 = arith.constant 0 : i32
    %c0_i32_1 = arith.constant 0 : i32
    return %c0_i32, %c0_i32_0 : i32, i32
  }
  func.func @transform_4(%arg0: i32) -> (i32, i32) {
    %c0_i32 = arith.constant 0 : i32
    %c0_i32_0 = arith.constant 0 : i32
    %c0_i32_1 = arith.constant 0 : i32
    return %c0_i32, %c0_i32_0 : i32, i32
  }
  func.func @transform_5(%arg0: i32) -> (i32, i32) {
    %c0_i32 = arith.constant 0 : i32
    %c0_i32_0 = arith.constant 0 : i32
    %c0_i32_1 = arith.constant 0 : i32
    return %c0_i32, %c0_i32_0 : i32, i32
  }
  func.func @transform_6(%arg0: i32) -> (i32, i32) {
    %c0_i32 = arith.constant 0 : i32
    %c0_i32_0 = arith.constant 0 : i32
    %c0_i32_1 = arith.constant 0 : i32
    return %c0_i32, %c0_i32_0 : i32, i32
  }
  func.func @transform_7(%arg0: i32) -> (i32, i32) {
    %c0_i32 = arith.constant 0 : i32
    %c0_i32_0 = arith.constant 0 : i32
    %c0_i32_1 = arith.constant 0 : i32
    return %c0_i32, %c0_i32_0 : i32, i32
  }
  func.func @transform_8(%arg0: i32) -> (i32, i32) {
    %c0_i32 = arith.constant 0 : i32
    %c0_i32_0 = arith.constant 0 : i32
    %c0_i32_1 = arith.constant 0 : i32
    return %c0_i32, %c0_i32_0 : i32, i32
  }
  func.func @transform_9(%arg0: i32) -> (i32, i32) {
    %c0_i32 = arith.constant 0 : i32
    %c0_i32_0 = arith.constant 0 : i32
    %c0_i32_1 = arith.constant 0 : i32
    return %c0_i32, %c0_i32_0 : i32, i32
  }
  func.func @transform_10(%arg0: i32) -> (i32, i32, i32, i32, i32) {
    %c0_i32 = arith.constant 0 : i32
    %c0_i32_0 = arith.constant 0 : i32
    %c0_i32_1 = arith.constant 0 : i32
    %c0_i32_2 = arith.constant 0 : i32
    %c0_i32_3 = arith.constant 0 : i32
    return %c0_i32, %c0_i32_0, %c0_i32_1, %arg0, %c0_i32_2 : i32, i32, i32, i32, i32
  }
}

</mosaic_0001>

<sc_bundles>
// kernel: kernel.11.cloned.1.call-start
scs
__scs_entry_jumppad:
0x0: {  	(pc) =	sbr.rel $0x88, $3  }
0x1: {  	(tag) =	ssettag $0x0;
	lr =	simm.s32 $0x1  }
0x2: {  	[smem:$0x3F83] =	sst lr;
	_ =	strace $0xD0000000  }
0x3: {  	_ = 	snop  }
0x4: {  	_ = 	snop  }
0x5: {  	_ = 	snop  }
0x6: {  	_ = 	snop  }
0x7: {  	_ = 	snop  }
__scs_overlays_trampoline_lowered:
0x8: {  	[smem:$0x3F92] =	sst s0  }
0x9: {  	[smem:$0x3F93] =	sst s1  }
0xa: {  	[smem:$0x3F94] =	sst s2  }
0xb: {  	[smem:$0x3F95] =	sst s3  }
0xc: {  	[smem:$0x3F96] =	sst s4  }
0xd: {  	[smem:$0x3F97] =	sst s5  }
0xe: {  	[smem:$0x3F98] =	sst s6  }
0xf: {  	[smem:$0x3F99] =	sst s7  }
0x10: {  	[smem:$0x3F9A] =	sst s8  }
0x11: {  	[smem:$0x3F9B] =	sst s9;
	s0 =	simm.s32 @!p0 $0x0  }
0x12: {  	s1 =	sld [smem:$0x3F81];
	s0 =	simm.s32 @p0 $0x1  }
0x13: {  	[smem:$0x3F9C] =	sst s0;
	s0 =	simm.s32 @!p1 $0x0  }
0x14: {  	s2 =	sld [smem:$0x3F80];
	s0 =	simm.s32 @p1 $0x1  }
0x15: {  	[smem:$0x3F9D] =	sst s0;
	s0 =	simm.s32 @!p2 $0x0  }
0x16: {  	s3 =	sld [smem:$0x3FDB];
	s0 =	simm.s32 @p2 $0x1  }
0x17: {  	s4 =	simm.s32 $0x1BF5;
	[smem:$0x3F9F] =	sst s0  }
0x18: {  	s0 =	sld [smem:$0x3F82];
	_ =	swait.ge [sflag:s4], $0x0  }
0x19: {  	s7 =	sld [smem:$0x3F83]  }
0x1a: {  	s8 =	sadd.s32 $0xFFFFE003, lr  }
0x1b: {  	s9 =	sadd.s32 $0xFFFFFEF7, lr;
	s5 =	simm.s32 $0xFFFFFFFF;
	p2 =	slt.u32 s8, $0xFFFFF086  }
0x1c: {  	p1 =	slt.u32 s9, $0xF7A;
	s5 =	simm.s32 @!p2 $0x0  }
0x1d: {  	s5 =	simm.s32 @p1 $0x1;
	p0 =	seq.s32 s7, s2  }
0x1e: {  	s7 =	smul.u32 @!p0 $0xF7A, s2;
	p2 =	seq.s32 @!p0 s5, $0x0  }
0x1f: {  	s9 =	smul.u32 $0xF7A, s1;
	s8 =	simm.s32 @!p0 $0x1BF5;
	p2 =	por !p2, p0  }
0x20: {  	[sflag:s8] =	ssyncset.s32 @!p0 $0xFFFFF086;
	s6 =	sadd.s32 @!p0 s3, s7;
	s7 =	simm.s32 @!p0 $0x108  }
0x21: {  	s3 =	sadd.s32 s3, s9;
	s6 =	sadd.s32 @!p0 $0x88, s6;
	s7 =	simm.s32 @p2 $0x1082  }
0x22: {  	[simem:s7], [sflag:s8] =	dma.local @!p0 [hbm:s6], $0xF7A  }
0x23: {  	s9 =	sor.u32 $0xD0000000, s2;
	s6 =	simm.s32 $0x108;
	_ =	swait.ge @!p0 [sflag:s8], $0x0  }
0x24: {  	s3 =	sadd.s32 $0x88, s3;
	s6 =	simm.s32 @!p1 $0x1082;
	[sflag:s4] =	ssyncset.s32 $0xFFFFF086  }
0x25: {  	[simem:s6], [sflag:s4] =	dma.local [hbm:s3], $0xF7A  }
0x26: {  	[smem:$0x3F83] =	sst s1;
	(tag) =	ssettag s2;
	_ =	strace s9  }
0x27: {  	s1 =	sld [smem:$0x3F93]  }
0x28: {  	s2 =	sld [smem:$0x3F94]  }
0x29: {  	s4 =	sld [smem:$0x3F96]  }
0x2a: {  	p0 =	seq.s32 s5, $0x0;
	s5 =	sld [smem:$0x3F97]  }
0x2b: {  	s6 =	sld [smem:$0x3F98]  }
0x2c: {  	s7 =	sld [smem:$0x3F99]  }
0x2d: {  	s3 =	simm.s32 $0x108;
	s8 =	sld [smem:$0x3F9A]  }
0x2e: {  	s3 =	simm.s32 @!p0 $0x1082;
	s9 =	sld [smem:$0x3F9B]  }
0x2f: {  	lr =	sadd.s32 s0, s3;
	s0 =	sld [smem:$0x3F92]  }
0x30: {  	s3 =	sld [smem:$0x3F95]  }
0x31: {  	[smem:$0x3F9E] =	sst s10  }
0x32: {  	s10 =	sld [smem:$0x3F9C];
	_ =	sdelay $0x3  }
0x33: {  	p0 =	seq.s32 s10, $0x1;
	s10 =	sld [smem:$0x3F9E];
	_ =	sdelay $0x3  }
0x34: {  	[smem:$0x3F9E] =	sst s10  }
0x35: {  	s10 =	sld [smem:$0x3F9D];
	_ =	sdelay $0x3  }
0x36: {  	p1 =	seq.s32 s10, $0x1;
	s10 =	sld [smem:$0x3F9E];
	_ =	sdelay $0x3  }
0x37: {  	[smem:$0x3F9E] =	sst s10  }
0x38: {  	s10 =	sld [smem:$0x3F9F]  }
0x39: {  	_ = 	snop;
	(pc) =	sbr.ind lr, $3  }
0x3a: {  	_ = 	snop  }
0x3b: {  	_ = 	snop  }
0x3c: {  	p2 =	seq.s32 s10, $0x1;
	s10 =	sld [smem:$0x3F9E]  }
0x3d: {  	_ =	shalt  }
0x3e: {  	_ =	shalt  }
0x3f: {  	_ =	shalt  }
0x40: {  	_ =	shalt  }
0x41: {  	_ =	shalt  }
0x42: {  	_ =	shalt  }
0x43: {  	_ =	shalt  }
0x44: {  	_ =	shalt  }
0x45: {  	_ =	shalt  }
0x46: {  	_ =	shalt  }
0x47: {  	_ =	shalt  }
0x48: {  	_ =	shalt  }
0x49: {  	_ =	shalt  }
0x4a: {  	_ =	shalt  }
0x4b: {  	_ =	shalt  }
0x4c: {  	_ =	shalt  }
0x4d: {  	_ =	shalt  }
0x4e: {  	_ =	shalt  }
0x4f: {  	_ =	shalt  }
0x50: {  	_ =	shalt  }
0x51: {  	_ =	shalt  }
0x52: {  	_ =	shalt  }
0x53: {  	_ =	shalt  }
0x54: {  	_ =	shalt  }
0x55: {  	_ =	shalt  }
0x56: {  	_ =	shalt  }
0x57: {  	_ =	shalt  }
0x58: {  	_ =	shalt  }
0x59: {  	_ =	shalt  }
0x5a: {  	_ =	shalt  }
0x5b: {  	_ =	shalt  }
0x5c: {  	_ =	shalt  }
0x5d: {  	_ =	shalt  }
0x5e: {  	_ =	shalt  }
0x5f: {  	_ =	shalt  }
0x60: {  	_ =	shalt  }
0x61: {  	_ =	shalt  }
0x62: {  	_ =	shalt  }
0x63: {  	_ =	shalt  }
0x64: {  	_ =	shalt  }
0x65: {  	_ =	shalt  }
0x66: {  	_ =	shalt  }
0x67: {  	_ =	shalt  }
0x68: {  	_ =	shalt  }
0x69: {  	_ =	shalt  }
0x6a: {  	_ =	shalt  }
0x6b: {  	_ =	shalt  }
0x6c: {  	_ =	shalt  }
0x6d: {  	_ =	shalt  }
0x6e: {  	_ =	shalt  }
0x6f: {  	_ =	shalt  }
0x70: {  	_ =	shalt  }
0x71: {  	_ =	shalt  }
0x72: {  	_ =	shalt  }
0x73: {  	_ =	shalt  }
0x74: {  	_ =	shalt  }
0x75: {  	_ =	shalt  }
0x76: {  	_ =	shalt  }
0x77: {  	_ =	shalt  }
0x78: {  	_ =	shalt  }
0x79: {  	_ =	shalt  }
0x7a: {  	_ =	shalt  }
0x7b: {  	_ =	shalt  }
0x7c: {  	_ =	shalt  }
0x7d: {  	_ =	shalt  }
0x7e: {  	_ =	shalt  }
0x7f: {  	_ =	shalt  }
0x80: {  	_ =	shalt  }
0x81: {  	_ =	shalt  }
0x82: {  	_ =	shalt  }
0x83: {  	_ =	shalt  }
0x84: {  	_ =	shalt  }
0x85: {  	_ =	shalt  }
0x86: {  	_ =	shalt  }
0x87: {  	_ =	shalt  }
.Lfunc_end0:
.L_simem_size_0:
called_computation_lowered:
.L_overlay_start_0:
0x88: {  	s2 =	sld [smem:$0x3FD9]  }
0x89: {  	s3 =	sld [smem:$0x3FFE];
	_ =	sdelay $0x1  }
0x8a: {  	s1 =	srdreg.scid  }
0x8b: {  	s0 =	sand.u32 $0x1, s1  }
0x8c: {  	s17 =	sshll.u32 s0, $0xA;
	s2 =	sadd.s32 s3, s2  }
0x8d: {  	s2 =	sadd.s32 s2, s17  }
0x8e: {  	[smem:$0x3FAA] =	sst s2  }
0x8f: {  	_ = 	snop  }
0x90: {  	s2 =	sld [smem:$0x3FD0];
	(tm) =	ssettm $0x1  }
0x91: {  	s18 =	sld [smem:$0x3FFB];
	_ =	sdelay $0x3  }
0x92: {  	_ =	strace s18  }
0x93: {  	s3 =	sld [smem:$0x3FFC];
	_ =	sdelay $0x3  }
0x94: {  	_ =	strace s3  }
0x95: {  	s3 =	sld [smem:$0x3FFD];
	_ =	sdelay $0x3  }
0x96: {  	_ =	strace s3  }
0x97: {  	_ =	strace $0x8FFFFFFF  }
0x98: {  	s19 =	sld [smem:$0x3FDB];
	_ =	sdelay $0x1  }
0x99: {  	s4 =	simm.s32 $_scs_section_size  }
0x9a: {  	s5 =	simm.s32 $_size__tile_overlayer_lowered;
	s6 =	simm.s32 $_tile_overlayer_lowered  }
0x9b: {  	s22 =	simm.s32 $0x1BFF;
	s21 =	sshll.u32 s6, $0x1;
	s3 =	sadd.s32 s4, s19  }
0x9c: {  	s7 =	simm.s32 $0x0;
	s20 =	sshll.u32 s5, $0x1;
	s5 =	sadd.s32 s21, s3  }
0x9d: {  	[timem:s7], [sflag:s22] =	dma.local [hbm:s5], s20  }
0x9e: {  	_ =	swait.ge [sflag:s22], s20  }
0x9f: {  	s4 =	ssub.s32 $0x0, s20;
	[sflag:s22] =	ssyncset.done $0x0  }
0xa0: {  	[sflag:s22] =	ssyncadd.s32 s4;
	_ =	sdelay $0x1  }
0xa1: {  	s23 =	simm.s32 $0x1B8B  }
0xa2: {  	_ =	swait.ge [sflag:s23], $0x1  }
0xa3: {  	[sflag:s23] =	ssyncset.done $0x0  }
0xa4: {  	s25 =	simm.s32 $0x1B8E;
	s24 =	sld [smem:$0x3FFE];
	[sflag:s23] =	ssyncadd.s32 $0xFFFFFFFF  }
0xa5: {  	s26 =	simm.s32 $execute0_lowered;
	[smem:$0x3FD2] =	sst s25  }
0xa6: {  	s5 =	sshll.u32 s26, $0x1;
	_ =	strace $0x80000046;
	[dreg:$0x1] =	wrdreg $0xFFFFFFFF  }
0xa7: {  	s28 =	simm.s32 $_size_execute0_lowered;
	s3 =	sadd.s32 s3, s5;
	[dreg:$0x0] =	wrdreg $0x0  }
0xa8: {  	s5 =	sshll.u32 s28, $0x1;
	[dreg:$0x2] =	wrdreg s3  }
0xa9: {  	[dreg:$0x3] =	wrdreg s5  }
0xaa: {  	[dreg:$0x4] =	wrdreg $0xC0  }
0xab: {  	_ =	task [dreg:s7], $0x5FFFF  }
0xac: {  	[dreg:$0x1] =	wrdreg $0xFFFFFFFF  }
0xad: {  	[dreg:$0x0] =	wrdreg $0x60  }
0xae: {  	[dreg:$0x2] =	wrdreg s24  }
0xaf: {  	[dreg:$0x3] =	wrdreg s2  }
0xb0: {  	[dreg:$0x4] =	wrdreg $0x128000  }
0xb1: {  	[dreg:$0x5] =	wrdreg $0x9  }
0xb2: {  	_ =	task.clear_ibuf [dreg:s7], $0x6FFFF;
	_ =	strace $0x90000046  }
0xb3: {  	s29 =	simm.s32 $0x9;
	_ =	strace $0x80000048  }
0xb4: {  	_ =	swait.ge [sflag:s29], $0x1  }
0xb5: {  	[sflag:s29] =	ssyncadd.s32 $0xFFFFFFFF  }
0xb6: {  	_ =	strace $0x90000048  }
0xb7: {  	_ =	sfence  }
0xb8: {  	s30 =	sld [smem:$0x0];
	_ =	sdelay $0x2  }
0xb9: {  	s31 =	sshll.u32 s1, $0xD;
	s1 =	sshrl.u32 s1, $0x2  }
0xba: {  	s3 =	sand.u32 $0x4000, s31;
	s1 =	sadd.s32 s1, s30  }
0xbb: {  	s0 =	sor.u32 s3, s0;
	s1 =	sshll.u32 s1, $0x11  }
0xbc: {  	s0 =	sor.u32 s1, s0  }
0xbd: {  	s0 =	sadd.s32 $0x8F2B, s0  }
0xbe: {  	[sflag:s0] =	ssyncadd.remote.s32 $0x1  }
0xbf: {  	_ =	sfence.sel $0xFFFF  }
0xc0: {  	[dreg:$0x0] =	wrdreg $0xFFFFFFFF;
	(pc) =	sbr.abs _section_cstart, $3  }
0xc1: {  	[dreg:$0x1] =	wrdreg $0xFFFFFFFF  }
0xc2: {  	_ =	task.clear_ibuf [dreg:s7], $0x2FFFF;
	_ =	strace $0x9FFFFFFF  }
0xc3: {  	(tm) =	ssettm $0x7FFFFFFF  }
tec
execute0_lowered:
.L_overlay_start_1:
0x0: {  	(tag) =	ssettag $0x1  }
0x1: {  	s0 =	rddreg [dreg:$0x0]  }
0x2: {  	s1 =	rddreg [dreg:$0x1]  }
0x3: {  	s2 =	rddreg [dreg:$0x2];
	s3 =	simm.s32 $0x0  }
0x4: {  	s24 =	stileid.u32;
	s4 =	srdreg.scid;
	s14 =	simm.s32 $0x2800  }
0x5: {  	s15 =	simm.s32 $0x40;
	s19 =	simm.s32 $0x6800;
	s23 =	simm.s32 $0xA800  }
0x6: {  	s28 =	simm.s32 $0xE800;
	s30 =	simm.s32 $0x10800;
	s31 =	simm.s32 $0x1  }
0x7: {  	s16 =	simm.s32 $0x7;
	s17 =	simm.s32 $0x8;
	s5 =	smul.u32 $0x280, s24  }
0x8: {  	s18 =	simm.s32 $0x0;
	[smem:$0x7FF] =	sst s3;
	s7 =	smul.u32 $0x14000, s24  }
0x9: {  	s13 =	sand.u32 $0x1, s4;
	s4 =	sadd.s32 $0x8600, s0;
	s10 =	smul.u32 $0xA00, s24  }
0xa: {  	_ =	strace $0x80000047;
	s6 =	ssub.s32 $0x2, s13;
	s12 =	smul.u32 $0xA000, s13  }
0xb: {  	p0 =	seq.s32 s13, $0x0;
	s13 =	simm.s32 $0x5;
	s0 =	sadd.s32 s5, s0  }
.Ltmp0:
0xc: {  	s25 =	sshrl.u32 s6, $0x1;
	s7 =	sshrl.u32 s7, $0x2;
	(pc) =	sbr.rel .LBB2_1-.Ltmp0, $4  }
0xd: {  	s11 =	ssub.s32 s6, s25;
	s26 =	sadd.s32 $0x3600, s0;
	s6 =	sadd.s32 $0x5E00, s0  }
0xe: {  	s7 =	sadd.s32 s7, s2;
	s29 =	sadd.s32 s10, s12;
	s12 =	simm.s32 $0x9  }
0xf: {  	s0 =	simm.s32 $0x3;
	[dreg:$0x4] =	wrdreg s26;
	s8 =	sadd.s32 $0x2000, s7  }
0x10: {  	v0 =	vimm.f32 $0.0e+00;
	s9 =	sadd.s32 $0x4000, s7;
	s10 =	sadd.s32 s1, s29;
	s11 =	smax.u32 s11, $0x1  }
.LBB2_10:
0x11: {  	_ =	swait.ge [sflag:s17], $0x2000  }
0x12: {  	[sflag:s17] =	ssyncset.done $0x0  }
0x13: {  	[sflag:s17] =	ssyncadd.s32 $0xFFFFE000  }
0x14: {  	[spmem:s2] =	stream.indirect.scatter.add.f32 [tilespmem:s30], [sflag:$0x9], $0x80, s1, s15, $0xb8;
	[tilespmem:$0x17800] =	vst v63  }
0x15: {  	s29 =	stileid.u32;
	_ =	swait.ge [sflag:s12], $0x2000  }
0x16: {  	s3 =	sshrl.u32 s7, $0x3;
	s18 =	sadd.s32 $0x1, s18;
	[sflag:s12] =	ssyncset.done $0x0  }
0x17: {  	p1 =	sne.s32 s18, s11;
	s1 =	sshll.u32 s29, $0x6;
	[sflag:s12] =	ssyncadd.s32 $0xFFFFE000  }
.Ltmp1:
0x18: {  	s1 =	sor.u32 $0x1C09, s1;
	[bflag:$0x0] =	sbarrier.arrive $0xFFFF;
	(pc) =	sbr.rel @!p1 .LBB2_11-.Ltmp1, $4  }
0x19: {  	[hbm:s10], [sflag:s1] =	dma.local [spmem:s3], $0xA00  }
0x1a: {  	_ =	swait.ge [sflag:s12], $0xA00  }
0x1b: {  	[sflag:s12] =	ssyncset.done $0x0  }
0x1c: {  	[sflag:s12] =	ssyncadd.s32 $0xFFFFF600  }
.LBB2_1:
0x1d: {  	s1 =	simm.s32 $0x0;
	s3 =	rddreg [dreg:$0x4]  }
0x1e: {  	[tilespmem:s1], [sflag:$0x9] =	stream.linear.gather [hbm4b:s3+s1], $0x1400, $0x38;
	[tilespmem:$0x17800] =	vst v63  }
0x1f: {  	_ =	swait.ge [sflag:s12], $0x1400  }
0x20: {  	[sflag:s12] =	ssyncset.done $0x0  }
0x21: {  	s29 =	simm.s32 $0x1400;
	[sflag:s12] =	ssyncadd.s32 $0xFFFFEC00  }
0x22: {  	[tilespmem:s29], [sflag:$0x9] =	stream.linear.gather [hbm4b:s6+s1], $0x1400, $0x38;
	[tilespmem:$0x17800] =	vst v63  }
0x23: {  	_ =	swait.ge [sflag:s12], $0x1400  }
0x24: {  	[sflag:s12] =	ssyncset.done $0x0  }
0x25: {  	s20 =	simm.s32 $0x200;
	s1 =	simm.s32 $0x0;
	[sflag:s12] =	ssyncadd.s32 $0xFFFFEC00  }
.LBB2_2:
0x26: {  	p1 =	sne.s32 s20, $0x7E00;
	[tilespmem:s1+$0x2870] =	vst v0  }
0x27: {  	[tilespmem:s1+$0x2800] =	vst v0  }
0x28: {  	[tilespmem:s1+$0x2810] =	vst v0  }
.Ltmp2:
0x29: {  	[tilespmem:s1+$0x2820] =	vst v0;
	(pc) =	sbr.rel @p1 .LBB2_2-.Ltmp2, $4  }
0x2a: {  	[tilespmem:s1+$0x2830] =	vst v0  }
0x2b: {  	[tilespmem:s1+$0x2840] =	vst v0  }
0x2c: {  	[tilespmem:s1+$0x2850] =	vst v0  }
0x2d: {  	[tilespmem:s1+$0x2860] =	vst v0;
	s1 =	sshra.s32 s20, $0x2;
	s20 =	sadd.s32 $0x200, s20  }
0x2e: {  	[tilespmem:s1+$0x2870] =	vst v0  }
0x2f: {  	[tilespmem:s1+$0x2800] =	vst v0  }
0x30: {  	[tilespmem:s1+$0x2810] =	vst v0  }
0x31: {  	[tilespmem:s1+$0x2820] =	vst v0  }
0x32: {  	[tilespmem:s1+$0x2830] =	vst v0  }
0x33: {  	[tilespmem:s1+$0x2840] =	vst v0  }
0x34: {  	[tilespmem:s1+$0x2850] =	vst v0  }
0x35: {  	[tilespmem:s1+$0x2860] =	vst v0  }
0x36: {  	[spmem:s7] =	stream.linear.scatter [tilespmem:s14], [sflag:$0x9], $0x2000, $0x38;
	[tilespmem:$0x17800] =	vst v63  }
0x37: {  	_ =	swait.ge [sflag:s12], $0x2000  }
0x38: {  	[sflag:s12] =	ssyncset.done $0x0  }
0x39: {  	[sflag:s12] =	ssyncadd.s32 $0xFFFFE000  }
0x3a: {  	[spmem:s8] =	stream.linear.scatter [tilespmem:s14], [sflag:$0x9], $0x2000, $0x38;
	[tilespmem:$0x17800] =	vst v63  }
0x3b: {  	_ =	swait.ge [sflag:s12], $0x2000  }
0x3c: {  	[sflag:s12] =	ssyncset.done $0x0  }
.Ltmp3:
0x3d: {  	[sflag:s12] =	ssyncadd.s32 $0xFFFFE000;
	(pc) =	sbr.rel @p0 .LBB2_7-.Ltmp3, $4  }
0x3e: {  	[spmem:s9] =	stream.linear.scatter [tilespmem:s14], [sflag:$0x9], $0x1000, $0x38;
	[tilespmem:$0x17800] =	vst v63  }
0x3f: {  	_ =	swait.ge [sflag:s12], $0x1000  }
0x40: {  	[sflag:s12] =	ssyncset.done $0x0  }
0x41: {  	s20 =	simm.s32 $0x0;
	[sflag:s12] =	ssyncadd.s32 $0xFFFFF000  }
0x42: {  	s1 =	simm.s32 $0x0  }
0x43: {  	v3 =	vld [tilespmem:s1+$0x0]  }
0x44: {  	v2 =	vld [tilespmem:s1+$0x10]  }
0x45: {  	s21 =	simm.s32 $0x200;
	v1 =	vld [tilespmem:s1+$0x20]  }
.LBB2_5:
0x46: {  	p1 =	sne.s32 s21, $0x4E00;
	v4 =	vld [tilespmem:s1+$0x30];
	_ =	sdelay $0x1  }
.Ltmp4:
0x47: {  	v3 =	vadd.s32 $0x2800, v3;
	(pc) =	sbr.rel @p1 .LBB2_5-.Ltmp4, $4  }
0x48: {  	s22 =	sshra.s32 s21, $0x2;
	[tilespmem:s1+$0x0] =	vst v3;
	v2 =	vadd.s32 $0x2800, v2  }
0x49: {  	v3 =	vld [tilespmem:s22+$0x0];
	[tilespmem:s1+$0x10] =	vst v2;
	v1 =	vadd.s32 $0x2800, v1  }
0x4a: {  	v2 =	vld [tilespmem:s22+$0x10];
	[tilespmem:s1+$0x20] =	vst v1;
	v4 =	vadd.s32 $0x2800, v4  }
0x4b: {  	s21 =	sadd.s32 $0x200, s21;
	v1 =	vld [tilespmem:s22+$0x20];
	[tilespmem:s1+$0x30] =	vst v4;
	s1 =	smov.u32 s22  }
0x4c: {  	v4 =	vld [tilespmem:s1+$0x30];
	_ =	sdelay $0x1  }
0x4d: {  	v3 =	vadd.s32 $0x2800, v3  }
0x4e: {  	[tilespmem:s1+$0x0] =	vst v3;
	v2 =	vadd.s32 $0x2800, v2  }
0x4f: {  	[tilespmem:s1+$0x10] =	vst v2;
	v1 =	vadd.s32 $0x2800, v1  }
0x50: {  	[tilespmem:s1+$0x20] =	vst v1;
	v1 =	vadd.s32 $0x2800, v4  }
0x51: {  	[tilespmem:s1+$0x30] =	vst v1  }
.LBB2_7:
0x52: {  	[bflag:$0x0] =	sbarrier.arrive $0xFFFF  }
0x53: {  	[tilespmem:s14], [sflag:$0x1] =	stream.indirect.gather [hbm4b:s4+s15], $0x80, s20, s15, $0xb8;
	[tilespmem:$0x17800] =	vst v63  }
0x54: {  	s1 =	simm.s32 $0x80;
	s3 =	simm.s32 $0x4800  }
0x55: {  	[tilespmem:s3], [sflag:$0x2] =	stream.indirect.gather [hbm4b:s4+s15], $0x80, s1, s15, $0xb8;
	[tilespmem:$0x17800] =	vst v63  }
0x56: {  	s3 =	simm.s32 $0x100  }
0x57: {  	[tilespmem:s19], [sflag:$0x3] =	stream.indirect.gather [hbm4b:s4+s15], $0x80, s3, s15, $0xb8;
	[tilespmem:$0x17800] =	vst v63  }
0x58: {  	s5 =	simm.s32 $0x180;
	s21 =	simm.s32 $0x8800  }
0x59: {  	[tilespmem:s21], [sflag:$0x4] =	stream.indirect.gather [hbm4b:s4+s15], $0x80, s5, s15, $0xb8;
	[tilespmem:$0x17800] =	vst v63  }
0x5a: {  	s22 =	simm.s32 $0x200  }
0x5b: {  	[tilespmem:s23], [sflag:$0x5] =	stream.indirect.gather [hbm4b:s4+s15], $0x80, s22, s15, $0xb8;
	[tilespmem:$0x17800] =	vst v63  }
0x5c: {  	s24 =	simm.s32 $0x280;
	s25 =	simm.s32 $0xC800  }
0x5d: {  	[tilespmem:s25], [sflag:$0x6] =	stream.indirect.gather [hbm4b:s4+s15], $0x80, s24, s15, $0xb8;
	[tilespmem:$0x17800] =	vst v63  }
0x5e: {  	s26 =	simm.s32 $0x300  }
0x5f: {  	[tilespmem:s28], [sflag:$0x7] =	stream.indirect.gather [hbm4b:s4+s15], $0x80, s26, s15, $0xb8;
	[tilespmem:$0x17800] =	vst v63  }
0x60: {  	s29 =	simm.s32 $0x380  }
0x61: {  	[tilespmem:s30], [sflag:$0x8] =	stream.indirect.gather [hbm4b:s4+s15], $0x80, s29, s15, $0xb8;
	[tilespmem:$0x17800] =	vst v63  }
.LBB2_8:
0x62: {  	_ =	swait.ge [sflag:s31], $0x2000  }
0x63: {  	s21 =	sshra.s32 s20, $0x2;
	[sflag:s31] =	ssyncset.done $0x0  }
0x64: {  	s1 =	sadd.s32 $0x1400, s21;
	[sflag:s31] =	ssyncadd.s32 $0xFFFFE000  }
0x65: {  	[spmem:s2] =	stream.indirect.scatter.add.f32 [tilespmem:s14], [sflag:$0x9], $0x80, s1, s15, $0xb8;
	[tilespmem:$0x17800] =	vst v63  }
0x66: {  	_ =	swait.ge [sflag:s12], $0x2000  }
0x67: {  	p1 =	seq.s32 s20, $0x4000;
	[sflag:s12] =	ssyncset.done $0x0  }
0x68: {  	s1 =	simm.s32 @p1 $0x2;
	[sflag:s12] =	ssyncadd.s32 $0xFFFFE000  }
0x69: {  	s24 =	sshra.s32 @p1 s20, $0x2;
	_ =	swait.ge @p1 [sflag:s1], $0x2000  }
0x6a: {  	s25 =	simm.s32 @p1 $0x40;
	s22 =	simm.s32 @p1 $0x4800;
	[sflag:s1] =	ssyncset.done @p1 $0x0  }
0x6b: {  	s26 =	simm.s32 @p1 $0x9;
	[sflag:s1] =	ssyncadd.s32 @p1 $0xFFFFE000;
	s1 =	sadd.s32 @p1 $0x1480, s24  }
0x6c: {  	[spmem:s2] =	stream.indirect.scatter.add.f32 @p1 [tilespmem:s22], [sflag:$0x9], $0x80, s1, s25, $0xb8;
	[tilespmem:$0x17800] =	vst v63  }
0x6d: {  	_ =	swait.ge @p1 [sflag:s26], $0x2000  }
0x6e: {  	s3 =	simm.s32 @!p1 $0x2800;
	s1 =	sshra.s32 @!p1 s20, $0x2;
	[sflag:s26] =	ssyncset.done @p1 $0x0  }
0x6f: {  	s22 =	simm.s32 @!p1 $0x40;
	s29 =	sadd.s32 @!p1 $0x400, s1;
	[sflag:s26] =	ssyncadd.s32 @p1 $0xFFFFE000  }
0x70: {  	[tilespmem:s3], [sflag:$0x1] =	stream.indirect.gather @!p1 [hbm4b:s4+s22], $0x80, s29, s22, $0xb8;
	[tilespmem:$0x17800] =	vst v63  }
0x71: {  	s3 =	simm.s32 @!p1 $0x2  }
0x72: {  	_ =	swait.ge @!p1 [sflag:s3], $0x2000  }
0x73: {  	s5 =	simm.s32 @!p1 $0x4800;
	[sflag:s3] =	ssyncset.done @!p1 $0x0  }
0x74: {  	s29 =	simm.s32 @!p1 $0x9;
	[sflag:s3] =	ssyncadd.s32 @!p1 $0xFFFFE000;
	s3 =	sadd.s32 @!p1 $0x1480, s1  }
0x75: {  	[spmem:s2] =	stream.indirect.scatter.add.f32 @!p1 [tilespmem:s5], [sflag:$0x9], $0x80, s3, s22, $0xb8;
	[tilespmem:$0x17800] =	vst v63  }
0x76: {  	_ =	swait.ge @!p1 [sflag:s29], $0x2000  }
0x77: {  	[sflag:s29] =	ssyncset.done @!p1 $0x0  }
0x78: {  	s3 =	sadd.s32 @!p1 $0x480, s1;
	[sflag:s29] =	ssyncadd.s32 @!p1 $0xFFFFE000  }
0x79: {  	[tilespmem:s5], [sflag:$0x2] =	stream.indirect.gather @!p1 [hbm4b:s4+s22], $0x80, s3, s22, $0xb8;
	[tilespmem:$0x17800] =	vst v63  }
0x7a: {  	_ =	swait.ge [sflag:s0], $0x2000  }
0x7b: {  	[sflag:s0] =	ssyncset.done $0x0  }
0x7c: {  	s5 =	sadd.s32 $0x1500, s21;
	[sflag:s0] =	ssyncadd.s32 $0xFFFFE000  }
0x7d: {  	[spmem:s2] =	stream.indirect.scatter.add.f32 [tilespmem:s19], [sflag:$0x9], $0x80, s5, s15, $0xb8;
	[tilespmem:$0x17800] =	vst v63  }
0x7e: {  	_ =	swait.ge [sflag:s12], $0x2000  }
0x7f: {  	[sflag:s12] =	ssyncset.done $0x0  }
0x80: {  	s3 =	simm.s32 @p1 $0x4;
	[sflag:s12] =	ssyncadd.s32 $0xFFFFE000  }
0x81: {  	_ =	swait.ge @p1 [sflag:s3], $0x2000  }
0x82: {  	[sflag:s3] =	ssyncset.done @p1 $0x0  }
0x83: {  	s5 =	simm.s32 @p1 $0x8800;
	[sflag:s3] =	ssyncadd.s32 @p1 $0xFFFFE000;
	s3 =	sadd.s32 @p1 $0x1580, s24  }
0x84: {  	[spmem:s2] =	stream.indirect.scatter.add.f32 @p1 [tilespmem:s5], [sflag:$0x9], $0x80, s3, s25, $0xb8;
	[tilespmem:$0x17800] =	vst v63  }
0x85: {  	_ =	swait.ge @p1 [sflag:s26], $0x2000  }
0x86: {  	[sflag:s26] =	ssyncset.done @p1 $0x0  }
0x87: {  	s3 =	sadd.s32 @!p1 $0x500, s1;
	s5 =	simm.s32 @!p1 $0x6800;
	[sflag:s26] =	ssyncadd.s32 @p1 $0xFFFFE000  }
0x88: {  	[tilespmem:s5], [sflag:$0x3] =	stream.indirect.gather @!p1 [hbm4b:s4+s22], $0x80, s3, s22, $0xb8;
	[tilespmem:$0x17800] =	vst v63  }
0x89: {  	s3 =	simm.s32 @!p1 $0x4  }
0x8a: {  	_ =	swait.ge @!p1 [sflag:s3], $0x2000  }
0x8b: {  	[sflag:s3] =	ssyncset.done @!p1 $0x0  }
0x8c: {  	s5 =	simm.s32 @!p1 $0x8800;
	[sflag:s3] =	ssyncadd.s32 @!p1 $0xFFFFE000;
	s3 =	sadd.s32 @!p1 $0x1580, s1  }
0x8d: {  	[spmem:s2] =	stream.indirect.scatter.add.f32 @!p1 [tilespmem:s5], [sflag:$0x9], $0x80, s3, s22, $0xb8;
	[tilespmem:$0x17800] =	vst v63  }
0x8e: {  	_ =	swait.ge @!p1 [sflag:s29], $0x2000  }
0x8f: {  	[sflag:s29] =	ssyncset.done @!p1 $0x0  }
0x90: {  	s3 =	sadd.s32 @!p1 $0x580, s1;
	[sflag:s29] =	ssyncadd.s32 @!p1 $0xFFFFE000  }
0x91: {  	[tilespmem:s5], [sflag:$0x4] =	stream.indirect.gather @!p1 [hbm4b:s4+s22], $0x80, s3, s22, $0xb8;
	[tilespmem:$0x17800] =	vst v63  }
0x92: {  	_ =	swait.ge [sflag:s13], $0x2000  }
0x93: {  	[sflag:s13] =	ssyncset.done $0x0  }
0x94: {  	s5 =	sadd.s32 $0x1600, s21;
	[sflag:s13] =	ssyncadd.s32 $0xFFFFE000  }
0x95: {  	[spmem:s2] =	stream.indirect.scatter.add.f32 [tilespmem:s23], [sflag:$0x9], $0x80, s5, s15, $0xb8;
	[tilespmem:$0x17800] =	vst v63  }
0x96: {  	_ =	swait.ge [sflag:s12], $0x2000  }
0x97: {  	[sflag:s12] =	ssyncset.done $0x0  }
0x98: {  	s3 =	simm.s32 @p1 $0x6;
	[sflag:s12] =	ssyncadd.s32 $0xFFFFE000  }
0x99: {  	_ =	swait.ge @p1 [sflag:s3], $0x2000  }
0x9a: {  	[sflag:s3] =	ssyncset.done @p1 $0x0  }
0x9b: {  	s5 =	simm.s32 @p1 $0xC800;
	[sflag:s3] =	ssyncadd.s32 @p1 $0xFFFFE000;
	s3 =	sadd.s32 @p1 $0x1680, s24  }
0x9c: {  	[spmem:s2] =	stream.indirect.scatter.add.f32 @p1 [tilespmem:s5], [sflag:$0x9], $0x80, s3, s25, $0xb8;
	[tilespmem:$0x17800] =	vst v63  }
0x9d: {  	_ =	swait.ge @p1 [sflag:s26], $0x2000  }
0x9e: {  	[sflag:s26] =	ssyncset.done @p1 $0x0  }
0x9f: {  	s3 =	sadd.s32 @!p1 $0x600, s1;
	s5 =	simm.s32 @!p1 $0xA800;
	[sflag:s26] =	ssyncadd.s32 @p1 $0xFFFFE000  }
0xa0: {  	[tilespmem:s5], [sflag:$0x5] =	stream.indirect.gather @!p1 [hbm4b:s4+s22], $0x80, s3, s22, $0xb8;
	[tilespmem:$0x17800] =	vst v63  }
0xa1: {  	s3 =	simm.s32 @!p1 $0x6  }
0xa2: {  	_ =	swait.ge @!p1 [sflag:s3], $0x2000  }
0xa3: {  	[sflag:s3] =	ssyncset.done @!p1 $0x0  }
0xa4: {  	s5 =	simm.s32 @!p1 $0xC800;
	[sflag:s3] =	ssyncadd.s32 @!p1 $0xFFFFE000;
	s3 =	sadd.s32 @!p1 $0x1680, s1  }
0xa5: {  	[spmem:s2] =	stream.indirect.scatter.add.f32 @!p1 [tilespmem:s5], [sflag:$0x9], $0x80, s3, s22, $0xb8;
	[tilespmem:$0x17800] =	vst v63  }
0xa6: {  	_ =	swait.ge @!p1 [sflag:s29], $0x2000  }
0xa7: {  	[sflag:s29] =	ssyncset.done @!p1 $0x0  }
0xa8: {  	s1 =	sadd.s32 @!p1 $0x680, s1;
	[sflag:s29] =	ssyncadd.s32 @!p1 $0xFFFFE000  }
0xa9: {  	[tilespmem:s5], [sflag:$0x6] =	stream.indirect.gather @!p1 [hbm4b:s4+s22], $0x80, s1, s22, $0xb8;
	[tilespmem:$0x17800] =	vst v63  }
0xaa: {  	_ =	swait.ge [sflag:s16], $0x2000  }
0xab: {  	[sflag:s16] =	ssyncset.done $0x0  }
.Ltmp5:
0xac: {  	s29 =	sadd.s32 $0x1700, s21;
	[sflag:s16] =	ssyncadd.s32 $0xFFFFE000;
	(pc) =	sbr.rel @p1 .LBB2_10-.Ltmp5, $4  }
0xad: {  	[spmem:s2] =	stream.indirect.scatter.add.f32 [tilespmem:s28], [sflag:$0x9], $0x80, s29, s15, $0xb8;
	[tilespmem:$0x17800] =	vst v63  }
0xae: {  	_ =	swait.ge [sflag:s12], $0x2000  }
0xaf: {  	[sflag:s12] =	ssyncset.done $0x0  }
0xb0: {  	s1 =	sadd.s32 $0x1780, s21;
	[sflag:s12] =	ssyncadd.s32 $0xFFFFE000  }
0xb1: {  	s3 =	sadd.s32 $0x700, s21  }
0xb2: {  	[tilespmem:s28], [sflag:$0x7] =	stream.indirect.gather [hbm4b:s4+s15], $0x80, s3, s15, $0xb8;
	[tilespmem:$0x17800] =	vst v63  }
0xb3: {  	_ =	swait.ge [sflag:s17], $0x2000  }
0xb4: {  	[sflag:s17] =	ssyncset.done $0x0  }
0xb5: {  	[sflag:s17] =	ssyncadd.s32 $0xFFFFE000  }
0xb6: {  	[spmem:s2] =	stream.indirect.scatter.add.f32 [tilespmem:s30], [sflag:$0x9], $0x80, s1, s15, $0xb8;
	[tilespmem:$0x17800] =	vst v63  }
.Ltmp6:
0xb7: {  	_ = 	snop;
	(pc) =	sbr.rel .LBB2_8-.Ltmp6, $4  }
0xb8: {  	_ =	swait.ge [sflag:s12], $0x2000  }
0xb9: {  	[sflag:s12] =	ssyncset.done $0x0  }
0xba: {  	s29 =	sadd.s32 $0x780, s21;
	s20 =	sadd.s32 $0x1000, s20;
	[sflag:s12] =	ssyncadd.s32 $0xFFFFE000  }
0xbb: {  	[tilespmem:s30], [sflag:$0x8] =	stream.indirect.gather [hbm4b:s4+s15], $0x80, s29, s15, $0xb8;
	[tilespmem:$0x17800] =	vst v63  }
.LBB2_11:
0xbc: {  	_ =	sfence.sel $0x180000  }
0xbd: {  	[bflag:$0x0] =	sbarrier.arrive $0xFFFF  }
0xbe: {  	_ =	strace $0x90000047  }
0xbf: {  	s0 =	stileid.u32;
	[bflag:$0x2] =	sbarrier.arrive $0xFFFF  }
0xc0: {  	p0 =	sne.s32 s0, $0x0;
	s0 =	rddreg [dreg:$0x3]  }
0xc1: {  	s0 =	sadd.s32 @!p0 $0x100000, s0  }
0xc2: {  	[sflag:s0] =	ssyncadd.tile.s32 @!p0 $0x1;
	_ =	shalt  }
.Lfunc_end2:
_tile_overlayer_lowered:
.L_overlay_start_2:
0xc3: {  	(tag) =	ssettag $0x2  }
0xc4: {  	s0 =	rddreg [dreg:$0x0];
	s2 =	stileid.u32  }
0xc5: {  	s1 =	rddreg [dreg:$0x1];
	p0 =	sne.s32 s2, $0x0  }
0xc6: {  	s3 =	rddreg [dreg:$0x2];
	[bflag:$0x3] =	sbarrier.arrive $0xFFFF;
	s2 =	simm.s32 @!p0 $0x1C09  }
0xc7: {  	[timem:s3], [sflag:s2] =	dma.local @!p0 [hbm:s0], s1  }
0xc8: {  	s0 =	simm.s32 @!p0 $0x9  }
0xc9: {  	_ =	swait.ge @!p0 [sflag:s0], s1  }
0xca: {  	s1 =	ssub.s32 @!p0 $0x0, s1;
	[sflag:s0] =	ssyncset.done @!p0 $0x0  }
0xcb: {  	[sflag:s0] =	ssyncadd.s32 @!p0 s1  }
0xcc: {  	[bflag:$0x3] =	sbarrier.arrive $0xFFFF  }
0xcd: {  	_ =	shalt  }

// kernel: kernel.14.cloned.1.call-start
scs
__scs_entry_jumppad:
0x0: {  	(pc) =	sbr.rel $0x88, $3  }
0x1: {  	(tag) =	ssettag $0x0;
	lr =	simm.s32 $0x1  }
0x2: {  	[smem:$0x3F83] =	sst lr;
	_ =	strace $0xD0000000  }
0x3: {  	_ = 	snop  }
0x4: {  	_ = 	snop  }
0x5: {  	_ = 	snop  }
0x6: {  	_ = 	snop  }
0x7: {  	_ = 	snop  }
__scs_overlays_trampoline_lowered:
0x8: {  	[smem:$0x3F92] =	sst s0  }
0x9: {  	[smem:$0x3F93] =	sst s1  }
0xa: {  	[smem:$0x3F94] =	sst s2  }
0xb: {  	[smem:$0x3F95] =	sst s3  }
0xc: {  	[smem:$0x3F96] =	sst s4  }
0xd: {  	[smem:$0x3F97] =	sst s5  }
0xe: {  	[smem:$0x3F98] =	sst s6  }
0xf: {  	[smem:$0x3F99] =	sst s7  }
0x10: {  	[smem:$0x3F9A] =	sst s8  }
0x11: {  	[smem:$0x3F9B] =	sst s9;
	s0 =	simm.s32 @!p0 $0x0  }
0x12: {  	s1 =	sld [smem:$0x3F81];
	s0 =	simm.s32 @p0 $0x1  }
0x13: {  	[smem:$0x3F9C] =	sst s0;
	s0 =	simm.s32 @!p1 $0x0  }
0x14: {  	s2 =	sld [smem:$0x3F80];
	s0 =	simm.s32 @p1 $0x1  }
0x15: {  	[smem:$0x3F9D] =	sst s0;
	s0 =	simm.s32 @!p2 $0x0  }
0x16: {  	s3 =	sld [smem:$0x3FDB];
	s0 =	simm.s32 @p2 $0x1  }
0x17: {  	s4 =	simm.s32 $0x1BF5;
	[smem:$0x3F9F] =	sst s0  }
0x18: {  	s0 =	sld [smem:$0x3F82];
	_ =	swait.ge [sflag:s4], $0x0  }
0x19: {  	s7 =	sld [smem:$0x3F83]  }
0x1a: {  	s8 =	sadd.s32 $0xFFFFE003, lr  }
0x1b: {  	s9 =	sadd.s32 $0xFFFFFEF7, lr;
	s5 =	simm.s32 $0xFFFFFFFF;
	p2 =	slt.u32 s8, $0xFFFFF086  }
0x1c: {  	p1 =	slt.u32 s9, $0xF7A;
	s5 =	simm.s32 @!p2 $0x0  }
0x1d: {  	s5 =	simm.s32 @p1 $0x1;
	p0 =	seq.s32 s7, s2  }
0x1e: {  	s7 =	smul.u32 @!p0 $0xF7A, s2;
	p2 =	seq.s32 @!p0 s5, $0x0  }
0x1f: {  	s9 =	smul.u32 $0xF7A, s1;
	s8 =	simm.s32 @!p0 $0x1BF5;
	p2 =	por !p2, p0  }
0x20: {  	[sflag:s8] =	ssyncset.s32 @!p0 $0xFFFFF086;
	s6 =	sadd.s32 @!p0 s3, s7;
	s7 =	simm.s32 @!p0 $0x108  }
0x21: {  	s3 =	sadd.s32 s3, s9;
	s6 =	sadd.s32 @!p0 $0x88, s6;
	s7 =	simm.s32 @p2 $0x1082  }
0x22: {  	[simem:s7], [sflag:s8] =	dma.local @!p0 [hbm:s6], $0xF7A  }
0x23: {  	s9 =	sor.u32 $0xD0000000, s2;
	s6 =	simm.s32 $0x108;
	_ =	swait.ge @!p0 [sflag:s8], $0x0  }
0x24: {  	s3 =	sadd.s32 $0x88, s3;
	s6 =	simm.s32 @!p1 $0x1082;
	[sflag:s4] =	ssyncset.s32 $0xFFFFF086  }
0x25: {  	[simem:s6], [sflag:s4] =	dma.local [hbm:s3], $0xF7A  }
0x26: {  	[smem:$0x3F83] =	sst s1;
	(tag) =	ssettag s2;
	_ =	strace s9  }
0x27: {  	s1 =	sld [smem:$0x3F93]  }
0x28: {  	s2 =	sld [smem:$0x3F94]  }
0x29: {  	s4 =	sld [smem:$0x3F96]  }
0x2a: {  	p0 =	seq.s32 s5, $0x0;
	s5 =	sld [smem:$0x3F97]  }
0x2b: {  	s6 =	sld [smem:$0x3F98]  }
0x2c: {  	s7 =	sld [smem:$0x3F99]  }
0x2d: {  	s3 =	simm.s32 $0x108;
	s8 =	sld [smem:$0x3F9A]  }
0x2e: {  	s3 =	simm.s32 @!p0 $0x1082;
	s9 =	sld [smem:$0x3F9B]  }
0x2f: {  	lr =	sadd.s32 s0, s3;
	s0 =	sld [smem:$0x3F92]  }
0x30: {  	s3 =	sld [smem:$0x3F95]  }
0x31: {  	[smem:$0x3F9E] =	sst s10  }
0x32: {  	s10 =	sld [smem:$0x3F9C];
	_ =	sdelay $0x3  }
0x33: {  	p0 =	seq.s32 s10, $0x1;
	s10 =	sld [smem:$0x3F9E];
	_ =	sdelay $0x3  }
0x34: {  	[smem:$0x3F9E] =	sst s10  }
0x35: {  	s10 =	sld [smem:$0x3F9D];
	_ =	sdelay $0x3  }
0x36: {  	p1 =	seq.s32 s10, $0x1;
	s10 =	sld [smem:$0x3F9E];
	_ =	sdelay $0x3  }
0x37: {  	[smem:$0x3F9E] =	sst s10  }
0x38: {  	s10 =	sld [smem:$0x3F9F]  }
0x39: {  	_ = 	snop;
	(pc) =	sbr.ind lr, $3  }
0x3a: {  	_ = 	snop  }
0x3b: {  	_ = 	snop  }
0x3c: {  	p2 =	seq.s32 s10, $0x1;
	s10 =	sld [smem:$0x3F9E]  }
0x3d: {  	_ =	shalt  }
0x3e: {  	_ =	shalt  }
0x3f: {  	_ =	shalt  }
0x40: {  	_ =	shalt  }
0x41: {  	_ =	shalt  }
0x42: {  	_ =	shalt  }
0x43: {  	_ =	shalt  }
0x44: {  	_ =	shalt  }
0x45: {  	_ =	shalt  }
0x46: {  	_ =	shalt  }
0x47: {  	_ =	shalt  }
0x48: {  	_ =	shalt  }
0x49: {  	_ =	shalt  }
0x4a: {  	_ =	shalt  }
0x4b: {  	_ =	shalt  }
0x4c: {  	_ =	shalt  }
0x4d: {  	_ =	shalt  }
0x4e: {  	_ =	shalt  }
0x4f: {  	_ =	shalt  }
0x50: {  	_ =	shalt  }
0x51: {  	_ =	shalt  }
0x52: {  	_ =	shalt  }
0x53: {  	_ =	shalt  }
0x54: {  	_ =	shalt  }
0x55: {  	_ =	shalt  }
0x56: {  	_ =	shalt  }
0x57: {  	_ =	shalt  }
0x58: {  	_ =	shalt  }
0x59: {  	_ =	shalt  }
0x5a: {  	_ =	shalt  }
0x5b: {  	_ =	shalt  }
0x5c: {  	_ =	shalt  }
0x5d: {  	_ =	shalt  }
0x5e: {  	_ =	shalt  }
0x5f: {  	_ =	shalt  }
0x60: {  	_ =	shalt  }
0x61: {  	_ =	shalt  }
0x62: {  	_ =	shalt  }
0x63: {  	_ =	shalt  }
0x64: {  	_ =	shalt  }
0x65: {  	_ =	shalt  }
0x66: {  	_ =	shalt  }
0x67: {  	_ =	shalt  }
0x68: {  	_ =	shalt  }
0x69: {  	_ =	shalt  }
0x6a: {  	_ =	shalt  }
0x6b: {  	_ =	shalt  }
0x6c: {  	_ =	shalt  }
0x6d: {  	_ =	shalt  }
0x6e: {  	_ =	shalt  }
0x6f: {  	_ =	shalt  }
0x70: {  	_ =	shalt  }
0x71: {  	_ =	shalt  }
0x72: {  	_ =	shalt  }
0x73: {  	_ =	shalt  }
0x74: {  	_ =	shalt  }
0x75: {  	_ =	shalt  }
0x76: {  	_ =	shalt  }
0x77: {  	_ =	shalt  }
0x78: {  	_ =	shalt  }
0x79: {  	_ =	shalt  }
0x7a: {  	_ =	shalt  }
0x7b: {  	_ =	shalt  }
0x7c: {  	_ =	shalt  }
0x7d: {  	_ =	shalt  }
0x7e: {  	_ =	shalt  }
0x7f: {  	_ =	shalt  }
0x80: {  	_ =	shalt  }
0x81: {  	_ =	shalt  }
0x82: {  	_ =	shalt  }
0x83: {  	_ =	shalt  }
0x84: {  	_ =	shalt  }
0x85: {  	_ =	shalt  }
0x86: {  	_ =	shalt  }
0x87: {  	_ =	shalt  }
.Lfunc_end0:
.L_simem_size_0:
called_computation.1_lowered:
.L_overlay_start_0:
0x88: {  	s2 =	sld [smem:$0x3FD9]  }
0x89: {  	s3 =	sld [smem:$0x3FFE];
	_ =	sdelay $0x1  }
0x8a: {  	s1 =	srdreg.scid  }
0x8b: {  	s0 =	sand.u32 $0x1, s1  }
0x8c: {  	s17 =	sshll.u32 s0, $0xA;
	s2 =	sadd.s32 s3, s2  }
0x8d: {  	s2 =	sadd.s32 s2, s17  }
0x8e: {  	[smem:$0x3FAA] =	sst s2  }
0x8f: {  	_ = 	snop  }
0x90: {  	s2 =	sld [smem:$0x3FD0];
	(tm) =	ssettm $0x1  }
0x91: {  	s18 =	sld [smem:$0x3FFB];
	_ =	sdelay $0x3  }
0x92: {  	_ =	strace s18  }
0x93: {  	s3 =	sld [smem:$0x3FFC];
	_ =	sdelay $0x3  }
0x94: {  	_ =	strace s3  }
0x95: {  	s3 =	sld [smem:$0x3FFD];
	_ =	sdelay $0x3  }
0x96: {  	_ =	strace s3  }
0x97: {  	_ =	strace $0x8FFFFFFF  }
0x98: {  	s19 =	sld [smem:$0x3FDB];
	_ =	sdelay $0x1  }
0x99: {  	s4 =	simm.s32 $_scs_section_size  }
0x9a: {  	s5 =	simm.s32 $_size__tile_overlayer_lowered;
	s6 =	simm.s32 $_tile_overlayer_lowered  }
0x9b: {  	s22 =	simm.s32 $0x1BFF;
	s21 =	sshll.u32 s6, $0x1;
	s3 =	sadd.s32 s4, s19  }
0x9c: {  	s7 =	simm.s32 $0x0;
	s20 =	sshll.u32 s5, $0x1;
	s5 =	sadd.s32 s21, s3  }
0x9d: {  	[timem:s7], [sflag:s22] =	dma.local [hbm:s5], s20  }
0x9e: {  	_ =	swait.ge [sflag:s22], s20  }
0x9f: {  	s4 =	ssub.s32 $0x0, s20;
	[sflag:s22] =	ssyncset.done $0x0  }
0xa0: {  	[sflag:s22] =	ssyncadd.s32 s4;
	_ =	sdelay $0x1  }
0xa1: {  	s23 =	simm.s32 $0x1B8B  }
0xa2: {  	_ =	swait.ge [sflag:s23], $0x1  }
0xa3: {  	[sflag:s23] =	ssyncset.done $0x0  }
0xa4: {  	s25 =	simm.s32 $0x1B8E;
	s24 =	sld [smem:$0x3FFE];
	[sflag:s23] =	ssyncadd.s32 $0xFFFFFFFF  }
0xa5: {  	s26 =	simm.s32 $execute0_lowered;
	[smem:$0x3FD2] =	sst s25  }
0xa6: {  	s5 =	sshll.u32 s26, $0x1;
	_ =	strace $0x80000049;
	[dreg:$0x1] =	wrdreg $0xFFFFFFFF  }
0xa7: {  	s28 =	simm.s32 $_size_execute0_lowered;
	s3 =	sadd.s32 s3, s5;
	[dreg:$0x0] =	wrdreg $0x0  }
0xa8: {  	s5 =	sshll.u32 s28, $0x1;
	[dreg:$0x2] =	wrdreg s3  }
0xa9: {  	[dreg:$0x3] =	wrdreg s5  }
0xaa: {  	[dreg:$0x4] =	wrdreg $0xC0  }
0xab: {  	_ =	task [dreg:s7], $0x5FFFF  }
0xac: {  	[dreg:$0x1] =	wrdreg $0xFFFFFFFF  }
0xad: {  	[dreg:$0x0] =	wrdreg $0x60  }
0xae: {  	[dreg:$0x2] =	wrdreg s2  }
0xaf: {  	[dreg:$0x3] =	wrdreg s24  }
0xb0: {  	[dreg:$0x4] =	wrdreg $0x110000  }
0xb1: {  	[dreg:$0x5] =	wrdreg $0x9  }
0xb2: {  	_ =	task.clear_ibuf [dreg:s7], $0x6FFFF;
	_ =	strace $0x90000049  }
0xb3: {  	s29 =	simm.s32 $0x9;
	_ =	strace $0x8000004B  }
0xb4: {  	_ =	swait.ge [sflag:s29], $0x1  }
0xb5: {  	[sflag:s29] =	ssyncadd.s32 $0xFFFFFFFF  }
0xb6: {  	_ =	strace $0x9000004B  }
0xb7: {  	_ =	sfence  }
0xb8: {  	s30 =	sld [smem:$0x0];
	_ =	sdelay $0x2  }
0xb9: {  	s31 =	sshll.u32 s1, $0xD;
	s1 =	sshrl.u32 s1, $0x2  }
0xba: {  	s3 =	sand.u32 $0x4000, s31;
	s1 =	sadd.s32 s1, s30  }
0xbb: {  	s0 =	sor.u32 s3, s0;
	s1 =	sshll.u32 s1, $0x11  }
0xbc: {  	s0 =	sor.u32 s1, s0  }
0xbd: {  	s0 =	sadd.s32 $0x8F2B, s0  }
0xbe: {  	[sflag:s0] =	ssyncadd.remote.s32 $0x1  }
0xbf: {  	_ =	sfence.sel $0xFFFF  }
0xc0: {  	[dreg:$0x0] =	wrdreg $0xFFFFFFFF;
	(pc) =	sbr.abs _section_cstart, $3  }
0xc1: {  	[dreg:$0x1] =	wrdreg $0xFFFFFFFF  }
0xc2: {  	_ =	task.clear_ibuf [dreg:s7], $0x2FFFF;
	_ =	strace $0x9FFFFFFF  }
0xc3: {  	(tm) =	ssettm $0x7FFFFFFF  }
tec
execute0_lowered:
.L_overlay_start_1:
0x0: {  	(tag) =	ssettag $0x1  }
0x1: {  	s2 =	rddreg [dreg:$0x0]  }
0x2: {  	s0 =	rddreg [dreg:$0x1]  }
0x3: {  	s3 =	rddreg [dreg:$0x2]  }
0x4: {  	s9 =	stileid.u32;
	s1 =	srdreg.scid;
	s4 =	simm.s32 $0x0  }
0x5: {  	s11 =	simm.s32 $0x800;
	s12 =	simm.s32 $0x1000;
	s13 =	simm.s32 $0x40  }
0x6: {  	s15 =	simm.s32 $0x3000;
	s17 =	simm.s32 $0x5000;
	s19 =	simm.s32 $0x7000  }
0x7: {  	s21 =	simm.s32 $0x9000;
	s23 =	simm.s32 $0xB000;
	s28 =	simm.s32 $0xF000  }
0x8: {  	s29 =	simm.s32 $0x1;
	s31 =	simm.s32 $0x2;
	s16 =	simm.s32 $0x3  }
0x9: {  	s20 =	simm.s32 $0x4;
	s22 =	simm.s32 $0x5;
	s18 =	simm.s32 $0x8  }
0xa: {  	s30 =	simm.s32 $0xC80;
	s1 =	sand.u32 $0x1, s1;
	s5 =	smul.u32 $0x280, s9  }
0xb: {  	[smem:$0x7FF] =	sst s4;
	s7 =	sshll.u32 s9, $0x8;
	s9 =	smul.u32 $0x5000, s9  }
0xc: {  	s14 =	simm.s32 $0x0;
	s6 =	smul.u32 $0x2800, s1;
	_ =	strace $0x8000004A  }
0xd: {  	s8 =	ssub.s32 $0x2, s1;
	s7 =	sadd.s32 s7, s0;
	p0 =	seq.s32 s1, $0x0  }
.Ltmp0:
0xe: {  	s25 =	sshrl.u32 s8, $0x1;
	s26 =	sshrl.u32 s9, $0x2;
	(pc) =	sbr.rel .LBB2_1-.Ltmp0, $4  }
0xf: {  	s5 =	sadd.s32 s5, s6;
	s10 =	ssub.s32 s8, s25;
	s6 =	sadd.s32 $0x59600, s7  }
0x10: {  	s25 =	simm.s32 $0xD000;
	s0 =	sadd.s32 s5, s0;
	s5 =	sadd.s32 $0x58600, s7  }
0x11: {  	s7 =	sadd.s32 s26, s3;
	s9 =	smax.u32 s10, $0x1;
	s10 =	simm.s32 $0x9  }
0x12: {  	v0 =	vimm.f32 $0.0e+00;
	s26 =	simm.s32 $0x6;
	s8 =	sadd.s32 $0x3600, s0;
	s0 =	simm.s32 $0x7  }
.LBB2_5:
0x13: {  	[bflag:$0x0] =	sbarrier.arrive $0xFFFF  }
0x14: {  	[tilespmem:s12], [sflag:$0x1] =	stream.indirect.gather [hbm4b:s2+s13], $0x80, s4, s13, $0xb8;
	[tilespmem:$0x12400] =	vst v63  }
0x15: {  	s1 =	simm.s32 $0x80  }
0x16: {  	[tilespmem:s15], [sflag:$0x2] =	stream.indirect.gather [hbm4b:s2+s13], $0x80, s1, s13, $0xb8;
	[tilespmem:$0x12400] =	vst v63  }
0x17: {  	s24 =	simm.s32 $0x100  }
0x18: {  	[tilespmem:s17], [sflag:$0x3] =	stream.indirect.gather [hbm4b:s2+s13], $0x80, s24, s13, $0xb8;
	[tilespmem:$0x12400] =	vst v63  }
0x19: {  	s24 =	simm.s32 $0x180  }
0x1a: {  	[tilespmem:s19], [sflag:$0x4] =	stream.indirect.gather [hbm4b:s2+s13], $0x80, s24, s13, $0xb8;
	[tilespmem:$0x12400] =	vst v63  }
0x1b: {  	s24 =	simm.s32 $0x200  }
0x1c: {  	[tilespmem:s21], [sflag:$0x5] =	stream.indirect.gather [hbm4b:s2+s13], $0x80, s24, s13, $0xb8;
	[tilespmem:$0x12400] =	vst v63  }
0x1d: {  	s24 =	simm.s32 $0x280  }
0x1e: {  	[tilespmem:s23], [sflag:$0x6] =	stream.indirect.gather [hbm4b:s2+s13], $0x80, s24, s13, $0xb8;
	[tilespmem:$0x12400] =	vst v63  }
0x1f: {  	s24 =	simm.s32 $0x300  }
0x20: {  	[tilespmem:s25], [sflag:$0x7] =	stream.indirect.gather [hbm4b:s2+s13], $0x80, s24, s13, $0xb8;
	[tilespmem:$0x12400] =	vst v63  }
0x21: {  	s24 =	simm.s32 $0x380  }
0x22: {  	[tilespmem:s28], [sflag:$0x8] =	stream.indirect.gather [hbm4b:s2+s13], $0x80, s24, s13, $0xb8;
	[tilespmem:$0x12400] =	vst v63  }
0x23: {  	_ =	swait.ge [sflag:s29], $0x2000  }
0x24: {  	[sflag:s29] =	ssyncset.done $0x0  }
0x25: {  	[sflag:s29] =	ssyncadd.s32 $0xFFFFE000  }
0x26: {  	[spmem:s3] =	stream.indirect.scatter.add.f32 [tilespmem:s12], [sflag:$0x9], $0x80, s11, s13, $0xb8;
	[tilespmem:$0x12400] =	vst v63  }
0x27: {  	_ =	swait.ge [sflag:s10], $0x2000  }
0x28: {  	[sflag:s10] =	ssyncset.done $0x0  }
0x29: {  	s24 =	simm.s32 $0x400;
	[sflag:s10] =	ssyncadd.s32 $0xFFFFE000  }
0x2a: {  	[tilespmem:s12], [sflag:$0x1] =	stream.indirect.gather [hbm4b:s2+s13], $0x80, s24, s13, $0xb8;
	[tilespmem:$0x12400] =	vst v63  }
0x2b: {  	_ =	swait.ge [sflag:s31], $0x2000  }
0x2c: {  	[sflag:s31] =	ssyncset.done $0x0  }
0x2d: {  	s24 =	simm.s32 $0x880;
	[sflag:s31] =	ssyncadd.s32 $0xFFFFE000  }
0x2e: {  	[spmem:s3] =	stream.indirect.scatter.add.f32 [tilespmem:s15], [sflag:$0x9], $0x80, s24, s13, $0xb8;
	[tilespmem:$0x12400] =	vst v63  }
0x2f: {  	_ =	swait.ge [sflag:s10], $0x2000  }
0x30: {  	[sflag:s10] =	ssyncset.done $0x0  }
0x31: {  	s24 =	simm.s32 $0x480;
	[sflag:s10] =	ssyncadd.s32 $0xFFFFE000  }
0x32: {  	[tilespmem:s15], [sflag:$0x2] =	stream.indirect.gather [hbm4b:s2+s13], $0x80, s24, s13, $0xb8;
	[tilespmem:$0x12400] =	vst v63  }
0x33: {  	_ =	swait.ge [sflag:s16], $0x2000  }
0x34: {  	[sflag:s16] =	ssyncset.done $0x0  }
0x35: {  	s24 =	simm.s32 $0x900;
	[sflag:s16] =	ssyncadd.s32 $0xFFFFE000  }
0x36: {  	[spmem:s3] =	stream.indirect.scatter.add.f32 [tilespmem:s17], [sflag:$0x9], $0x80, s24, s13, $0xb8;
	[tilespmem:$0x12400] =	vst v63  }
0x37: {  	_ =	swait.ge [sflag:s10], $0x2000  }
0x38: {  	[sflag:s10] =	ssyncset.done $0x0  }
0x39: {  	[sflag:s10] =	ssyncadd.s32 $0xFFFFE000  }
0x3a: {  	_ =	swait.ge [sflag:s20], $0x2000  }
0x3b: {  	[sflag:s20] =	ssyncset.done $0x0  }
0x3c: {  	s24 =	simm.s32 $0x980;
	[sflag:s20] =	ssyncadd.s32 $0xFFFFE000  }
0x3d: {  	[spmem:s3] =	stream.indirect.scatter.add.f32 [tilespmem:s19], [sflag:$0x9], $0x80, s24, s13, $0xb8;
	[tilespmem:$0x12400] =	vst v63  }
0x3e: {  	_ =	swait.ge [sflag:s10], $0x2000  }
0x3f: {  	[sflag:s10] =	ssyncset.done $0x0  }
0x40: {  	[sflag:s10] =	ssyncadd.s32 $0xFFFFE000  }
0x41: {  	_ =	swait.ge [sflag:s22], $0x2000  }
0x42: {  	[sflag:s22] =	ssyncset.done $0x0  }
0x43: {  	s24 =	simm.s32 $0xA00;
	[sflag:s22] =	ssyncadd.s32 $0xFFFFE000  }
0x44: {  	[spmem:s3] =	stream.indirect.scatter.add.f32 [tilespmem:s21], [sflag:$0x9], $0x80, s24, s13, $0xb8;
	[tilespmem:$0x12400] =	vst v63  }
0x45: {  	_ =	swait.ge [sflag:s10], $0x2000  }
0x46: {  	[sflag:s10] =	ssyncset.done $0x0  }
0x47: {  	[sflag:s10] =	ssyncadd.s32 $0xFFFFE000  }
0x48: {  	_ =	swait.ge [sflag:s26], $0x2000  }
0x49: {  	[sflag:s26] =	ssyncset.done $0x0  }
0x4a: {  	s24 =	simm.s32 $0xA80;
	[sflag:s26] =	ssyncadd.s32 $0xFFFFE000  }
0x4b: {  	[spmem:s3] =	stream.indirect.scatter.add.f32 [tilespmem:s23], [sflag:$0x9], $0x80, s24, s13, $0xb8;
	[tilespmem:$0x12400] =	vst v63  }
0x4c: {  	_ =	swait.ge [sflag:s10], $0x2000  }
0x4d: {  	[sflag:s10] =	ssyncset.done $0x0  }
0x4e: {  	[sflag:s10] =	ssyncadd.s32 $0xFFFFE000  }
0x4f: {  	_ =	swait.ge [sflag:s0], $0x2000  }
0x50: {  	[sflag:s0] =	ssyncset.done $0x0  }
0x51: {  	s24 =	simm.s32 $0xB00;
	[sflag:s0] =	ssyncadd.s32 $0xFFFFE000  }
0x52: {  	[spmem:s3] =	stream.indirect.scatter.add.f32 [tilespmem:s25], [sflag:$0x9], $0x80, s24, s13, $0xb8;
	[tilespmem:$0x12400] =	vst v63  }
0x53: {  	_ =	swait.ge [sflag:s10], $0x2000  }
0x54: {  	[sflag:s10] =	ssyncset.done $0x0  }
0x55: {  	[sflag:s10] =	ssyncadd.s32 $0xFFFFE000  }
0x56: {  	_ =	swait.ge [sflag:s18], $0x2000  }
0x57: {  	[sflag:s18] =	ssyncset.done $0x0  }
0x58: {  	s24 =	simm.s32 $0xB80;
	[sflag:s18] =	ssyncadd.s32 $0xFFFFE000  }
0x59: {  	[spmem:s3] =	stream.indirect.scatter.add.f32 [tilespmem:s28], [sflag:$0x9], $0x80, s24, s13, $0xb8;
	[tilespmem:$0x12400] =	vst v63  }
0x5a: {  	_ =	swait.ge [sflag:s10], $0x2000  }
0x5b: {  	[sflag:s10] =	ssyncset.done $0x0  }
0x5c: {  	[sflag:s10] =	ssyncadd.s32 $0xFFFFE000  }
0x5d: {  	_ =	swait.ge [sflag:s29], $0x2000  }
0x5e: {  	[sflag:s29] =	ssyncset.done $0x0  }
0x5f: {  	s24 =	simm.s32 $0xC00;
	[sflag:s29] =	ssyncadd.s32 $0xFFFFE000  }
0x60: {  	[spmem:s3] =	stream.indirect.scatter.add.f32 [tilespmem:s12], [sflag:$0x9], $0x80, s24, s13, $0xb8;
	[tilespmem:$0x12400] =	vst v63  }
0x61: {  	_ =	swait.ge [sflag:s10], $0x2000  }
0x62: {  	[sflag:s10] =	ssyncset.done $0x0  }
0x63: {  	[sflag:s10] =	ssyncadd.s32 $0xFFFFE000  }
0x64: {  	_ =	swait.ge [sflag:s31], $0x2000  }
0x65: {  	[sflag:s31] =	ssyncset.done $0x0  }
0x66: {  	[sflag:s31] =	ssyncadd.s32 $0xFFFFE000  }
0x67: {  	[spmem:s3] =	stream.indirect.scatter.add.f32 [tilespmem:s15], [sflag:$0x9], $0x80, s30, s13, $0xb8;
	[tilespmem:$0x12400] =	vst v63  }
0x68: {  	s14 =	sadd.s32 $0x1, s14;
	_ =	swait.ge [sflag:s10], $0x2000  }
0x69: {  	p1 =	sne.s32 s14, s9;
	s24 =	stileid.u32;
	[sflag:s10] =	ssyncset.done $0x0  }
0x6a: {  	s1 =	sshll.u32 s24, $0x6;
	s24 =	sshrl.u32 s7, $0x3;
	[sflag:s10] =	ssyncadd.s32 $0xFFFFE000  }
.Ltmp1:
0x6b: {  	s1 =	sor.u32 $0x1C09, s1;
	[bflag:$0x0] =	sbarrier.arrive $0xFFFF;
	(pc) =	sbr.rel @!p1 .LBB2_6-.Ltmp1, $4  }
0x6c: {  	[hbm:s8], [sflag:s1] =	dma.local [spmem:s24], $0x280  }
0x6d: {  	_ =	swait.ge [sflag:s10], $0x280  }
0x6e: {  	[sflag:s10] =	ssyncset.done $0x0  }
0x6f: {  	[sflag:s10] =	ssyncadd.s32 $0xFFFFFD80  }
.LBB2_1:
0x70: {  	[tilespmem:s4], [sflag:$0x9] =	stream.linear.gather [hbm4b:s5+s4], $0x500, $0x38;
	[tilespmem:$0x12400] =	vst v63  }
0x71: {  	_ =	swait.ge [sflag:s10], $0x500  }
0x72: {  	[sflag:s10] =	ssyncset.done $0x0  }
0x73: {  	[sflag:s10] =	ssyncadd.s32 $0xFFFFFB00  }
0x74: {  	[tilespmem:s11], [sflag:$0x9] =	stream.linear.gather [hbm4b:s6+s4], $0x500, $0x38;
	[tilespmem:$0x12400] =	vst v63  }
0x75: {  	_ =	swait.ge [sflag:s10], $0x500  }
0x76: {  	[sflag:s10] =	ssyncset.done $0x0  }
0x77: {  	s1 =	simm.s32 $0x0;
	s24 =	simm.s32 $0x200;
	[sflag:s10] =	ssyncadd.s32 $0xFFFFFB00  }
.LBB2_2:
0x78: {  	p1 =	sne.s32 s24, $0x7E00;
	[tilespmem:s1+$0x1070] =	vst v0  }
0x79: {  	[tilespmem:s1+$0x1000] =	vst v0  }
0x7a: {  	[tilespmem:s1+$0x1010] =	vst v0  }
.Ltmp2:
0x7b: {  	[tilespmem:s1+$0x1020] =	vst v0;
	(pc) =	sbr.rel @p1 .LBB2_2-.Ltmp2, $4  }
0x7c: {  	[tilespmem:s1+$0x1030] =	vst v0  }
0x7d: {  	[tilespmem:s1+$0x1040] =	vst v0  }
0x7e: {  	[tilespmem:s1+$0x1050] =	vst v0  }
0x7f: {  	[tilespmem:s1+$0x1060] =	vst v0;
	s1 =	sshra.s32 s24, $0x2;
	s24 =	sadd.s32 $0x200, s24  }
0x80: {  	[tilespmem:s1+$0x1070] =	vst v0  }
0x81: {  	[tilespmem:s1+$0x1000] =	vst v0  }
0x82: {  	[tilespmem:s1+$0x1010] =	vst v0  }
0x83: {  	[tilespmem:s1+$0x1020] =	vst v0  }
0x84: {  	[tilespmem:s1+$0x1030] =	vst v0  }
0x85: {  	[tilespmem:s1+$0x1040] =	vst v0  }
0x86: {  	[tilespmem:s1+$0x1050] =	vst v0  }
.Ltmp3:
0x87: {  	[tilespmem:s1+$0x1060] =	vst v0;
	(pc) =	sbr.rel @p0 .LBB2_5-.Ltmp3, $4  }
0x88: {  	[spmem:s7] =	stream.linear.scatter [tilespmem:s12], [sflag:$0x9], $0x1400, $0x38;
	[tilespmem:$0x12400] =	vst v63  }
0x89: {  	_ =	swait.ge [sflag:s10], $0x1400  }
0x8a: {  	[sflag:s10] =	ssyncset.done $0x0  }
0x8b: {  	[sflag:s10] =	ssyncadd.s32 $0xFFFFEC00  }
0x8c: {  	v1 =	vld [tilespmem:$0x0]  }
0x8d: {  	v2 =	vld [tilespmem:$0x10]  }
0x8e: {  	v3 =	vld [tilespmem:$0x20]  }
0x8f: {  	v4 =	vld [tilespmem:$0x30]  }
0x90: {  	v5 =	vld [tilespmem:$0x80]  }
0x91: {  	v6 =	vld [tilespmem:$0x90];
	v1 =	vadd.s32 $0xA00, v1  }
0x92: {  	[tilespmem:$0x0] =	vst v1;
	v1 =	vadd.s32 $0xA00, v2;
	v2 =	vld [tilespmem:$0xA0]  }
0x93: {  	[tilespmem:$0x10] =	vst v1;
	v1 =	vadd.s32 $0xA00, v3;
	v3 =	vld [tilespmem:$0xB0]  }
0x94: {  	v44 =	vld [tilespmem:$0x100];
	[tilespmem:$0x20] =	vst v1;
	v1 =	vadd.s32 $0xA00, v4  }
0x95: {  	v45 =	vld [tilespmem:$0x110];
	[tilespmem:$0x30] =	vst v1;
	v1 =	vadd.s32 $0xA00, v5  }
0x96: {  	v46 =	vld [tilespmem:$0x120];
	[tilespmem:$0x80] =	vst v1;
	v1 =	vadd.s32 $0xA00, v6  }
0x97: {  	[tilespmem:$0x90] =	vst v1;
	v1 =	vadd.s32 $0xA00, v2;
	v2 =	vld [tilespmem:$0x130]  }
0x98: {  	[tilespmem:$0xA0] =	vst v1;
	v1 =	vadd.s32 $0xA00, v3;
	v3 =	vld [tilespmem:$0x180]  }
0x99: {  	v47 =	vld [tilespmem:$0x190];
	[tilespmem:$0xB0] =	vst v1;
	v1 =	vadd.s32 $0xA00, v44  }
0x9a: {  	v48 =	vld [tilespmem:$0x1A0];
	[tilespmem:$0x100] =	vst v1;
	v1 =	vadd.s32 $0xA00, v45  }
0x9b: {  	v49 =	vld [tilespmem:$0x1B0];
	[tilespmem:$0x110] =	vst v1;
	v1 =	vadd.s32 $0xA00, v46  }
0x9c: {  	[tilespmem:$0x120] =	vst v1;
	v1 =	vadd.s32 $0xA00, v2;
	v2 =	vld [tilespmem:$0x200]  }
0x9d: {  	[tilespmem:$0x130] =	vst v1;
	v1 =	vadd.s32 $0xA00, v3;
	v3 =	vld [tilespmem:$0x210]  }
0x9e: {  	v50 =	vld [tilespmem:$0x220];
	[tilespmem:$0x180] =	vst v1;
	v1 =	vadd.s32 $0xA00, v47  }
0x9f: {  	v51 =	vld [tilespmem:$0x230];
	[tilespmem:$0x190] =	vst v1;
	v1 =	vadd.s32 $0xA00, v48  }
0xa0: {  	v52 =	vld [tilespmem:$0x280];
	[tilespmem:$0x1A0] =	vst v1;
	v1 =	vadd.s32 $0xA00, v49  }
0xa1: {  	[tilespmem:$0x1B0] =	vst v1;
	v1 =	vadd.s32 $0xA00, v2;
	v2 =	vld [tilespmem:$0x290]  }
0xa2: {  	[tilespmem:$0x200] =	vst v1;
	v1 =	vadd.s32 $0xA00, v3;
	v3 =	vld [tilespmem:$0x2A0]  }
0xa3: {  	v53 =	vld [tilespmem:$0x2B0];
	[tilespmem:$0x210] =	vst v1;
	v1 =	vadd.s32 $0xA00, v50  }
0xa4: {  	v54 =	vld [tilespmem:$0x300];
	[tilespmem:$0x220] =	vst v1;
	v1 =	vadd.s32 $0xA00, v51  }
0xa5: {  	v55 =	vld [tilespmem:$0x310];
	[tilespmem:$0x230] =	vst v1;
	v1 =	vadd.s32 $0xA00, v52  }
0xa6: {  	[tilespmem:$0x280] =	vst v1;
	v1 =	vadd.s32 $0xA00, v2;
	v2 =	vld [tilespmem:$0x320]  }
0xa7: {  	[tilespmem:$0x290] =	vst v1;
	v1 =	vadd.s32 $0xA00, v3;
	v3 =	vld [tilespmem:$0x330]  }
0xa8: {  	v56 =	vld [tilespmem:$0x380];
	[tilespmem:$0x2A0] =	vst v1;
	v1 =	vadd.s32 $0xA00, v53  }
0xa9: {  	v57 =	vld [tilespmem:$0x390];
	[tilespmem:$0x2B0] =	vst v1;
	v1 =	vadd.s32 $0xA00, v54  }
0xaa: {  	v58 =	vld [tilespmem:$0x3A0];
	[tilespmem:$0x300] =	vst v1;
	v1 =	vadd.s32 $0xA00, v55  }
0xab: {  	[tilespmem:$0x310] =	vst v1;
	v1 =	vadd.s32 $0xA00, v2;
	v2 =	vld [tilespmem:$0x3B0]  }
0xac: {  	[tilespmem:$0x320] =	vst v1;
	v1 =	vadd.s32 $0xA00, v3;
	v3 =	vld [tilespmem:$0x400]  }
0xad: {  	v59 =	vld [tilespmem:$0x410];
	[tilespmem:$0x330] =	vst v1;
	v1 =	vadd.s32 $0xA00, v56  }
0xae: {  	v60 =	vld [tilespmem:$0x420];
	[tilespmem:$0x380] =	vst v1;
	v1 =	vadd.s32 $0xA00, v57  }
0xaf: {  	v61 =	vld [tilespmem:$0x430];
	[tilespmem:$0x390] =	vst v1;
	v1 =	vadd.s32 $0xA00, v58  }
0xb0: {  	[tilespmem:$0x3A0] =	vst v1;
	v1 =	vadd.s32 $0xA00, v2;
	v2 =	vld [tilespmem:$0x480]  }
0xb1: {  	[tilespmem:$0x3B0] =	vst v1;
	v1 =	vadd.s32 $0xA00, v3;
	v3 =	vld [tilespmem:$0x490]  }
0xb2: {  	v62 =	vld [tilespmem:$0x4A0];
	[tilespmem:$0x400] =	vst v1;
	v1 =	vadd.s32 $0xA00, v59  }
0xb3: {  	v63 =	vld [tilespmem:$0x4B0];
	[tilespmem:$0x410] =	vst v1;
	v1 =	vadd.s32 $0xA00, v60  }
0xb4: {  	[tilespmem:$0x420] =	vst v1;
	v1 =	vadd.s32 $0xA00, v61  }
.Ltmp4:
0xb5: {  	[tilespmem:$0x430] =	vst v1;
	v1 =	vadd.s32 $0xA00, v2;
	(pc) =	sbr.rel .LBB2_5-.Ltmp4, $4  }
0xb6: {  	[tilespmem:$0x480] =	vst v1;
	v1 =	vadd.s32 $0xA00, v3  }
0xb7: {  	[tilespmem:$0x490] =	vst v1;
	v1 =	vadd.s32 $0xA00, v62  }
0xb8: {  	[tilespmem:$0x4A0] =	vst v1;
	v1 =	vadd.s32 $0xA00, v63  }
0xb9: {  	[tilespmem:$0x4B0] =	vst v1  }
.LBB2_6:
0xba: {  	_ =	sfence.sel $0x180000  }
0xbb: {  	[bflag:$0x0] =	sbarrier.arrive $0xFFFF  }
0xbc: {  	_ =	strace $0x9000004A  }
0xbd: {  	s0 =	stileid.u32;
	[bflag:$0x2] =	sbarrier.arrive $0xFFFF  }
0xbe: {  	p0 =	sne.s32 s0, $0x0;
	s0 =	rddreg [dreg:$0x3]  }
0xbf: {  	s0 =	sadd.s32 @!p0 $0x100000, s0  }
0xc0: {  	[sflag:s0] =	ssyncadd.tile.s32 @!p0 $0x1;
	_ =	shalt  }
.Lfunc_end2:
_tile_overlayer_lowered:
.L_overlay_start_2:
0xc1: {  	(tag) =	ssettag $0x2  }
0xc2: {  	s0 =	rddreg [dreg:$0x0];
	s2 =	stileid.u32  }
0xc3: {  	s1 =	rddreg [dreg:$0x1];
	p0 =	sne.s32 s2, $0x0  }
0xc4: {  	s3 =	rddreg [dreg:$0x2];
	[bflag:$0x3] =	sbarrier.arrive $0xFFFF;
	s2 =	simm.s32 @!p0 $0x1C09  }
0xc5: {  	[timem:s3], [sflag:s2] =	dma.local @!p0 [hbm:s0], s1  }
0xc6: {  	s0 =	simm.s32 @!p0 $0x9  }
0xc7: {  	_ =	swait.ge @!p0 [sflag:s0], s1  }
0xc8: {  	s1 =	ssub.s32 @!p0 $0x0, s1;
	[sflag:s0] =	ssyncset.done @!p0 $0x0  }
0xc9: {  	[sflag:s0] =	ssyncadd.s32 @!p0 s1  }
0xca: {  	[bflag:$0x3] =	sbarrier.arrive $0xFFFF  }
0xcb: {  	_ =	shalt  }

// kernel: kernel.17.cloned.1.call-start
scs
__scs_entry_jumppad:
0x0: {  	(pc) =	sbr.rel $0x88, $3  }
0x1: {  	(tag) =	ssettag $0x0;
	lr =	simm.s32 $0x1  }
0x2: {  	[smem:$0x3F83] =	sst lr;
	_ =	strace $0xD0000000  }
0x3: {  	_ = 	snop  }
0x4: {  	_ = 	snop  }
0x5: {  	_ = 	snop  }
0x6: {  	_ = 	snop  }
0x7: {  	_ = 	snop  }
__scs_overlays_trampoline_lowered:
0x8: {  	[smem:$0x3F92] =	sst s0  }
0x9: {  	[smem:$0x3F93] =	sst s1  }
0xa: {  	[smem:$0x3F94] =	sst s2  }
0xb: {  	[smem:$0x3F95] =	sst s3  }
0xc: {  	[smem:$0x3F96] =	sst s4  }
0xd: {  	[smem:$0x3F97] =	sst s5  }
0xe: {  	[smem:$0x3F98] =	sst s6  }
0xf: {  	[smem:$0x3F99] =	sst s7  }
0x10: {  	[smem:$0x3F9A] =	sst s8  }
0x11: {  	[smem:$0x3F9B] =	sst s9;
	s0 =	simm.s32 @!p0 $0x0  }
0x12: {  	s1 =	sld [smem:$0x3F81];
	s0 =	simm.s32 @p0 $0x1  }
0x13: {  	[smem:$0x3F9C] =	sst s0;
	s0 =	simm.s32 @!p1 $0x0  }
0x14: {  	s2 =	sld [smem:$0x3F80];
	s0 =	simm.s32 @p1 $0x1  }
0x15: {  	[smem:$0x3F9D] =	sst s0;
	s0 =	simm.s32 @!p2 $0x0  }
0x16: {  	s3 =	sld [smem:$0x3FDB];
	s0 =	simm.s32 @p2 $0x1  }
0x17: {  	s4 =	simm.s32 $0x1BF5;
	[smem:$0x3F9F] =	sst s0  }
0x18: {  	s0 =	sld [smem:$0x3F82];
	_ =	swait.ge [sflag:s4], $0x0  }
0x19: {  	s7 =	sld [smem:$0x3F83]  }
0x1a: {  	s8 =	sadd.s32 $0xFFFFE003, lr  }
0x1b: {  	s9 =	sadd.s32 $0xFFFFFEF7, lr;
	s5 =	simm.s32 $0xFFFFFFFF;
	p2 =	slt.u32 s8, $0xFFFFF086  }
0x1c: {  	p1 =	slt.u32 s9, $0xF7A;
	s5 =	simm.s32 @!p2 $0x0  }
0x1d: {  	s5 =	simm.s32 @p1 $0x1;
	p0 =	seq.s32 s7, s2  }
0x1e: {  	s7 =	smul.u32 @!p0 $0xF7A, s2;
	p2 =	seq.s32 @!p0 s5, $0x0  }
0x1f: {  	s9 =	smul.u32 $0xF7A, s1;
	s8 =	simm.s32 @!p0 $0x1BF5;
	p2 =	por !p2, p0  }
0x20: {  	[sflag:s8] =	ssyncset.s32 @!p0 $0xFFFFF086;
	s6 =	sadd.s32 @!p0 s3, s7;
	s7 =	simm.s32 @!p0 $0x108  }
0x21: {  	s3 =	sadd.s32 s3, s9;
	s6 =	sadd.s32 @!p0 $0x88, s6;
	s7 =	simm.s32 @p2 $0x1082  }
0x22: {  	[simem:s7], [sflag:s8] =	dma.local @!p0 [hbm:s6], $0xF7A  }
0x23: {  	s9 =	sor.u32 $0xD0000000, s2;
	s6 =	simm.s32 $0x108;
	_ =	swait.ge @!p0 [sflag:s8], $0x0  }
0x24: {  	s3 =	sadd.s32 $0x88, s3;
	s6 =	simm.s32 @!p1 $0x1082;
	[sflag:s4] =	ssyncset.s32 $0xFFFFF086  }
0x25: {  	[simem:s6], [sflag:s4] =	dma.local [hbm:s3], $0xF7A  }
0x26: {  	[smem:$0x3F83] =	sst s1;
	(tag) =	ssettag s2;
	_ =	strace s9  }
0x27: {  	s1 =	sld [smem:$0x3F93]  }
0x28: {  	s2 =	sld [smem:$0x3F94]  }
0x29: {  	s4 =	sld [smem:$0x3F96]  }
0x2a: {  	p0 =	seq.s32 s5, $0x0;
	s5 =	sld [smem:$0x3F97]  }
0x2b: {  	s6 =	sld [smem:$0x3F98]  }
0x2c: {  	s7 =	sld [smem:$0x3F99]  }
0x2d: {  	s3 =	simm.s32 $0x108;
	s8 =	sld [smem:$0x3F9A]  }
0x2e: {  	s3 =	simm.s32 @!p0 $0x1082;
	s9 =	sld [smem:$0x3F9B]  }
0x2f: {  	lr =	sadd.s32 s0, s3;
	s0 =	sld [smem:$0x3F92]  }
0x30: {  	s3 =	sld [smem:$0x3F95]  }
0x31: {  	[smem:$0x3F9E] =	sst s10  }
0x32: {  	s10 =	sld [smem:$0x3F9C];
	_ =	sdelay $0x3  }
0x33: {  	p0 =	seq.s32 s10, $0x1;
	s10 =	sld [smem:$0x3F9E];
	_ =	sdelay $0x3  }
0x34: {  	[smem:$0x3F9E] =	sst s10  }
0x35: {  	s10 =	sld [smem:$0x3F9D];
	_ =	sdelay $0x3  }
0x36: {  	p1 =	seq.s32 s10, $0x1;
	s10 =	sld [smem:$0x3F9E];
	_ =	sdelay $0x3  }
0x37: {  	[smem:$0x3F9E] =	sst s10  }
0x38: {  	s10 =	sld [smem:$0x3F9F]  }
0x39: {  	_ = 	snop;
	(pc) =	sbr.ind lr, $3  }
0x3a: {  	_ = 	snop  }
0x3b: {  	_ = 	snop  }
0x3c: {  	p2 =	seq.s32 s10, $0x1;
	s10 =	sld [smem:$0x3F9E]  }
0x3d: {  	_ =	shalt  }
0x3e: {  	_ =	shalt  }
0x3f: {  	_ =	shalt  }
0x40: {  	_ =	shalt  }
0x41: {  	_ =	shalt  }
0x42: {  	_ =	shalt  }
0x43: {  	_ =	shalt  }
0x44: {  	_ =	shalt  }
0x45: {  	_ =	shalt  }
0x46: {  	_ =	shalt  }
0x47: {  	_ =	shalt  }
0x48: {  	_ =	shalt  }
0x49: {  	_ =	shalt  }
0x4a: {  	_ =	shalt  }
0x4b: {  	_ =	shalt  }
0x4c: {  	_ =	shalt  }
0x4d: {  	_ =	shalt  }
0x4e: {  	_ =	shalt  }
0x4f: {  	_ =	shalt  }
0x50: {  	_ =	shalt  }
0x51: {  	_ =	shalt  }
0x52: {  	_ =	shalt  }
0x53: {  	_ =	shalt  }
0x54: {  	_ =	shalt  }
0x55: {  	_ =	shalt  }
0x56: {  	_ =	shalt  }
0x57: {  	_ =	shalt  }
0x58: {  	_ =	shalt  }
0x59: {  	_ =	shalt  }
0x5a: {  	_ =	shalt  }
0x5b: {  	_ =	shalt  }
0x5c: {  	_ =	shalt  }
0x5d: {  	_ =	shalt  }
0x5e: {  	_ =	shalt  }
0x5f: {  	_ =	shalt  }
0x60: {  	_ =	shalt  }
0x61: {  	_ =	shalt  }
0x62: {  	_ =	shalt  }
0x63: {  	_ =	shalt  }
0x64: {  	_ =	shalt  }
0x65: {  	_ =	shalt  }
0x66: {  	_ =	shalt  }
0x67: {  	_ =	shalt  }
0x68: {  	_ =	shalt  }
0x69: {  	_ =	shalt  }
0x6a: {  	_ =	shalt  }
0x6b: {  	_ =	shalt  }
0x6c: {  	_ =	shalt  }
0x6d: {  	_ =	shalt  }
0x6e: {  	_ =	shalt  }
0x6f: {  	_ =	shalt  }
0x70: {  	_ =	shalt  }
0x71: {  	_ =	shalt  }
0x72: {  	_ =	shalt  }
0x73: {  	_ =	shalt  }
0x74: {  	_ =	shalt  }
0x75: {  	_ =	shalt  }
0x76: {  	_ =	shalt  }
0x77: {  	_ =	shalt  }
0x78: {  	_ =	shalt  }
0x79: {  	_ =	shalt  }
0x7a: {  	_ =	shalt  }
0x7b: {  	_ =	shalt  }
0x7c: {  	_ =	shalt  }
0x7d: {  	_ =	shalt  }
0x7e: {  	_ =	shalt  }
0x7f: {  	_ =	shalt  }
0x80: {  	_ =	shalt  }
0x81: {  	_ =	shalt  }
0x82: {  	_ =	shalt  }
0x83: {  	_ =	shalt  }
0x84: {  	_ =	shalt  }
0x85: {  	_ =	shalt  }
0x86: {  	_ =	shalt  }
0x87: {  	_ =	shalt  }
.Lfunc_end0:
.L_simem_size_0:
called_computation.2_lowered:
.L_overlay_start_0:
0x88: {  	s2 =	sld [smem:$0x3FD9]  }
0x89: {  	s3 =	sld [smem:$0x3FFE];
	_ =	sdelay $0x1  }
0x8a: {  	s1 =	srdreg.scid  }
0x8b: {  	s0 =	sand.u32 $0x1, s1  }
0x8c: {  	s17 =	sshll.u32 s0, $0xA;
	s2 =	sadd.s32 s3, s2  }
0x8d: {  	s2 =	sadd.s32 s2, s17  }
0x8e: {  	[smem:$0x3FAA] =	sst s2  }
0x8f: {  	_ = 	snop  }
0x90: {  	s2 =	sld [smem:$0x3FD0];
	(tm) =	ssettm $0x1  }
0x91: {  	s18 =	sld [smem:$0x3FFB];
	_ =	sdelay $0x3  }
0x92: {  	_ =	strace s18  }
0x93: {  	s3 =	sld [smem:$0x3FFC];
	_ =	sdelay $0x3  }
0x94: {  	_ =	strace s3  }
0x95: {  	s3 =	sld [smem:$0x3FFD];
	_ =	sdelay $0x3  }
0x96: {  	_ =	strace s3  }
0x97: {  	_ =	strace $0x8FFFFFFF  }
0x98: {  	s19 =	sld [smem:$0x3FDB];
	_ =	sdelay $0x1  }
0x99: {  	s4 =	simm.s32 $_scs_section_size  }
0x9a: {  	s5 =	simm.s32 $_size__tile_overlayer_lowered;
	s6 =	simm.s32 $_tile_overlayer_lowered  }
0x9b: {  	s22 =	simm.s32 $0x1BFF;
	s21 =	sshll.u32 s6, $0x1;
	s3 =	sadd.s32 s4, s19  }
0x9c: {  	s7 =	simm.s32 $0x0;
	s20 =	sshll.u32 s5, $0x1;
	s5 =	sadd.s32 s21, s3  }
0x9d: {  	[timem:s7], [sflag:s22] =	dma.local [hbm:s5], s20  }
0x9e: {  	_ =	swait.ge [sflag:s22], s20  }
0x9f: {  	s4 =	ssub.s32 $0x0, s20;
	[sflag:s22] =	ssyncset.done $0x0  }
0xa0: {  	[sflag:s22] =	ssyncadd.s32 s4;
	_ =	sdelay $0x1  }
0xa1: {  	s23 =	simm.s32 $0x1B8B  }
0xa2: {  	_ =	swait.ge [sflag:s23], $0x1  }
0xa3: {  	[sflag:s23] =	ssyncset.done $0x0  }
0xa4: {  	s25 =	simm.s32 $0x1B8E;
	s24 =	sld [smem:$0x3FFE];
	[sflag:s23] =	ssyncadd.s32 $0xFFFFFFFF  }
0xa5: {  	s26 =	simm.s32 $execute0_lowered;
	[smem:$0x3FD2] =	sst s25  }
0xa6: {  	s5 =	sshll.u32 s26, $0x1;
	_ =	strace $0x8000004C;
	[dreg:$0x1] =	wrdreg $0xFFFFFFFF  }
0xa7: {  	s28 =	simm.s32 $_size_execute0_lowered;
	s3 =	sadd.s32 s3, s5;
	[dreg:$0x0] =	wrdreg $0x0  }
0xa8: {  	s5 =	sshll.u32 s28, $0x1;
	[dreg:$0x2] =	wrdreg s3  }
0xa9: {  	[dreg:$0x3] =	wrdreg s5  }
0xaa: {  	[dreg:$0x4] =	wrdreg $0xC0  }
0xab: {  	_ =	task [dreg:s7], $0x5FFFF  }
0xac: {  	[dreg:$0x1] =	wrdreg $0xFFFFFFFF  }
0xad: {  	[dreg:$0x0] =	wrdreg $0x60  }
0xae: {  	[dreg:$0x2] =	wrdreg s24  }
0xaf: {  	[dreg:$0x3] =	wrdreg s2  }
0xb0: {  	[dreg:$0x4] =	wrdreg $0x110000  }
0xb1: {  	[dreg:$0x5] =	wrdreg $0x9  }
0xb2: {  	_ =	task.clear_ibuf [dreg:s7], $0x6FFFF;
	_ =	strace $0x9000004C  }
0xb3: {  	s29 =	simm.s32 $0x9;
	_ =	strace $0x8000004E  }
0xb4: {  	_ =	swait.ge [sflag:s29], $0x1  }
0xb5: {  	[sflag:s29] =	ssyncadd.s32 $0xFFFFFFFF  }
0xb6: {  	_ =	strace $0x9000004E  }
0xb7: {  	_ =	sfence  }
0xb8: {  	s30 =	sld [smem:$0x0];
	_ =	sdelay $0x2  }
0xb9: {  	s31 =	sshll.u32 s1, $0xD;
	s1 =	sshrl.u32 s1, $0x2  }
0xba: {  	s3 =	sand.u32 $0x4000, s31;
	s1 =	sadd.s32 s1, s30  }
0xbb: {  	s0 =	sor.u32 s3, s0;
	s1 =	sshll.u32 s1, $0x11  }
0xbc: {  	s0 =	sor.u32 s1, s0  }
0xbd: {  	s0 =	sadd.s32 $0x8F2B, s0  }
0xbe: {  	[sflag:s0] =	ssyncadd.remote.s32 $0x1  }
0xbf: {  	_ =	sfence.sel $0xFFFF  }
0xc0: {  	[dreg:$0x0] =	wrdreg $0xFFFFFFFF;
	(pc) =	sbr.abs _section_cstart, $3  }
0xc1: {  	[dreg:$0x1] =	wrdreg $0xFFFFFFFF  }
0xc2: {  	_ =	task.clear_ibuf [dreg:s7], $0x2FFFF;
	_ =	strace $0x9FFFFFFF  }
0xc3: {  	(tm) =	ssettm $0x7FFFFFFF  }
tec
execute0_lowered:
.L_overlay_start_1:
0x0: {  	(tag) =	ssettag $0x1  }
0x1: {  	s0 =	rddreg [dreg:$0x0]  }
0x2: {  	s2 =	rddreg [dreg:$0x1]  }
0x3: {  	s1 =	rddreg [dreg:$0x2];
	s3 =	simm.s32 $0x0;
	s8 =	stileid.u32  }
0x4: {  	s5 =	srdreg.scid;
	s12 =	simm.s32 $0x9;
	s13 =	simm.s32 $0x800  }
0x5: {  	s14 =	simm.s32 $0x1000;
	s15 =	simm.s32 $0x40;
	s17 =	simm.s32 $0x3000  }
0x6: {  	s19 =	simm.s32 $0x5000;
	s21 =	simm.s32 $0x7000;
	s28 =	simm.s32 $0xD000  }
0x7: {  	s30 =	simm.s32 $0xF000;
	s31 =	simm.s32 $0x1;
	s16 =	simm.s32 $0x2  }
0x8: {  	s22 =	simm.s32 $0x3;
	s29 =	simm.s32 $0x5;
	s18 =	simm.s32 $0x6  }
0x9: {  	[smem:$0x7FF] =	sst s3;
	s4 =	sadd.s32 $0x3600, s0;
	s7 =	smul.u32 $0x14000, s8  }
0xa: {  	s6 =	sshll.u32 s8, $0x8;
	s5 =	sand.u32 $0x1, s5;
	s9 =	smul.u32 $0xA00, s8  }
0xb: {  	_ =	strace $0x8000004D;
	s0 =	sadd.s32 s6, s0;
	s23 =	ssub.s32 $0x2, s5  }
0xc: {  	s10 =	smul.u32 $0xA000, s5;
	p0 =	seq.s32 s5, $0x0;
	s24 =	sshrl.u32 s23, $0x1  }
0xd: {  	s7 =	sshrl.u32 s7, $0x2;
	s25 =	sadd.s32 $0x8600, s0;
	s11 =	ssub.s32 s23, s24  }
.Ltmp0:
0xe: {  	[dreg:$0x4] =	wrdreg s25;
	s6 =	sadd.s32 s7, s1;
	(pc) =	sbr.rel .LBB2_1-.Ltmp0, $4  }
0xf: {  	s7 =	sadd.s32 $0x9600, s0;
	s26 =	sadd.s32 s9, s10;
	s23 =	simm.s32 $0x9000  }
0x10: {  	s25 =	simm.s32 $0xB000;
	s24 =	simm.s32 $0x7;
	s0 =	simm.s32 $0x8  }
0x11: {  	s8 =	sadd.s32 $0x2000, s6;
	s9 =	sadd.s32 $0x4000, s6;
	s10 =	sadd.s32 s2, s26  }
0x12: {  	v0 =	vimm.f32 $0.0e+00;
	s11 =	smax.u32 s11, $0x1;
	s2 =	simm.s32 $0x4;
	s26 =	simm.s32 $0x0  }
.LBB2_5:
0x13: {  	[bflag:$0x0] =	sbarrier.arrive $0xFFFF  }
0x14: {  	[tilespmem:s14], [sflag:$0x1] =	stream.indirect.gather [hbm4b:s4+s15], $0x80, s3, s15, $0xb8;
	[tilespmem:$0x16000] =	vst v63  }
0x15: {  	s5 =	simm.s32 $0x80  }
0x16: {  	[tilespmem:s17], [sflag:$0x2] =	stream.indirect.gather [hbm4b:s4+s15], $0x80, s5, s15, $0xb8;
	[tilespmem:$0x16000] =	vst v63  }
0x17: {  	s20 =	simm.s32 $0x100  }
0x18: {  	[tilespmem:s19], [sflag:$0x3] =	stream.indirect.gather [hbm4b:s4+s15], $0x80, s20, s15, $0xb8;
	[tilespmem:$0x16000] =	vst v63  }
0x19: {  	s20 =	simm.s32 $0x180  }
0x1a: {  	[tilespmem:s21], [sflag:$0x4] =	stream.indirect.gather [hbm4b:s4+s15], $0x80, s20, s15, $0xb8;
	[tilespmem:$0x16000] =	vst v63  }
0x1b: {  	s20 =	simm.s32 $0x200  }
0x1c: {  	[tilespmem:s23], [sflag:$0x5] =	stream.indirect.gather [hbm4b:s4+s15], $0x80, s20, s15, $0xb8;
	[tilespmem:$0x16000] =	vst v63  }
0x1d: {  	s20 =	simm.s32 $0x280  }
0x1e: {  	[tilespmem:s25], [sflag:$0x6] =	stream.indirect.gather [hbm4b:s4+s15], $0x80, s20, s15, $0xb8;
	[tilespmem:$0x16000] =	vst v63  }
0x1f: {  	s20 =	simm.s32 $0x300  }
0x20: {  	[tilespmem:s28], [sflag:$0x7] =	stream.indirect.gather [hbm4b:s4+s15], $0x80, s20, s15, $0xb8;
	[tilespmem:$0x16000] =	vst v63  }
0x21: {  	s20 =	simm.s32 $0x380  }
0x22: {  	[tilespmem:s30], [sflag:$0x8] =	stream.indirect.gather [hbm4b:s4+s15], $0x80, s20, s15, $0xb8;
	[tilespmem:$0x16000] =	vst v63  }
0x23: {  	_ =	swait.ge [sflag:s31], $0x2000  }
0x24: {  	[sflag:s31] =	ssyncset.done $0x0  }
0x25: {  	[sflag:s31] =	ssyncadd.s32 $0xFFFFE000  }
0x26: {  	[spmem:s1] =	stream.indirect.scatter.add.f32 [tilespmem:s14], [sflag:$0x9], $0x80, s13, s15, $0xb8;
	[tilespmem:$0x16000] =	vst v63  }
0x27: {  	_ =	swait.ge [sflag:s12], $0x2000  }
0x28: {  	[sflag:s12] =	ssyncset.done $0x0  }
0x29: {  	s20 =	simm.s32 $0x400;
	[sflag:s12] =	ssyncadd.s32 $0xFFFFE000  }
0x2a: {  	[tilespmem:s14], [sflag:$0x1] =	stream.indirect.gather [hbm4b:s4+s15], $0x80, s20, s15, $0xb8;
	[tilespmem:$0x16000] =	vst v63  }
0x2b: {  	_ =	swait.ge [sflag:s16], $0x2000  }
0x2c: {  	[sflag:s16] =	ssyncset.done $0x0  }
0x2d: {  	s20 =	simm.s32 $0x880;
	[sflag:s16] =	ssyncadd.s32 $0xFFFFE000  }
0x2e: {  	[spmem:s1] =	stream.indirect.scatter.add.f32 [tilespmem:s17], [sflag:$0x9], $0x80, s20, s15, $0xb8;
	[tilespmem:$0x16000] =	vst v63  }
0x2f: {  	_ =	swait.ge [sflag:s12], $0x2000  }
0x30: {  	[sflag:s12] =	ssyncset.done $0x0  }
0x31: {  	s20 =	simm.s32 $0x480;
	[sflag:s12] =	ssyncadd.s32 $0xFFFFE000  }
0x32: {  	[tilespmem:s17], [sflag:$0x2] =	stream.indirect.gather [hbm4b:s4+s15], $0x80, s20, s15, $0xb8;
	[tilespmem:$0x16000] =	vst v63  }
0x33: {  	_ =	swait.ge [sflag:s22], $0x2000  }
0x34: {  	[sflag:s22] =	ssyncset.done $0x0  }
0x35: {  	s20 =	simm.s32 $0x900;
	[sflag:s22] =	ssyncadd.s32 $0xFFFFE000  }
0x36: {  	[spmem:s1] =	stream.indirect.scatter.add.f32 [tilespmem:s19], [sflag:$0x9], $0x80, s20, s15, $0xb8;
	[tilespmem:$0x16000] =	vst v63  }
0x37: {  	_ =	swait.ge [sflag:s12], $0x2000  }
0x38: {  	[sflag:s12] =	ssyncset.done $0x0  }
0x39: {  	[sflag:s12] =	ssyncadd.s32 $0xFFFFE000  }
0x3a: {  	_ =	swait.ge [sflag:s2], $0x2000  }
0x3b: {  	[sflag:s2] =	ssyncset.done $0x0  }
0x3c: {  	s20 =	simm.s32 $0x980;
	[sflag:s2] =	ssyncadd.s32 $0xFFFFE000  }
0x3d: {  	[spmem:s1] =	stream.indirect.scatter.add.f32 [tilespmem:s21], [sflag:$0x9], $0x80, s20, s15, $0xb8;
	[tilespmem:$0x16000] =	vst v63  }
0x3e: {  	_ =	swait.ge [sflag:s12], $0x2000  }
0x3f: {  	[sflag:s12] =	ssyncset.done $0x0  }
0x40: {  	[sflag:s12] =	ssyncadd.s32 $0xFFFFE000  }
0x41: {  	_ =	swait.ge [sflag:s29], $0x2000  }
0x42: {  	[sflag:s29] =	ssyncset.done $0x0  }
0x43: {  	s20 =	simm.s32 $0xA00;
	[sflag:s29] =	ssyncadd.s32 $0xFFFFE000  }
0x44: {  	[spmem:s1] =	stream.indirect.scatter.add.f32 [tilespmem:s23], [sflag:$0x9], $0x80, s20, s15, $0xb8;
	[tilespmem:$0x16000] =	vst v63  }
0x45: {  	_ =	swait.ge [sflag:s12], $0x2000  }
0x46: {  	[sflag:s12] =	ssyncset.done $0x0  }
0x47: {  	[sflag:s12] =	ssyncadd.s32 $0xFFFFE000  }
0x48: {  	_ =	swait.ge [sflag:s18], $0x2000  }
0x49: {  	[sflag:s18] =	ssyncset.done $0x0  }
0x4a: {  	s20 =	simm.s32 $0xA80;
	[sflag:s18] =	ssyncadd.s32 $0xFFFFE000  }
0x4b: {  	[spmem:s1] =	stream.indirect.scatter.add.f32 [tilespmem:s25], [sflag:$0x9], $0x80, s20, s15, $0xb8;
	[tilespmem:$0x16000] =	vst v63  }
0x4c: {  	_ =	swait.ge [sflag:s12], $0x2000  }
0x4d: {  	[sflag:s12] =	ssyncset.done $0x0  }
0x4e: {  	[sflag:s12] =	ssyncadd.s32 $0xFFFFE000  }
0x4f: {  	_ =	swait.ge [sflag:s24], $0x2000  }
0x50: {  	[sflag:s24] =	ssyncset.done $0x0  }
0x51: {  	s20 =	simm.s32 $0xB00;
	[sflag:s24] =	ssyncadd.s32 $0xFFFFE000  }
0x52: {  	[spmem:s1] =	stream.indirect.scatter.add.f32 [tilespmem:s28], [sflag:$0x9], $0x80, s20, s15, $0xb8;
	[tilespmem:$0x16000] =	vst v63  }
0x53: {  	_ =	swait.ge [sflag:s12], $0x2000  }
0x54: {  	[sflag:s12] =	ssyncset.done $0x0  }
0x55: {  	[sflag:s12] =	ssyncadd.s32 $0xFFFFE000  }
0x56: {  	_ =	swait.ge [sflag:s0], $0x2000  }
0x57: {  	[sflag:s0] =	ssyncset.done $0x0  }
0x58: {  	s20 =	simm.s32 $0xB80;
	[sflag:s0] =	ssyncadd.s32 $0xFFFFE000  }
0x59: {  	[spmem:s1] =	stream.indirect.scatter.add.f32 [tilespmem:s30], [sflag:$0x9], $0x80, s20, s15, $0xb8;
	[tilespmem:$0x16000] =	vst v63  }
0x5a: {  	_ =	swait.ge [sflag:s12], $0x2000  }
0x5b: {  	[sflag:s12] =	ssyncset.done $0x0  }
0x5c: {  	[sflag:s12] =	ssyncadd.s32 $0xFFFFE000  }
0x5d: {  	_ =	swait.ge [sflag:s31], $0x2000  }
0x5e: {  	[sflag:s31] =	ssyncset.done $0x0  }
0x5f: {  	s20 =	simm.s32 $0xC00;
	[sflag:s31] =	ssyncadd.s32 $0xFFFFE000  }
0x60: {  	[spmem:s1] =	stream.indirect.scatter.add.f32 [tilespmem:s14], [sflag:$0x9], $0x80, s20, s15, $0xb8;
	[tilespmem:$0x16000] =	vst v63  }
0x61: {  	_ =	swait.ge [sflag:s12], $0x2000  }
0x62: {  	[sflag:s12] =	ssyncset.done $0x0  }
0x63: {  	[sflag:s12] =	ssyncadd.s32 $0xFFFFE000  }
0x64: {  	_ =	swait.ge [sflag:s16], $0x2000  }
0x65: {  	[sflag:s16] =	ssyncset.done $0x0  }
0x66: {  	s20 =	simm.s32 $0xC80;
	[sflag:s16] =	ssyncadd.s32 $0xFFFFE000  }
0x67: {  	[spmem:s1] =	stream.indirect.scatter.add.f32 [tilespmem:s17], [sflag:$0x9], $0x80, s20, s15, $0xb8;
	[tilespmem:$0x16000] =	vst v63  }
0x68: {  	s26 =	sadd.s32 $0x1, s26;
	_ =	swait.ge [sflag:s12], $0x2000  }
0x69: {  	p1 =	sne.s32 s26, s11;
	s20 =	stileid.u32;
	[sflag:s12] =	ssyncset.done $0x0  }
0x6a: {  	s5 =	sshll.u32 s20, $0x6;
	s20 =	sshrl.u32 s6, $0x3;
	[sflag:s12] =	ssyncadd.s32 $0xFFFFE000  }
.Ltmp1:
0x6b: {  	s5 =	sor.u32 $0x1C09, s5;
	[bflag:$0x0] =	sbarrier.arrive $0xFFFF;
	(pc) =	sbr.rel @!p1 .LBB2_6-.Ltmp1, $4  }
0x6c: {  	[hbm:s10], [sflag:s5] =	dma.local [spmem:s20], $0xA00  }
0x6d: {  	_ =	swait.ge [sflag:s12], $0xA00  }
0x6e: {  	[sflag:s12] =	ssyncset.done $0x0  }
0x6f: {  	[sflag:s12] =	ssyncadd.s32 $0xFFFFF600  }
.LBB2_1:
0x70: {  	s5 =	rddreg [dreg:$0x4]  }
0x71: {  	[tilespmem:s3], [sflag:$0x9] =	stream.linear.gather [hbm4b:s5+s3], $0x500, $0x38;
	[tilespmem:$0x16000] =	vst v63  }
0x72: {  	_ =	swait.ge [sflag:s12], $0x500  }
0x73: {  	[sflag:s12] =	ssyncset.done $0x0  }
0x74: {  	[sflag:s12] =	ssyncadd.s32 $0xFFFFFB00  }
0x75: {  	[tilespmem:s13], [sflag:$0x9] =	stream.linear.gather [hbm4b:s7+s3], $0x500, $0x38;
	[tilespmem:$0x16000] =	vst v63  }
0x76: {  	_ =	swait.ge [sflag:s12], $0x500  }
0x77: {  	[sflag:s12] =	ssyncset.done $0x0  }
0x78: {  	s20 =	simm.s32 $0x0;
	s5 =	simm.s32 $0x200;
	[sflag:s12] =	ssyncadd.s32 $0xFFFFFB00  }
.LBB2_2:
0x79: {  	p1 =	sne.s32 s5, $0x7E00;
	[tilespmem:s20+$0x1070] =	vst v0  }
0x7a: {  	[tilespmem:s20+$0x1000] =	vst v0  }
0x7b: {  	[tilespmem:s20+$0x1010] =	vst v0  }
.Ltmp2:
0x7c: {  	[tilespmem:s20+$0x1020] =	vst v0;
	(pc) =	sbr.rel @p1 .LBB2_2-.Ltmp2, $4  }
0x7d: {  	[tilespmem:s20+$0x1030] =	vst v0  }
0x7e: {  	[tilespmem:s20+$0x1040] =	vst v0  }
0x7f: {  	[tilespmem:s20+$0x1050] =	vst v0  }
0x80: {  	[tilespmem:s20+$0x1060] =	vst v0;
	s20 =	sshra.s32 s5, $0x2;
	s5 =	sadd.s32 $0x200, s5  }
0x81: {  	[tilespmem:s20+$0x1070] =	vst v0  }
0x82: {  	[tilespmem:s20+$0x1000] =	vst v0  }
0x83: {  	[tilespmem:s20+$0x1010] =	vst v0  }
0x84: {  	[tilespmem:s20+$0x1020] =	vst v0  }
0x85: {  	[tilespmem:s20+$0x1030] =	vst v0  }
0x86: {  	[tilespmem:s20+$0x1040] =	vst v0  }
0x87: {  	[tilespmem:s20+$0x1050] =	vst v0  }
0x88: {  	[tilespmem:s20+$0x1060] =	vst v0  }
0x89: {  	[spmem:s6] =	stream.linear.scatter [tilespmem:s14], [sflag:$0x9], $0x2000, $0x38;
	[tilespmem:$0x16000] =	vst v63  }
0x8a: {  	_ =	swait.ge [sflag:s12], $0x2000  }
0x8b: {  	[sflag:s12] =	ssyncset.done $0x0  }
0x8c: {  	[sflag:s12] =	ssyncadd.s32 $0xFFFFE000  }
0x8d: {  	[spmem:s8] =	stream.linear.scatter [tilespmem:s14], [sflag:$0x9], $0x2000, $0x38;
	[tilespmem:$0x16000] =	vst v63  }
0x8e: {  	_ =	swait.ge [sflag:s12], $0x2000  }
0x8f: {  	[sflag:s12] =	ssyncset.done $0x0  }
.Ltmp3:
0x90: {  	[sflag:s12] =	ssyncadd.s32 $0xFFFFE000;
	(pc) =	sbr.rel @p0 .LBB2_5-.Ltmp3, $4  }
0x91: {  	[spmem:s9] =	stream.linear.scatter [tilespmem:s14], [sflag:$0x9], $0x1000, $0x38;
	[tilespmem:$0x16000] =	vst v63  }
0x92: {  	_ =	swait.ge [sflag:s12], $0x1000  }
0x93: {  	[sflag:s12] =	ssyncset.done $0x0  }
0x94: {  	[sflag:s12] =	ssyncadd.s32 $0xFFFFF000  }
0x95: {  	v1 =	vld [tilespmem:$0x0]  }
0x96: {  	v2 =	vld [tilespmem:$0x10]  }
0x97: {  	v3 =	vld [tilespmem:$0x20]  }
0x98: {  	v4 =	vld [tilespmem:$0x30]  }
0x99: {  	v5 =	vld [tilespmem:$0x80]  }
0x9a: {  	v6 =	vld [tilespmem:$0x90];
	v1 =	vadd.s32 $0x280, v1  }
0x9b: {  	[tilespmem:$0x0] =	vst v1;
	v1 =	vadd.s32 $0x280, v2;
	v2 =	vld [tilespmem:$0xA0]  }
0x9c: {  	[tilespmem:$0x10] =	vst v1;
	v1 =	vadd.s32 $0x280, v3;
	v3 =	vld [tilespmem:$0xB0]  }
0x9d: {  	v44 =	vld [tilespmem:$0x100];
	[tilespmem:$0x20] =	vst v1;
	v1 =	vadd.s32 $0x280, v4  }
0x9e: {  	v45 =	vld [tilespmem:$0x110];
	[tilespmem:$0x30] =	vst v1;
	v1 =	vadd.s32 $0x280, v5  }
0x9f: {  	v46 =	vld [tilespmem:$0x120];
	[tilespmem:$0x80] =	vst v1;
	v1 =	vadd.s32 $0x280, v6  }
0xa0: {  	[tilespmem:$0x90] =	vst v1;
	v1 =	vadd.s32 $0x280, v2;
	v2 =	vld [tilespmem:$0x130]  }
0xa1: {  	[tilespmem:$0xA0] =	vst v1;
	v1 =	vadd.s32 $0x280, v3;
	v3 =	vld [tilespmem:$0x180]  }
0xa2: {  	v47 =	vld [tilespmem:$0x190];
	[tilespmem:$0xB0] =	vst v1;
	v1 =	vadd.s32 $0x280, v44  }
0xa3: {  	v48 =	vld [tilespmem:$0x1A0];
	[tilespmem:$0x100] =	vst v1;
	v1 =	vadd.s32 $0x280, v45  }
0xa4: {  	v49 =	vld [tilespmem:$0x1B0];
	[tilespmem:$0x110] =	vst v1;
	v1 =	vadd.s32 $0x280, v46  }
0xa5: {  	[tilespmem:$0x120] =	vst v1;
	v1 =	vadd.s32 $0x280, v2;
	v2 =	vld [tilespmem:$0x200]  }
0xa6: {  	[tilespmem:$0x130] =	vst v1;
	v1 =	vadd.s32 $0x280, v3;
	v3 =	vld [tilespmem:$0x210]  }
0xa7: {  	v50 =	vld [tilespmem:$0x220];
	[tilespmem:$0x180] =	vst v1;
	v1 =	vadd.s32 $0x280, v47  }
0xa8: {  	v51 =	vld [tilespmem:$0x230];
	[tilespmem:$0x190] =	vst v1;
	v1 =	vadd.s32 $0x280, v48  }
0xa9: {  	v52 =	vld [tilespmem:$0x280];
	[tilespmem:$0x1A0] =	vst v1;
	v1 =	vadd.s32 $0x280, v49  }
0xaa: {  	[tilespmem:$0x1B0] =	vst v1;
	v1 =	vadd.s32 $0x280, v2;
	v2 =	vld [tilespmem:$0x290]  }
0xab: {  	[tilespmem:$0x200] =	vst v1;
	v1 =	vadd.s32 $0x280, v3;
	v3 =	vld [tilespmem:$0x2A0]  }
0xac: {  	v53 =	vld [tilespmem:$0x2B0];
	[tilespmem:$0x210] =	vst v1;
	v1 =	vadd.s32 $0x280, v50  }
0xad: {  	v54 =	vld [tilespmem:$0x300];
	[tilespmem:$0x220] =	vst v1;
	v1 =	vadd.s32 $0x280, v51  }
0xae: {  	v55 =	vld [tilespmem:$0x310];
	[tilespmem:$0x230] =	vst v1;
	v1 =	vadd.s32 $0x280, v52  }
0xaf: {  	[tilespmem:$0x280] =	vst v1;
	v1 =	vadd.s32 $0x280, v2;
	v2 =	vld [tilespmem:$0x320]  }
0xb0: {  	[tilespmem:$0x290] =	vst v1;
	v1 =	vadd.s32 $0x280, v3;
	v3 =	vld [tilespmem:$0x330]  }
0xb1: {  	v56 =	vld [tilespmem:$0x380];
	[tilespmem:$0x2A0] =	vst v1;
	v1 =	vadd.s32 $0x280, v53  }
0xb2: {  	v57 =	vld [tilespmem:$0x390];
	[tilespmem:$0x2B0] =	vst v1;
	v1 =	vadd.s32 $0x280, v54  }
0xb3: {  	v58 =	vld [tilespmem:$0x3A0];
	[tilespmem:$0x300] =	vst v1;
	v1 =	vadd.s32 $0x280, v55  }
0xb4: {  	[tilespmem:$0x310] =	vst v1;
	v1 =	vadd.s32 $0x280, v2;
	v2 =	vld [tilespmem:$0x3B0]  }
0xb5: {  	[tilespmem:$0x320] =	vst v1;
	v1 =	vadd.s32 $0x280, v3;
	v3 =	vld [tilespmem:$0x400]  }
0xb6: {  	v59 =	vld [tilespmem:$0x410];
	[tilespmem:$0x330] =	vst v1;
	v1 =	vadd.s32 $0x280, v56  }
0xb7: {  	v60 =	vld [tilespmem:$0x420];
	[tilespmem:$0x380] =	vst v1;
	v1 =	vadd.s32 $0x280, v57  }
0xb8: {  	v61 =	vld [tilespmem:$0x430];
	[tilespmem:$0x390] =	vst v1;
	v1 =	vadd.s32 $0x280, v58  }
0xb9: {  	[tilespmem:$0x3A0] =	vst v1;
	v1 =	vadd.s32 $0x280, v2;
	v2 =	vld [tilespmem:$0x480]  }
0xba: {  	[tilespmem:$0x3B0] =	vst v1;
	v1 =	vadd.s32 $0x280, v3;
	v3 =	vld [tilespmem:$0x490]  }
0xbb: {  	v62 =	vld [tilespmem:$0x4A0];
	[tilespmem:$0x400] =	vst v1;
	v1 =	vadd.s32 $0x280, v59  }
0xbc: {  	v63 =	vld [tilespmem:$0x4B0];
	[tilespmem:$0x410] =	vst v1;
	v1 =	vadd.s32 $0x280, v60  }
0xbd: {  	[tilespmem:$0x420] =	vst v1;
	v1 =	vadd.s32 $0x280, v61  }
.Ltmp4:
0xbe: {  	[tilespmem:$0x430] =	vst v1;
	v1 =	vadd.s32 $0x280, v2;
	(pc) =	sbr.rel .LBB2_5-.Ltmp4, $4  }
0xbf: {  	[tilespmem:$0x480] =	vst v1;
	v1 =	vadd.s32 $0x280, v3  }
0xc0: {  	[tilespmem:$0x490] =	vst v1;
	v1 =	vadd.s32 $0x280, v62  }
0xc1: {  	[tilespmem:$0x4A0] =	vst v1;
	v1 =	vadd.s32 $0x280, v63  }
0xc2: {  	[tilespmem:$0x4B0] =	vst v1  }
.LBB2_6:
0xc3: {  	_ =	sfence.sel $0x180000  }
0xc4: {  	[bflag:$0x0] =	sbarrier.arrive $0xFFFF  }
0xc5: {  	_ =	strace $0x9000004D  }
0xc6: {  	s0 =	stileid.u32;
	[bflag:$0x2] =	sbarrier.arrive $0xFFFF  }
0xc7: {  	p0 =	sne.s32 s0, $0x0;
	s0 =	rddreg [dreg:$0x3]  }
0xc8: {  	s0 =	sadd.s32 @!p0 $0x100000, s0  }
0xc9: {  	[sflag:s0] =	ssyncadd.tile.s32 @!p0 $0x1;
	_ =	shalt  }
.Lfunc_end2:
_tile_overlayer_lowered:
.L_overlay_start_2:
0xca: {  	(tag) =	ssettag $0x2  }
0xcb: {  	s0 =	rddreg [dreg:$0x0];
	s2 =	stileid.u32  }
0xcc: {  	s1 =	rddreg [dreg:$0x1];
	p0 =	sne.s32 s2, $0x0  }
0xcd: {  	s3 =	rddreg [dreg:$0x2];
	[bflag:$0x3] =	sbarrier.arrive $0xFFFF;
	s2 =	simm.s32 @!p0 $0x1C09  }
0xce: {  	[timem:s3], [sflag:s2] =	dma.local @!p0 [hbm:s0], s1  }
0xcf: {  	s0 =	simm.s32 @!p0 $0x9  }
0xd0: {  	_ =	swait.ge @!p0 [sflag:s0], s1  }
0xd1: {  	s1 =	ssub.s32 @!p0 $0x0, s1;
	[sflag:s0] =	ssyncset.done @!p0 $0x0  }
0xd2: {  	[sflag:s0] =	ssyncadd.s32 @!p0 s1  }
0xd3: {  	[bflag:$0x3] =	sbarrier.arrive $0xFFFF  }
0xd4: {  	_ =	shalt  }

// kernel: kernel.20.cloned.1.call-start
scs
__scs_entry_jumppad:
0x0: {  	(pc) =	sbr.rel $0x88, $3  }
0x1: {  	(tag) =	ssettag $0x0;
	lr =	simm.s32 $0x1  }
0x2: {  	[smem:$0x3F83] =	sst lr;
	_ =	strace $0xD0000000  }
0x3: {  	_ = 	snop  }
0x4: {  	_ = 	snop  }
0x5: {  	_ = 	snop  }
0x6: {  	_ = 	snop  }
0x7: {  	_ = 	snop  }
__scs_overlays_trampoline_lowered:
0x8: {  	[smem:$0x3F92] =	sst s0  }
0x9: {  	[smem:$0x3F93] =	sst s1  }
0xa: {  	[smem:$0x3F94] =	sst s2  }
0xb: {  	[smem:$0x3F95] =	sst s3  }
0xc: {  	[smem:$0x3F96] =	sst s4  }
0xd: {  	[smem:$0x3F97] =	sst s5  }
0xe: {  	[smem:$0x3F98] =	sst s6  }
0xf: {  	[smem:$0x3F99] =	sst s7  }
0x10: {  	[smem:$0x3F9A] =	sst s8  }
0x11: {  	[smem:$0x3F9B] =	sst s9;
	s0 =	simm.s32 @!p0 $0x0  }
0x12: {  	s1 =	sld [smem:$0x3F81];
	s0 =	simm.s32 @p0 $0x1  }
0x13: {  	[smem:$0x3F9C] =	sst s0;
	s0 =	simm.s32 @!p1 $0x0  }
0x14: {  	s2 =	sld [smem:$0x3F80];
	s0 =	simm.s32 @p1 $0x1  }
0x15: {  	[smem:$0x3F9D] =	sst s0;
	s0 =	simm.s32 @!p2 $0x0  }
0x16: {  	s3 =	sld [smem:$0x3FDB];
	s0 =	simm.s32 @p2 $0x1  }
0x17: {  	s4 =	simm.s32 $0x1BF5;
	[smem:$0x3F9F] =	sst s0  }
0x18: {  	s0 =	sld [smem:$0x3F82];
	_ =	swait.ge [sflag:s4], $0x0  }
0x19: {  	s7 =	sld [smem:$0x3F83]  }
0x1a: {  	s8 =	sadd.s32 $0xFFFFE003, lr  }
0x1b: {  	s9 =	sadd.s32 $0xFFFFFEF7, lr;
	s5 =	simm.s32 $0xFFFFFFFF;
	p2 =	slt.u32 s8, $0xFFFFF086  }
0x1c: {  	p1 =	slt.u32 s9, $0xF7A;
	s5 =	simm.s32 @!p2 $0x0  }
0x1d: {  	s5 =	simm.s32 @p1 $0x1;
	p0 =	seq.s32 s7, s2  }
0x1e: {  	s7 =	smul.u32 @!p0 $0xF7A, s2;
	p2 =	seq.s32 @!p0 s5, $0x0  }
0x1f: {  	s9 =	smul.u32 $0xF7A, s1;
	s8 =	simm.s32 @!p0 $0x1BF5;
	p2 =	por !p2, p0  }
0x20: {  	[sflag:s8] =	ssyncset.s32 @!p0 $0xFFFFF086;
	s6 =	sadd.s32 @!p0 s3, s7;
	s7 =	simm.s32 @!p0 $0x108  }
0x21: {  	s3 =	sadd.s32 s3, s9;
	s6 =	sadd.s32 @!p0 $0x88, s6;
	s7 =	simm.s32 @p2 $0x1082  }
0x22: {  	[simem:s7], [sflag:s8] =	dma.local @!p0 [hbm:s6], $0xF7A  }
0x23: {  	s9 =	sor.u32 $0xD0000000, s2;
	s6 =	simm.s32 $0x108;
	_ =	swait.ge @!p0 [sflag:s8], $0x0  }
0x24: {  	s3 =	sadd.s32 $0x88, s3;
	s6 =	simm.s32 @!p1 $0x1082;
	[sflag:s4] =	ssyncset.s32 $0xFFFFF086  }
0x25: {  	[simem:s6], [sflag:s4] =	dma.local [hbm:s3], $0xF7A  }
0x26: {  	[smem:$0x3F83] =	sst s1;
	(tag) =	ssettag s2;
	_ =	strace s9  }
0x27: {  	s1 =	sld [smem:$0x3F93]  }
0x28: {  	s2 =	sld [smem:$0x3F94]  }
0x29: {  	s4 =	sld [smem:$0x3F96]  }
0x2a: {  	p0 =	seq.s32 s5, $0x0;
	s5 =	sld [smem:$0x3F97]  }
0x2b: {  	s6 =	sld [smem:$0x3F98]  }
0x2c: {  	s7 =	sld [smem:$0x3F99]  }
0x2d: {  	s3 =	simm.s32 $0x108;
	s8 =	sld [smem:$0x3F9A]  }
0x2e: {  	s3 =	simm.s32 @!p0 $0x1082;
	s9 =	sld [smem:$0x3F9B]  }
0x2f: {  	lr =	sadd.s32 s0, s3;
	s0 =	sld [smem:$0x3F92]  }
0x30: {  	s3 =	sld [smem:$0x3F95]  }
0x31: {  	[smem:$0x3F9E] =	sst s10  }
0x32: {  	s10 =	sld [smem:$0x3F9C];
	_ =	sdelay $0x3  }
0x33: {  	p0 =	seq.s32 s10, $0x1;
	s10 =	sld [smem:$0x3F9E];
	_ =	sdelay $0x3  }
0x34: {  	[smem:$0x3F9E] =	sst s10  }
0x35: {  	s10 =	sld [smem:$0x3F9D];
	_ =	sdelay $0x3  }
0x36: {  	p1 =	seq.s32 s10, $0x1;
	s10 =	sld [smem:$0x3F9E];
	_ =	sdelay $0x3  }
0x37: {  	[smem:$0x3F9E] =	sst s10  }
0x38: {  	s10 =	sld [smem:$0x3F9F]  }
0x39: {  	_ = 	snop;
	(pc) =	sbr.ind lr, $3  }
0x3a: {  	_ = 	snop  }
0x3b: {  	_ = 	snop  }
0x3c: {  	p2 =	seq.s32 s10, $0x1;
	s10 =	sld [smem:$0x3F9E]  }
0x3d: {  	_ =	shalt  }
0x3e: {  	_ =	shalt  }
0x3f: {  	_ =	shalt  }
0x40: {  	_ =	shalt  }
0x41: {  	_ =	shalt  }
0x42: {  	_ =	shalt  }
0x43: {  	_ =	shalt  }
0x44: {  	_ =	shalt  }
0x45: {  	_ =	shalt  }
0x46: {  	_ =	shalt  }
0x47: {  	_ =	shalt  }
0x48: {  	_ =	shalt  }
0x49: {  	_ =	shalt  }
0x4a: {  	_ =	shalt  }
0x4b: {  	_ =	shalt  }
0x4c: {  	_ =	shalt  }
0x4d: {  	_ =	shalt  }
0x4e: {  	_ =	shalt  }
0x4f: {  	_ =	shalt  }
0x50: {  	_ =	shalt  }
0x51: {  	_ =	shalt  }
0x52: {  	_ =	shalt  }
0x53: {  	_ =	shalt  }
0x54: {  	_ =	shalt  }
0x55: {  	_ =	shalt  }
0x56: {  	_ =	shalt  }
0x57: {  	_ =	shalt  }
0x58: {  	_ =	shalt  }
0x59: {  	_ =	shalt  }
0x5a: {  	_ =	shalt  }
0x5b: {  	_ =	shalt  }
0x5c: {  	_ =	shalt  }
0x5d: {  	_ =	shalt  }
0x5e: {  	_ =	shalt  }
0x5f: {  	_ =	shalt  }
0x60: {  	_ =	shalt  }
0x61: {  	_ =	shalt  }
0x62: {  	_ =	shalt  }
0x63: {  	_ =	shalt  }
0x64: {  	_ =	shalt  }
0x65: {  	_ =	shalt  }
0x66: {  	_ =	shalt  }
0x67: {  	_ =	shalt  }
0x68: {  	_ =	shalt  }
0x69: {  	_ =	shalt  }
0x6a: {  	_ =	shalt  }
0x6b: {  	_ =	shalt  }
0x6c: {  	_ =	shalt  }
0x6d: {  	_ =	shalt  }
0x6e: {  	_ =	shalt  }
0x6f: {  	_ =	shalt  }
0x70: {  	_ =	shalt  }
0x71: {  	_ =	shalt  }
0x72: {  	_ =	shalt  }
0x73: {  	_ =	shalt  }
0x74: {  	_ =	shalt  }
0x75: {  	_ =	shalt  }
0x76: {  	_ =	shalt  }
0x77: {  	_ =	shalt  }
0x78: {  	_ =	shalt  }
0x79: {  	_ =	shalt  }
0x7a: {  	_ =	shalt  }
0x7b: {  	_ =	shalt  }
0x7c: {  	_ =	shalt  }
0x7d: {  	_ =	shalt  }
0x7e: {  	_ =	shalt  }
0x7f: {  	_ =	shalt  }
0x80: {  	_ =	shalt  }
0x81: {  	_ =	shalt  }
0x82: {  	_ =	shalt  }
0x83: {  	_ =	shalt  }
0x84: {  	_ =	shalt  }
0x85: {  	_ =	shalt  }
0x86: {  	_ =	shalt  }
0x87: {  	_ =	shalt  }
.Lfunc_end0:
.L_simem_size_0:
called_computation.3_lowered:
.L_overlay_start_0:
0x88: {  	s2 =	sld [smem:$0x3FD9]  }
0x89: {  	s3 =	sld [smem:$0x3FFE];
	_ =	sdelay $0x1  }
0x8a: {  	s1 =	srdreg.scid  }
0x8b: {  	s0 =	sand.u32 $0x1, s1  }
0x8c: {  	s17 =	sshll.u32 s0, $0xA;
	s2 =	sadd.s32 s3, s2  }
0x8d: {  	s2 =	sadd.s32 s2, s17  }
0x8e: {  	[smem:$0x3FAA] =	sst s2  }
0x8f: {  	_ = 	snop  }
0x90: {  	s2 =	sld [smem:$0x3FD0];
	(tm) =	ssettm $0x1  }
0x91: {  	s18 =	sld [smem:$0x3FFB];
	_ =	sdelay $0x3  }
0x92: {  	_ =	strace s18  }
0x93: {  	s3 =	sld [smem:$0x3FFC];
	_ =	sdelay $0x3  }
0x94: {  	_ =	strace s3  }
0x95: {  	s3 =	sld [smem:$0x3FFD];
	_ =	sdelay $0x3  }
0x96: {  	_ =	strace s3  }
0x97: {  	_ =	strace $0x8FFFFFFF  }
0x98: {  	s19 =	sld [smem:$0x3FDB];
	_ =	sdelay $0x1  }
0x99: {  	s4 =	simm.s32 $_scs_section_size  }
0x9a: {  	s5 =	simm.s32 $_size__tile_overlayer_lowered;
	s6 =	simm.s32 $_tile_overlayer_lowered  }
0x9b: {  	s22 =	simm.s32 $0x1BFF;
	s21 =	sshll.u32 s6, $0x1;
	s3 =	sadd.s32 s4, s19  }
0x9c: {  	s7 =	simm.s32 $0x0;
	s20 =	sshll.u32 s5, $0x1;
	s5 =	sadd.s32 s21, s3  }
0x9d: {  	[timem:s7], [sflag:s22] =	dma.local [hbm:s5], s20  }
0x9e: {  	_ =	swait.ge [sflag:s22], s20  }
0x9f: {  	s4 =	ssub.s32 $0x0, s20;
	[sflag:s22] =	ssyncset.done $0x0  }
0xa0: {  	[sflag:s22] =	ssyncadd.s32 s4;
	_ =	sdelay $0x1  }
0xa1: {  	s23 =	simm.s32 $0x1B8B  }
0xa2: {  	_ =	swait.ge [sflag:s23], $0x1  }
0xa3: {  	[sflag:s23] =	ssyncset.done $0x0  }
0xa4: {  	s25 =	simm.s32 $0x1B8E;
	s24 =	sld [smem:$0x3FFE];
	[sflag:s23] =	ssyncadd.s32 $0xFFFFFFFF  }
0xa5: {  	s26 =	simm.s32 $execute0_lowered;
	[smem:$0x3FD2] =	sst s25  }
0xa6: {  	s5 =	sshll.u32 s26, $0x1;
	_ =	strace $0x8000004F;
	[dreg:$0x1] =	wrdreg $0xFFFFFFFF  }
0xa7: {  	s28 =	simm.s32 $_size_execute0_lowered;
	s3 =	sadd.s32 s3, s5;
	[dreg:$0x0] =	wrdreg $0x0  }
0xa8: {  	s5 =	sshll.u32 s28, $0x1;
	[dreg:$0x2] =	wrdreg s3  }
0xa9: {  	[dreg:$0x3] =	wrdreg s5  }
0xaa: {  	[dreg:$0x4] =	wrdreg $0xC0  }
0xab: {  	_ =	task [dreg:s7], $0x5FFFF  }
0xac: {  	[dreg:$0x1] =	wrdreg $0xFFFFFFFF  }
0xad: {  	[dreg:$0x0] =	wrdreg $0x60  }
0xae: {  	[dreg:$0x2] =	wrdreg s2  }
0xaf: {  	[dreg:$0x3] =	wrdreg s24  }
0xb0: {  	[dreg:$0x4] =	wrdreg $0xA8000  }
0xb1: {  	[dreg:$0x5] =	wrdreg $0x9  }
0xb2: {  	_ =	task.clear_ibuf [dreg:s7], $0x6FFFF;
	_ =	strace $0x9000004F  }
0xb3: {  	s29 =	simm.s32 $0x9;
	_ =	strace $0x80000051  }
0xb4: {  	_ =	swait.ge [sflag:s29], $0x1  }
0xb5: {  	[sflag:s29] =	ssyncadd.s32 $0xFFFFFFFF  }
0xb6: {  	_ =	strace $0x90000051  }
0xb7: {  	_ =	sfence  }
0xb8: {  	s30 =	sld [smem:$0x0];
	_ =	sdelay $0x2  }
0xb9: {  	s31 =	sshll.u32 s1, $0xD;
	s1 =	sshrl.u32 s1, $0x2  }
0xba: {  	s3 =	sand.u32 $0x4000, s31;
	s1 =	sadd.s32 s1, s30  }
0xbb: {  	s0 =	sor.u32 s3, s0;
	s1 =	sshll.u32 s1, $0x11  }
0xbc: {  	s0 =	sor.u32 s1, s0  }
0xbd: {  	s0 =	sadd.s32 $0x8F2B, s0  }
0xbe: {  	[sflag:s0] =	ssyncadd.remote.s32 $0x1  }
0xbf: {  	_ =	sfence.sel $0xFFFF  }
0xc0: {  	[dreg:$0x0] =	wrdreg $0xFFFFFFFF;
	(pc) =	sbr.abs _section_cstart, $3  }
0xc1: {  	[dreg:$0x1] =	wrdreg $0xFFFFFFFF  }
0xc2: {  	_ =	task.clear_ibuf [dreg:s7], $0x2FFFF;
	_ =	strace $0x9FFFFFFF  }
0xc3: {  	(tm) =	ssettm $0x7FFFFFFF  }
tec
execute0_lowered:
.L_overlay_start_1:
0x0: {  	(tag) =	ssettag $0x1  }
0x1: {  	s2 =	rddreg [dreg:$0x0]  }
0x2: {  	s0 =	rddreg [dreg:$0x1]  }
0x3: {  	s3 =	rddreg [dreg:$0x2];
	s28 =	stileid.u32  }
0x4: {  	s1 =	srdreg.scid;
	s4 =	simm.s32 $0x0;
	s19 =	simm.s32 $0x5  }
0x5: {  	s21 =	simm.s32 $0x2800;
	s22 =	simm.s32 $0x40;
	s24 =	simm.s32 $0x4800  }
0x6: {  	s29 =	simm.s32 $0x8800;
	s30 =	simm.s32 $0x1;
	s5 =	smul.u32 $0x280, s28  }
0x7: {  	s31 =	simm.s32 $0x2;
	s1 =	sand.u32 $0x1, s1;
	s7 =	smul.u32 $0x50000, s28  }
0x8: {  	s20 =	simm.s32 $0x0;
	[smem:$0x7FF] =	sst s4;
	s6 =	smul.u32 $0x2800, s1  }
0x9: {  	_ =	strace $0x80000050;
	s26 =	ssub.s32 $0x2, s1;
	p0 =	seq.s32 s1, $0x0  }
0xa: {  	s1 =	simm.s32 $0x4;
	s8 =	sadd.s32 s5, s0;
	s9 =	sshrl.u32 s26, $0x1  }
0xb: {  	s7 =	sshrl.u32 s7, $0x2;
	s5 =	sadd.s32 s5, s6;
	s18 =	ssub.s32 s26, s9  }
0xc: {  	s6 =	sadd.s32 $0xA600, s8;
	s26 =	simm.s32 $0x6800;
	s5 =	sshll.u32 s5, $0x4  }
0xd: {  	s18 =	smax.u32 s18, $0x1;
	s0 =	sadd.s32 s5, s0;
	s5 =	sadd.s32 s7, s3  }
0xe: {  	s7 =	sadd.s32 $0xCE00, s8;
	s8 =	sadd.s32 $0x2000, s5;
	s9 =	sadd.s32 $0x4000, s5  }
0xf: {  	s10 =	sadd.s32 $0x6000, s5;
	s11 =	sadd.s32 $0x8000, s5;
	s12 =	sadd.s32 $0xA000, s5  }
0x10: {  	s13 =	sadd.s32 $0xC000, s5;
	s14 =	sadd.s32 $0xE000, s5;
	s15 =	sadd.s32 $0x10000, s5  }
0x11: {  	v0 =	vimm.f32 $0.0e+00;
	s16 =	sadd.s32 $0x12000, s5;
	s17 =	sadd.s32 $0xF600, s0;
	s0 =	simm.s32 $0x3  }
.LBB2_1:
0x12: {  	s4 =	simm.s32 $0x0  }
0x13: {  	[tilespmem:s4], [sflag:$0x5] =	stream.linear.gather [hbm4b:s6+s4], $0x1400, $0x38;
	[tilespmem:$0x1E800] =	vst v63  }
0x14: {  	_ =	swait.ge [sflag:s19], $0x1400  }
0x15: {  	[sflag:s19] =	ssyncset.done $0x0  }
0x16: {  	s23 =	simm.s32 $0x1400;
	[sflag:s19] =	ssyncadd.s32 $0xFFFFEC00  }
0x17: {  	[tilespmem:s23], [sflag:$0x5] =	stream.linear.gather [hbm4b:s7+s4], $0x1400, $0x38;
	[tilespmem:$0x1E800] =	vst v63  }
0x18: {  	_ =	swait.ge [sflag:s19], $0x1400  }
0x19: {  	[sflag:s19] =	ssyncset.done $0x0  }
0x1a: {  	s25 =	simm.s32 $0x200;
	s23 =	simm.s32 $0x0;
	[sflag:s19] =	ssyncadd.s32 $0xFFFFEC00  }
.LBB2_2:
0x1b: {  	p1 =	sne.s32 s25, $0x7E00;
	[tilespmem:s23+$0x2870] =	vst v0  }
0x1c: {  	[tilespmem:s23+$0x2800] =	vst v0  }
0x1d: {  	[tilespmem:s23+$0x2810] =	vst v0  }
.Ltmp0:
0x1e: {  	[tilespmem:s23+$0x2820] =	vst v0;
	(pc) =	sbr.rel @p1 .LBB2_2-.Ltmp0, $4  }
0x1f: {  	[tilespmem:s23+$0x2830] =	vst v0  }
0x20: {  	[tilespmem:s23+$0x2840] =	vst v0  }
0x21: {  	[tilespmem:s23+$0x2850] =	vst v0  }
0x22: {  	[tilespmem:s23+$0x2860] =	vst v0;
	s23 =	sshra.s32 s25, $0x2;
	s25 =	sadd.s32 $0x200, s25  }
0x23: {  	[tilespmem:s23+$0x2870] =	vst v0  }
0x24: {  	[tilespmem:s23+$0x2800] =	vst v0  }
0x25: {  	[tilespmem:s23+$0x2810] =	vst v0  }
0x26: {  	[tilespmem:s23+$0x2820] =	vst v0  }
0x27: {  	[tilespmem:s23+$0x2830] =	vst v0  }
0x28: {  	[tilespmem:s23+$0x2840] =	vst v0  }
0x29: {  	[tilespmem:s23+$0x2850] =	vst v0  }
0x2a: {  	[tilespmem:s23+$0x2860] =	vst v0  }
0x2b: {  	[spmem:s5] =	stream.linear.scatter [tilespmem:s21], [sflag:$0x5], $0x2000, $0x38;
	[tilespmem:$0x1E800] =	vst v63  }
0x2c: {  	_ =	swait.ge [sflag:s19], $0x2000  }
0x2d: {  	[sflag:s19] =	ssyncset.done $0x0  }
0x2e: {  	[sflag:s19] =	ssyncadd.s32 $0xFFFFE000  }
0x2f: {  	[spmem:s8] =	stream.linear.scatter [tilespmem:s21], [sflag:$0x5], $0x2000, $0x38;
	[tilespmem:$0x1E800] =	vst v63  }
0x30: {  	_ =	swait.ge [sflag:s19], $0x2000  }
0x31: {  	[sflag:s19] =	ssyncset.done $0x0  }
0x32: {  	[sflag:s19] =	ssyncadd.s32 $0xFFFFE000  }
0x33: {  	[spmem:s9] =	stream.linear.scatter [tilespmem:s21], [sflag:$0x5], $0x2000, $0x38;
	[tilespmem:$0x1E800] =	vst v63  }
0x34: {  	_ =	swait.ge [sflag:s19], $0x2000  }
0x35: {  	[sflag:s19] =	ssyncset.done $0x0  }
0x36: {  	[sflag:s19] =	ssyncadd.s32 $0xFFFFE000  }
0x37: {  	[spmem:s10] =	stream.linear.scatter [tilespmem:s21], [sflag:$0x5], $0x2000, $0x38;
	[tilespmem:$0x1E800] =	vst v63  }
0x38: {  	_ =	swait.ge [sflag:s19], $0x2000  }
0x39: {  	[sflag:s19] =	ssyncset.done $0x0  }
0x3a: {  	[sflag:s19] =	ssyncadd.s32 $0xFFFFE000  }
0x3b: {  	[spmem:s11] =	stream.linear.scatter [tilespmem:s21], [sflag:$0x5], $0x2000, $0x38;
	[tilespmem:$0x1E800] =	vst v63  }
0x3c: {  	_ =	swait.ge [sflag:s19], $0x2000  }
0x3d: {  	[sflag:s19] =	ssyncset.done $0x0  }
0x3e: {  	[sflag:s19] =	ssyncadd.s32 $0xFFFFE000  }
0x3f: {  	[spmem:s12] =	stream.linear.scatter [tilespmem:s21], [sflag:$0x5], $0x2000, $0x38;
	[tilespmem:$0x1E800] =	vst v63  }
0x40: {  	_ =	swait.ge [sflag:s19], $0x2000  }
0x41: {  	[sflag:s19] =	ssyncset.done $0x0  }
0x42: {  	[sflag:s19] =	ssyncadd.s32 $0xFFFFE000  }
0x43: {  	[spmem:s13] =	stream.linear.scatter [tilespmem:s21], [sflag:$0x5], $0x2000, $0x38;
	[tilespmem:$0x1E800] =	vst v63  }
0x44: {  	_ =	swait.ge [sflag:s19], $0x2000  }
0x45: {  	[sflag:s19] =	ssyncset.done $0x0  }
0x46: {  	[sflag:s19] =	ssyncadd.s32 $0xFFFFE000  }
0x47: {  	[spmem:s14] =	stream.linear.scatter [tilespmem:s21], [sflag:$0x5], $0x2000, $0x38;
	[tilespmem:$0x1E800] =	vst v63  }
0x48: {  	_ =	swait.ge [sflag:s19], $0x2000  }
0x49: {  	[sflag:s19] =	ssyncset.done $0x0  }
0x4a: {  	[sflag:s19] =	ssyncadd.s32 $0xFFFFE000  }
0x4b: {  	[spmem:s15] =	stream.linear.scatter [tilespmem:s21], [sflag:$0x5], $0x2000, $0x38;
	[tilespmem:$0x1E800] =	vst v63  }
0x4c: {  	_ =	swait.ge [sflag:s19], $0x2000  }
0x4d: {  	[sflag:s19] =	ssyncset.done $0x0  }
.Ltmp1:
0x4e: {  	[sflag:s19] =	ssyncadd.s32 $0xFFFFE000;
	(pc) =	sbr.rel @p0 .LBB2_7-.Ltmp1, $4  }
0x4f: {  	[spmem:s16] =	stream.linear.scatter [tilespmem:s21], [sflag:$0x5], $0x2000, $0x38;
	[tilespmem:$0x1E800] =	vst v63  }
0x50: {  	_ =	swait.ge [sflag:s19], $0x2000  }
0x51: {  	[sflag:s19] =	ssyncset.done $0x0  }
0x52: {  	s23 =	simm.s32 $0x0;
	[sflag:s19] =	ssyncadd.s32 $0xFFFFE000  }
0x53: {  	s25 =	simm.s32 $0x0  }
0x54: {  	v3 =	vld [tilespmem:s25+$0x0]  }
0x55: {  	v2 =	vld [tilespmem:s25+$0x10]  }
0x56: {  	s28 =	simm.s32 $0x200;
	v1 =	vld [tilespmem:s25+$0x20]  }
.LBB2_5:
0x57: {  	p1 =	sne.s32 s28, $0x4E00;
	v4 =	vld [tilespmem:s25+$0x30];
	_ =	sdelay $0x1  }
.Ltmp2:
0x58: {  	v3 =	vadd.s32 $0xA00, v3;
	(pc) =	sbr.rel @p1 .LBB2_5-.Ltmp2, $4  }
0x59: {  	s4 =	sshra.s32 s28, $0x2;
	[tilespmem:s25+$0x0] =	vst v3;
	v2 =	vadd.s32 $0xA00, v2  }
0x5a: {  	v3 =	vld [tilespmem:s4+$0x0];
	[tilespmem:s25+$0x10] =	vst v2;
	v1 =	vadd.s32 $0xA00, v1  }
0x5b: {  	v2 =	vld [tilespmem:s4+$0x10];
	[tilespmem:s25+$0x20] =	vst v1;
	v4 =	vadd.s32 $0xA00, v4  }
0x5c: {  	s28 =	sadd.s32 $0x200, s28;
	v1 =	vld [tilespmem:s4+$0x20];
	[tilespmem:s25+$0x30] =	vst v4;
	s25 =	smov.u32 s4  }
0x5d: {  	v4 =	vld [tilespmem:s25+$0x30];
	_ =	sdelay $0x1  }
0x5e: {  	v3 =	vadd.s32 $0xA00, v3  }
0x5f: {  	[tilespmem:s25+$0x0] =	vst v3;
	v2 =	vadd.s32 $0xA00, v2  }
0x60: {  	[tilespmem:s25+$0x10] =	vst v2;
	v1 =	vadd.s32 $0xA00, v1  }
0x61: {  	[tilespmem:s25+$0x20] =	vst v1;
	v1 =	vadd.s32 $0xA00, v4  }
0x62: {  	s28 =	stileid.u32;
	[tilespmem:s25+$0x30] =	vst v1  }
.LBB2_7:
0x63: {  	[bflag:$0x0] =	sbarrier.arrive $0xFFFF  }
0x64: {  	[tilespmem:s21], [sflag:$0x1] =	stream.indirect.gather [hbm4b:s2+s22], $0x80, s23, s22, $0xb8;
	[tilespmem:$0x1E800] =	vst v63  }
0x65: {  	s4 =	simm.s32 $0x80  }
0x66: {  	[tilespmem:s24], [sflag:$0x2] =	stream.indirect.gather [hbm4b:s2+s22], $0x80, s4, s22, $0xb8;
	[tilespmem:$0x1E800] =	vst v63  }
0x67: {  	s25 =	simm.s32 $0x100  }
0x68: {  	[tilespmem:s26], [sflag:$0x3] =	stream.indirect.gather [hbm4b:s2+s22], $0x80, s25, s22, $0xb8;
	[tilespmem:$0x1E800] =	vst v63  }
0x69: {  	s23 =	simm.s32 $0x180  }
0x6a: {  	[tilespmem:s29], [sflag:$0x4] =	stream.indirect.gather [hbm4b:s2+s22], $0x80, s23, s22, $0xb8;
	[tilespmem:$0x1E800] =	vst v63  }
0x6b: {  	_ =	swait.ge [sflag:s30], $0x2000  }
0x6c: {  	[sflag:s30] =	ssyncset.done $0x0  }
0x6d: {  	s25 =	simm.s32 $0x1400;
	[sflag:s30] =	ssyncadd.s32 $0xFFFFE000  }
0x6e: {  	[spmem:s3] =	stream.indirect.scatter.add.f32 [tilespmem:s21], [sflag:$0x5], $0x80, s25, s22, $0xb8;
	[tilespmem:$0x1E800] =	vst v63  }
0x6f: {  	_ =	swait.ge [sflag:s19], $0x2000  }
0x70: {  	[sflag:s19] =	ssyncset.done $0x0  }
0x71: {  	s23 =	simm.s32 $0x200;
	[sflag:s19] =	ssyncadd.s32 $0xFFFFE000  }
0x72: {  	[tilespmem:s21], [sflag:$0x1] =	stream.indirect.gather [hbm4b:s2+s22], $0x80, s23, s22, $0xb8;
	[tilespmem:$0x1E800] =	vst v63  }
0x73: {  	_ =	swait.ge [sflag:s31], $0x2000  }
0x74: {  	[sflag:s31] =	ssyncset.done $0x0  }
0x75: {  	s25 =	simm.s32 $0x1480;
	[sflag:s31] =	ssyncadd.s32 $0xFFFFE000  }
0x76: {  	[spmem:s3] =	stream.indirect.scatter.add.f32 [tilespmem:s24], [sflag:$0x5], $0x80, s25, s22, $0xb8;
	[tilespmem:$0x1E800] =	vst v63  }
0x77: {  	_ =	swait.ge [sflag:s19], $0x2000  }
0x78: {  	[sflag:s19] =	ssyncset.done $0x0  }
0x79: {  	s23 =	simm.s32 $0x280;
	[sflag:s19] =	ssyncadd.s32 $0xFFFFE000  }
0x7a: {  	[tilespmem:s24], [sflag:$0x2] =	stream.indirect.gather [hbm4b:s2+s22], $0x80, s23, s22, $0xb8;
	[tilespmem:$0x1E800] =	vst v63  }
0x7b: {  	_ =	swait.ge [sflag:s0], $0x2000  }
0x7c: {  	[sflag:s0] =	ssyncset.done $0x0  }
0x7d: {  	s25 =	simm.s32 $0x1500;
	[sflag:s0] =	ssyncadd.s32 $0xFFFFE000  }
0x7e: {  	[spmem:s3] =	stream.indirect.scatter.add.f32 [tilespmem:s26], [sflag:$0x5], $0x80, s25, s22, $0xb8;
	[tilespmem:$0x1E800] =	vst v63  }
0x7f: {  	_ =	swait.ge [sflag:s19], $0x2000  }
0x80: {  	[sflag:s19] =	ssyncset.done $0x0  }
0x81: {  	s23 =	simm.s32 $0x300;
	[sflag:s19] =	ssyncadd.s32 $0xFFFFE000  }
0x82: {  	[tilespmem:s26], [sflag:$0x3] =	stream.indirect.gather [hbm4b:s2+s22], $0x80, s23, s22, $0xb8;
	[tilespmem:$0x1E800] =	vst v63  }
0x83: {  	_ =	swait.ge [sflag:s1], $0x2000  }
0x84: {  	[sflag:s1] =	ssyncset.done $0x0  }
0x85: {  	s25 =	simm.s32 $0x1580;
	[sflag:s1] =	ssyncadd.s32 $0xFFFFE000  }
0x86: {  	[spmem:s3] =	stream.indirect.scatter.add.f32 [tilespmem:s29], [sflag:$0x5], $0x80, s25, s22, $0xb8;
	[tilespmem:$0x1E800] =	vst v63  }
0x87: {  	_ =	swait.ge [sflag:s19], $0x2000  }
0x88: {  	[sflag:s19] =	ssyncset.done $0x0  }
0x89: {  	s23 =	simm.s32 $0x800;
	s25 =	simm.s32 $0x380;
	[sflag:s19] =	ssyncadd.s32 $0xFFFFE000  }
.LBB2_8:
0x8a: {  	[tilespmem:s29], [sflag:$0x4] =	stream.indirect.gather [hbm4b:s2+s22], $0x80, s25, s22, $0xb8;
	[tilespmem:$0x1E800] =	vst v63  }
0x8b: {  	s4 =	smov.u32 s23  }
0x8c: {  	p1 =	sne.s32 s23, $0x4000;
	s23 =	sadd.s32 $0x800, s23;
	_ =	swait.ge [sflag:s30], $0x2000  }
0x8d: {  	s25 =	sshra.s32 s4, $0x2;
	[sflag:s30] =	ssyncset.done $0x0  }
0x8e: {  	s4 =	sadd.s32 $0x1400, s25;
	[sflag:s30] =	ssyncadd.s32 $0xFFFFE000  }
0x8f: {  	[spmem:s3] =	stream.indirect.scatter.add.f32 [tilespmem:s21], [sflag:$0x5], $0x80, s4, s22, $0xb8;
	[tilespmem:$0x1E800] =	vst v63  }
0x90: {  	_ =	swait.ge [sflag:s19], $0x2000  }
0x91: {  	[sflag:s19] =	ssyncset.done $0x0  }
0x92: {  	s4 =	sadd.s32 $0x200, s25;
	[sflag:s19] =	ssyncadd.s32 $0xFFFFE000  }
0x93: {  	[tilespmem:s21], [sflag:$0x1] =	stream.indirect.gather [hbm4b:s2+s22], $0x80, s4, s22, $0xb8;
	[tilespmem:$0x1E800] =	vst v63  }
0x94: {  	_ =	swait.ge [sflag:s31], $0x2000  }
0x95: {  	[sflag:s31] =	ssyncset.done $0x0  }
0x96: {  	s4 =	sadd.s32 $0x1480, s25;
	[sflag:s31] =	ssyncadd.s32 $0xFFFFE000  }
0x97: {  	[spmem:s3] =	stream.indirect.scatter.add.f32 [tilespmem:s24], [sflag:$0x5], $0x80, s4, s22, $0xb8;
	[tilespmem:$0x1E800] =	vst v63  }
0x98: {  	_ =	swait.ge [sflag:s19], $0x2000  }
0x99: {  	[sflag:s19] =	ssyncset.done $0x0  }
0x9a: {  	s4 =	sadd.s32 $0x280, s25;
	[sflag:s19] =	ssyncadd.s32 $0xFFFFE000  }
0x9b: {  	[tilespmem:s24], [sflag:$0x2] =	stream.indirect.gather [hbm4b:s2+s22], $0x80, s4, s22, $0xb8;
	[tilespmem:$0x1E800] =	vst v63  }
0x9c: {  	_ =	swait.ge [sflag:s0], $0x2000  }
0x9d: {  	[sflag:s0] =	ssyncset.done $0x0  }
0x9e: {  	s4 =	sadd.s32 $0x1500, s25;
	[sflag:s0] =	ssyncadd.s32 $0xFFFFE000  }
0x9f: {  	[spmem:s3] =	stream.indirect.scatter.add.f32 [tilespmem:s26], [sflag:$0x5], $0x80, s4, s22, $0xb8;
	[tilespmem:$0x1E800] =	vst v63  }
0xa0: {  	_ =	swait.ge [sflag:s19], $0x2000  }
0xa1: {  	[sflag:s19] =	ssyncset.done $0x0  }
0xa2: {  	s4 =	sadd.s32 $0x300, s25;
	[sflag:s19] =	ssyncadd.s32 $0xFFFFE000  }
0xa3: {  	[tilespmem:s26], [sflag:$0x3] =	stream.indirect.gather [hbm4b:s2+s22], $0x80, s4, s22, $0xb8;
	[tilespmem:$0x1E800] =	vst v63  }
0xa4: {  	_ =	swait.ge [sflag:s1], $0x2000  }
0xa5: {  	[sflag:s1] =	ssyncset.done $0x0  }
.Ltmp3:
0xa6: {  	s4 =	sadd.s32 $0x1580, s25;
	[sflag:s1] =	ssyncadd.s32 $0xFFFFE000;
	(pc) =	sbr.rel @p1 .LBB2_8-.Ltmp3, $4  }
0xa7: {  	[spmem:s3] =	stream.indirect.scatter.add.f32 [tilespmem:s29], [sflag:$0x5], $0x80, s4, s22, $0xb8;
	[tilespmem:$0x1E800] =	vst v63  }
0xa8: {  	_ =	swait.ge [sflag:s19], $0x2000  }
0xa9: {  	[sflag:s19] =	ssyncset.done $0x0  }
0xaa: {  	s25 =	sadd.s32 $0x380, s25;
	[sflag:s19] =	ssyncadd.s32 $0xFFFFE000  }
0xab: {  	[tilespmem:s29], [sflag:$0x4] =	stream.indirect.gather [hbm4b:s2+s22], $0x80, s25, s22, $0xb8;
	[tilespmem:$0x1E800] =	vst v63  }
0xac: {  	_ =	swait.ge [sflag:s30], $0x2000  }
0xad: {  	[sflag:s30] =	ssyncset.done $0x0  }
0xae: {  	s4 =	simm.s32 $0x2600;
	[sflag:s30] =	ssyncadd.s32 $0xFFFFE000  }
0xaf: {  	[spmem:s3] =	stream.indirect.scatter.add.f32 [tilespmem:s21], [sflag:$0x5], $0x80, s4, s22, $0xb8;
	[tilespmem:$0x1E800] =	vst v63  }
0xb0: {  	_ =	swait.ge [sflag:s19], $0x2000  }
0xb1: {  	[sflag:s19] =	ssyncset.done $0x0  }
0xb2: {  	[sflag:s19] =	ssyncadd.s32 $0xFFFFE000  }
0xb3: {  	_ =	swait.ge [sflag:s31], $0x2000  }
0xb4: {  	[sflag:s31] =	ssyncset.done $0x0  }
0xb5: {  	s23 =	simm.s32 $0x2680;
	[sflag:s31] =	ssyncadd.s32 $0xFFFFE000  }
0xb6: {  	[spmem:s3] =	stream.indirect.scatter.add.f32 [tilespmem:s24], [sflag:$0x5], $0x80, s23, s22, $0xb8;
	[tilespmem:$0x1E800] =	vst v63  }
0xb7: {  	_ =	swait.ge [sflag:s19], $0x2000  }
0xb8: {  	[sflag:s19] =	ssyncset.done $0x0  }
0xb9: {  	[sflag:s19] =	ssyncadd.s32 $0xFFFFE000  }
0xba: {  	_ =	swait.ge [sflag:s0], $0x2000  }
0xbb: {  	[sflag:s0] =	ssyncset.done $0x0  }
0xbc: {  	s25 =	simm.s32 $0x2700;
	[sflag:s0] =	ssyncadd.s32 $0xFFFFE000  }
0xbd: {  	[spmem:s3] =	stream.indirect.scatter.add.f32 [tilespmem:s26], [sflag:$0x5], $0x80, s25, s22, $0xb8;
	[tilespmem:$0x1E800] =	vst v63  }
0xbe: {  	_ =	swait.ge [sflag:s19], $0x2000  }
0xbf: {  	[sflag:s19] =	ssyncset.done $0x0  }
0xc0: {  	[sflag:s19] =	ssyncadd.s32 $0xFFFFE000  }
0xc1: {  	_ =	swait.ge [sflag:s1], $0x2000  }
0xc2: {  	[sflag:s1] =	ssyncset.done $0x0  }
0xc3: {  	s23 =	simm.s32 $0x2780;
	[sflag:s1] =	ssyncadd.s32 $0xFFFFE000  }
0xc4: {  	[spmem:s3] =	stream.indirect.scatter.add.f32 [tilespmem:s29], [sflag:$0x5], $0x80, s23, s22, $0xb8;
	[tilespmem:$0x1E800] =	vst v63  }
0xc5: {  	_ =	swait.ge [sflag:s19], $0x2000  }
0xc6: {  	s20 =	sadd.s32 $0x1, s20;
	s25 =	sshll.u32 s28, $0x6;
	[sflag:s19] =	ssyncset.done $0x0  }
0xc7: {  	p1 =	sne.s32 s20, s18;
	s4 =	sor.u32 $0x1C05, s25;
	[sflag:s19] =	ssyncadd.s32 $0xFFFFE000  }
.Ltmp4:
0xc8: {  	s23 =	sshrl.u32 s5, $0x3;
	[bflag:$0x0] =	sbarrier.arrive $0xFFFF;
	(pc) =	sbr.rel @p1 .LBB2_1-.Ltmp4, $4  }
0xc9: {  	[hbm:s17], [sflag:s4] =	dma.local [spmem:s23], $0x2800  }
0xca: {  	_ =	swait.ge [sflag:s19], $0x2800  }
0xcb: {  	[sflag:s19] =	ssyncset.done $0x0  }
0xcc: {  	[sflag:s19] =	ssyncadd.s32 $0xFFFFD800  }
0xcd: {  	_ =	sfence.sel $0x180000  }
0xce: {  	[bflag:$0x0] =	sbarrier.arrive $0xFFFF  }
0xcf: {  	_ =	strace $0x90000050  }
0xd0: {  	[bflag:$0x2] =	sbarrier.arrive $0xFFFF  }
0xd1: {  	p0 =	sne.s32 s28, $0x0;
	s0 =	rddreg [dreg:$0x3]  }
0xd2: {  	s0 =	sadd.s32 @!p0 $0x100000, s0  }
0xd3: {  	[sflag:s0] =	ssyncadd.tile.s32 @!p0 $0x1;
	_ =	shalt  }
.Lfunc_end2:
_tile_overlayer_lowered:
.L_overlay_start_2:
0xd4: {  	(tag) =	ssettag $0x2  }
0xd5: {  	s0 =	rddreg [dreg:$0x0];
	s2 =	stileid.u32  }
0xd6: {  	s1 =	rddreg [dreg:$0x1];
	p0 =	sne.s32 s2, $0x0  }
0xd7: {  	s3 =	rddreg [dreg:$0x2];
	[bflag:$0x3] =	sbarrier.arrive $0xFFFF;
	s2 =	simm.s32 @!p0 $0x1C05  }
0xd8: {  	[timem:s3], [sflag:s2] =	dma.local @!p0 [hbm:s0], s1  }
0xd9: {  	s0 =	simm.s32 @!p0 $0x5  }
0xda: {  	_ =	swait.ge @!p0 [sflag:s0], s1  }
0xdb: {  	s1 =	ssub.s32 @!p0 $0x0, s1;
	[sflag:s0] =	ssyncset.done @!p0 $0x0  }
0xdc: {  	[sflag:s0] =	ssyncadd.s32 @!p0 s1  }
0xdd: {  	[bflag:$0x3] =	sbarrier.arrive $0xFFFF  }
0xde: {  	_ =	shalt  }

</sc_bundles>
